<compile_context>
chip_gen: v7x
topology: tpu7x:2x2x1
jax: 0.10.2.dev20260603
libtpu: 0.0.44.dev20260713+nightly
codegen_flags: <defaults>
</compile_context>

<pallas_src>
import functools

import jax
import jax.numpy as jnp
from jax import lax
from jax.experimental import pallas as pl
from jax.experimental.pallas import tpu as pltpu
from jax.experimental.pallas import tpu_sc as plsc

NC = 2
NS = 16
NW = NC * NS
C = 80
K = 16


@functools.lru_cache(maxsize=None)
def _sc_aggregate(n_nodes: int, n_pairs: int, d: int):
    assert n_pairs % (NW * C) == 0 and n_nodes % 8 == 0
    chunks_per_w = n_pairs // (NW * C)
    rpt = (n_nodes // NS) & ~7
    tail = n_nodes - NS * rpt

    mesh = plsc.VectorSubcoreMesh(core_axis_name="c", subcore_axis_name="s")

    @functools.partial(
        pl.kernel,
        mesh=mesh,
        out_type=jax.ShapeDtypeStruct((2 * NC, n_nodes, d), jnp.float32),
        scratch_types=[
            pltpu.VMEM((K, C), jnp.int32),
            pltpu.VMEM((K, C), jnp.int32),
            pltpu.VMEM((3, C, d), jnp.float32),
            pltpu.VMEM((C, d), jnp.float32),
            pltpu.VMEM_SHARED((n_nodes, d), jnp.float32),
            pltpu.SemaphoreType.DMA,
            pltpu.SemaphoreType.DMA,
            pltpu.SemaphoreType.DMA,
            pltpu.SemaphoreType.DMA,
            pltpu.SemaphoreType.DMA,
            pltpu.SemaphoreType.DMA,
        ],
    )
    def agg(stalks_hbm, eids_hbm, nids_hbm, zacc_hbm, ones_hbm,
            out_hbm, idx_e, idx_n, rows3, ones_v, acc_sh,
            g0, g1, g2, s0, s1, s2):
        cid = lax.axis_index("c")
        sid = lax.axis_index("s")
        wid = cid * NS + sid
        p0 = wid * (chunks_per_w * C)
        r0 = sid * rpt

        def zero_acc():
            pltpu.sync_copy(zacc_hbm.at[pl.ds(r0, rpt)],
                            acc_sh.at[pl.ds(r0, rpt)])
            if tail:
                @pl.when(sid == NS - 1)
                def _itail():
                    t0 = NS * rpt
                    pltpu.sync_copy(zacc_hbm.at[pl.ds(t0, tail)],
                                    acc_sh.at[pl.ds(t0, tail)])

        def read_out(plane):
            pltpu.sync_copy(acc_sh.at[pl.ds(r0, rpt)],
                            out_hbm.at[plane, pl.ds(r0, rpt)])
            if tail:
                @pl.when(sid == NS - 1)
                def _otail():
                    t0 = NS * rpt
                    pltpu.sync_copy(acc_sh.at[pl.ds(t0, tail)],
                                    out_hbm.at[plane, pl.ds(t0, tail)])

        gsems = (g0, g1, g2)
        ssems = (s0, s1, s2)

        zero_acc()
        plsc.subcore_barrier()

        def fbatch(j, nk):
            pltpu.sync_copy(eids_hbm.at[wid, pl.ds(j * K, nk)],
                            idx_e.at[pl.ds(0, nk)])
            pltpu.sync_copy(nids_hbm.at[wid, pl.ds(j * K, nk)],
                            idx_n.at[pl.ds(0, nk)])
            gs = [None, None, None]
            ss = [None, None, None]
            for k in range(min(2, nk)):
                gs[k] = pltpu.async_copy(stalks_hbm.at[idx_e.at[k]],
                                         rows3.at[k], gsems[k])
            for k in range(nk):
                b = k % 3
                gs[b].wait()
                ss[b] = pltpu.async_copy(rows3.at[b],
                                         acc_sh.at[idx_n.at[k]],
                                         ssems[b], add=True)
                nxt = k + 2
                if nxt < nk:
                    nb = nxt % 3
                    if ss[nb] is not None:
                        ss[nb].wait()
                        ss[nb] = None
                    gs[nb] = pltpu.async_copy(stalks_hbm.at[idx_e.at[nxt]],
                                              rows3.at[nb], gsems[nb])
            for b in range(3):
                if ss[b] is not None:
                    ss[b].wait()

        nbatch = chunks_per_w // K
        btail = chunks_per_w - nbatch * K

        def fbody(j, carry):
            fbatch(j, K)
            return carry

        lax.fori_loop(0, nbatch, fbody, 0)
        if btail:
            fbatch(nbatch, btail)

        plsc.subcore_barrier()
        read_out(cid)

        zero_acc()
        pltpu.sync_copy(ones_hbm, ones_v)
        plsc.subcore_barrier()

        def cbatch(j, nk):
            pltpu.sync_copy(nids_hbm.at[wid, pl.ds(j * K, nk)],
                            idx_n.at[pl.ds(0, nk)])
            cps = [pltpu.async_copy(ones_v, acc_sh.at[idx_n.at[k]], s0,
                                    add=True)
                   for k in range(nk)]
            for cp in cps:
                cp.wait()

        def cbody(j, carry):
            cbatch(j, K)
            return carry

        lax.fori_loop(0, nbatch, cbody, 0)
        if btail:
            cbatch(nbatch, btail)

        plsc.subcore_barrier()
        read_out(NC + cid)

    return agg


def _tc_body(agg_ref, nf_ref, w_ref, b_ref, out_ref):
    acc = agg_ref[0] + agg_ref[1]
    c = (agg_ref[2] + agg_ref[3])[:, 0:1]
    m = lax.dot_general(acc, w_ref[...], (((1,), (1,)), ((), ())),
                        preferred_element_type=jnp.float32)
    summed = m + c * b_ref[...]
    avg = summed / jnp.maximum(c, 1.0)
    out_ref[...] = jnp.where(c > 0.0, avg, nf_ref[...])


def kernel(node_features, stalks, W, b, edge_ids, node_ids):
    n_nodes, d = node_features.shape
    n_pairs = edge_ids.shape[0]

    zacc = jnp.zeros((n_nodes, d), jnp.float32)
    ones = jnp.ones((C, d), jnp.float32)
    cw = n_pairs // (NW * C)
    eids3 = edge_ids.reshape(NW, cw, C)
    nids3 = node_ids.reshape(NW, cw, C)

    agg = _sc_aggregate(n_nodes, n_pairs, d)(
        stalks, eids3, nids3, zacc, ones)

    bn = 1000
    grid = (n_nodes // bn,)
    return pl.pallas_call(
        _tc_body,
        grid=grid,
        in_specs=[
            pl.BlockSpec((2 * NC, bn, d), lambda i: (0, i, 0)),
            pl.BlockSpec((bn, d), lambda i: (i, 0)),
            pl.BlockSpec((d, d), lambda i: (0, 0)),
            pl.BlockSpec((1, d), lambda i: (0, 0)),
        ],
        out_specs=pl.BlockSpec((bn, d), lambda i: (i, 0)),
        out_shape=jax.ShapeDtypeStruct((n_nodes, d), jnp.float32),
    )(agg, node_features, W, b.reshape(1, d))

# --- scband reference (transcript-rebuilt; emitter-appended) ---
"""Pipeline reference for scband-sheaf-hypergraph-network-79757542686911 (READ-ONLY COPY).

The authoritative reference and input builder live on the scoring server;
editing this copy changes nothing except your own understanding.
"""

import jax, jax.numpy as jnp
import numpy as np

N_NODES = 10000
N_HYPEREDGES = 40000
N_PAIRS = 320000
D = 128

def setup_inputs(seed: int = 0) -> dict:
    key = jax.random.key(seed)
    k1, k2, k3, k4, k5, k6 = jax.random.split(key, 6)
    node_features = jax.random.normal(k1, (N_NODES, D), dtype=jnp.float32)
    stalks = jax.random.normal(k2, (N_HYPEREDGES, D), dtype=jnp.float32)
    # incidence pairs: pair i says hyperedge edge_ids[i] contains node node_ids[i]
    edge_ids = jnp.sort(jax.random.randint(k3, (N_PAIRS,), 0, N_HYPEREDGES, dtype=jnp.int32))
    node_ids = jax.random.randint(k4, (N_PAIRS,), 0, N_NODES, dtype=jnp.int32)
    W = jax.random.normal(k5, (D, D), dtype=jnp.float32) * (1.0 / np.sqrt(D))
    b = jax.random.normal(k6, (D,), dtype=jnp.float32) * 0.01
    return {"node_features": node_features, "stalks": stalks, "W": W, "b": b,
            "edge_ids": edge_ids, "node_ids": node_ids}

def reference(node_features, stalks, W, b, edge_ids, node_ids):
    # Faithful tensorized version of SheafHypergraphNetwork.forward:
    # 1) linearly transform each hyperedge stalk
    transformed = stalks @ W.T + b  # [H, D]
    # 2) each incidence pair sends the transformed stalk to its node (gather by edge id)
    msgs = jnp.take(transformed, edge_ids, axis=0)  # [E, D]
    # 3) scatter-add messages into per-node sums, count updates per node
    n = node_features.shape[0]
    summed = jnp.zeros((n, transformed.shape[1]), dtype=node_features.dtype).at[node_ids].add(msgs)
    counts = jnp.zeros((n,), dtype=node_features.dtype).at[node_ids].add(1.0)
    # 4) mean over incident hyperedges; nodes with no incident hyperedge keep original features
    safe_counts = jnp.maximum(counts, 1.0)
    averaged = summed / safe_counts[:, None]
    out = jnp.where((counts > 0)[:, None], averaged, node_features)
    return out

if __name__ == "__main__":
    import jax
    _d = setup_inputs()
    print(jax.jit(kernel)(*tuple(_d.values())))

</pallas_src>

<mosaic_0001>
#map = affine_map<(d0, d1) -> (0, 0)>
#map1 = affine_map<(d0, d1) -> (0, 0, 0)>
module attributes {stable_mosaic.version = 14 : i64} {
  func.func @agg(%arg0: i32, %arg1: i32, %arg2: memref<40000x128xf32, #tpu.memory_space<hbm>>, %arg3: memref<32x125x80xi32, #tpu.memory_space<hbm>>, %arg4: memref<32x125x80xi32, #tpu.memory_space<hbm>>, %arg5: memref<10000x128xf32, #tpu.memory_space<hbm>>, %arg6: memref<80x128xf32, #tpu.memory_space<hbm>>, %arg7: memref<4x10000x128xf32, #tpu.memory_space<hbm>>, %arg8: memref<16x80xi32, #tpu.memory_space<vmem>>, %arg9: memref<16x80xi32, #tpu.memory_space<vmem>>, %arg10: memref<3x80x128xf32, #tpu.memory_space<vmem>>, %arg11: memref<80x128xf32, #tpu.memory_space<vmem>>, %arg12: memref<10000x128xf32, #tpu.memory_space<vmem_shared>>, %arg13: memref<!tpu.dma_semaphore, #tpu.memory_space<semaphore_mem>>, %arg14: memref<!tpu.dma_semaphore, #tpu.memory_space<semaphore_mem>>, %arg15: memref<!tpu.dma_semaphore, #tpu.memory_space<semaphore_mem>>, %arg16: memref<!tpu.dma_semaphore, #tpu.memory_space<semaphore_mem>>, %arg17: memref<!tpu.dma_semaphore, #tpu.memory_space<semaphore_mem>>, %arg18: memref<!tpu.dma_semaphore, #tpu.memory_space<semaphore_mem>>) attributes {dimension_semantics = [#tpu.dimension_semantics<core_parallel>, #tpu.dimension_semantics<subcore_parallel>], iteration_bounds = array<i64: 2, 16>, scalar_prefetch = 0 : i64, scratch_operands = 11 : i64, tpu.core_type = #tpu.core_type<sc_vector_subcore>, window_params = [{transform_indices = #map}, {transform_indices = #map1}, {transform_indices = #map1}, {transform_indices = #map}, {transform_indices = #map}, {transform_indices = #map1}]} {
    %mul3A = arith.constant 16 : i32
    %mul3A_0 = arith.muli %arg0, %mul3A : i32
    %add3A = arith.addi %mul3A_0, %arg1 : i32
    %mul3A_1 = arith.constant 10000 : i32
    %mul3A_2 = arith.muli %add3A, %mul3A_1 : i32
    %mul3A_3 = arith.constant 624 : i32
    %mul3A_4 = arith.muli %arg1, %mul3A_3 : i32
    "tpu.region"() ({
      %run_scoped3A = tpu.sem_alloc : memref<!tpu.dma_semaphore, #tpu.memory_space<semaphore_mem>>
      %dma_start3A_842 = arith.constant 0 : i32
      %dma_start3A_843 = tpu.memref_slice %arg12[%mul3A_4, %dma_start3A_842] : memref<10000x128xf32, #tpu.memory_space<vmem_shared>> -> memref<624x128xf32, #tpu.memory_space<vmem_shared>>
      %dma_start3A_844 = arith.constant 0 : i32
      %dma_start3A_845 = tpu.memref_slice %arg5[%mul3A_4, %dma_start3A_844] : memref<10000x128xf32, #tpu.memory_space<hbm>> -> memref<624x128xf32, #tpu.memory_space<hbm>>
      tpu.enqueue_dma source(%dma_start3A_845 : memref<624x128xf32, #tpu.memory_space<hbm>>) target(%dma_start3A_843 : memref<624x128xf32, #tpu.memory_space<vmem_shared>>) target_semaphore(%run_scoped3A : memref<!tpu.dma_semaphore, #tpu.memory_space<semaphore_mem>>)
      %dma_wait3A_846 = arith.constant 0 : i32
      %dma_wait3A_847 = tpu.memref_slice %arg12[%mul3A_4, %dma_wait3A_846] : memref<10000x128xf32, #tpu.memory_space<vmem_shared>> -> memref<624x128xf32, #tpu.memory_space<vmem_shared>>
      %dma_wait3A_848 = arith.constant 0 : i32
      %dma_wait3A_849 = tpu.memref_slice %arg5[%mul3A_4, %dma_wait3A_848] : memref<10000x128xf32, #tpu.memory_space<hbm>> -> memref<624x128xf32, #tpu.memory_space<hbm>>
      tpu.wait_dma2 semaphore(%run_scoped3A : memref<!tpu.dma_semaphore, #tpu.memory_space<semaphore_mem>>) src(%dma_wait3A_849 : memref<624x128xf32, #tpu.memory_space<hbm>>) dst(%dma_wait3A_847 : memref<624x128xf32, #tpu.memory_space<vmem_shared>>)
      tpu.yield
    }) : () -> ()
    %eq3A = arith.constant 15 : i32
    %eq3A_5 = arith.cmpi eq, %arg1, %eq3A : i32
    %convert_element_type3A = arith.extui %eq3A_5 : i1 to i32
    %cond3A = arith.constant 0 : i32
    %cond3A_6 = arith.cmpi ne, %convert_element_type3A, %cond3A : i32
    scf.if %cond3A_6 {
      "tpu.region"() ({
        %run_scoped3A = tpu.sem_alloc : memref<!tpu.dma_semaphore, #tpu.memory_space<semaphore_mem>>
        %dma_start3A_842 = arith.constant 9984 : i32
        %dma_start3A_843 = arith.constant 0 : i32
        %dma_start3A_844 = tpu.memref_slice %arg12[%dma_start3A_842, %dma_start3A_843] : memref<10000x128xf32, #tpu.memory_space<vmem_shared>> -> memref<16x128xf32, #tpu.memory_space<vmem_shared>>
        %dma_start3A_845 = arith.constant 9984 : i32
        %dma_start3A_846 = arith.constant 0 : i32
        %dma_start3A_847 = tpu.memref_slice %arg5[%dma_start3A_845, %dma_start3A_846] : memref<10000x128xf32, #tpu.memory_space<hbm>> -> memref<16x128xf32, #tpu.memory_space<hbm>>
        tpu.enqueue_dma source(%dma_start3A_847 : memref<16x128xf32, #tpu.memory_space<hbm>>) target(%dma_start3A_844 : memref<16x128xf32, #tpu.memory_space<vmem_shared>>) target_semaphore(%run_scoped3A : memref<!tpu.dma_semaphore, #tpu.memory_space<semaphore_mem>>)
        %dma_wait3A_848 = arith.constant 9984 : i32
        %dma_wait3A_849 = arith.constant 0 : i32
        %dma_wait3A_850 = tpu.memref_slice %arg12[%dma_wait3A_848, %dma_wait3A_849] : memref<10000x128xf32, #tpu.memory_space<vmem_shared>> -> memref<16x128xf32, #tpu.memory_space<vmem_shared>>
        %dma_wait3A_851 = arith.constant 9984 : i32
        %dma_wait3A_852 = arith.constant 0 : i32
        %dma_wait3A_853 = tpu.memref_slice %arg5[%dma_wait3A_851, %dma_wait3A_852] : memref<10000x128xf32, #tpu.memory_space<hbm>> -> memref<16x128xf32, #tpu.memory_space<hbm>>
        tpu.wait_dma2 semaphore(%run_scoped3A : memref<!tpu.dma_semaphore, #tpu.memory_space<semaphore_mem>>) src(%dma_wait3A_853 : memref<16x128xf32, #tpu.memory_space<hbm>>) dst(%dma_wait3A_850 : memref<16x128xf32, #tpu.memory_space<vmem_shared>>)
        tpu.yield
      }) : () -> ()
    } else {
    }
    %barrier3A = arith.constant 0 : index
    tpu.barrier barrier_id(%barrier3A)
    %scan3A = arith.constant 0 : i32
    %scan3A_7 = arith.constant 0 : i32
    %scan3A_8 = arith.constant 7 : i32
    %scan3A_9 = arith.addi %scan3A_7, %scan3A_8 : i32
    %scan3A_10 = arith.constant 1 : i32
    scf.for %scan3A_842 = %scan3A_7 to %scan3A_9 step %scan3A_10  : i32 {
      %mul3A_843 = arith.constant 16 : i32
      %mul3A_844 = arith.muli %scan3A_842, %mul3A_843 : i32
      "tpu.region"() ({
        %run_scoped3A = tpu.sem_alloc : memref<!tpu.dma_semaphore, #tpu.memory_space<semaphore_mem>>
        %dma_start3A_1615 = arith.constant 0 : i32
        %dma_start3A_1616 = arith.constant 0 : i32
        %dma_start3A_1617 = tpu.memref_slice %arg8[%dma_start3A_1615, %dma_start3A_1616] : memref<16x80xi32, #tpu.memory_space<vmem>> -> memref<16x80xi32, #tpu.memory_space<vmem>>
        %dma_start3A_1618 = arith.constant 0 : i32
        %dma_start3A_1619 = tpu.memref_slice %arg3[%add3A, %mul3A_844, %dma_start3A_1618] : memref<32x125x80xi32, #tpu.memory_space<hbm>> -> memref<1x16x80xi32, #tpu.memory_space<hbm>>
        %dma_start3A_1620 = tpu.memref_squeeze %dma_start3A_1619 : memref<1x16x80xi32, #tpu.memory_space<hbm>> -> memref<16x80xi32, #tpu.memory_space<hbm>>
        %dma_start3A_1621 = arith.constant 0 : i32
        %dma_start3A_1622 = arith.constant 0 : i32
        %dma_start3A_1623 = tpu.memref_slice %arg8[%dma_start3A_1621, %dma_start3A_1622] : memref<16x80xi32, #tpu.memory_space<vmem>> -> memref<16x80xi32, #tpu.memory_space<vmem>>
        %dma_start3A_1624 = arith.constant 0 : i32
        %dma_start3A_1625 = tpu.memref_slice %arg3[%add3A, %mul3A_844, %dma_start3A_1624] : memref<32x125x80xi32, #tpu.memory_space<hbm>> -> memref<1x16x80xi32, #tpu.memory_space<hbm>>
        %dma_start3A_1626 = tpu.memref_squeeze %dma_start3A_1625 : memref<1x16x80xi32, #tpu.memory_space<hbm>> -> memref<16x80xi32, #tpu.memory_space<hbm>>
        tpu.enqueue_dma source(%dma_start3A_1626 : memref<16x80xi32, #tpu.memory_space<hbm>>) target(%dma_start3A_1623 : memref<16x80xi32, #tpu.memory_space<vmem>>) target_semaphore(%run_scoped3A : memref<!tpu.dma_semaphore, #tpu.memory_space<semaphore_mem>>)
        %dma_wait3A_1627 = arith.constant 0 : i32
        %dma_wait3A_1628 = arith.constant 0 : i32
        %dma_wait3A_1629 = tpu.memref_slice %arg8[%dma_wait3A_1627, %dma_wait3A_1628] : memref<16x80xi32, #tpu.memory_space<vmem>> -> memref<16x80xi32, #tpu.memory_space<vmem>>
        %dma_wait3A_1630 = arith.constant 0 : i32
        %dma_wait3A_1631 = tpu.memref_slice %arg3[%add3A, %mul3A_844, %dma_wait3A_1630] : memref<32x125x80xi32, #tpu.memory_space<hbm>> -> memref<1x16x80xi32, #tpu.memory_space<hbm>>
        %dma_wait3A_1632 = tpu.memref_squeeze %dma_wait3A_1631 : memref<1x16x80xi32, #tpu.memory_space<hbm>> -> memref<16x80xi32, #tpu.memory_space<hbm>>
        %dma_wait3A_1633 = arith.constant 0 : i32
        %dma_wait3A_1634 = arith.constant 0 : i32
        %dma_wait3A_1635 = tpu.memref_slice %arg8[%dma_wait3A_1633, %dma_wait3A_1634] : memref<16x80xi32, #tpu.memory_space<vmem>> -> memref<16x80xi32, #tpu.memory_space<vmem>>
        %dma_wait3A_1636 = arith.constant 0 : i32
        %dma_wait3A_1637 = tpu.memref_slice %arg3[%add3A, %mul3A_844, %dma_wait3A_1636] : memref<32x125x80xi32, #tpu.memory_space<hbm>> -> memref<1x16x80xi32, #tpu.memory_space<hbm>>
        %dma_wait3A_1638 = tpu.memref_squeeze %dma_wait3A_1637 : memref<1x16x80xi32, #tpu.memory_space<hbm>> -> memref<16x80xi32, #tpu.memory_space<hbm>>
        tpu.wait_dma2 semaphore(%run_scoped3A : memref<!tpu.dma_semaphore, #tpu.memory_space<semaphore_mem>>) src(%dma_wait3A_1638 : memref<16x80xi32, #tpu.memory_space<hbm>>) dst(%dma_wait3A_1635 : memref<16x80xi32, #tpu.memory_space<vmem>>)
        tpu.yield
      }) : () -> ()
      %mul3A_845 = arith.constant 16 : i32
      %mul3A_846 = arith.muli %scan3A_842, %mul3A_845 : i32
      "tpu.region"() ({
        %run_scoped3A = tpu.sem_alloc : memref<!tpu.dma_semaphore, #tpu.memory_space<semaphore_mem>>
        %dma_start3A_1615 = arith.constant 0 : i32
        %dma_start3A_1616 = arith.constant 0 : i32
        %dma_start3A_1617 = tpu.memref_slice %arg9[%dma_start3A_1615, %dma_start3A_1616] : memref<16x80xi32, #tpu.memory_space<vmem>> -> memref<16x80xi32, #tpu.memory_space<vmem>>
        %dma_start3A_1618 = arith.constant 0 : i32
        %dma_start3A_1619 = tpu.memref_slice %arg4[%add3A, %mul3A_846, %dma_start3A_1618] : memref<32x125x80xi32, #tpu.memory_space<hbm>> -> memref<1x16x80xi32, #tpu.memory_space<hbm>>
        %dma_start3A_1620 = tpu.memref_squeeze %dma_start3A_1619 : memref<1x16x80xi32, #tpu.memory_space<hbm>> -> memref<16x80xi32, #tpu.memory_space<hbm>>
        %dma_start3A_1621 = arith.constant 0 : i32
        %dma_start3A_1622 = arith.constant 0 : i32
        %dma_start3A_1623 = tpu.memref_slice %arg9[%dma_start3A_1621, %dma_start3A_1622] : memref<16x80xi32, #tpu.memory_space<vmem>> -> memref<16x80xi32, #tpu.memory_space<vmem>>
        %dma_start3A_1624 = arith.constant 0 : i32
        %dma_start3A_1625 = tpu.memref_slice %arg4[%add3A, %mul3A_846, %dma_start3A_1624] : memref<32x125x80xi32, #tpu.memory_space<hbm>> -> memref<1x16x80xi32, #tpu.memory_space<hbm>>
        %dma_start3A_1626 = tpu.memref_squeeze %dma_start3A_1625 : memref<1x16x80xi32, #tpu.memory_space<hbm>> -> memref<16x80xi32, #tpu.memory_space<hbm>>
        tpu.enqueue_dma source(%dma_start3A_1626 : memref<16x80xi32, #tpu.memory_space<hbm>>) target(%dma_start3A_1623 : memref<16x80xi32, #tpu.memory_space<vmem>>) target_semaphore(%run_scoped3A : memref<!tpu.dma_semaphore, #tpu.memory_space<semaphore_mem>>)
        %dma_wait3A_1627 = arith.constant 0 : i32
        %dma_wait3A_1628 = arith.constant 0 : i32
        %dma_wait3A_1629 = tpu.memref_slice %arg9[%dma_wait3A_1627, %dma_wait3A_1628] : memref<16x80xi32, #tpu.memory_space<vmem>> -> memref<16x80xi32, #tpu.memory_space<vmem>>
        %dma_wait3A_1630 = arith.constant 0 : i32
        %dma_wait3A_1631 = tpu.memref_slice %arg4[%add3A, %mul3A_846, %dma_wait3A_1630] : memref<32x125x80xi32, #tpu.memory_space<hbm>> -> memref<1x16x80xi32, #tpu.memory_space<hbm>>
        %dma_wait3A_1632 = tpu.memref_squeeze %dma_wait3A_1631 : memref<1x16x80xi32, #tpu.memory_space<hbm>> -> memref<16x80xi32, #tpu.memory_space<hbm>>
        %dma_wait3A_1633 = arith.constant 0 : i32
        %dma_wait3A_1634 = arith.constant 0 : i32
        %dma_wait3A_1635 = tpu.memref_slice %arg9[%dma_wait3A_1633, %dma_wait3A_1634] : memref<16x80xi32, #tpu.memory_space<vmem>> -> memref<16x80xi32, #tpu.memory_space<vmem>>
        %dma_wait3A_1636 = arith.constant 0 : i32
        %dma_wait3A_1637 = tpu.memref_slice %arg4[%add3A, %mul3A_846, %dma_wait3A_1636] : memref<32x125x80xi32, #tpu.memory_space<hbm>> -> memref<1x16x80xi32, #tpu.memory_space<hbm>>
        %dma_wait3A_1638 = tpu.memref_squeeze %dma_wait3A_1637 : memref<1x16x80xi32, #tpu.memory_space<hbm>> -> memref<16x80xi32, #tpu.memory_space<hbm>>
        tpu.wait_dma2 semaphore(%run_scoped3A : memref<!tpu.dma_semaphore, #tpu.memory_space<semaphore_mem>>) src(%dma_wait3A_1638 : memref<16x80xi32, #tpu.memory_space<hbm>>) dst(%dma_wait3A_1635 : memref<16x80xi32, #tpu.memory_space<vmem>>)
        tpu.yield
      }) : () -> ()
      %dma_start3A_847 = arith.constant 0 : i32
      %dma_start3A_848 = arith.constant 0 : i32
      %dma_start3A_849 = arith.constant 0 : i32
      %dma_start3A_850 = arith.constant 0 : i32
      %dma_start3A_851 = tpu.memref_slice %arg10[%dma_start3A_848, %dma_start3A_849, %dma_start3A_850] : memref<3x80x128xf32, #tpu.memory_space<vmem>> -> memref<1x80x128xf32, #tpu.memory_space<vmem>>
      %dma_start3A_852 = tpu.memref_squeeze %dma_start3A_851 : memref<1x80x128xf32, #tpu.memory_space<vmem>> -> memref<80x128xf32, #tpu.memory_space<vmem>>
      %dma_start3A_853 = arith.constant 0 : i32
      %dma_start3A_854 = tpu.memref_slice %arg8[%dma_start3A_847, %dma_start3A_853] : memref<16x80xi32, #tpu.memory_space<vmem>> -> memref<1x80xi32, #tpu.memory_space<vmem>>
      %dma_start3A_855 = tpu.memref_squeeze %dma_start3A_854 : memref<1x80xi32, #tpu.memory_space<vmem>> -> memref<80xi32, #tpu.memory_space<vmem>>
      %dma_start3A_856 = arith.constant 0 : i32
      %dma_start3A_857 = arith.constant 0 : i32
      %dma_start3A_858 = tpu.memref_slice %arg2[%dma_start3A_856, %dma_start3A_857] : memref<40000x128xf32, #tpu.memory_space<hbm>> -> memref<40000x128xf32, #tpu.memory_space<hbm>>
      tpu.enqueue_indirect_dma source(%dma_start3A_858 : memref<40000x128xf32, #tpu.memory_space<hbm>>) target(%dma_start3A_852 : memref<80x128xf32, #tpu.memory_space<vmem>>) offsets(%dma_start3A_855 : memref<80xi32, #tpu.memory_space<vmem>>) semaphore(%arg13 : memref<!tpu.dma_semaphore, #tpu.memory_space<semaphore_mem>>)
      %dma_start3A_859 = arith.constant 1 : i32
      %dma_start3A_860 = arith.constant 1 : i32
      %dma_start3A_861 = arith.constant 0 : i32
      %dma_start3A_862 = arith.constant 0 : i32
      %dma_start3A_863 = tpu.memref_slice %arg10[%dma_start3A_860, %dma_start3A_861, %dma_start3A_862] : memref<3x80x128xf32, #tpu.memory_space<vmem>> -> memref<1x80x128xf32, #tpu.memory_space<vmem>>
      %dma_start3A_864 = tpu.memref_squeeze %dma_start3A_863 : memref<1x80x128xf32, #tpu.memory_space<vmem>> -> memref<80x128xf32, #tpu.memory_space<vmem>>
      %dma_start3A_865 = arith.constant 0 : i32
      %dma_start3A_866 = tpu.memref_slice %arg8[%dma_start3A_859, %dma_start3A_865] : memref<16x80xi32, #tpu.memory_space<vmem>> -> memref<1x80xi32, #tpu.memory_space<vmem>>
      %dma_start3A_867 = tpu.memref_squeeze %dma_start3A_866 : memref<1x80xi32, #tpu.memory_space<vmem>> -> memref<80xi32, #tpu.memory_space<vmem>>
      %dma_start3A_868 = arith.constant 0 : i32
      %dma_start3A_869 = arith.constant 0 : i32
      %dma_start3A_870 = tpu.memref_slice %arg2[%dma_start3A_868, %dma_start3A_869] : memref<40000x128xf32, #tpu.memory_space<hbm>> -> memref<40000x128xf32, #tpu.memory_space<hbm>>
      tpu.enqueue_indirect_dma source(%dma_start3A_870 : memref<40000x128xf32, #tpu.memory_space<hbm>>) target(%dma_start3A_864 : memref<80x128xf32, #tpu.memory_space<vmem>>) offsets(%dma_start3A_867 : memref<80xi32, #tpu.memory_space<vmem>>) semaphore(%arg14 : memref<!tpu.dma_semaphore, #tpu.memory_space<semaphore_mem>>)
      %dma_wait3A_871 = arith.constant 0 : i32
      %dma_wait3A_872 = arith.constant 0 : i32
      %dma_wait3A_873 = arith.constant 0 : i32
      %dma_wait3A_874 = arith.constant 0 : i32
      %dma_wait3A_875 = tpu.memref_slice %arg10[%dma_wait3A_872, %dma_wait3A_873, %dma_wait3A_874] : memref<3x80x128xf32, #tpu.memory_space<vmem>> -> memref<1x80x128xf32, #tpu.memory_space<vmem>>
      %dma_wait3A_876 = tpu.memref_squeeze %dma_wait3A_875 : memref<1x80x128xf32, #tpu.memory_space<vmem>> -> memref<80x128xf32, #tpu.memory_space<vmem>>
      %dma_wait3A_877 = arith.constant 0 : i32
      %dma_wait3A_878 = tpu.memref_slice %arg8[%dma_wait3A_871, %dma_wait3A_877] : memref<16x80xi32, #tpu.memory_space<vmem>> -> memref<1x80xi32, #tpu.memory_space<vmem>>
      %dma_wait3A_879 = tpu.memref_squeeze %dma_wait3A_878 : memref<1x80xi32, #tpu.memory_space<vmem>> -> memref<80xi32, #tpu.memory_space<vmem>>
      %dma_wait3A_880 = arith.constant 0 : i32
      %dma_wait3A_881 = arith.constant 0 : i32
      %dma_wait3A_882 = tpu.memref_slice %arg2[%dma_wait3A_880, %dma_wait3A_881] : memref<40000x128xf32, #tpu.memory_space<hbm>> -> memref<40000x128xf32, #tpu.memory_space<hbm>>
      tpu.wait_indirect_dma semaphore(%arg13 : memref<!tpu.dma_semaphore, #tpu.memory_space<semaphore_mem>>) src(%dma_wait3A_882 : memref<40000x128xf32, #tpu.memory_space<hbm>>) dst(%dma_wait3A_876 : memref<80x128xf32, #tpu.memory_space<vmem>>)
      %dma_start3A_883 = arith.constant 0 : i32
      %dma_start3A_884 = arith.constant 0 : i32
      %dma_start3A_885 = arith.constant 0 : i32
      %dma_start3A_886 = arith.constant 0 : i32
      %dma_start3A_887 = tpu.memref_slice %arg10[%dma_start3A_883, %dma_start3A_885, %dma_start3A_886] : memref<3x80x128xf32, #tpu.memory_space<vmem>> -> memref<1x80x128xf32, #tpu.memory_space<vmem>>
      %dma_start3A_888 = tpu.memref_squeeze %dma_start3A_887 : memref<1x80x128xf32, #tpu.memory_space<vmem>> -> memref<80x128xf32, #tpu.memory_space<vmem>>
      %dma_start3A_889 = arith.constant 0 : i32
      %dma_start3A_890 = tpu.memref_slice %arg9[%dma_start3A_884, %dma_start3A_889] : memref<16x80xi32, #tpu.memory_space<vmem>> -> memref<1x80xi32, #tpu.memory_space<vmem>>
      %dma_start3A_891 = tpu.memref_squeeze %dma_start3A_890 : memref<1x80xi32, #tpu.memory_space<vmem>> -> memref<80xi32, #tpu.memory_space<vmem>>
      %dma_start3A_892 = arith.constant 0 : i32
      %dma_start3A_893 = arith.constant 0 : i32
      %dma_start3A_894 = tpu.memref_slice %arg12[%dma_start3A_892, %dma_start3A_893] : memref<10000x128xf32, #tpu.memory_space<vmem_shared>> -> memref<10000x128xf32, #tpu.memory_space<vmem_shared>>
      tpu.enqueue_indirect_dma source(%dma_start3A_888 : memref<80x128xf32, #tpu.memory_space<vmem>>) target(%dma_start3A_894 : memref<10000x128xf32, #tpu.memory_space<vmem_shared>>) offsets(%dma_start3A_891 : memref<80xi32, #tpu.memory_space<vmem>>) semaphore(%arg16 : memref<!tpu.dma_semaphore, #tpu.memory_space<semaphore_mem>>) {add = true}
      %dma_start3A_895 = arith.constant 2 : i32
      %dma_start3A_896 = arith.constant 2 : i32
      %dma_start3A_897 = arith.constant 0 : i32
      %dma_start3A_898 = arith.constant 0 : i32
      %dma_start3A_899 = tpu.memref_slice %arg10[%dma_start3A_896, %dma_start3A_897, %dma_start3A_898] : memref<3x80x128xf32, #tpu.memory_space<vmem>> -> memref<1x80x128xf32, #tpu.memory_space<vmem>>
      %dma_start3A_900 = tpu.memref_squeeze %dma_start3A_899 : memref<1x80x128xf32, #tpu.memory_space<vmem>> -> memref<80x128xf32, #tpu.memory_space<vmem>>
      %dma_start3A_901 = arith.constant 0 : i32
      %dma_start3A_902 = tpu.memref_slice %arg8[%dma_start3A_895, %dma_start3A_901] : memref<16x80xi32, #tpu.memory_space<vmem>> -> memref<1x80xi32, #tpu.memory_space<vmem>>
      %dma_start3A_903 = tpu.memref_squeeze %dma_start3A_902 : memref<1x80xi32, #tpu.memory_space<vmem>> -> memref<80xi32, #tpu.memory_space<vmem>>
      %dma_start3A_904 = arith.constant 0 : i32
      %dma_start3A_905 = arith.constant 0 : i32
      %dma_start3A_906 = tpu.memref_slice %arg2[%dma_start3A_904, %dma_start3A_905] : memref<40000x128xf32, #tpu.memory_space<hbm>> -> memref<40000x128xf32, #tpu.memory_space<hbm>>
      tpu.enqueue_indirect_dma source(%dma_start3A_906 : memref<40000x128xf32, #tpu.memory_space<hbm>>) target(%dma_start3A_900 : memref<80x128xf32, #tpu.memory_space<vmem>>) offsets(%dma_start3A_903 : memref<80xi32, #tpu.memory_space<vmem>>) semaphore(%arg15 : memref<!tpu.dma_semaphore, #tpu.memory_space<semaphore_mem>>)
      %dma_wait3A_907 = arith.constant 1 : i32
      %dma_wait3A_908 = arith.constant 1 : i32
      %dma_wait3A_909 = arith.constant 0 : i32
      %dma_wait3A_910 = arith.constant 0 : i32
      %dma_wait3A_911 = tpu.memref_slice %arg10[%dma_wait3A_908, %dma_wait3A_909, %dma_wait3A_910] : memref<3x80x128xf32, #tpu.memory_space<vmem>> -> memref<1x80x128xf32, #tpu.memory_space<vmem>>
      %dma_wait3A_912 = tpu.memref_squeeze %dma_wait3A_911 : memref<1x80x128xf32, #tpu.memory_space<vmem>> -> memref<80x128xf32, #tpu.memory_space<vmem>>
      %dma_wait3A_913 = arith.constant 0 : i32
      %dma_wait3A_914 = tpu.memref_slice %arg8[%dma_wait3A_907, %dma_wait3A_913] : memref<16x80xi32, #tpu.memory_space<vmem>> -> memref<1x80xi32, #tpu.memory_space<vmem>>
      %dma_wait3A_915 = tpu.memref_squeeze %dma_wait3A_914 : memref<1x80xi32, #tpu.memory_space<vmem>> -> memref<80xi32, #tpu.memory_space<vmem>>
      %dma_wait3A_916 = arith.constant 0 : i32
      %dma_wait3A_917 = arith.constant 0 : i32
      %dma_wait3A_918 = tpu.memref_slice %arg2[%dma_wait3A_916, %dma_wait3A_917] : memref<40000x128xf32, #tpu.memory_space<hbm>> -> memref<40000x128xf32, #tpu.memory_space<hbm>>
      tpu.wait_indirect_dma semaphore(%arg14 : memref<!tpu.dma_semaphore, #tpu.memory_space<semaphore_mem>>) src(%dma_wait3A_918 : memref<40000x128xf32, #tpu.memory_space<hbm>>) dst(%dma_wait3A_912 : memref<80x128xf32, #tpu.memory_space<vmem>>)
      %dma_start3A_919 = arith.constant 1 : i32
      %dma_start3A_920 = arith.constant 1 : i32
      %dma_start3A_921 = arith.constant 0 : i32
      %dma_start3A_922 = arith.constant 0 : i32
      %dma_start3A_923 = tpu.memref_slice %arg10[%dma_start3A_919, %dma_start3A_921, %dma_start3A_922] : memref<3x80x128xf32, #tpu.memory_space<vmem>> -> memref<1x80x128xf32, #tpu.memory_space<vmem>>
      %dma_start3A_924 = tpu.memref_squeeze %dma_start3A_923 : memref<1x80x128xf32, #tpu.memory_space<vmem>> -> memref<80x128xf32, #tpu.memory_space<vmem>>
      %dma_start3A_925 = arith.constant 0 : i32
      %dma_start3A_926 = tpu.memref_slice %arg9[%dma_start3A_920, %dma_start3A_925] : memref<16x80xi32, #tpu.memory_space<vmem>> -> memref<1x80xi32, #tpu.memory_space<vmem>>
      %dma_start3A_927 = tpu.memref_squeeze %dma_start3A_926 : memref<1x80xi32, #tpu.memory_space<vmem>> -> memref<80xi32, #tpu.memory_space<vmem>>
      %dma_start3A_928 = arith.constant 0 : i32
      %dma_start3A_929 = arith.constant 0 : i32
      %dma_start3A_930 = tpu.memref_slice %arg12[%dma_start3A_928, %dma_start3A_929] : memref<10000x128xf32, #tpu.memory_space<vmem_shared>> -> memref<10000x128xf32, #tpu.memory_space<vmem_shared>>
      tpu.enqueue_indirect_dma source(%dma_start3A_924 : memref<80x128xf32, #tpu.memory_space<vmem>>) target(%dma_start3A_930 : memref<10000x128xf32, #tpu.memory_space<vmem_shared>>) offsets(%dma_start3A_927 : memref<80xi32, #tpu.memory_space<vmem>>) semaphore(%arg17 : memref<!tpu.dma_semaphore, #tpu.memory_space<semaphore_mem>>) {add = true}
      %dma_wait3A_931 = arith.constant 0 : i32
      %dma_wait3A_932 = arith.constant 0 : i32
      %dma_wait3A_933 = arith.constant 0 : i32
      %dma_wait3A_934 = arith.constant 0 : i32
      %dma_wait3A_935 = tpu.memref_slice %arg10[%dma_wait3A_931, %dma_wait3A_933, %dma_wait3A_934] : memref<3x80x128xf32, #tpu.memory_space<vmem>> -> memref<1x80x128xf32, #tpu.memory_space<vmem>>
      %dma_wait3A_936 = tpu.memref_squeeze %dma_wait3A_935 : memref<1x80x128xf32, #tpu.memory_space<vmem>> -> memref<80x128xf32, #tpu.memory_space<vmem>>
      %dma_wait3A_937 = arith.constant 0 : i32
      %dma_wait3A_938 = tpu.memref_slice %arg9[%dma_wait3A_932, %dma_wait3A_937] : memref<16x80xi32, #tpu.memory_space<vmem>> -> memref<1x80xi32, #tpu.memory_space<vmem>>
      %dma_wait3A_939 = tpu.memref_squeeze %dma_wait3A_938 : memref<1x80xi32, #tpu.memory_space<vmem>> -> memref<80xi32, #tpu.memory_space<vmem>>
      %dma_wait3A_940 = arith.constant 0 : i32
      %dma_wait3A_941 = arith.constant 0 : i32
      %dma_wait3A_942 = tpu.memref_slice %arg12[%dma_wait3A_940, %dma_wait3A_941] : memref<10000x128xf32, #tpu.memory_space<vmem_shared>> -> memref<10000x128xf32, #tpu.memory_space<vmem_shared>>
      tpu.wait_indirect_dma semaphore(%arg16 : memref<!tpu.dma_semaphore, #tpu.memory_space<semaphore_mem>>) src(%dma_wait3A_936 : memref<80x128xf32, #tpu.memory_space<vmem>>) dst(%dma_wait3A_942 : memref<10000x128xf32, #tpu.memory_space<vmem_shared>>)
      %dma_start3A_943 = arith.constant 3 : i32
      %dma_start3A_944 = arith.constant 0 : i32
      %dma_start3A_945 = arith.constant 0 : i32
      %dma_start3A_946 = arith.constant 0 : i32
      %dma_start3A_947 = tpu.memref_slice %arg10[%dma_start3A_944, %dma_start3A_945, %dma_start3A_946] : memref<3x80x128xf32, #tpu.memory_space<vmem>> -> memref<1x80x128xf32, #tpu.memory_space<vmem>>
      %dma_start3A_948 = tpu.memref_squeeze %dma_start3A_947 : memref<1x80x128xf32, #tpu.memory_space<vmem>> -> memref<80x128xf32, #tpu.memory_space<vmem>>
      %dma_start3A_949 = arith.constant 0 : i32
      %dma_start3A_950 = tpu.memref_slice %arg8[%dma_start3A_943, %dma_start3A_949] : memref<16x80xi32, #tpu.memory_space<vmem>> -> memref<1x80xi32, #tpu.memory_space<vmem>>
      %dma_start3A_951 = tpu.memref_squeeze %dma_start3A_950 : memref<1x80xi32, #tpu.memory_space<vmem>> -> memref<80xi32, #tpu.memory_space<vmem>>
      %dma_start3A_952 = arith.constant 0 : i32
      %dma_start3A_953 = arith.constant 0 : i32
      %dma_start3A_954 = tpu.memref_slice %arg2[%dma_start3A_952, %dma_start3A_953] : memref<40000x128xf32, #tpu.memory_space<hbm>> -> memref<40000x128xf32, #tpu.memory_space<hbm>>
      tpu.enqueue_indirect_dma source(%dma_start3A_954 : memref<40000x128xf32, #tpu.memory_space<hbm>>) target(%dma_start3A_948 : memref<80x128xf32, #tpu.memory_space<vmem>>) offsets(%dma_start3A_951 : memref<80xi32, #tpu.memory_space<vmem>>) semaphore(%arg13 : memref<!tpu.dma_semaphore, #tpu.memory_space<semaphore_mem>>)
      %dma_wait3A_955 = arith.constant 2 : i32
      %dma_wait3A_956 = arith.constant 2 : i32
      %dma_wait3A_957 = arith.constant 0 : i32
      %dma_wait3A_958 = arith.constant 0 : i32
      %dma_wait3A_959 = tpu.memref_slice %arg10[%dma_wait3A_956, %dma_wait3A_957, %dma_wait3A_958] : memref<3x80x128xf32, #tpu.memory_space<vmem>> -> memref<1x80x128xf32, #tpu.memory_space<vmem>>
      %dma_wait3A_960 = tpu.memref_squeeze %dma_wait3A_959 : memref<1x80x128xf32, #tpu.memory_space<vmem>> -> memref<80x128xf32, #tpu.memory_space<vmem>>
      %dma_wait3A_961 = arith.constant 0 : i32
      %dma_wait3A_962 = tpu.memref_slice %arg8[%dma_wait3A_955, %dma_wait3A_961] : memref<16x80xi32, #tpu.memory_space<vmem>> -> memref<1x80xi32, #tpu.memory_space<vmem>>
      %dma_wait3A_963 = tpu.memref_squeeze %dma_wait3A_962 : memref<1x80xi32, #tpu.memory_space<vmem>> -> memref<80xi32, #tpu.memory_space<vmem>>
      %dma_wait3A_964 = arith.constant 0 : i32
      %dma_wait3A_965 = arith.constant 0 : i32
      %dma_wait3A_966 = tpu.memref_slice %arg2[%dma_wait3A_964, %dma_wait3A_965] : memref<40000x128xf32, #tpu.memory_space<hbm>> -> memref<40000x128xf32, #tpu.memory_space<hbm>>
      tpu.wait_indirect_dma semaphore(%arg15 : memref<!tpu.dma_semaphore, #tpu.memory_space<semaphore_mem>>) src(%dma_wait3A_966 : memref<40000x128xf32, #tpu.memory_space<hbm>>) dst(%dma_wait3A_960 : memref<80x128xf32, #tpu.memory_space<vmem>>)
      %dma_start3A_967 = arith.constant 2 : i32
      %dma_start3A_968 = arith.constant 2 : i32
      %dma_start3A_969 = arith.constant 0 : i32
      %dma_start3A_970 = arith.constant 0 : i32
      %dma_start3A_971 = tpu.memref_slice %arg10[%dma_start3A_967, %dma_start3A_969, %dma_start3A_970] : memref<3x80x128xf32, #tpu.memory_space<vmem>> -> memref<1x80x128xf32, #tpu.memory_space<vmem>>
      %dma_start3A_972 = tpu.memref_squeeze %dma_start3A_971 : memref<1x80x128xf32, #tpu.memory_space<vmem>> -> memref<80x128xf32, #tpu.memory_space<vmem>>
      %dma_start3A_973 = arith.constant 0 : i32
      %dma_start3A_974 = tpu.memref_slice %arg9[%dma_start3A_968, %dma_start3A_973] : memref<16x80xi32, #tpu.memory_space<vmem>> -> memref<1x80xi32, #tpu.memory_space<vmem>>
      %dma_start3A_975 = tpu.memref_squeeze %dma_start3A_974 : memref<1x80xi32, #tpu.memory_space<vmem>> -> memref<80xi32, #tpu.memory_space<vmem>>
      %dma_start3A_976 = arith.constant 0 : i32
      %dma_start3A_977 = arith.constant 0 : i32
      %dma_start3A_978 = tpu.memref_slice %arg12[%dma_start3A_976, %dma_start3A_977] : memref<10000x128xf32, #tpu.memory_space<vmem_shared>> -> memref<10000x128xf32, #tpu.memory_space<vmem_shared>>
      tpu.enqueue_indirect_dma source(%dma_start3A_972 : memref<80x128xf32, #tpu.memory_space<vmem>>) target(%dma_start3A_978 : memref<10000x128xf32, #tpu.memory_space<vmem_shared>>) offsets(%dma_start3A_975 : memref<80xi32, #tpu.memory_space<vmem>>) semaphore(%arg18 : memref<!tpu.dma_semaphore, #tpu.memory_space<semaphore_mem>>) {add = true}
      %dma_wait3A_979 = arith.constant 1 : i32
      %dma_wait3A_980 = arith.constant 1 : i32
      %dma_wait3A_981 = arith.constant 0 : i32
      %dma_wait3A_982 = arith.constant 0 : i32
      %dma_wait3A_983 = tpu.memref_slice %arg10[%dma_wait3A_979, %dma_wait3A_981, %dma_wait3A_982] : memref<3x80x128xf32, #tpu.memory_space<vmem>> -> memref<1x80x128xf32, #tpu.memory_space<vmem>>
      %dma_wait3A_984 = tpu.memref_squeeze %dma_wait3A_983 : memref<1x80x128xf32, #tpu.memory_space<vmem>> -> memref<80x128xf32, #tpu.memory_space<vmem>>
      %dma_wait3A_985 = arith.constant 0 : i32
      %dma_wait3A_986 = tpu.memref_slice %arg9[%dma_wait3A_980, %dma_wait3A_985] : memref<16x80xi32, #tpu.memory_space<vmem>> -> memref<1x80xi32, #tpu.memory_space<vmem>>
      %dma_wait3A_987 = tpu.memref_squeeze %dma_wait3A_986 : memref<1x80xi32, #tpu.memory_space<vmem>> -> memref<80xi32, #tpu.memory_space<vmem>>
      %dma_wait3A_988 = arith.constant 0 : i32
      %dma_wait3A_989 = arith.constant 0 : i32
      %dma_wait3A_990 = tpu.memref_slice %arg12[%dma_wait3A_988, %dma_wait3A_989] : memref<10000x128xf32, #tpu.memory_space<vmem_shared>> -> memref<10000x128xf32, #tpu.memory_space<vmem_shared>>
      tpu.wait_indirect_dma semaphore(%arg17 : memref<!tpu.dma_semaphore, #tpu.memory_space<semaphore_mem>>) src(%dma_wait3A_984 : memref<80x128xf32, #tpu.memory_space<vmem>>) dst(%dma_wait3A_990 : memref<10000x128xf32, #tpu.memory_space<vmem_shared>>)
      %dma_start3A_991 = arith.constant 4 : i32
      %dma_start3A_992 = arith.constant 1 : i32
      %dma_start3A_993 = arith.constant 0 : i32
      %dma_start3A_994 = arith.constant 0 : i32
      %dma_start3A_995 = tpu.memref_slice %arg10[%dma_start3A_992, %dma_start3A_993, %dma_start3A_994] : memref<3x80x128xf32, #tpu.memory_space<vmem>> -> memref<1x80x128xf32, #tpu.memory_space<vmem>>
      %dma_start3A_996 = tpu.memref_squeeze %dma_start3A_995 : memref<1x80x128xf32, #tpu.memory_space<vmem>> -> memref<80x128xf32, #tpu.memory_space<vmem>>
      %dma_start3A_997 = arith.constant 0 : i32
      %dma_start3A_998 = tpu.memref_slice %arg8[%dma_start3A_991, %dma_start3A_997] : memref<16x80xi32, #tpu.memory_space<vmem>> -> memref<1x80xi32, #tpu.memory_space<vmem>>
      %dma_start3A_999 = tpu.memref_squeeze %dma_start3A_998 : memref<1x80xi32, #tpu.memory_space<vmem>> -> memref<80xi32, #tpu.memory_space<vmem>>
      %dma_start3A_1000 = arith.constant 0 : i32
      %dma_start3A_1001 = arith.constant 0 : i32
      %dma_start3A_1002 = tpu.memref_slice %arg2[%dma_start3A_1000, %dma_start3A_1001] : memref<40000x128xf32, #tpu.memory_space<hbm>> -> memref<40000x128xf32, #tpu.memory_space<hbm>>
      tpu.enqueue_indirect_dma source(%dma_start3A_1002 : memref<40000x128xf32, #tpu.memory_space<hbm>>) target(%dma_start3A_996 : memref<80x128xf32, #tpu.memory_space<vmem>>) offsets(%dma_start3A_999 : memref<80xi32, #tpu.memory_space<vmem>>) semaphore(%arg14 : memref<!tpu.dma_semaphore, #tpu.memory_space<semaphore_mem>>)
      %dma_wait3A_1003 = arith.constant 3 : i32
      %dma_wait3A_1004 = arith.constant 0 : i32
      %dma_wait3A_1005 = arith.constant 0 : i32
      %dma_wait3A_1006 = arith.constant 0 : i32
      %dma_wait3A_1007 = tpu.memref_slice %arg10[%dma_wait3A_1004, %dma_wait3A_1005, %dma_wait3A_1006] : memref<3x80x128xf32, #tpu.memory_space<vmem>> -> memref<1x80x128xf32, #tpu.memory_space<vmem>>
      %dma_wait3A_1008 = tpu.memref_squeeze %dma_wait3A_1007 : memref<1x80x128xf32, #tpu.memory_space<vmem>> -> memref<80x128xf32, #tpu.memory_space<vmem>>
      %dma_wait3A_1009 = arith.constant 0 : i32
      %dma_wait3A_1010 = tpu.memref_slice %arg8[%dma_wait3A_1003, %dma_wait3A_1009] : memref<16x80xi32, #tpu.memory_space<vmem>> -> memref<1x80xi32, #tpu.memory_space<vmem>>
      %dma_wait3A_1011 = tpu.memref_squeeze %dma_wait3A_1010 : memref<1x80xi32, #tpu.memory_space<vmem>> -> memref<80xi32, #tpu.memory_space<vmem>>
      %dma_wait3A_1012 = arith.constant 0 : i32
      %dma_wait3A_1013 = arith.constant 0 : i32
      %dma_wait3A_1014 = tpu.memref_slice %arg2[%dma_wait3A_1012, %dma_wait3A_1013] : memref<40000x128xf32, #tpu.memory_space<hbm>> -> memref<40000x128xf32, #tpu.memory_space<hbm>>
      tpu.wait_indirect_dma semaphore(%arg13 : memref<!tpu.dma_semaphore, #tpu.memory_space<semaphore_mem>>) src(%dma_wait3A_1014 : memref<40000x128xf32, #tpu.memory_space<hbm>>) dst(%dma_wait3A_1008 : memref<80x128xf32, #tpu.memory_space<vmem>>)
      %dma_start3A_1015 = arith.constant 0 : i32
      %dma_start3A_1016 = arith.constant 3 : i32
      %dma_start3A_1017 = arith.constant 0 : i32
      %dma_start3A_1018 = arith.constant 0 : i32
      %dma_start3A_1019 = tpu.memref_slice %arg10[%dma_start3A_1015, %dma_start3A_1017, %dma_start3A_1018] : memref<3x80x128xf32, #tpu.memory_space<vmem>> -> memref<1x80x128xf32, #tpu.memory_space<vmem>>
      %dma_start3A_1020 = tpu.memref_squeeze %dma_start3A_1019 : memref<1x80x128xf32, #tpu.memory_space<vmem>> -> memref<80x128xf32, #tpu.memory_space<vmem>>
      %dma_start3A_1021 = arith.constant 0 : i32
      %dma_start3A_1022 = tpu.memref_slice %arg9[%dma_start3A_1016, %dma_start3A_1021] : memref<16x80xi32, #tpu.memory_space<vmem>> -> memref<1x80xi32, #tpu.memory_space<vmem>>
      %dma_start3A_1023 = tpu.memref_squeeze %dma_start3A_1022 : memref<1x80xi32, #tpu.memory_space<vmem>> -> memref<80xi32, #tpu.memory_space<vmem>>
      %dma_start3A_1024 = arith.constant 0 : i32
      %dma_start3A_1025 = arith.constant 0 : i32
      %dma_start3A_1026 = tpu.memref_slice %arg12[%dma_start3A_1024, %dma_start3A_1025] : memref<10000x128xf32, #tpu.memory_space<vmem_shared>> -> memref<10000x128xf32, #tpu.memory_space<vmem_shared>>
      tpu.enqueue_indirect_dma source(%dma_start3A_1020 : memref<80x128xf32, #tpu.memory_space<vmem>>) target(%dma_start3A_1026 : memref<10000x128xf32, #tpu.memory_space<vmem_shared>>) offsets(%dma_start3A_1023 : memref<80xi32, #tpu.memory_space<vmem>>) semaphore(%arg16 : memref<!tpu.dma_semaphore, #tpu.memory_space<semaphore_mem>>) {add = true}
      %dma_wait3A_1027 = arith.constant 2 : i32
      %dma_wait3A_1028 = arith.constant 2 : i32
      %dma_wait3A_1029 = arith.constant 0 : i32
      %dma_wait3A_1030 = arith.constant 0 : i32
      %dma_wait3A_1031 = tpu.memref_slice %arg10[%dma_wait3A_1027, %dma_wait3A_1029, %dma_wait3A_1030] : memref<3x80x128xf32, #tpu.memory_space<vmem>> -> memref<1x80x128xf32, #tpu.memory_space<vmem>>
      %dma_wait3A_1032 = tpu.memref_squeeze %dma_wait3A_1031 : memref<1x80x128xf32, #tpu.memory_space<vmem>> -> memref<80x128xf32, #tpu.memory_space<vmem>>
      %dma_wait3A_1033 = arith.constant 0 : i32
      %dma_wait3A_1034 = tpu.memref_slice %arg9[%dma_wait3A_1028, %dma_wait3A_1033] : memref<16x80xi32, #tpu.memory_space<vmem>> -> memref<1x80xi32, #tpu.memory_space<vmem>>
      %dma_wait3A_1035 = tpu.memref_squeeze %dma_wait3A_1034 : memref<1x80xi32, #tpu.memory_space<vmem>> -> memref<80xi32, #tpu.memory_space<vmem>>
      %dma_wait3A_1036 = arith.constant 0 : i32
      %dma_wait3A_1037 = arith.constant 0 : i32
      %dma_wait3A_1038 = tpu.memref_slice %arg12[%dma_wait3A_1036, %dma_wait3A_1037] : memref<10000x128xf32, #tpu.memory_space<vmem_shared>> -> memref<10000x128xf32, #tpu.memory_space<vmem_shared>>
      tpu.wait_indirect_dma semaphore(%arg18 : memref<!tpu.dma_semaphore, #tpu.memory_space<semaphore_mem>>) src(%dma_wait3A_1032 : memref<80x128xf32, #tpu.memory_space<vmem>>) dst(%dma_wait3A_1038 : memref<10000x128xf32, #tpu.memory_space<vmem_shared>>)
      %dma_start3A_1039 = arith.constant 5 : i32
      %dma_start3A_1040 = arith.constant 2 : i32
      %dma_start3A_1041 = arith.constant 0 : i32
      %dma_start3A_1042 = arith.constant 0 : i32
      %dma_start3A_1043 = tpu.memref_slice %arg10[%dma_start3A_1040, %dma_start3A_1041, %dma_start3A_1042] : memref<3x80x128xf32, #tpu.memory_space<vmem>> -> memref<1x80x128xf32, #tpu.memory_space<vmem>>
      %dma_start3A_1044 = tpu.memref_squeeze %dma_start3A_1043 : memref<1x80x128xf32, #tpu.memory_space<vmem>> -> memref<80x128xf32, #tpu.memory_space<vmem>>
      %dma_start3A_1045 = arith.constant 0 : i32
      %dma_start3A_1046 = tpu.memref_slice %arg8[%dma_start3A_1039, %dma_start3A_1045] : memref<16x80xi32, #tpu.memory_space<vmem>> -> memref<1x80xi32, #tpu.memory_space<vmem>>
      %dma_start3A_1047 = tpu.memref_squeeze %dma_start3A_1046 : memref<1x80xi32, #tpu.memory_space<vmem>> -> memref<80xi32, #tpu.memory_space<vmem>>
      %dma_start3A_1048 = arith.constant 0 : i32
      %dma_start3A_1049 = arith.constant 0 : i32
      %dma_start3A_1050 = tpu.memref_slice %arg2[%dma_start3A_1048, %dma_start3A_1049] : memref<40000x128xf32, #tpu.memory_space<hbm>> -> memref<40000x128xf32, #tpu.memory_space<hbm>>
      tpu.enqueue_indirect_dma source(%dma_start3A_1050 : memref<40000x128xf32, #tpu.memory_space<hbm>>) target(%dma_start3A_1044 : memref<80x128xf32, #tpu.memory_space<vmem>>) offsets(%dma_start3A_1047 : memref<80xi32, #tpu.memory_space<vmem>>) semaphore(%arg15 : memref<!tpu.dma_semaphore, #tpu.memory_space<semaphore_mem>>)
      %dma_wait3A_1051 = arith.constant 4 : i32
      %dma_wait3A_1052 = arith.constant 1 : i32
      %dma_wait3A_1053 = arith.constant 0 : i32
      %dma_wait3A_1054 = arith.constant 0 : i32
      %dma_wait3A_1055 = tpu.memref_slice %arg10[%dma_wait3A_1052, %dma_wait3A_1053, %dma_wait3A_1054] : memref<3x80x128xf32, #tpu.memory_space<vmem>> -> memref<1x80x128xf32, #tpu.memory_space<vmem>>
      %dma_wait3A_1056 = tpu.memref_squeeze %dma_wait3A_1055 : memref<1x80x128xf32, #tpu.memory_space<vmem>> -> memref<80x128xf32, #tpu.memory_space<vmem>>
      %dma_wait3A_1057 = arith.constant 0 : i32
      %dma_wait3A_1058 = tpu.memref_slice %arg8[%dma_wait3A_1051, %dma_wait3A_1057] : memref<16x80xi32, #tpu.memory_space<vmem>> -> memref<1x80xi32, #tpu.memory_space<vmem>>
      %dma_wait3A_1059 = tpu.memref_squeeze %dma_wait3A_1058 : memref<1x80xi32, #tpu.memory_space<vmem>> -> memref<80xi32, #tpu.memory_space<vmem>>
      %dma_wait3A_1060 = arith.constant 0 : i32
      %dma_wait3A_1061 = arith.constant 0 : i32
      %dma_wait3A_1062 = tpu.memref_slice %arg2[%dma_wait3A_1060, %dma_wait3A_1061] : memref<40000x128xf32, #tpu.memory_space<hbm>> -> memref<40000x128xf32, #tpu.memory_space<hbm>>
      tpu.wait_indirect_dma semaphore(%arg14 : memref<!tpu.dma_semaphore, #tpu.memory_space<semaphore_mem>>) src(%dma_wait3A_1062 : memref<40000x128xf32, #tpu.memory_space<hbm>>) dst(%dma_wait3A_1056 : memref<80x128xf32, #tpu.memory_space<vmem>>)
      %dma_start3A_1063 = arith.constant 1 : i32
      %dma_start3A_1064 = arith.constant 4 : i32
      %dma_start3A_1065 = arith.constant 0 : i32
      %dma_start3A_1066 = arith.constant 0 : i32
      %dma_start3A_1067 = tpu.memref_slice %arg10[%dma_start3A_1063, %dma_start3A_1065, %dma_start3A_1066] : memref<3x80x128xf32, #tpu.memory_space<vmem>> -> memref<1x80x128xf32, #tpu.memory_space<vmem>>
      %dma_start3A_1068 = tpu.memref_squeeze %dma_start3A_1067 : memref<1x80x128xf32, #tpu.memory_space<vmem>> -> memref<80x128xf32, #tpu.memory_space<vmem>>
      %dma_start3A_1069 = arith.constant 0 : i32
      %dma_start3A_1070 = tpu.memref_slice %arg9[%dma_start3A_1064, %dma_start3A_1069] : memref<16x80xi32, #tpu.memory_space<vmem>> -> memref<1x80xi32, #tpu.memory_space<vmem>>
      %dma_start3A_1071 = tpu.memref_squeeze %dma_start3A_1070 : memref<1x80xi32, #tpu.memory_space<vmem>> -> memref<80xi32, #tpu.memory_space<vmem>>
      %dma_start3A_1072 = arith.constant 0 : i32
      %dma_start3A_1073 = arith.constant 0 : i32
      %dma_start3A_1074 = tpu.memref_slice %arg12[%dma_start3A_1072, %dma_start3A_1073] : memref<10000x128xf32, #tpu.memory_space<vmem_shared>> -> memref<10000x128xf32, #tpu.memory_space<vmem_shared>>
      tpu.enqueue_indirect_dma source(%dma_start3A_1068 : memref<80x128xf32, #tpu.memory_space<vmem>>) target(%dma_start3A_1074 : memref<10000x128xf32, #tpu.memory_space<vmem_shared>>) offsets(%dma_start3A_1071 : memref<80xi32, #tpu.memory_space<vmem>>) semaphore(%arg17 : memref<!tpu.dma_semaphore, #tpu.memory_space<semaphore_mem>>) {add = true}
      %dma_wait3A_1075 = arith.constant 0 : i32
      %dma_wait3A_1076 = arith.constant 3 : i32
      %dma_wait3A_1077 = arith.constant 0 : i32
      %dma_wait3A_1078 = arith.constant 0 : i32
      %dma_wait3A_1079 = tpu.memref_slice %arg10[%dma_wait3A_1075, %dma_wait3A_1077, %dma_wait3A_1078] : memref<3x80x128xf32, #tpu.memory_space<vmem>> -> memref<1x80x128xf32, #tpu.memory_space<vmem>>
      %dma_wait3A_1080 = tpu.memref_squeeze %dma_wait3A_1079 : memref<1x80x128xf32, #tpu.memory_space<vmem>> -> memref<80x128xf32, #tpu.memory_space<vmem>>
      %dma_wait3A_1081 = arith.constant 0 : i32
      %dma_wait3A_1082 = tpu.memref_slice %arg9[%dma_wait3A_1076, %dma_wait3A_1081] : memref<16x80xi32, #tpu.memory_space<vmem>> -> memref<1x80xi32, #tpu.memory_space<vmem>>
      %dma_wait3A_1083 = tpu.memref_squeeze %dma_wait3A_1082 : memref<1x80xi32, #tpu.memory_space<vmem>> -> memref<80xi32, #tpu.memory_space<vmem>>
      %dma_wait3A_1084 = arith.constant 0 : i32
      %dma_wait3A_1085 = arith.constant 0 : i32
      %dma_wait3A_1086 = tpu.memref_slice %arg12[%dma_wait3A_1084, %dma_wait3A_1085] : memref<10000x128xf32, #tpu.memory_space<vmem_shared>> -> memref<10000x128xf32, #tpu.memory_space<vmem_shared>>
      tpu.wait_indirect_dma semaphore(%arg16 : memref<!tpu.dma_semaphore, #tpu.memory_space<semaphore_mem>>) src(%dma_wait3A_1080 : memref<80x128xf32, #tpu.memory_space<vmem>>) dst(%dma_wait3A_1086 : memref<10000x128xf32, #tpu.memory_space<vmem_shared>>)
      %dma_start3A_1087 = arith.constant 6 : i32
      %dma_start3A_1088 = arith.constant 0 : i32
      %dma_start3A_1089 = arith.constant 0 : i32
      %dma_start3A_1090 = arith.constant 0 : i32
      %dma_start3A_1091 = tpu.memref_slice %arg10[%dma_start3A_1088, %dma_start3A_1089, %dma_start3A_1090] : memref<3x80x128xf32, #tpu.memory_space<vmem>> -> memref<1x80x128xf32, #tpu.memory_space<vmem>>
      %dma_start3A_1092 = tpu.memref_squeeze %dma_start3A_1091 : memref<1x80x128xf32, #tpu.memory_space<vmem>> -> memref<80x128xf32, #tpu.memory_space<vmem>>
      %dma_start3A_1093 = arith.constant 0 : i32
      %dma_start3A_1094 = tpu.memref_slice %arg8[%dma_start3A_1087, %dma_start3A_1093] : memref<16x80xi32, #tpu.memory_space<vmem>> -> memref<1x80xi32, #tpu.memory_space<vmem>>
      %dma_start3A_1095 = tpu.memref_squeeze %dma_start3A_1094 : memref<1x80xi32, #tpu.memory_space<vmem>> -> memref<80xi32, #tpu.memory_space<vmem>>
      %dma_start3A_1096 = arith.constant 0 : i32
      %dma_start3A_1097 = arith.constant 0 : i32
      %dma_start3A_1098 = tpu.memref_slice %arg2[%dma_start3A_1096, %dma_start3A_1097] : memref<40000x128xf32, #tpu.memory_space<hbm>> -> memref<40000x128xf32, #tpu.memory_space<hbm>>
      tpu.enqueue_indirect_dma source(%dma_start3A_1098 : memref<40000x128xf32, #tpu.memory_space<hbm>>) target(%dma_start3A_1092 : memref<80x128xf32, #tpu.memory_space<vmem>>) offsets(%dma_start3A_1095 : memref<80xi32, #tpu.memory_space<vmem>>) semaphore(%arg13 : memref<!tpu.dma_semaphore, #tpu.memory_space<semaphore_mem>>)
      %dma_wait3A_1099 = arith.constant 5 : i32
      %dma_wait3A_1100 = arith.constant 2 : i32
      %dma_wait3A_1101 = arith.constant 0 : i32
      %dma_wait3A_1102 = arith.constant 0 : i32
      %dma_wait3A_1103 = tpu.memref_slice %arg10[%dma_wait3A_1100, %dma_wait3A_1101, %dma_wait3A_1102] : memref<3x80x128xf32, #tpu.memory_space<vmem>> -> memref<1x80x128xf32, #tpu.memory_space<vmem>>
      %dma_wait3A_1104 = tpu.memref_squeeze %dma_wait3A_1103 : memref<1x80x128xf32, #tpu.memory_space<vmem>> -> memref<80x128xf32, #tpu.memory_space<vmem>>
      %dma_wait3A_1105 = arith.constant 0 : i32
      %dma_wait3A_1106 = tpu.memref_slice %arg8[%dma_wait3A_1099, %dma_wait3A_1105] : memref<16x80xi32, #tpu.memory_space<vmem>> -> memref<1x80xi32, #tpu.memory_space<vmem>>
      %dma_wait3A_1107 = tpu.memref_squeeze %dma_wait3A_1106 : memref<1x80xi32, #tpu.memory_space<vmem>> -> memref<80xi32, #tpu.memory_space<vmem>>
      %dma_wait3A_1108 = arith.constant 0 : i32
      %dma_wait3A_1109 = arith.constant 0 : i32
      %dma_wait3A_1110 = tpu.memref_slice %arg2[%dma_wait3A_1108, %dma_wait3A_1109] : memref<40000x128xf32, #tpu.memory_space<hbm>> -> memref<40000x128xf32, #tpu.memory_space<hbm>>
      tpu.wait_indirect_dma semaphore(%arg15 : memref<!tpu.dma_semaphore, #tpu.memory_space<semaphore_mem>>) src(%dma_wait3A_1110 : memref<40000x128xf32, #tpu.memory_space<hbm>>) dst(%dma_wait3A_1104 : memref<80x128xf32, #tpu.memory_space<vmem>>)
      %dma_start3A_1111 = arith.constant 2 : i32
      %dma_start3A_1112 = arith.constant 5 : i32
      %dma_start3A_1113 = arith.constant 0 : i32
      %dma_start3A_1114 = arith.constant 0 : i32
      %dma_start3A_1115 = tpu.memref_slice %arg10[%dma_start3A_1111, %dma_start3A_1113, %dma_start3A_1114] : memref<3x80x128xf32, #tpu.memory_space<vmem>> -> memref<1x80x128xf32, #tpu.memory_space<vmem>>
      %dma_start3A_1116 = tpu.memref_squeeze %dma_start3A_1115 : memref<1x80x128xf32, #tpu.memory_space<vmem>> -> memref<80x128xf32, #tpu.memory_space<vmem>>
      %dma_start3A_1117 = arith.constant 0 : i32
      %dma_start3A_1118 = tpu.memref_slice %arg9[%dma_start3A_1112, %dma_start3A_1117] : memref<16x80xi32, #tpu.memory_space<vmem>> -> memref<1x80xi32, #tpu.memory_space<vmem>>
      %dma_start3A_1119 = tpu.memref_squeeze %dma_start3A_1118 : memref<1x80xi32, #tpu.memory_space<vmem>> -> memref<80xi32, #tpu.memory_space<vmem>>
      %dma_start3A_1120 = arith.constant 0 : i32
      %dma_start3A_1121 = arith.constant 0 : i32
      %dma_start3A_1122 = tpu.memref_slice %arg12[%dma_start3A_1120, %dma_start3A_1121] : memref<10000x128xf32, #tpu.memory_space<vmem_shared>> -> memref<10000x128xf32, #tpu.memory_space<vmem_shared>>
      tpu.enqueue_indirect_dma source(%dma_start3A_1116 : memref<80x128xf32, #tpu.memory_space<vmem>>) target(%dma_start3A_1122 : memref<10000x128xf32, #tpu.memory_space<vmem_shared>>) offsets(%dma_start3A_1119 : memref<80xi32, #tpu.memory_space<vmem>>) semaphore(%arg18 : memref<!tpu.dma_semaphore, #tpu.memory_space<semaphore_mem>>) {add = true}
      %dma_wait3A_1123 = arith.constant 1 : i32
      %dma_wait3A_1124 = arith.constant 4 : i32
      %dma_wait3A_1125 = arith.constant 0 : i32
      %dma_wait3A_1126 = arith.constant 0 : i32
      %dma_wait3A_1127 = tpu.memref_slice %arg10[%dma_wait3A_1123, %dma_wait3A_1125, %dma_wait3A_1126] : memref<3x80x128xf32, #tpu.memory_space<vmem>> -> memref<1x80x128xf32, #tpu.memory_space<vmem>>
      %dma_wait3A_1128 = tpu.memref_squeeze %dma_wait3A_1127 : memref<1x80x128xf32, #tpu.memory_space<vmem>> -> memref<80x128xf32, #tpu.memory_space<vmem>>
      %dma_wait3A_1129 = arith.constant 0 : i32
      %dma_wait3A_1130 = tpu.memref_slice %arg9[%dma_wait3A_1124, %dma_wait3A_1129] : memref<16x80xi32, #tpu.memory_space<vmem>> -> memref<1x80xi32, #tpu.memory_space<vmem>>
      %dma_wait3A_1131 = tpu.memref_squeeze %dma_wait3A_1130 : memref<1x80xi32, #tpu.memory_space<vmem>> -> memref<80xi32, #tpu.memory_space<vmem>>
      %dma_wait3A_1132 = arith.constant 0 : i32
      %dma_wait3A_1133 = arith.constant 0 : i32
      %dma_wait3A_1134 = tpu.memref_slice %arg12[%dma_wait3A_1132, %dma_wait3A_1133] : memref<10000x128xf32, #tpu.memory_space<vmem_shared>> -> memref<10000x128xf32, #tpu.memory_space<vmem_shared>>
      tpu.wait_indirect_dma semaphore(%arg17 : memref<!tpu.dma_semaphore, #tpu.memory_space<semaphore_mem>>) src(%dma_wait3A_1128 : memref<80x128xf32, #tpu.memory_space<vmem>>) dst(%dma_wait3A_1134 : memref<10000x128xf32, #tpu.memory_space<vmem_shared>>)
      %dma_start3A_1135 = arith.constant 7 : i32
      %dma_start3A_1136 = arith.constant 1 : i32
      %dma_start3A_1137 = arith.constant 0 : i32
      %dma_start3A_1138 = arith.constant 0 : i32
      %dma_start3A_1139 = tpu.memref_slice %arg10[%dma_start3A_1136, %dma_start3A_1137, %dma_start3A_1138] : memref<3x80x128xf32, #tpu.memory_space<vmem>> -> memref<1x80x128xf32, #tpu.memory_space<vmem>>
      %dma_start3A_1140 = tpu.memref_squeeze %dma_start3A_1139 : memref<1x80x128xf32, #tpu.memory_space<vmem>> -> memref<80x128xf32, #tpu.memory_space<vmem>>
      %dma_start3A_1141 = arith.constant 0 : i32
      %dma_start3A_1142 = tpu.memref_slice %arg8[%dma_start3A_1135, %dma_start3A_1141] : memref<16x80xi32, #tpu.memory_space<vmem>> -> memref<1x80xi32, #tpu.memory_space<vmem>>
      %dma_start3A_1143 = tpu.memref_squeeze %dma_start3A_1142 : memref<1x80xi32, #tpu.memory_space<vmem>> -> memref<80xi32, #tpu.memory_space<vmem>>
      %dma_start3A_1144 = arith.constant 0 : i32
      %dma_start3A_1145 = arith.constant 0 : i32
      %dma_start3A_1146 = tpu.memref_slice %arg2[%dma_start3A_1144, %dma_start3A_1145] : memref<40000x128xf32, #tpu.memory_space<hbm>> -> memref<40000x128xf32, #tpu.memory_space<hbm>>
      tpu.enqueue_indirect_dma source(%dma_start3A_1146 : memref<40000x128xf32, #tpu.memory_space<hbm>>) target(%dma_start3A_1140 : memref<80x128xf32, #tpu.memory_space<vmem>>) offsets(%dma_start3A_1143 : memref<80xi32, #tpu.memory_space<vmem>>) semaphore(%arg14 : memref<!tpu.dma_semaphore, #tpu.memory_space<semaphore_mem>>)
      %dma_wait3A_1147 = arith.constant 6 : i32
      %dma_wait3A_1148 = arith.constant 0 : i32
      %dma_wait3A_1149 = arith.constant 0 : i32
      %dma_wait3A_1150 = arith.constant 0 : i32
      %dma_wait3A_1151 = tpu.memref_slice %arg10[%dma_wait3A_1148, %dma_wait3A_1149, %dma_wait3A_1150] : memref<3x80x128xf32, #tpu.memory_space<vmem>> -> memref<1x80x128xf32, #tpu.memory_space<vmem>>
      %dma_wait3A_1152 = tpu.memref_squeeze %dma_wait3A_1151 : memref<1x80x128xf32, #tpu.memory_space<vmem>> -> memref<80x128xf32, #tpu.memory_space<vmem>>
      %dma_wait3A_1153 = arith.constant 0 : i32
      %dma_wait3A_1154 = tpu.memref_slice %arg8[%dma_wait3A_1147, %dma_wait3A_1153] : memref<16x80xi32, #tpu.memory_space<vmem>> -> memref<1x80xi32, #tpu.memory_space<vmem>>
      %dma_wait3A_1155 = tpu.memref_squeeze %dma_wait3A_1154 : memref<1x80xi32, #tpu.memory_space<vmem>> -> memref<80xi32, #tpu.memory_space<vmem>>
      %dma_wait3A_1156 = arith.constant 0 : i32
      %dma_wait3A_1157 = arith.constant 0 : i32
      %dma_wait3A_1158 = tpu.memref_slice %arg2[%dma_wait3A_1156, %dma_wait3A_1157] : memref<40000x128xf32, #tpu.memory_space<hbm>> -> memref<40000x128xf32, #tpu.memory_space<hbm>>
      tpu.wait_indirect_dma semaphore(%arg13 : memref<!tpu.dma_semaphore, #tpu.memory_space<semaphore_mem>>) src(%dma_wait3A_1158 : memref<40000x128xf32, #tpu.memory_space<hbm>>) dst(%dma_wait3A_1152 : memref<80x128xf32, #tpu.memory_space<vmem>>)
      %dma_start3A_1159 = arith.constant 0 : i32
      %dma_start3A_1160 = arith.constant 6 : i32
      %dma_start3A_1161 = arith.constant 0 : i32
      %dma_start3A_1162 = arith.constant 0 : i32
      %dma_start3A_1163 = tpu.memref_slice %arg10[%dma_start3A_1159, %dma_start3A_1161, %dma_start3A_1162] : memref<3x80x128xf32, #tpu.memory_space<vmem>> -> memref<1x80x128xf32, #tpu.memory_space<vmem>>
      %dma_start3A_1164 = tpu.memref_squeeze %dma_start3A_1163 : memref<1x80x128xf32, #tpu.memory_space<vmem>> -> memref<80x128xf32, #tpu.memory_space<vmem>>
      %dma_start3A_1165 = arith.constant 0 : i32
      %dma_start3A_1166 = tpu.memref_slice %arg9[%dma_start3A_1160, %dma_start3A_1165] : memref<16x80xi32, #tpu.memory_space<vmem>> -> memref<1x80xi32, #tpu.memory_space<vmem>>
      %dma_start3A_1167 = tpu.memref_squeeze %dma_start3A_1166 : memref<1x80xi32, #tpu.memory_space<vmem>> -> memref<80xi32, #tpu.memory_space<vmem>>
      %dma_start3A_1168 = arith.constant 0 : i32
      %dma_start3A_1169 = arith.constant 0 : i32
      %dma_start3A_1170 = tpu.memref_slice %arg12[%dma_start3A_1168, %dma_start3A_1169] : memref<10000x128xf32, #tpu.memory_space<vmem_shared>> -> memref<10000x128xf32, #tpu.memory_space<vmem_shared>>
      tpu.enqueue_indirect_dma source(%dma_start3A_1164 : memref<80x128xf32, #tpu.memory_space<vmem>>) target(%dma_start3A_1170 : memref<10000x128xf32, #tpu.memory_space<vmem_shared>>) offsets(%dma_start3A_1167 : memref<80xi32, #tpu.memory_space<vmem>>) semaphore(%arg16 : memref<!tpu.dma_semaphore, #tpu.memory_space<semaphore_mem>>) {add = true}
      %dma_wait3A_1171 = arith.constant 2 : i32
      %dma_wait3A_1172 = arith.constant 5 : i32
      %dma_wait3A_1173 = arith.constant 0 : i32
      %dma_wait3A_1174 = arith.constant 0 : i32
      %dma_wait3A_1175 = tpu.memref_slice %arg10[%dma_wait3A_1171, %dma_wait3A_1173, %dma_wait3A_1174] : memref<3x80x128xf32, #tpu.memory_space<vmem>> -> memref<1x80x128xf32, #tpu.memory_space<vmem>>
      %dma_wait3A_1176 = tpu.memref_squeeze %dma_wait3A_1175 : memref<1x80x128xf32, #tpu.memory_space<vmem>> -> memref<80x128xf32, #tpu.memory_space<vmem>>
      %dma_wait3A_1177 = arith.constant 0 : i32
      %dma_wait3A_1178 = tpu.memref_slice %arg9[%dma_wait3A_1172, %dma_wait3A_1177] : memref<16x80xi32, #tpu.memory_space<vmem>> -> memref<1x80xi32, #tpu.memory_space<vmem>>
      %dma_wait3A_1179 = tpu.memref_squeeze %dma_wait3A_1178 : memref<1x80xi32, #tpu.memory_space<vmem>> -> memref<80xi32, #tpu.memory_space<vmem>>
      %dma_wait3A_1180 = arith.constant 0 : i32
      %dma_wait3A_1181 = arith.constant 0 : i32
      %dma_wait3A_1182 = tpu.memref_slice %arg12[%dma_wait3A_1180, %dma_wait3A_1181] : memref<10000x128xf32, #tpu.memory_space<vmem_shared>> -> memref<10000x128xf32, #tpu.memory_space<vmem_shared>>
      tpu.wait_indirect_dma semaphore(%arg18 : memref<!tpu.dma_semaphore, #tpu.memory_space<semaphore_mem>>) src(%dma_wait3A_1176 : memref<80x128xf32, #tpu.memory_space<vmem>>) dst(%dma_wait3A_1182 : memref<10000x128xf32, #tpu.memory_space<vmem_shared>>)
      %dma_start3A_1183 = arith.constant 8 : i32
      %dma_start3A_1184 = arith.constant 2 : i32
      %dma_start3A_1185 = arith.constant 0 : i32
      %dma_start3A_1186 = arith.constant 0 : i32
      %dma_start3A_1187 = tpu.memref_slice %arg10[%dma_start3A_1184, %dma_start3A_1185, %dma_start3A_1186] : memref<3x80x128xf32, #tpu.memory_space<vmem>> -> memref<1x80x128xf32, #tpu.memory_space<vmem>>
      %dma_start3A_1188 = tpu.memref_squeeze %dma_start3A_1187 : memref<1x80x128xf32, #tpu.memory_space<vmem>> -> memref<80x128xf32, #tpu.memory_space<vmem>>
      %dma_start3A_1189 = arith.constant 0 : i32
      %dma_start3A_1190 = tpu.memref_slice %arg8[%dma_start3A_1183, %dma_start3A_1189] : memref<16x80xi32, #tpu.memory_space<vmem>> -> memref<1x80xi32, #tpu.memory_space<vmem>>
      %dma_start3A_1191 = tpu.memref_squeeze %dma_start3A_1190 : memref<1x80xi32, #tpu.memory_space<vmem>> -> memref<80xi32, #tpu.memory_space<vmem>>
      %dma_start3A_1192 = arith.constant 0 : i32
      %dma_start3A_1193 = arith.constant 0 : i32
      %dma_start3A_1194 = tpu.memref_slice %arg2[%dma_start3A_1192, %dma_start3A_1193] : memref<40000x128xf32, #tpu.memory_space<hbm>> -> memref<40000x128xf32, #tpu.memory_space<hbm>>
      tpu.enqueue_indirect_dma source(%dma_start3A_1194 : memref<40000x128xf32, #tpu.memory_space<hbm>>) target(%dma_start3A_1188 : memref<80x128xf32, #tpu.memory_space<vmem>>) offsets(%dma_start3A_1191 : memref<80xi32, #tpu.memory_space<vmem>>) semaphore(%arg15 : memref<!tpu.dma_semaphore, #tpu.memory_space<semaphore_mem>>)
      %dma_wait3A_1195 = arith.constant 7 : i32
      %dma_wait3A_1196 = arith.constant 1 : i32
      %dma_wait3A_1197 = arith.constant 0 : i32
      %dma_wait3A_1198 = arith.constant 0 : i32
      %dma_wait3A_1199 = tpu.memref_slice %arg10[%dma_wait3A_1196, %dma_wait3A_1197, %dma_wait3A_1198] : memref<3x80x128xf32, #tpu.memory_space<vmem>> -> memref<1x80x128xf32, #tpu.memory_space<vmem>>
      %dma_wait3A_1200 = tpu.memref_squeeze %dma_wait3A_1199 : memref<1x80x128xf32, #tpu.memory_space<vmem>> -> memref<80x128xf32, #tpu.memory_space<vmem>>
      %dma_wait3A_1201 = arith.constant 0 : i32
      %dma_wait3A_1202 = tpu.memref_slice %arg8[%dma_wait3A_1195, %dma_wait3A_1201] : memref<16x80xi32, #tpu.memory_space<vmem>> -> memref<1x80xi32, #tpu.memory_space<vmem>>
      %dma_wait3A_1203 = tpu.memref_squeeze %dma_wait3A_1202 : memref<1x80xi32, #tpu.memory_space<vmem>> -> memref<80xi32, #tpu.memory_space<vmem>>
      %dma_wait3A_1204 = arith.constant 0 : i32
      %dma_wait3A_1205 = arith.constant 0 : i32
      %dma_wait3A_1206 = tpu.memref_slice %arg2[%dma_wait3A_1204, %dma_wait3A_1205] : memref<40000x128xf32, #tpu.memory_space<hbm>> -> memref<40000x128xf32, #tpu.memory_space<hbm>>
      tpu.wait_indirect_dma semaphore(%arg14 : memref<!tpu.dma_semaphore, #tpu.memory_space<semaphore_mem>>) src(%dma_wait3A_1206 : memref<40000x128xf32, #tpu.memory_space<hbm>>) dst(%dma_wait3A_1200 : memref<80x128xf32, #tpu.memory_space<vmem>>)
      %dma_start3A_1207 = arith.constant 1 : i32
      %dma_start3A_1208 = arith.constant 7 : i32
      %dma_start3A_1209 = arith.constant 0 : i32
      %dma_start3A_1210 = arith.constant 0 : i32
      %dma_start3A_1211 = tpu.memref_slice %arg10[%dma_start3A_1207, %dma_start3A_1209, %dma_start3A_1210] : memref<3x80x128xf32, #tpu.memory_space<vmem>> -> memref<1x80x128xf32, #tpu.memory_space<vmem>>
      %dma_start3A_1212 = tpu.memref_squeeze %dma_start3A_1211 : memref<1x80x128xf32, #tpu.memory_space<vmem>> -> memref<80x128xf32, #tpu.memory_space<vmem>>
      %dma_start3A_1213 = arith.constant 0 : i32
      %dma_start3A_1214 = tpu.memref_slice %arg9[%dma_start3A_1208, %dma_start3A_1213] : memref<16x80xi32, #tpu.memory_space<vmem>> -> memref<1x80xi32, #tpu.memory_space<vmem>>
      %dma_start3A_1215 = tpu.memref_squeeze %dma_start3A_1214 : memref<1x80xi32, #tpu.memory_space<vmem>> -> memref<80xi32, #tpu.memory_space<vmem>>
      %dma_start3A_1216 = arith.constant 0 : i32
      %dma_start3A_1217 = arith.constant 0 : i32
      %dma_start3A_1218 = tpu.memref_slice %arg12[%dma_start3A_1216, %dma_start3A_1217] : memref<10000x128xf32, #tpu.memory_space<vmem_shared>> -> memref<10000x128xf32, #tpu.memory_space<vmem_shared>>
      tpu.enqueue_indirect_dma source(%dma_start3A_1212 : memref<80x128xf32, #tpu.memory_space<vmem>>) target(%dma_start3A_1218 : memref<10000x128xf32, #tpu.memory_space<vmem_shared>>) offsets(%dma_start3A_1215 : memref<80xi32, #tpu.memory_space<vmem>>) semaphore(%arg17 : memref<!tpu.dma_semaphore, #tpu.memory_space<semaphore_mem>>) {add = true}
      %dma_wait3A_1219 = arith.constant 0 : i32
      %dma_wait3A_1220 = arith.constant 6 : i32
      %dma_wait3A_1221 = arith.constant 0 : i32
      %dma_wait3A_1222 = arith.constant 0 : i32
      %dma_wait3A_1223 = tpu.memref_slice %arg10[%dma_wait3A_1219, %dma_wait3A_1221, %dma_wait3A_1222] : memref<3x80x128xf32, #tpu.memory_space<vmem>> -> memref<1x80x128xf32, #tpu.memory_space<vmem>>
      %dma_wait3A_1224 = tpu.memref_squeeze %dma_wait3A_1223 : memref<1x80x128xf32, #tpu.memory_space<vmem>> -> memref<80x128xf32, #tpu.memory_space<vmem>>
      %dma_wait3A_1225 = arith.constant 0 : i32
      %dma_wait3A_1226 = tpu.memref_slice %arg9[%dma_wait3A_1220, %dma_wait3A_1225] : memref<16x80xi32, #tpu.memory_space<vmem>> -> memref<1x80xi32, #tpu.memory_space<vmem>>
      %dma_wait3A_1227 = tpu.memref_squeeze %dma_wait3A_1226 : memref<1x80xi32, #tpu.memory_space<vmem>> -> memref<80xi32, #tpu.memory_space<vmem>>
      %dma_wait3A_1228 = arith.constant 0 : i32
      %dma_wait3A_1229 = arith.constant 0 : i32
      %dma_wait3A_1230 = tpu.memref_slice %arg12[%dma_wait3A_1228, %dma_wait3A_1229] : memref<10000x128xf32, #tpu.memory_space<vmem_shared>> -> memref<10000x128xf32, #tpu.memory_space<vmem_shared>>
      tpu.wait_indirect_dma semaphore(%arg16 : memref<!tpu.dma_semaphore, #tpu.memory_space<semaphore_mem>>) src(%dma_wait3A_1224 : memref<80x128xf32, #tpu.memory_space<vmem>>) dst(%dma_wait3A_1230 : memref<10000x128xf32, #tpu.memory_space<vmem_shared>>)
      %dma_start3A_1231 = arith.constant 9 : i32
      %dma_start3A_1232 = arith.constant 0 : i32
      %dma_start3A_1233 = arith.constant 0 : i32
      %dma_start3A_1234 = arith.constant 0 : i32
      %dma_start3A_1235 = tpu.memref_slice %arg10[%dma_start3A_1232, %dma_start3A_1233, %dma_start3A_1234] : memref<3x80x128xf32, #tpu.memory_space<vmem>> -> memref<1x80x128xf32, #tpu.memory_space<vmem>>
      %dma_start3A_1236 = tpu.memref_squeeze %dma_start3A_1235 : memref<1x80x128xf32, #tpu.memory_space<vmem>> -> memref<80x128xf32, #tpu.memory_space<vmem>>
      %dma_start3A_1237 = arith.constant 0 : i32
      %dma_start3A_1238 = tpu.memref_slice %arg8[%dma_start3A_1231, %dma_start3A_1237] : memref<16x80xi32, #tpu.memory_space<vmem>> -> memref<1x80xi32, #tpu.memory_space<vmem>>
      %dma_start3A_1239 = tpu.memref_squeeze %dma_start3A_1238 : memref<1x80xi32, #tpu.memory_space<vmem>> -> memref<80xi32, #tpu.memory_space<vmem>>
      %dma_start3A_1240 = arith.constant 0 : i32
      %dma_start3A_1241 = arith.constant 0 : i32
      %dma_start3A_1242 = tpu.memref_slice %arg2[%dma_start3A_1240, %dma_start3A_1241] : memref<40000x128xf32, #tpu.memory_space<hbm>> -> memref<40000x128xf32, #tpu.memory_space<hbm>>
      tpu.enqueue_indirect_dma source(%dma_start3A_1242 : memref<40000x128xf32, #tpu.memory_space<hbm>>) target(%dma_start3A_1236 : memref<80x128xf32, #tpu.memory_space<vmem>>) offsets(%dma_start3A_1239 : memref<80xi32, #tpu.memory_space<vmem>>) semaphore(%arg13 : memref<!tpu.dma_semaphore, #tpu.memory_space<semaphore_mem>>)
      %dma_wait3A_1243 = arith.constant 8 : i32
      %dma_wait3A_1244 = arith.constant 2 : i32
      %dma_wait3A_1245 = arith.constant 0 : i32
      %dma_wait3A_1246 = arith.constant 0 : i32
      %dma_wait3A_1247 = tpu.memref_slice %arg10[%dma_wait3A_1244, %dma_wait3A_1245, %dma_wait3A_1246] : memref<3x80x128xf32, #tpu.memory_space<vmem>> -> memref<1x80x128xf32, #tpu.memory_space<vmem>>
      %dma_wait3A_1248 = tpu.memref_squeeze %dma_wait3A_1247 : memref<1x80x128xf32, #tpu.memory_space<vmem>> -> memref<80x128xf32, #tpu.memory_space<vmem>>
      %dma_wait3A_1249 = arith.constant 0 : i32
      %dma_wait3A_1250 = tpu.memref_slice %arg8[%dma_wait3A_1243, %dma_wait3A_1249] : memref<16x80xi32, #tpu.memory_space<vmem>> -> memref<1x80xi32, #tpu.memory_space<vmem>>
      %dma_wait3A_1251 = tpu.memref_squeeze %dma_wait3A_1250 : memref<1x80xi32, #tpu.memory_space<vmem>> -> memref<80xi32, #tpu.memory_space<vmem>>
      %dma_wait3A_1252 = arith.constant 0 : i32
      %dma_wait3A_1253 = arith.constant 0 : i32
      %dma_wait3A_1254 = tpu.memref_slice %arg2[%dma_wait3A_1252, %dma_wait3A_1253] : memref<40000x128xf32, #tpu.memory_space<hbm>> -> memref<40000x128xf32, #tpu.memory_space<hbm>>
      tpu.wait_indirect_dma semaphore(%arg15 : memref<!tpu.dma_semaphore, #tpu.memory_space<semaphore_mem>>) src(%dma_wait3A_1254 : memref<40000x128xf32, #tpu.memory_space<hbm>>) dst(%dma_wait3A_1248 : memref<80x128xf32, #tpu.memory_space<vmem>>)
      %dma_start3A_1255 = arith.constant 2 : i32
      %dma_start3A_1256 = arith.constant 8 : i32
      %dma_start3A_1257 = arith.constant 0 : i32
      %dma_start3A_1258 = arith.constant 0 : i32
      %dma_start3A_1259 = tpu.memref_slice %arg10[%dma_start3A_1255, %dma_start3A_1257, %dma_start3A_1258] : memref<3x80x128xf32, #tpu.memory_space<vmem>> -> memref<1x80x128xf32, #tpu.memory_space<vmem>>
      %dma_start3A_1260 = tpu.memref_squeeze %dma_start3A_1259 : memref<1x80x128xf32, #tpu.memory_space<vmem>> -> memref<80x128xf32, #tpu.memory_space<vmem>>
      %dma_start3A_1261 = arith.constant 0 : i32
      %dma_start3A_1262 = tpu.memref_slice %arg9[%dma_start3A_1256, %dma_start3A_1261] : memref<16x80xi32, #tpu.memory_space<vmem>> -> memref<1x80xi32, #tpu.memory_space<vmem>>
      %dma_start3A_1263 = tpu.memref_squeeze %dma_start3A_1262 : memref<1x80xi32, #tpu.memory_space<vmem>> -> memref<80xi32, #tpu.memory_space<vmem>>
      %dma_start3A_1264 = arith.constant 0 : i32
      %dma_start3A_1265 = arith.constant 0 : i32
      %dma_start3A_1266 = tpu.memref_slice %arg12[%dma_start3A_1264, %dma_start3A_1265] : memref<10000x128xf32, #tpu.memory_space<vmem_shared>> -> memref<10000x128xf32, #tpu.memory_space<vmem_shared>>
      tpu.enqueue_indirect_dma source(%dma_start3A_1260 : memref<80x128xf32, #tpu.memory_space<vmem>>) target(%dma_start3A_1266 : memref<10000x128xf32, #tpu.memory_space<vmem_shared>>) offsets(%dma_start3A_1263 : memref<80xi32, #tpu.memory_space<vmem>>) semaphore(%arg18 : memref<!tpu.dma_semaphore, #tpu.memory_space<semaphore_mem>>) {add = true}
      %dma_wait3A_1267 = arith.constant 1 : i32
      %dma_wait3A_1268 = arith.constant 7 : i32
      %dma_wait3A_1269 = arith.constant 0 : i32
      %dma_wait3A_1270 = arith.constant 0 : i32
      %dma_wait3A_1271 = tpu.memref_slice %arg10[%dma_wait3A_1267, %dma_wait3A_1269, %dma_wait3A_1270] : memref<3x80x128xf32, #tpu.memory_space<vmem>> -> memref<1x80x128xf32, #tpu.memory_space<vmem>>
      %dma_wait3A_1272 = tpu.memref_squeeze %dma_wait3A_1271 : memref<1x80x128xf32, #tpu.memory_space<vmem>> -> memref<80x128xf32, #tpu.memory_space<vmem>>
      %dma_wait3A_1273 = arith.constant 0 : i32
      %dma_wait3A_1274 = tpu.memref_slice %arg9[%dma_wait3A_1268, %dma_wait3A_1273] : memref<16x80xi32, #tpu.memory_space<vmem>> -> memref<1x80xi32, #tpu.memory_space<vmem>>
      %dma_wait3A_1275 = tpu.memref_squeeze %dma_wait3A_1274 : memref<1x80xi32, #tpu.memory_space<vmem>> -> memref<80xi32, #tpu.memory_space<vmem>>
      %dma_wait3A_1276 = arith.constant 0 : i32
      %dma_wait3A_1277 = arith.constant 0 : i32
      %dma_wait3A_1278 = tpu.memref_slice %arg12[%dma_wait3A_1276, %dma_wait3A_1277] : memref<10000x128xf32, #tpu.memory_space<vmem_shared>> -> memref<10000x128xf32, #tpu.memory_space<vmem_shared>>
      tpu.wait_indirect_dma semaphore(%arg17 : memref<!tpu.dma_semaphore, #tpu.memory_space<semaphore_mem>>) src(%dma_wait3A_1272 : memref<80x128xf32, #tpu.memory_space<vmem>>) dst(%dma_wait3A_1278 : memref<10000x128xf32, #tpu.memory_space<vmem_shared>>)
      %dma_start3A_1279 = arith.constant 10 : i32
      %dma_start3A_1280 = arith.constant 1 : i32
      %dma_start3A_1281 = arith.constant 0 : i32
      %dma_start3A_1282 = arith.constant 0 : i32
      %dma_start3A_1283 = tpu.memref_slice %arg10[%dma_start3A_1280, %dma_start3A_1281, %dma_start3A_1282] : memref<3x80x128xf32, #tpu.memory_space<vmem>> -> memref<1x80x128xf32, #tpu.memory_space<vmem>>
      %dma_start3A_1284 = tpu.memref_squeeze %dma_start3A_1283 : memref<1x80x128xf32, #tpu.memory_space<vmem>> -> memref<80x128xf32, #tpu.memory_space<vmem>>
      %dma_start3A_1285 = arith.constant 0 : i32
      %dma_start3A_1286 = tpu.memref_slice %arg8[%dma_start3A_1279, %dma_start3A_1285] : memref<16x80xi32, #tpu.memory_space<vmem>> -> memref<1x80xi32, #tpu.memory_space<vmem>>
      %dma_start3A_1287 = tpu.memref_squeeze %dma_start3A_1286 : memref<1x80xi32, #tpu.memory_space<vmem>> -> memref<80xi32, #tpu.memory_space<vmem>>
      %dma_start3A_1288 = arith.constant 0 : i32
      %dma_start3A_1289 = arith.constant 0 : i32
      %dma_start3A_1290 = tpu.memref_slice %arg2[%dma_start3A_1288, %dma_start3A_1289] : memref<40000x128xf32, #tpu.memory_space<hbm>> -> memref<40000x128xf32, #tpu.memory_space<hbm>>
      tpu.enqueue_indirect_dma source(%dma_start3A_1290 : memref<40000x128xf32, #tpu.memory_space<hbm>>) target(%dma_start3A_1284 : memref<80x128xf32, #tpu.memory_space<vmem>>) offsets(%dma_start3A_1287 : memref<80xi32, #tpu.memory_space<vmem>>) semaphore(%arg14 : memref<!tpu.dma_semaphore, #tpu.memory_space<semaphore_mem>>)
      %dma_wait3A_1291 = arith.constant 9 : i32
      %dma_wait3A_1292 = arith.constant 0 : i32
      %dma_wait3A_1293 = arith.constant 0 : i32
      %dma_wait3A_1294 = arith.constant 0 : i32
      %dma_wait3A_1295 = tpu.memref_slice %arg10[%dma_wait3A_1292, %dma_wait3A_1293, %dma_wait3A_1294] : memref<3x80x128xf32, #tpu.memory_space<vmem>> -> memref<1x80x128xf32, #tpu.memory_space<vmem>>
      %dma_wait3A_1296 = tpu.memref_squeeze %dma_wait3A_1295 : memref<1x80x128xf32, #tpu.memory_space<vmem>> -> memref<80x128xf32, #tpu.memory_space<vmem>>
      %dma_wait3A_1297 = arith.constant 0 : i32
      %dma_wait3A_1298 = tpu.memref_slice %arg8[%dma_wait3A_1291, %dma_wait3A_1297] : memref<16x80xi32, #tpu.memory_space<vmem>> -> memref<1x80xi32, #tpu.memory_space<vmem>>
      %dma_wait3A_1299 = tpu.memref_squeeze %dma_wait3A_1298 : memref<1x80xi32, #tpu.memory_space<vmem>> -> memref<80xi32, #tpu.memory_space<vmem>>
      %dma_wait3A_1300 = arith.constant 0 : i32
      %dma_wait3A_1301 = arith.constant 0 : i32
      %dma_wait3A_1302 = tpu.memref_slice %arg2[%dma_wait3A_1300, %dma_wait3A_1301] : memref<40000x128xf32, #tpu.memory_space<hbm>> -> memref<40000x128xf32, #tpu.memory_space<hbm>>
      tpu.wait_indirect_dma semaphore(%arg13 : memref<!tpu.dma_semaphore, #tpu.memory_space<semaphore_mem>>) src(%dma_wait3A_1302 : memref<40000x128xf32, #tpu.memory_space<hbm>>) dst(%dma_wait3A_1296 : memref<80x128xf32, #tpu.memory_space<vmem>>)
      %dma_start3A_1303 = arith.constant 0 : i32
      %dma_start3A_1304 = arith.constant 9 : i32
      %dma_start3A_1305 = arith.constant 0 : i32
      %dma_start3A_1306 = arith.constant 0 : i32
      %dma_start3A_1307 = tpu.memref_slice %arg10[%dma_start3A_1303, %dma_start3A_1305, %dma_start3A_1306] : memref<3x80x128xf32, #tpu.memory_space<vmem>> -> memref<1x80x128xf32, #tpu.memory_space<vmem>>
      %dma_start3A_1308 = tpu.memref_squeeze %dma_start3A_1307 : memref<1x80x128xf32, #tpu.memory_space<vmem>> -> memref<80x128xf32, #tpu.memory_space<vmem>>
      %dma_start3A_1309 = arith.constant 0 : i32
      %dma_start3A_1310 = tpu.memref_slice %arg9[%dma_start3A_1304, %dma_start3A_1309] : memref<16x80xi32, #tpu.memory_space<vmem>> -> memref<1x80xi32, #tpu.memory_space<vmem>>
      %dma_start3A_1311 = tpu.memref_squeeze %dma_start3A_1310 : memref<1x80xi32, #tpu.memory_space<vmem>> -> memref<80xi32, #tpu.memory_space<vmem>>
      %dma_start3A_1312 = arith.constant 0 : i32
      %dma_start3A_1313 = arith.constant 0 : i32
      %dma_start3A_1314 = tpu.memref_slice %arg12[%dma_start3A_1312, %dma_start3A_1313] : memref<10000x128xf32, #tpu.memory_space<vmem_shared>> -> memref<10000x128xf32, #tpu.memory_space<vmem_shared>>
      tpu.enqueue_indirect_dma source(%dma_start3A_1308 : memref<80x128xf32, #tpu.memory_space<vmem>>) target(%dma_start3A_1314 : memref<10000x128xf32, #tpu.memory_space<vmem_shared>>) offsets(%dma_start3A_1311 : memref<80xi32, #tpu.memory_space<vmem>>) semaphore(%arg16 : memref<!tpu.dma_semaphore, #tpu.memory_space<semaphore_mem>>) {add = true}
      %dma_wait3A_1315 = arith.constant 2 : i32
      %dma_wait3A_1316 = arith.constant 8 : i32
      %dma_wait3A_1317 = arith.constant 0 : i32
      %dma_wait3A_1318 = arith.constant 0 : i32
      %dma_wait3A_1319 = tpu.memref_slice %arg10[%dma_wait3A_1315, %dma_wait3A_1317, %dma_wait3A_1318] : memref<3x80x128xf32, #tpu.memory_space<vmem>> -> memref<1x80x128xf32, #tpu.memory_space<vmem>>
      %dma_wait3A_1320 = tpu.memref_squeeze %dma_wait3A_1319 : memref<1x80x128xf32, #tpu.memory_space<vmem>> -> memref<80x128xf32, #tpu.memory_space<vmem>>
      %dma_wait3A_1321 = arith.constant 0 : i32
      %dma_wait3A_1322 = tpu.memref_slice %arg9[%dma_wait3A_1316, %dma_wait3A_1321] : memref<16x80xi32, #tpu.memory_space<vmem>> -> memref<1x80xi32, #tpu.memory_space<vmem>>
      %dma_wait3A_1323 = tpu.memref_squeeze %dma_wait3A_1322 : memref<1x80xi32, #tpu.memory_space<vmem>> -> memref<80xi32, #tpu.memory_space<vmem>>
      %dma_wait3A_1324 = arith.constant 0 : i32
      %dma_wait3A_1325 = arith.constant 0 : i32
      %dma_wait3A_1326 = tpu.memref_slice %arg12[%dma_wait3A_1324, %dma_wait3A_1325] : memref<10000x128xf32, #tpu.memory_space<vmem_shared>> -> memref<10000x128xf32, #tpu.memory_space<vmem_shared>>
      tpu.wait_indirect_dma semaphore(%arg18 : memref<!tpu.dma_semaphore, #tpu.memory_space<semaphore_mem>>) src(%dma_wait3A_1320 : memref<80x128xf32, #tpu.memory_space<vmem>>) dst(%dma_wait3A_1326 : memref<10000x128xf32, #tpu.memory_space<vmem_shared>>)
      %dma_start3A_1327 = arith.constant 11 : i32
      %dma_start3A_1328 = arith.constant 2 : i32
      %dma_start3A_1329 = arith.constant 0 : i32
      %dma_start3A_1330 = arith.constant 0 : i32
      %dma_start3A_1331 = tpu.memref_slice %arg10[%dma_start3A_1328, %dma_start3A_1329, %dma_start3A_1330] : memref<3x80x128xf32, #tpu.memory_space<vmem>> -> memref<1x80x128xf32, #tpu.memory_space<vmem>>
      %dma_start3A_1332 = tpu.memref_squeeze %dma_start3A_1331 : memref<1x80x128xf32, #tpu.memory_space<vmem>> -> memref<80x128xf32, #tpu.memory_space<vmem>>
      %dma_start3A_1333 = arith.constant 0 : i32
      %dma_start3A_1334 = tpu.memref_slice %arg8[%dma_start3A_1327, %dma_start3A_1333] : memref<16x80xi32, #tpu.memory_space<vmem>> -> memref<1x80xi32, #tpu.memory_space<vmem>>
      %dma_start3A_1335 = tpu.memref_squeeze %dma_start3A_1334 : memref<1x80xi32, #tpu.memory_space<vmem>> -> memref<80xi32, #tpu.memory_space<vmem>>
      %dma_start3A_1336 = arith.constant 0 : i32
      %dma_start3A_1337 = arith.constant 0 : i32
      %dma_start3A_1338 = tpu.memref_slice %arg2[%dma_start3A_1336, %dma_start3A_1337] : memref<40000x128xf32, #tpu.memory_space<hbm>> -> memref<40000x128xf32, #tpu.memory_space<hbm>>
      tpu.enqueue_indirect_dma source(%dma_start3A_1338 : memref<40000x128xf32, #tpu.memory_space<hbm>>) target(%dma_start3A_1332 : memref<80x128xf32, #tpu.memory_space<vmem>>) offsets(%dma_start3A_1335 : memref<80xi32, #tpu.memory_space<vmem>>) semaphore(%arg15 : memref<!tpu.dma_semaphore, #tpu.memory_space<semaphore_mem>>)
      %dma_wait3A_1339 = arith.constant 10 : i32
      %dma_wait3A_1340 = arith.constant 1 : i32
      %dma_wait3A_1341 = arith.constant 0 : i32
      %dma_wait3A_1342 = arith.constant 0 : i32
      %dma_wait3A_1343 = tpu.memref_slice %arg10[%dma_wait3A_1340, %dma_wait3A_1341, %dma_wait3A_1342] : memref<3x80x128xf32, #tpu.memory_space<vmem>> -> memref<1x80x128xf32, #tpu.memory_space<vmem>>
      %dma_wait3A_1344 = tpu.memref_squeeze %dma_wait3A_1343 : memref<1x80x128xf32, #tpu.memory_space<vmem>> -> memref<80x128xf32, #tpu.memory_space<vmem>>
      %dma_wait3A_1345 = arith.constant 0 : i32
      %dma_wait3A_1346 = tpu.memref_slice %arg8[%dma_wait3A_1339, %dma_wait3A_1345] : memref<16x80xi32, #tpu.memory_space<vmem>> -> memref<1x80xi32, #tpu.memory_space<vmem>>
      %dma_wait3A_1347 = tpu.memref_squeeze %dma_wait3A_1346 : memref<1x80xi32, #tpu.memory_space<vmem>> -> memref<80xi32, #tpu.memory_space<vmem>>
      %dma_wait3A_1348 = arith.constant 0 : i32
      %dma_wait3A_1349 = arith.constant 0 : i32
      %dma_wait3A_1350 = tpu.memref_slice %arg2[%dma_wait3A_1348, %dma_wait3A_1349] : memref<40000x128xf32, #tpu.memory_space<hbm>> -> memref<40000x128xf32, #tpu.memory_space<hbm>>
      tpu.wait_indirect_dma semaphore(%arg14 : memref<!tpu.dma_semaphore, #tpu.memory_space<semaphore_mem>>) src(%dma_wait3A_1350 : memref<40000x128xf32, #tpu.memory_space<hbm>>) dst(%dma_wait3A_1344 : memref<80x128xf32, #tpu.memory_space<vmem>>)
      %dma_start3A_1351 = arith.constant 1 : i32
      %dma_start3A_1352 = arith.constant 10 : i32
      %dma_start3A_1353 = arith.constant 0 : i32
      %dma_start3A_1354 = arith.constant 0 : i32
      %dma_start3A_1355 = tpu.memref_slice %arg10[%dma_start3A_1351, %dma_start3A_1353, %dma_start3A_1354] : memref<3x80x128xf32, #tpu.memory_space<vmem>> -> memref<1x80x128xf32, #tpu.memory_space<vmem>>
      %dma_start3A_1356 = tpu.memref_squeeze %dma_start3A_1355 : memref<1x80x128xf32, #tpu.memory_space<vmem>> -> memref<80x128xf32, #tpu.memory_space<vmem>>
      %dma_start3A_1357 = arith.constant 0 : i32
      %dma_start3A_1358 = tpu.memref_slice %arg9[%dma_start3A_1352, %dma_start3A_1357] : memref<16x80xi32, #tpu.memory_space<vmem>> -> memref<1x80xi32, #tpu.memory_space<vmem>>
      %dma_start3A_1359 = tpu.memref_squeeze %dma_start3A_1358 : memref<1x80xi32, #tpu.memory_space<vmem>> -> memref<80xi32, #tpu.memory_space<vmem>>
      %dma_start3A_1360 = arith.constant 0 : i32
      %dma_start3A_1361 = arith.constant 0 : i32
      %dma_start3A_1362 = tpu.memref_slice %arg12[%dma_start3A_1360, %dma_start3A_1361] : memref<10000x128xf32, #tpu.memory_space<vmem_shared>> -> memref<10000x128xf32, #tpu.memory_space<vmem_shared>>
      tpu.enqueue_indirect_dma source(%dma_start3A_1356 : memref<80x128xf32, #tpu.memory_space<vmem>>) target(%dma_start3A_1362 : memref<10000x128xf32, #tpu.memory_space<vmem_shared>>) offsets(%dma_start3A_1359 : memref<80xi32, #tpu.memory_space<vmem>>) semaphore(%arg17 : memref<!tpu.dma_semaphore, #tpu.memory_space<semaphore_mem>>) {add = true}
      %dma_wait3A_1363 = arith.constant 0 : i32
      %dma_wait3A_1364 = arith.constant 9 : i32
      %dma_wait3A_1365 = arith.constant 0 : i32
      %dma_wait3A_1366 = arith.constant 0 : i32
      %dma_wait3A_1367 = tpu.memref_slice %arg10[%dma_wait3A_1363, %dma_wait3A_1365, %dma_wait3A_1366] : memref<3x80x128xf32, #tpu.memory_space<vmem>> -> memref<1x80x128xf32, #tpu.memory_space<vmem>>
      %dma_wait3A_1368 = tpu.memref_squeeze %dma_wait3A_1367 : memref<1x80x128xf32, #tpu.memory_space<vmem>> -> memref<80x128xf32, #tpu.memory_space<vmem>>
      %dma_wait3A_1369 = arith.constant 0 : i32
      %dma_wait3A_1370 = tpu.memref_slice %arg9[%dma_wait3A_1364, %dma_wait3A_1369] : memref<16x80xi32, #tpu.memory_space<vmem>> -> memref<1x80xi32, #tpu.memory_space<vmem>>
      %dma_wait3A_1371 = tpu.memref_squeeze %dma_wait3A_1370 : memref<1x80xi32, #tpu.memory_space<vmem>> -> memref<80xi32, #tpu.memory_space<vmem>>
      %dma_wait3A_1372 = arith.constant 0 : i32
      %dma_wait3A_1373 = arith.constant 0 : i32
      %dma_wait3A_1374 = tpu.memref_slice %arg12[%dma_wait3A_1372, %dma_wait3A_1373] : memref<10000x128xf32, #tpu.memory_space<vmem_shared>> -> memref<10000x128xf32, #tpu.memory_space<vmem_shared>>
      tpu.wait_indirect_dma semaphore(%arg16 : memref<!tpu.dma_semaphore, #tpu.memory_space<semaphore_mem>>) src(%dma_wait3A_1368 : memref<80x128xf32, #tpu.memory_space<vmem>>) dst(%dma_wait3A_1374 : memref<10000x128xf32, #tpu.memory_space<vmem_shared>>)
      %dma_start3A_1375 = arith.constant 12 : i32
      %dma_start3A_1376 = arith.constant 0 : i32
      %dma_start3A_1377 = arith.constant 0 : i32
      %dma_start3A_1378 = arith.constant 0 : i32
      %dma_start3A_1379 = tpu.memref_slice %arg10[%dma_start3A_1376, %dma_start3A_1377, %dma_start3A_1378] : memref<3x80x128xf32, #tpu.memory_space<vmem>> -> memref<1x80x128xf32, #tpu.memory_space<vmem>>
      %dma_start3A_1380 = tpu.memref_squeeze %dma_start3A_1379 : memref<1x80x128xf32, #tpu.memory_space<vmem>> -> memref<80x128xf32, #tpu.memory_space<vmem>>
      %dma_start3A_1381 = arith.constant 0 : i32
      %dma_start3A_1382 = tpu.memref_slice %arg8[%dma_start3A_1375, %dma_start3A_1381] : memref<16x80xi32, #tpu.memory_space<vmem>> -> memref<1x80xi32, #tpu.memory_space<vmem>>
      %dma_start3A_1383 = tpu.memref_squeeze %dma_start3A_1382 : memref<1x80xi32, #tpu.memory_space<vmem>> -> memref<80xi32, #tpu.memory_space<vmem>>
      %dma_start3A_1384 = arith.constant 0 : i32
      %dma_start3A_1385 = arith.constant 0 : i32
      %dma_start3A_1386 = tpu.memref_slice %arg2[%dma_start3A_1384, %dma_start3A_1385] : memref<40000x128xf32, #tpu.memory_space<hbm>> -> memref<40000x128xf32, #tpu.memory_space<hbm>>
      tpu.enqueue_indirect_dma source(%dma_start3A_1386 : memref<40000x128xf32, #tpu.memory_space<hbm>>) target(%dma_start3A_1380 : memref<80x128xf32, #tpu.memory_space<vmem>>) offsets(%dma_start3A_1383 : memref<80xi32, #tpu.memory_space<vmem>>) semaphore(%arg13 : memref<!tpu.dma_semaphore, #tpu.memory_space<semaphore_mem>>)
      %dma_wait3A_1387 = arith.constant 11 : i32
      %dma_wait3A_1388 = arith.constant 2 : i32
      %dma_wait3A_1389 = arith.constant 0 : i32
      %dma_wait3A_1390 = arith.constant 0 : i32
      %dma_wait3A_1391 = tpu.memref_slice %arg10[%dma_wait3A_1388, %dma_wait3A_1389, %dma_wait3A_1390] : memref<3x80x128xf32, #tpu.memory_space<vmem>> -> memref<1x80x128xf32, #tpu.memory_space<vmem>>
      %dma_wait3A_1392 = tpu.memref_squeeze %dma_wait3A_1391 : memref<1x80x128xf32, #tpu.memory_space<vmem>> -> memref<80x128xf32, #tpu.memory_space<vmem>>
      %dma_wait3A_1393 = arith.constant 0 : i32
      %dma_wait3A_1394 = tpu.memref_slice %arg8[%dma_wait3A_1387, %dma_wait3A_1393] : memref<16x80xi32, #tpu.memory_space<vmem>> -> memref<1x80xi32, #tpu.memory_space<vmem>>
      %dma_wait3A_1395 = tpu.memref_squeeze %dma_wait3A_1394 : memref<1x80xi32, #tpu.memory_space<vmem>> -> memref<80xi32, #tpu.memory_space<vmem>>
      %dma_wait3A_1396 = arith.constant 0 : i32
      %dma_wait3A_1397 = arith.constant 0 : i32
      %dma_wait3A_1398 = tpu.memref_slice %arg2[%dma_wait3A_1396, %dma_wait3A_1397] : memref<40000x128xf32, #tpu.memory_space<hbm>> -> memref<40000x128xf32, #tpu.memory_space<hbm>>
      tpu.wait_indirect_dma semaphore(%arg15 : memref<!tpu.dma_semaphore, #tpu.memory_space<semaphore_mem>>) src(%dma_wait3A_1398 : memref<40000x128xf32, #tpu.memory_space<hbm>>) dst(%dma_wait3A_1392 : memref<80x128xf32, #tpu.memory_space<vmem>>)
      %dma_start3A_1399 = arith.constant 2 : i32
      %dma_start3A_1400 = arith.constant 11 : i32
      %dma_start3A_1401 = arith.constant 0 : i32
      %dma_start3A_1402 = arith.constant 0 : i32
      %dma_start3A_1403 = tpu.memref_slice %arg10[%dma_start3A_1399, %dma_start3A_1401, %dma_start3A_1402] : memref<3x80x128xf32, #tpu.memory_space<vmem>> -> memref<1x80x128xf32, #tpu.memory_space<vmem>>
      %dma_start3A_1404 = tpu.memref_squeeze %dma_start3A_1403 : memref<1x80x128xf32, #tpu.memory_space<vmem>> -> memref<80x128xf32, #tpu.memory_space<vmem>>
      %dma_start3A_1405 = arith.constant 0 : i32
      %dma_start3A_1406 = tpu.memref_slice %arg9[%dma_start3A_1400, %dma_start3A_1405] : memref<16x80xi32, #tpu.memory_space<vmem>> -> memref<1x80xi32, #tpu.memory_space<vmem>>
      %dma_start3A_1407 = tpu.memref_squeeze %dma_start3A_1406 : memref<1x80xi32, #tpu.memory_space<vmem>> -> memref<80xi32, #tpu.memory_space<vmem>>
      %dma_start3A_1408 = arith.constant 0 : i32
      %dma_start3A_1409 = arith.constant 0 : i32
      %dma_start3A_1410 = tpu.memref_slice %arg12[%dma_start3A_1408, %dma_start3A_1409] : memref<10000x128xf32, #tpu.memory_space<vmem_shared>> -> memref<10000x128xf32, #tpu.memory_space<vmem_shared>>
      tpu.enqueue_indirect_dma source(%dma_start3A_1404 : memref<80x128xf32, #tpu.memory_space<vmem>>) target(%dma_start3A_1410 : memref<10000x128xf32, #tpu.memory_space<vmem_shared>>) offsets(%dma_start3A_1407 : memref<80xi32, #tpu.memory_space<vmem>>) semaphore(%arg18 : memref<!tpu.dma_semaphore, #tpu.memory_space<semaphore_mem>>) {add = true}
      %dma_wait3A_1411 = arith.constant 1 : i32
      %dma_wait3A_1412 = arith.constant 10 : i32
      %dma_wait3A_1413 = arith.constant 0 : i32
      %dma_wait3A_1414 = arith.constant 0 : i32
      %dma_wait3A_1415 = tpu.memref_slice %arg10[%dma_wait3A_1411, %dma_wait3A_1413, %dma_wait3A_1414] : memref<3x80x128xf32, #tpu.memory_space<vmem>> -> memref<1x80x128xf32, #tpu.memory_space<vmem>>
      %dma_wait3A_1416 = tpu.memref_squeeze %dma_wait3A_1415 : memref<1x80x128xf32, #tpu.memory_space<vmem>> -> memref<80x128xf32, #tpu.memory_space<vmem>>
      %dma_wait3A_1417 = arith.constant 0 : i32
      %dma_wait3A_1418 = tpu.memref_slice %arg9[%dma_wait3A_1412, %dma_wait3A_1417] : memref<16x80xi32, #tpu.memory_space<vmem>> -> memref<1x80xi32, #tpu.memory_space<vmem>>
      %dma_wait3A_1419 = tpu.memref_squeeze %dma_wait3A_1418 : memref<1x80xi32, #tpu.memory_space<vmem>> -> memref<80xi32, #tpu.memory_space<vmem>>
      %dma_wait3A_1420 = arith.constant 0 : i32
      %dma_wait3A_1421 = arith.constant 0 : i32
      %dma_wait3A_1422 = tpu.memref_slice %arg12[%dma_wait3A_1420, %dma_wait3A_1421] : memref<10000x128xf32, #tpu.memory_space<vmem_shared>> -> memref<10000x128xf32, #tpu.memory_space<vmem_shared>>
      tpu.wait_indirect_dma semaphore(%arg17 : memref<!tpu.dma_semaphore, #tpu.memory_space<semaphore_mem>>) src(%dma_wait3A_1416 : memref<80x128xf32, #tpu.memory_space<vmem>>) dst(%dma_wait3A_1422 : memref<10000x128xf32, #tpu.memory_space<vmem_shared>>)
      %dma_start3A_1423 = arith.constant 13 : i32
      %dma_start3A_1424 = arith.constant 1 : i32
      %dma_start3A_1425 = arith.constant 0 : i32
      %dma_start3A_1426 = arith.constant 0 : i32
      %dma_start3A_1427 = tpu.memref_slice %arg10[%dma_start3A_1424, %dma_start3A_1425, %dma_start3A_1426] : memref<3x80x128xf32, #tpu.memory_space<vmem>> -> memref<1x80x128xf32, #tpu.memory_space<vmem>>
      %dma_start3A_1428 = tpu.memref_squeeze %dma_start3A_1427 : memref<1x80x128xf32, #tpu.memory_space<vmem>> -> memref<80x128xf32, #tpu.memory_space<vmem>>
      %dma_start3A_1429 = arith.constant 0 : i32
      %dma_start3A_1430 = tpu.memref_slice %arg8[%dma_start3A_1423, %dma_start3A_1429] : memref<16x80xi32, #tpu.memory_space<vmem>> -> memref<1x80xi32, #tpu.memory_space<vmem>>
      %dma_start3A_1431 = tpu.memref_squeeze %dma_start3A_1430 : memref<1x80xi32, #tpu.memory_space<vmem>> -> memref<80xi32, #tpu.memory_space<vmem>>
      %dma_start3A_1432 = arith.constant 0 : i32
      %dma_start3A_1433 = arith.constant 0 : i32
      %dma_start3A_1434 = tpu.memref_slice %arg2[%dma_start3A_1432, %dma_start3A_1433] : memref<40000x128xf32, #tpu.memory_space<hbm>> -> memref<40000x128xf32, #tpu.memory_space<hbm>>
      tpu.enqueue_indirect_dma source(%dma_start3A_1434 : memref<40000x128xf32, #tpu.memory_space<hbm>>) target(%dma_start3A_1428 : memref<80x128xf32, #tpu.memory_space<vmem>>) offsets(%dma_start3A_1431 : memref<80xi32, #tpu.memory_space<vmem>>) semaphore(%arg14 : memref<!tpu.dma_semaphore, #tpu.memory_space<semaphore_mem>>)
      %dma_wait3A_1435 = arith.constant 12 : i32
      %dma_wait3A_1436 = arith.constant 0 : i32
      %dma_wait3A_1437 = arith.constant 0 : i32
      %dma_wait3A_1438 = arith.constant 0 : i32
      %dma_wait3A_1439 = tpu.memref_slice %arg10[%dma_wait3A_1436, %dma_wait3A_1437, %dma_wait3A_1438] : memref<3x80x128xf32, #tpu.memory_space<vmem>> -> memref<1x80x128xf32, #tpu.memory_space<vmem>>
      %dma_wait3A_1440 = tpu.memref_squeeze %dma_wait3A_1439 : memref<1x80x128xf32, #tpu.memory_space<vmem>> -> memref<80x128xf32, #tpu.memory_space<vmem>>
      %dma_wait3A_1441 = arith.constant 0 : i32
      %dma_wait3A_1442 = tpu.memref_slice %arg8[%dma_wait3A_1435, %dma_wait3A_1441] : memref<16x80xi32, #tpu.memory_space<vmem>> -> memref<1x80xi32, #tpu.memory_space<vmem>>
      %dma_wait3A_1443 = tpu.memref_squeeze %dma_wait3A_1442 : memref<1x80xi32, #tpu.memory_space<vmem>> -> memref<80xi32, #tpu.memory_space<vmem>>
      %dma_wait3A_1444 = arith.constant 0 : i32
      %dma_wait3A_1445 = arith.constant 0 : i32
      %dma_wait3A_1446 = tpu.memref_slice %arg2[%dma_wait3A_1444, %dma_wait3A_1445] : memref<40000x128xf32, #tpu.memory_space<hbm>> -> memref<40000x128xf32, #tpu.memory_space<hbm>>
      tpu.wait_indirect_dma semaphore(%arg13 : memref<!tpu.dma_semaphore, #tpu.memory_space<semaphore_mem>>) src(%dma_wait3A_1446 : memref<40000x128xf32, #tpu.memory_space<hbm>>) dst(%dma_wait3A_1440 : memref<80x128xf32, #tpu.memory_space<vmem>>)
      %dma_start3A_1447 = arith.constant 0 : i32
      %dma_start3A_1448 = arith.constant 12 : i32
      %dma_start3A_1449 = arith.constant 0 : i32
      %dma_start3A_1450 = arith.constant 0 : i32
      %dma_start3A_1451 = tpu.memref_slice %arg10[%dma_start3A_1447, %dma_start3A_1449, %dma_start3A_1450] : memref<3x80x128xf32, #tpu.memory_space<vmem>> -> memref<1x80x128xf32, #tpu.memory_space<vmem>>
      %dma_start3A_1452 = tpu.memref_squeeze %dma_start3A_1451 : memref<1x80x128xf32, #tpu.memory_space<vmem>> -> memref<80x128xf32, #tpu.memory_space<vmem>>
      %dma_start3A_1453 = arith.constant 0 : i32
      %dma_start3A_1454 = tpu.memref_slice %arg9[%dma_start3A_1448, %dma_start3A_1453] : memref<16x80xi32, #tpu.memory_space<vmem>> -> memref<1x80xi32, #tpu.memory_space<vmem>>
      %dma_start3A_1455 = tpu.memref_squeeze %dma_start3A_1454 : memref<1x80xi32, #tpu.memory_space<vmem>> -> memref<80xi32, #tpu.memory_space<vmem>>
      %dma_start3A_1456 = arith.constant 0 : i32
      %dma_start3A_1457 = arith.constant 0 : i32
      %dma_start3A_1458 = tpu.memref_slice %arg12[%dma_start3A_1456, %dma_start3A_1457] : memref<10000x128xf32, #tpu.memory_space<vmem_shared>> -> memref<10000x128xf32, #tpu.memory_space<vmem_shared>>
      tpu.enqueue_indirect_dma source(%dma_start3A_1452 : memref<80x128xf32, #tpu.memory_space<vmem>>) target(%dma_start3A_1458 : memref<10000x128xf32, #tpu.memory_space<vmem_shared>>) offsets(%dma_start3A_1455 : memref<80xi32, #tpu.memory_space<vmem>>) semaphore(%arg16 : memref<!tpu.dma_semaphore, #tpu.memory_space<semaphore_mem>>) {add = true}
      %dma_wait3A_1459 = arith.constant 2 : i32
      %dma_wait3A_1460 = arith.constant 11 : i32
      %dma_wait3A_1461 = arith.constant 0 : i32
      %dma_wait3A_1462 = arith.constant 0 : i32
      %dma_wait3A_1463 = tpu.memref_slice %arg10[%dma_wait3A_1459, %dma_wait3A_1461, %dma_wait3A_1462] : memref<3x80x128xf32, #tpu.memory_space<vmem>> -> memref<1x80x128xf32, #tpu.memory_space<vmem>>
      %dma_wait3A_1464 = tpu.memref_squeeze %dma_wait3A_1463 : memref<1x80x128xf32, #tpu.memory_space<vmem>> -> memref<80x128xf32, #tpu.memory_space<vmem>>
      %dma_wait3A_1465 = arith.constant 0 : i32
      %dma_wait3A_1466 = tpu.memref_slice %arg9[%dma_wait3A_1460, %dma_wait3A_1465] : memref<16x80xi32, #tpu.memory_space<vmem>> -> memref<1x80xi32, #tpu.memory_space<vmem>>
      %dma_wait3A_1467 = tpu.memref_squeeze %dma_wait3A_1466 : memref<1x80xi32, #tpu.memory_space<vmem>> -> memref<80xi32, #tpu.memory_space<vmem>>
      %dma_wait3A_1468 = arith.constant 0 : i32
      %dma_wait3A_1469 = arith.constant 0 : i32
      %dma_wait3A_1470 = tpu.memref_slice %arg12[%dma_wait3A_1468, %dma_wait3A_1469] : memref<10000x128xf32, #tpu.memory_space<vmem_shared>> -> memref<10000x128xf32, #tpu.memory_space<vmem_shared>>
      tpu.wait_indirect_dma semaphore(%arg18 : memref<!tpu.dma_semaphore, #tpu.memory_space<semaphore_mem>>) src(%dma_wait3A_1464 : memref<80x128xf32, #tpu.memory_space<vmem>>) dst(%dma_wait3A_1470 : memref<10000x128xf32, #tpu.memory_space<vmem_shared>>)
      %dma_start3A_1471 = arith.constant 14 : i32
      %dma_start3A_1472 = arith.constant 2 : i32
      %dma_start3A_1473 = arith.constant 0 : i32
      %dma_start3A_1474 = arith.constant 0 : i32
      %dma_start3A_1475 = tpu.memref_slice %arg10[%dma_start3A_1472, %dma_start3A_1473, %dma_start3A_1474] : memref<3x80x128xf32, #tpu.memory_space<vmem>> -> memref<1x80x128xf32, #tpu.memory_space<vmem>>
      %dma_start3A_1476 = tpu.memref_squeeze %dma_start3A_1475 : memref<1x80x128xf32, #tpu.memory_space<vmem>> -> memref<80x128xf32, #tpu.memory_space<vmem>>
      %dma_start3A_1477 = arith.constant 0 : i32
      %dma_start3A_1478 = tpu.memref_slice %arg8[%dma_start3A_1471, %dma_start3A_1477] : memref<16x80xi32, #tpu.memory_space<vmem>> -> memref<1x80xi32, #tpu.memory_space<vmem>>
      %dma_start3A_1479 = tpu.memref_squeeze %dma_start3A_1478 : memref<1x80xi32, #tpu.memory_space<vmem>> -> memref<80xi32, #tpu.memory_space<vmem>>
      %dma_start3A_1480 = arith.constant 0 : i32
      %dma_start3A_1481 = arith.constant 0 : i32
      %dma_start3A_1482 = tpu.memref_slice %arg2[%dma_start3A_1480, %dma_start3A_1481] : memref<40000x128xf32, #tpu.memory_space<hbm>> -> memref<40000x128xf32, #tpu.memory_space<hbm>>
      tpu.enqueue_indirect_dma source(%dma_start3A_1482 : memref<40000x128xf32, #tpu.memory_space<hbm>>) target(%dma_start3A_1476 : memref<80x128xf32, #tpu.memory_space<vmem>>) offsets(%dma_start3A_1479 : memref<80xi32, #tpu.memory_space<vmem>>) semaphore(%arg15 : memref<!tpu.dma_semaphore, #tpu.memory_space<semaphore_mem>>)
      %dma_wait3A_1483 = arith.constant 13 : i32
      %dma_wait3A_1484 = arith.constant 1 : i32
      %dma_wait3A_1485 = arith.constant 0 : i32
      %dma_wait3A_1486 = arith.constant 0 : i32
      %dma_wait3A_1487 = tpu.memref_slice %arg10[%dma_wait3A_1484, %dma_wait3A_1485, %dma_wait3A_1486] : memref<3x80x128xf32, #tpu.memory_space<vmem>> -> memref<1x80x128xf32, #tpu.memory_space<vmem>>
      %dma_wait3A_1488 = tpu.memref_squeeze %dma_wait3A_1487 : memref<1x80x128xf32, #tpu.memory_space<vmem>> -> memref<80x128xf32, #tpu.memory_space<vmem>>
      %dma_wait3A_1489 = arith.constant 0 : i32
      %dma_wait3A_1490 = tpu.memref_slice %arg8[%dma_wait3A_1483, %dma_wait3A_1489] : memref<16x80xi32, #tpu.memory_space<vmem>> -> memref<1x80xi32, #tpu.memory_space<vmem>>
      %dma_wait3A_1491 = tpu.memref_squeeze %dma_wait3A_1490 : memref<1x80xi32, #tpu.memory_space<vmem>> -> memref<80xi32, #tpu.memory_space<vmem>>
      %dma_wait3A_1492 = arith.constant 0 : i32
      %dma_wait3A_1493 = arith.constant 0 : i32
      %dma_wait3A_1494 = tpu.memref_slice %arg2[%dma_wait3A_1492, %dma_wait3A_1493] : memref<40000x128xf32, #tpu.memory_space<hbm>> -> memref<40000x128xf32, #tpu.memory_space<hbm>>
      tpu.wait_indirect_dma semaphore(%arg14 : memref<!tpu.dma_semaphore, #tpu.memory_space<semaphore_mem>>) src(%dma_wait3A_1494 : memref<40000x128xf32, #tpu.memory_space<hbm>>) dst(%dma_wait3A_1488 : memref<80x128xf32, #tpu.memory_space<vmem>>)
      %dma_start3A_1495 = arith.constant 1 : i32
      %dma_start3A_1496 = arith.constant 13 : i32
      %dma_start3A_1497 = arith.constant 0 : i32
      %dma_start3A_1498 = arith.constant 0 : i32
      %dma_start3A_1499 = tpu.memref_slice %arg10[%dma_start3A_1495, %dma_start3A_1497, %dma_start3A_1498] : memref<3x80x128xf32, #tpu.memory_space<vmem>> -> memref<1x80x128xf32, #tpu.memory_space<vmem>>
      %dma_start3A_1500 = tpu.memref_squeeze %dma_start3A_1499 : memref<1x80x128xf32, #tpu.memory_space<vmem>> -> memref<80x128xf32, #tpu.memory_space<vmem>>
      %dma_start3A_1501 = arith.constant 0 : i32
      %dma_start3A_1502 = tpu.memref_slice %arg9[%dma_start3A_1496, %dma_start3A_1501] : memref<16x80xi32, #tpu.memory_space<vmem>> -> memref<1x80xi32, #tpu.memory_space<vmem>>
      %dma_start3A_1503 = tpu.memref_squeeze %dma_start3A_1502 : memref<1x80xi32, #tpu.memory_space<vmem>> -> memref<80xi32, #tpu.memory_space<vmem>>
      %dma_start3A_1504 = arith.constant 0 : i32
      %dma_start3A_1505 = arith.constant 0 : i32
      %dma_start3A_1506 = tpu.memref_slice %arg12[%dma_start3A_1504, %dma_start3A_1505] : memref<10000x128xf32, #tpu.memory_space<vmem_shared>> -> memref<10000x128xf32, #tpu.memory_space<vmem_shared>>
      tpu.enqueue_indirect_dma source(%dma_start3A_1500 : memref<80x128xf32, #tpu.memory_space<vmem>>) target(%dma_start3A_1506 : memref<10000x128xf32, #tpu.memory_space<vmem_shared>>) offsets(%dma_start3A_1503 : memref<80xi32, #tpu.memory_space<vmem>>) semaphore(%arg17 : memref<!tpu.dma_semaphore, #tpu.memory_space<semaphore_mem>>) {add = true}
      %dma_wait3A_1507 = arith.constant 0 : i32
      %dma_wait3A_1508 = arith.constant 12 : i32
      %dma_wait3A_1509 = arith.constant 0 : i32
      %dma_wait3A_1510 = arith.constant 0 : i32
      %dma_wait3A_1511 = tpu.memref_slice %arg10[%dma_wait3A_1507, %dma_wait3A_1509, %dma_wait3A_1510] : memref<3x80x128xf32, #tpu.memory_space<vmem>> -> memref<1x80x128xf32, #tpu.memory_space<vmem>>
      %dma_wait3A_1512 = tpu.memref_squeeze %dma_wait3A_1511 : memref<1x80x128xf32, #tpu.memory_space<vmem>> -> memref<80x128xf32, #tpu.memory_space<vmem>>
      %dma_wait3A_1513 = arith.constant 0 : i32
      %dma_wait3A_1514 = tpu.memref_slice %arg9[%dma_wait3A_1508, %dma_wait3A_1513] : memref<16x80xi32, #tpu.memory_space<vmem>> -> memref<1x80xi32, #tpu.memory_space<vmem>>
      %dma_wait3A_1515 = tpu.memref_squeeze %dma_wait3A_1514 : memref<1x80xi32, #tpu.memory_space<vmem>> -> memref<80xi32, #tpu.memory_space<vmem>>
      %dma_wait3A_1516 = arith.constant 0 : i32
      %dma_wait3A_1517 = arith.constant 0 : i32
      %dma_wait3A_1518 = tpu.memref_slice %arg12[%dma_wait3A_1516, %dma_wait3A_1517] : memref<10000x128xf32, #tpu.memory_space<vmem_shared>> -> memref<10000x128xf32, #tpu.memory_space<vmem_shared>>
      tpu.wait_indirect_dma semaphore(%arg16 : memref<!tpu.dma_semaphore, #tpu.memory_space<semaphore_mem>>) src(%dma_wait3A_1512 : memref<80x128xf32, #tpu.memory_space<vmem>>) dst(%dma_wait3A_1518 : memref<10000x128xf32, #tpu.memory_space<vmem_shared>>)
      %dma_start3A_1519 = arith.constant 15 : i32
      %dma_start3A_1520 = arith.constant 0 : i32
      %dma_start3A_1521 = arith.constant 0 : i32
      %dma_start3A_1522 = arith.constant 0 : i32
      %dma_start3A_1523 = tpu.memref_slice %arg10[%dma_start3A_1520, %dma_start3A_1521, %dma_start3A_1522] : memref<3x80x128xf32, #tpu.memory_space<vmem>> -> memref<1x80x128xf32, #tpu.memory_space<vmem>>
      %dma_start3A_1524 = tpu.memref_squeeze %dma_start3A_1523 : memref<1x80x128xf32, #tpu.memory_space<vmem>> -> memref<80x128xf32, #tpu.memory_space<vmem>>
      %dma_start3A_1525 = arith.constant 0 : i32
      %dma_start3A_1526 = tpu.memref_slice %arg8[%dma_start3A_1519, %dma_start3A_1525] : memref<16x80xi32, #tpu.memory_space<vmem>> -> memref<1x80xi32, #tpu.memory_space<vmem>>
      %dma_start3A_1527 = tpu.memref_squeeze %dma_start3A_1526 : memref<1x80xi32, #tpu.memory_space<vmem>> -> memref<80xi32, #tpu.memory_space<vmem>>
      %dma_start3A_1528 = arith.constant 0 : i32
      %dma_start3A_1529 = arith.constant 0 : i32
      %dma_start3A_1530 = tpu.memref_slice %arg2[%dma_start3A_1528, %dma_start3A_1529] : memref<40000x128xf32, #tpu.memory_space<hbm>> -> memref<40000x128xf32, #tpu.memory_space<hbm>>
      tpu.enqueue_indirect_dma source(%dma_start3A_1530 : memref<40000x128xf32, #tpu.memory_space<hbm>>) target(%dma_start3A_1524 : memref<80x128xf32, #tpu.memory_space<vmem>>) offsets(%dma_start3A_1527 : memref<80xi32, #tpu.memory_space<vmem>>) semaphore(%arg13 : memref<!tpu.dma_semaphore, #tpu.memory_space<semaphore_mem>>)
      %dma_wait3A_1531 = arith.constant 14 : i32
      %dma_wait3A_1532 = arith.constant 2 : i32
      %dma_wait3A_1533 = arith.constant 0 : i32
      %dma_wait3A_1534 = arith.constant 0 : i32
      %dma_wait3A_1535 = tpu.memref_slice %arg10[%dma_wait3A_1532, %dma_wait3A_1533, %dma_wait3A_1534] : memref<3x80x128xf32, #tpu.memory_space<vmem>> -> memref<1x80x128xf32, #tpu.memory_space<vmem>>
      %dma_wait3A_1536 = tpu.memref_squeeze %dma_wait3A_1535 : memref<1x80x128xf32, #tpu.memory_space<vmem>> -> memref<80x128xf32, #tpu.memory_space<vmem>>
      %dma_wait3A_1537 = arith.constant 0 : i32
      %dma_wait3A_1538 = tpu.memref_slice %arg8[%dma_wait3A_1531, %dma_wait3A_1537] : memref<16x80xi32, #tpu.memory_space<vmem>> -> memref<1x80xi32, #tpu.memory_space<vmem>>
      %dma_wait3A_1539 = tpu.memref_squeeze %dma_wait3A_1538 : memref<1x80xi32, #tpu.memory_space<vmem>> -> memref<80xi32, #tpu.memory_space<vmem>>
      %dma_wait3A_1540 = arith.constant 0 : i32
      %dma_wait3A_1541 = arith.constant 0 : i32
      %dma_wait3A_1542 = tpu.memref_slice %arg2[%dma_wait3A_1540, %dma_wait3A_1541] : memref<40000x128xf32, #tpu.memory_space<hbm>> -> memref<40000x128xf32, #tpu.memory_space<hbm>>
      tpu.wait_indirect_dma semaphore(%arg15 : memref<!tpu.dma_semaphore, #tpu.memory_space<semaphore_mem>>) src(%dma_wait3A_1542 : memref<40000x128xf32, #tpu.memory_space<hbm>>) dst(%dma_wait3A_1536 : memref<80x128xf32, #tpu.memory_space<vmem>>)
      %dma_start3A_1543 = arith.constant 2 : i32
      %dma_start3A_1544 = arith.constant 14 : i32
      %dma_start3A_1545 = arith.constant 0 : i32
      %dma_start3A_1546 = arith.constant 0 : i32
      %dma_start3A_1547 = tpu.memref_slice %arg10[%dma_start3A_1543, %dma_start3A_1545, %dma_start3A_1546] : memref<3x80x128xf32, #tpu.memory_space<vmem>> -> memref<1x80x128xf32, #tpu.memory_space<vmem>>
      %dma_start3A_1548 = tpu.memref_squeeze %dma_start3A_1547 : memref<1x80x128xf32, #tpu.memory_space<vmem>> -> memref<80x128xf32, #tpu.memory_space<vmem>>
      %dma_start3A_1549 = arith.constant 0 : i32
      %dma_start3A_1550 = tpu.memref_slice %arg9[%dma_start3A_1544, %dma_start3A_1549] : memref<16x80xi32, #tpu.memory_space<vmem>> -> memref<1x80xi32, #tpu.memory_space<vmem>>
      %dma_start3A_1551 = tpu.memref_squeeze %dma_start3A_1550 : memref<1x80xi32, #tpu.memory_space<vmem>> -> memref<80xi32, #tpu.memory_space<vmem>>
      %dma_start3A_1552 = arith.constant 0 : i32
      %dma_start3A_1553 = arith.constant 0 : i32
      %dma_start3A_1554 = tpu.memref_slice %arg12[%dma_start3A_1552, %dma_start3A_1553] : memref<10000x128xf32, #tpu.memory_space<vmem_shared>> -> memref<10000x128xf32, #tpu.memory_space<vmem_shared>>
      tpu.enqueue_indirect_dma source(%dma_start3A_1548 : memref<80x128xf32, #tpu.memory_space<vmem>>) target(%dma_start3A_1554 : memref<10000x128xf32, #tpu.memory_space<vmem_shared>>) offsets(%dma_start3A_1551 : memref<80xi32, #tpu.memory_space<vmem>>) semaphore(%arg18 : memref<!tpu.dma_semaphore, #tpu.memory_space<semaphore_mem>>) {add = true}
      %dma_wait3A_1555 = arith.constant 15 : i32
      %dma_wait3A_1556 = arith.constant 0 : i32
      %dma_wait3A_1557 = arith.constant 0 : i32
      %dma_wait3A_1558 = arith.constant 0 : i32
      %dma_wait3A_1559 = tpu.memref_slice %arg10[%dma_wait3A_1556, %dma_wait3A_1557, %dma_wait3A_1558] : memref<3x80x128xf32, #tpu.memory_space<vmem>> -> memref<1x80x128xf32, #tpu.memory_space<vmem>>
      %dma_wait3A_1560 = tpu.memref_squeeze %dma_wait3A_1559 : memref<1x80x128xf32, #tpu.memory_space<vmem>> -> memref<80x128xf32, #tpu.memory_space<vmem>>
      %dma_wait3A_1561 = arith.constant 0 : i32
      %dma_wait3A_1562 = tpu.memref_slice %arg8[%dma_wait3A_1555, %dma_wait3A_1561] : memref<16x80xi32, #tpu.memory_space<vmem>> -> memref<1x80xi32, #tpu.memory_space<vmem>>
      %dma_wait3A_1563 = tpu.memref_squeeze %dma_wait3A_1562 : memref<1x80xi32, #tpu.memory_space<vmem>> -> memref<80xi32, #tpu.memory_space<vmem>>
      %dma_wait3A_1564 = arith.constant 0 : i32
      %dma_wait3A_1565 = arith.constant 0 : i32
      %dma_wait3A_1566 = tpu.memref_slice %arg2[%dma_wait3A_1564, %dma_wait3A_1565] : memref<40000x128xf32, #tpu.memory_space<hbm>> -> memref<40000x128xf32, #tpu.memory_space<hbm>>
      tpu.wait_indirect_dma semaphore(%arg13 : memref<!tpu.dma_semaphore, #tpu.memory_space<semaphore_mem>>) src(%dma_wait3A_1566 : memref<40000x128xf32, #tpu.memory_space<hbm>>) dst(%dma_wait3A_1560 : memref<80x128xf32, #tpu.memory_space<vmem>>)
      %dma_start3A_1567 = arith.constant 0 : i32
      %dma_start3A_1568 = arith.constant 15 : i32
      %dma_start3A_1569 = arith.constant 0 : i32
      %dma_start3A_1570 = arith.constant 0 : i32
      %dma_start3A_1571 = tpu.memref_slice %arg10[%dma_start3A_1567, %dma_start3A_1569, %dma_start3A_1570] : memref<3x80x128xf32, #tpu.memory_space<vmem>> -> memref<1x80x128xf32, #tpu.memory_space<vmem>>
      %dma_start3A_1572 = tpu.memref_squeeze %dma_start3A_1571 : memref<1x80x128xf32, #tpu.memory_space<vmem>> -> memref<80x128xf32, #tpu.memory_space<vmem>>
      %dma_start3A_1573 = arith.constant 0 : i32
      %dma_start3A_1574 = tpu.memref_slice %arg9[%dma_start3A_1568, %dma_start3A_1573] : memref<16x80xi32, #tpu.memory_space<vmem>> -> memref<1x80xi32, #tpu.memory_space<vmem>>
      %dma_start3A_1575 = tpu.memref_squeeze %dma_start3A_1574 : memref<1x80xi32, #tpu.memory_space<vmem>> -> memref<80xi32, #tpu.memory_space<vmem>>
      %dma_start3A_1576 = arith.constant 0 : i32
      %dma_start3A_1577 = arith.constant 0 : i32
      %dma_start3A_1578 = tpu.memref_slice %arg12[%dma_start3A_1576, %dma_start3A_1577] : memref<10000x128xf32, #tpu.memory_space<vmem_shared>> -> memref<10000x128xf32, #tpu.memory_space<vmem_shared>>
      tpu.enqueue_indirect_dma source(%dma_start3A_1572 : memref<80x128xf32, #tpu.memory_space<vmem>>) target(%dma_start3A_1578 : memref<10000x128xf32, #tpu.memory_space<vmem_shared>>) offsets(%dma_start3A_1575 : memref<80xi32, #tpu.memory_space<vmem>>) semaphore(%arg16 : memref<!tpu.dma_semaphore, #tpu.memory_space<semaphore_mem>>) {add = true}
      %dma_wait3A_1579 = arith.constant 0 : i32
      %dma_wait3A_1580 = arith.constant 15 : i32
      %dma_wait3A_1581 = arith.constant 0 : i32
      %dma_wait3A_1582 = arith.constant 0 : i32
      %dma_wait3A_1583 = tpu.memref_slice %arg10[%dma_wait3A_1579, %dma_wait3A_1581, %dma_wait3A_1582] : memref<3x80x128xf32, #tpu.memory_space<vmem>> -> memref<1x80x128xf32, #tpu.memory_space<vmem>>
      %dma_wait3A_1584 = tpu.memref_squeeze %dma_wait3A_1583 : memref<1x80x128xf32, #tpu.memory_space<vmem>> -> memref<80x128xf32, #tpu.memory_space<vmem>>
      %dma_wait3A_1585 = arith.constant 0 : i32
      %dma_wait3A_1586 = tpu.memref_slice %arg9[%dma_wait3A_1580, %dma_wait3A_1585] : memref<16x80xi32, #tpu.memory_space<vmem>> -> memref<1x80xi32, #tpu.memory_space<vmem>>
      %dma_wait3A_1587 = tpu.memref_squeeze %dma_wait3A_1586 : memref<1x80xi32, #tpu.memory_space<vmem>> -> memref<80xi32, #tpu.memory_space<vmem>>
      %dma_wait3A_1588 = arith.constant 0 : i32
      %dma_wait3A_1589 = arith.constant 0 : i32
      %dma_wait3A_1590 = tpu.memref_slice %arg12[%dma_wait3A_1588, %dma_wait3A_1589] : memref<10000x128xf32, #tpu.memory_space<vmem_shared>> -> memref<10000x128xf32, #tpu.memory_space<vmem_shared>>
      tpu.wait_indirect_dma semaphore(%arg16 : memref<!tpu.dma_semaphore, #tpu.memory_space<semaphore_mem>>) src(%dma_wait3A_1584 : memref<80x128xf32, #tpu.memory_space<vmem>>) dst(%dma_wait3A_1590 : memref<10000x128xf32, #tpu.memory_space<vmem_shared>>)
      %dma_wait3A_1591 = arith.constant 1 : i32
      %dma_wait3A_1592 = arith.constant 13 : i32
      %dma_wait3A_1593 = arith.constant 0 : i32
      %dma_wait3A_1594 = arith.constant 0 : i32
      %dma_wait3A_1595 = tpu.memref_slice %arg10[%dma_wait3A_1591, %dma_wait3A_1593, %dma_wait3A_1594] : memref<3x80x128xf32, #tpu.memory_space<vmem>> -> memref<1x80x128xf32, #tpu.memory_space<vmem>>
      %dma_wait3A_1596 = tpu.memref_squeeze %dma_wait3A_1595 : memref<1x80x128xf32, #tpu.memory_space<vmem>> -> memref<80x128xf32, #tpu.memory_space<vmem>>
      %dma_wait3A_1597 = arith.constant 0 : i32
      %dma_wait3A_1598 = tpu.memref_slice %arg9[%dma_wait3A_1592, %dma_wait3A_1597] : memref<16x80xi32, #tpu.memory_space<vmem>> -> memref<1x80xi32, #tpu.memory_space<vmem>>
      %dma_wait3A_1599 = tpu.memref_squeeze %dma_wait3A_1598 : memref<1x80xi32, #tpu.memory_space<vmem>> -> memref<80xi32, #tpu.memory_space<vmem>>
      %dma_wait3A_1600 = arith.constant 0 : i32
      %dma_wait3A_1601 = arith.constant 0 : i32
      %dma_wait3A_1602 = tpu.memref_slice %arg12[%dma_wait3A_1600, %dma_wait3A_1601] : memref<10000x128xf32, #tpu.memory_space<vmem_shared>> -> memref<10000x128xf32, #tpu.memory_space<vmem_shared>>
      tpu.wait_indirect_dma semaphore(%arg17 : memref<!tpu.dma_semaphore, #tpu.memory_space<semaphore_mem>>) src(%dma_wait3A_1596 : memref<80x128xf32, #tpu.memory_space<vmem>>) dst(%dma_wait3A_1602 : memref<10000x128xf32, #tpu.memory_space<vmem_shared>>)
      %dma_wait3A_1603 = arith.constant 2 : i32
      %dma_wait3A_1604 = arith.constant 14 : i32
      %dma_wait3A_1605 = arith.constant 0 : i32
      %dma_wait3A_1606 = arith.constant 0 : i32
      %dma_wait3A_1607 = tpu.memref_slice %arg10[%dma_wait3A_1603, %dma_wait3A_1605, %dma_wait3A_1606] : memref<3x80x128xf32, #tpu.memory_space<vmem>> -> memref<1x80x128xf32, #tpu.memory_space<vmem>>
      %dma_wait3A_1608 = tpu.memref_squeeze %dma_wait3A_1607 : memref<1x80x128xf32, #tpu.memory_space<vmem>> -> memref<80x128xf32, #tpu.memory_space<vmem>>
      %dma_wait3A_1609 = arith.constant 0 : i32
      %dma_wait3A_1610 = tpu.memref_slice %arg9[%dma_wait3A_1604, %dma_wait3A_1609] : memref<16x80xi32, #tpu.memory_space<vmem>> -> memref<1x80xi32, #tpu.memory_space<vmem>>
      %dma_wait3A_1611 = tpu.memref_squeeze %dma_wait3A_1610 : memref<1x80xi32, #tpu.memory_space<vmem>> -> memref<80xi32, #tpu.memory_space<vmem>>
      %dma_wait3A_1612 = arith.constant 0 : i32
      %dma_wait3A_1613 = arith.constant 0 : i32
      %dma_wait3A_1614 = tpu.memref_slice %arg12[%dma_wait3A_1612, %dma_wait3A_1613] : memref<10000x128xf32, #tpu.memory_space<vmem_shared>> -> memref<10000x128xf32, #tpu.memory_space<vmem_shared>>
      tpu.wait_indirect_dma semaphore(%arg18 : memref<!tpu.dma_semaphore, #tpu.memory_space<semaphore_mem>>) src(%dma_wait3A_1608 : memref<80x128xf32, #tpu.memory_space<vmem>>) dst(%dma_wait3A_1614 : memref<10000x128xf32, #tpu.memory_space<vmem_shared>>)
    }
    %scan3A_11 = arith.constant 7 : i32
    "tpu.region"() ({
      %run_scoped3A = tpu.sem_alloc : memref<!tpu.dma_semaphore, #tpu.memory_space<semaphore_mem>>
      %dma_start3A_842 = arith.constant 0 : i32
      %dma_start3A_843 = arith.constant 0 : i32
      %dma_start3A_844 = tpu.memref_slice %arg8[%dma_start3A_842, %dma_start3A_843] : memref<16x80xi32, #tpu.memory_space<vmem>> -> memref<13x80xi32, #tpu.memory_space<vmem>>
      %dma_start3A_845 = arith.constant 112 : i32
      %dma_start3A_846 = arith.constant 0 : i32
      %dma_start3A_847 = tpu.memref_slice %arg3[%add3A, %dma_start3A_845, %dma_start3A_846] : memref<32x125x80xi32, #tpu.memory_space<hbm>> -> memref<1x13x80xi32, #tpu.memory_space<hbm>>
      %dma_start3A_848 = tpu.memref_squeeze %dma_start3A_847 : memref<1x13x80xi32, #tpu.memory_space<hbm>> -> memref<13x80xi32, #tpu.memory_space<hbm>>
      %dma_start3A_849 = arith.constant 0 : i32
      %dma_start3A_850 = arith.constant 0 : i32
      %dma_start3A_851 = tpu.memref_slice %arg8[%dma_start3A_849, %dma_start3A_850] : memref<16x80xi32, #tpu.memory_space<vmem>> -> memref<13x80xi32, #tpu.memory_space<vmem>>
      %dma_start3A_852 = arith.constant 112 : i32
      %dma_start3A_853 = arith.constant 0 : i32
      %dma_start3A_854 = tpu.memref_slice %arg3[%add3A, %dma_start3A_852, %dma_start3A_853] : memref<32x125x80xi32, #tpu.memory_space<hbm>> -> memref<1x13x80xi32, #tpu.memory_space<hbm>>
      %dma_start3A_855 = tpu.memref_squeeze %dma_start3A_854 : memref<1x13x80xi32, #tpu.memory_space<hbm>> -> memref<13x80xi32, #tpu.memory_space<hbm>>
      tpu.enqueue_dma source(%dma_start3A_855 : memref<13x80xi32, #tpu.memory_space<hbm>>) target(%dma_start3A_851 : memref<13x80xi32, #tpu.memory_space<vmem>>) target_semaphore(%run_scoped3A : memref<!tpu.dma_semaphore, #tpu.memory_space<semaphore_mem>>)
      %dma_wait3A_856 = arith.constant 0 : i32
      %dma_wait3A_857 = arith.constant 0 : i32
      %dma_wait3A_858 = tpu.memref_slice %arg8[%dma_wait3A_856, %dma_wait3A_857] : memref<16x80xi32, #tpu.memory_space<vmem>> -> memref<13x80xi32, #tpu.memory_space<vmem>>
      %dma_wait3A_859 = arith.constant 112 : i32
      %dma_wait3A_860 = arith.constant 0 : i32
      %dma_wait3A_861 = tpu.memref_slice %arg3[%add3A, %dma_wait3A_859, %dma_wait3A_860] : memref<32x125x80xi32, #tpu.memory_space<hbm>> -> memref<1x13x80xi32, #tpu.memory_space<hbm>>
      %dma_wait3A_862 = tpu.memref_squeeze %dma_wait3A_861 : memref<1x13x80xi32, #tpu.memory_space<hbm>> -> memref<13x80xi32, #tpu.memory_space<hbm>>
      %dma_wait3A_863 = arith.constant 0 : i32
      %dma_wait3A_864 = arith.constant 0 : i32
      %dma_wait3A_865 = tpu.memref_slice %arg8[%dma_wait3A_863, %dma_wait3A_864] : memref<16x80xi32, #tpu.memory_space<vmem>> -> memref<13x80xi32, #tpu.memory_space<vmem>>
      %dma_wait3A_866 = arith.constant 112 : i32
      %dma_wait3A_867 = arith.constant 0 : i32
      %dma_wait3A_868 = tpu.memref_slice %arg3[%add3A, %dma_wait3A_866, %dma_wait3A_867] : memref<32x125x80xi32, #tpu.memory_space<hbm>> -> memref<1x13x80xi32, #tpu.memory_space<hbm>>
      %dma_wait3A_869 = tpu.memref_squeeze %dma_wait3A_868 : memref<1x13x80xi32, #tpu.memory_space<hbm>> -> memref<13x80xi32, #tpu.memory_space<hbm>>
      tpu.wait_dma2 semaphore(%run_scoped3A : memref<!tpu.dma_semaphore, #tpu.memory_space<semaphore_mem>>) src(%dma_wait3A_869 : memref<13x80xi32, #tpu.memory_space<hbm>>) dst(%dma_wait3A_865 : memref<13x80xi32, #tpu.memory_space<vmem>>)
      tpu.yield
    }) : () -> ()
    "tpu.region"() ({
      %run_scoped3A = tpu.sem_alloc : memref<!tpu.dma_semaphore, #tpu.memory_space<semaphore_mem>>
      %dma_start3A_842 = arith.constant 0 : i32
      %dma_start3A_843 = arith.constant 0 : i32
      %dma_start3A_844 = tpu.memref_slice %arg9[%dma_start3A_842, %dma_start3A_843] : memref<16x80xi32, #tpu.memory_space<vmem>> -> memref<13x80xi32, #tpu.memory_space<vmem>>
      %dma_start3A_845 = arith.constant 112 : i32
      %dma_start3A_846 = arith.constant 0 : i32
      %dma_start3A_847 = tpu.memref_slice %arg4[%add3A, %dma_start3A_845, %dma_start3A_846] : memref<32x125x80xi32, #tpu.memory_space<hbm>> -> memref<1x13x80xi32, #tpu.memory_space<hbm>>
      %dma_start3A_848 = tpu.memref_squeeze %dma_start3A_847 : memref<1x13x80xi32, #tpu.memory_space<hbm>> -> memref<13x80xi32, #tpu.memory_space<hbm>>
      %dma_start3A_849 = arith.constant 0 : i32
      %dma_start3A_850 = arith.constant 0 : i32
      %dma_start3A_851 = tpu.memref_slice %arg9[%dma_start3A_849, %dma_start3A_850] : memref<16x80xi32, #tpu.memory_space<vmem>> -> memref<13x80xi32, #tpu.memory_space<vmem>>
      %dma_start3A_852 = arith.constant 112 : i32
      %dma_start3A_853 = arith.constant 0 : i32
      %dma_start3A_854 = tpu.memref_slice %arg4[%add3A, %dma_start3A_852, %dma_start3A_853] : memref<32x125x80xi32, #tpu.memory_space<hbm>> -> memref<1x13x80xi32, #tpu.memory_space<hbm>>
      %dma_start3A_855 = tpu.memref_squeeze %dma_start3A_854 : memref<1x13x80xi32, #tpu.memory_space<hbm>> -> memref<13x80xi32, #tpu.memory_space<hbm>>
      tpu.enqueue_dma source(%dma_start3A_855 : memref<13x80xi32, #tpu.memory_space<hbm>>) target(%dma_start3A_851 : memref<13x80xi32, #tpu.memory_space<vmem>>) target_semaphore(%run_scoped3A : memref<!tpu.dma_semaphore, #tpu.memory_space<semaphore_mem>>)
      %dma_wait3A_856 = arith.constant 0 : i32
      %dma_wait3A_857 = arith.constant 0 : i32
      %dma_wait3A_858 = tpu.memref_slice %arg9[%dma_wait3A_856, %dma_wait3A_857] : memref<16x80xi32, #tpu.memory_space<vmem>> -> memref<13x80xi32, #tpu.memory_space<vmem>>
      %dma_wait3A_859 = arith.constant 112 : i32
      %dma_wait3A_860 = arith.constant 0 : i32
      %dma_wait3A_861 = tpu.memref_slice %arg4[%add3A, %dma_wait3A_859, %dma_wait3A_860] : memref<32x125x80xi32, #tpu.memory_space<hbm>> -> memref<1x13x80xi32, #tpu.memory_space<hbm>>
      %dma_wait3A_862 = tpu.memref_squeeze %dma_wait3A_861 : memref<1x13x80xi32, #tpu.memory_space<hbm>> -> memref<13x80xi32, #tpu.memory_space<hbm>>
      %dma_wait3A_863 = arith.constant 0 : i32
      %dma_wait3A_864 = arith.constant 0 : i32
      %dma_wait3A_865 = tpu.memref_slice %arg9[%dma_wait3A_863, %dma_wait3A_864] : memref<16x80xi32, #tpu.memory_space<vmem>> -> memref<13x80xi32, #tpu.memory_space<vmem>>
      %dma_wait3A_866 = arith.constant 112 : i32
      %dma_wait3A_867 = arith.constant 0 : i32
      %dma_wait3A_868 = tpu.memref_slice %arg4[%add3A, %dma_wait3A_866, %dma_wait3A_867] : memref<32x125x80xi32, #tpu.memory_space<hbm>> -> memref<1x13x80xi32, #tpu.memory_space<hbm>>
      %dma_wait3A_869 = tpu.memref_squeeze %dma_wait3A_868 : memref<1x13x80xi32, #tpu.memory_space<hbm>> -> memref<13x80xi32, #tpu.memory_space<hbm>>
      tpu.wait_dma2 semaphore(%run_scoped3A : memref<!tpu.dma_semaphore, #tpu.memory_space<semaphore_mem>>) src(%dma_wait3A_869 : memref<13x80xi32, #tpu.memory_space<hbm>>) dst(%dma_wait3A_865 : memref<13x80xi32, #tpu.memory_space<vmem>>)
      tpu.yield
    }) : () -> ()
    %dma_start3A = arith.constant 0 : i32
    %dma_start3A_12 = arith.constant 0 : i32
    %dma_start3A_13 = arith.constant 0 : i32
    %dma_start3A_14 = arith.constant 0 : i32
    %dma_start3A_15 = tpu.memref_slice %arg10[%dma_start3A_12, %dma_start3A_13, %dma_start3A_14] : memref<3x80x128xf32, #tpu.memory_space<vmem>> -> memref<1x80x128xf32, #tpu.memory_space<vmem>>
    %dma_start3A_16 = tpu.memref_squeeze %dma_start3A_15 : memref<1x80x128xf32, #tpu.memory_space<vmem>> -> memref<80x128xf32, #tpu.memory_space<vmem>>
    %dma_start3A_17 = arith.constant 0 : i32
    %dma_start3A_18 = tpu.memref_slice %arg8[%dma_start3A, %dma_start3A_17] : memref<16x80xi32, #tpu.memory_space<vmem>> -> memref<1x80xi32, #tpu.memory_space<vmem>>
    %dma_start3A_19 = tpu.memref_squeeze %dma_start3A_18 : memref<1x80xi32, #tpu.memory_space<vmem>> -> memref<80xi32, #tpu.memory_space<vmem>>
    %dma_start3A_20 = arith.constant 0 : i32
    %dma_start3A_21 = arith.constant 0 : i32
    %dma_start3A_22 = tpu.memref_slice %arg2[%dma_start3A_20, %dma_start3A_21] : memref<40000x128xf32, #tpu.memory_space<hbm>> -> memref<40000x128xf32, #tpu.memory_space<hbm>>
    tpu.enqueue_indirect_dma source(%dma_start3A_22 : memref<40000x128xf32, #tpu.memory_space<hbm>>) target(%dma_start3A_16 : memref<80x128xf32, #tpu.memory_space<vmem>>) offsets(%dma_start3A_19 : memref<80xi32, #tpu.memory_space<vmem>>) semaphore(%arg13 : memref<!tpu.dma_semaphore, #tpu.memory_space<semaphore_mem>>)
    %dma_start3A_23 = arith.constant 1 : i32
    %dma_start3A_24 = arith.constant 1 : i32
    %dma_start3A_25 = arith.constant 0 : i32
    %dma_start3A_26 = arith.constant 0 : i32
    %dma_start3A_27 = tpu.memref_slice %arg10[%dma_start3A_24, %dma_start3A_25, %dma_start3A_26] : memref<3x80x128xf32, #tpu.memory_space<vmem>> -> memref<1x80x128xf32, #tpu.memory_space<vmem>>
    %dma_start3A_28 = tpu.memref_squeeze %dma_start3A_27 : memref<1x80x128xf32, #tpu.memory_space<vmem>> -> memref<80x128xf32, #tpu.memory_space<vmem>>
    %dma_start3A_29 = arith.constant 0 : i32
    %dma_start3A_30 = tpu.memref_slice %arg8[%dma_start3A_23, %dma_start3A_29] : memref<16x80xi32, #tpu.memory_space<vmem>> -> memref<1x80xi32, #tpu.memory_space<vmem>>
    %dma_start3A_31 = tpu.memref_squeeze %dma_start3A_30 : memref<1x80xi32, #tpu.memory_space<vmem>> -> memref<80xi32, #tpu.memory_space<vmem>>
    %dma_start3A_32 = arith.constant 0 : i32
    %dma_start3A_33 = arith.constant 0 : i32
    %dma_start3A_34 = tpu.memref_slice %arg2[%dma_start3A_32, %dma_start3A_33] : memref<40000x128xf32, #tpu.memory_space<hbm>> -> memref<40000x128xf32, #tpu.memory_space<hbm>>
    tpu.enqueue_indirect_dma source(%dma_start3A_34 : memref<40000x128xf32, #tpu.memory_space<hbm>>) target(%dma_start3A_28 : memref<80x128xf32, #tpu.memory_space<vmem>>) offsets(%dma_start3A_31 : memref<80xi32, #tpu.memory_space<vmem>>) semaphore(%arg14 : memref<!tpu.dma_semaphore, #tpu.memory_space<semaphore_mem>>)
    %dma_wait3A = arith.constant 0 : i32
    %dma_wait3A_35 = arith.constant 0 : i32
    %dma_wait3A_36 = arith.constant 0 : i32
    %dma_wait3A_37 = arith.constant 0 : i32
    %dma_wait3A_38 = tpu.memref_slice %arg10[%dma_wait3A_35, %dma_wait3A_36, %dma_wait3A_37] : memref<3x80x128xf32, #tpu.memory_space<vmem>> -> memref<1x80x128xf32, #tpu.memory_space<vmem>>
    %dma_wait3A_39 = tpu.memref_squeeze %dma_wait3A_38 : memref<1x80x128xf32, #tpu.memory_space<vmem>> -> memref<80x128xf32, #tpu.memory_space<vmem>>
    %dma_wait3A_40 = arith.constant 0 : i32
    %dma_wait3A_41 = tpu.memref_slice %arg8[%dma_wait3A, %dma_wait3A_40] : memref<16x80xi32, #tpu.memory_space<vmem>> -> memref<1x80xi32, #tpu.memory_space<vmem>>
    %dma_wait3A_42 = tpu.memref_squeeze %dma_wait3A_41 : memref<1x80xi32, #tpu.memory_space<vmem>> -> memref<80xi32, #tpu.memory_space<vmem>>
    %dma_wait3A_43 = arith.constant 0 : i32
    %dma_wait3A_44 = arith.constant 0 : i32
    %dma_wait3A_45 = tpu.memref_slice %arg2[%dma_wait3A_43, %dma_wait3A_44] : memref<40000x128xf32, #tpu.memory_space<hbm>> -> memref<40000x128xf32, #tpu.memory_space<hbm>>
    tpu.wait_indirect_dma semaphore(%arg13 : memref<!tpu.dma_semaphore, #tpu.memory_space<semaphore_mem>>) src(%dma_wait3A_45 : memref<40000x128xf32, #tpu.memory_space<hbm>>) dst(%dma_wait3A_39 : memref<80x128xf32, #tpu.memory_space<vmem>>)
    %dma_start3A_46 = arith.constant 0 : i32
    %dma_start3A_47 = arith.constant 0 : i32
    %dma_start3A_48 = arith.constant 0 : i32
    %dma_start3A_49 = arith.constant 0 : i32
    %dma_start3A_50 = tpu.memref_slice %arg10[%dma_start3A_46, %dma_start3A_48, %dma_start3A_49] : memref<3x80x128xf32, #tpu.memory_space<vmem>> -> memref<1x80x128xf32, #tpu.memory_space<vmem>>
    %dma_start3A_51 = tpu.memref_squeeze %dma_start3A_50 : memref<1x80x128xf32, #tpu.memory_space<vmem>> -> memref<80x128xf32, #tpu.memory_space<vmem>>
    %dma_start3A_52 = arith.constant 0 : i32
    %dma_start3A_53 = tpu.memref_slice %arg9[%dma_start3A_47, %dma_start3A_52] : memref<16x80xi32, #tpu.memory_space<vmem>> -> memref<1x80xi32, #tpu.memory_space<vmem>>
    %dma_start3A_54 = tpu.memref_squeeze %dma_start3A_53 : memref<1x80xi32, #tpu.memory_space<vmem>> -> memref<80xi32, #tpu.memory_space<vmem>>
    %dma_start3A_55 = arith.constant 0 : i32
    %dma_start3A_56 = arith.constant 0 : i32
    %dma_start3A_57 = tpu.memref_slice %arg12[%dma_start3A_55, %dma_start3A_56] : memref<10000x128xf32, #tpu.memory_space<vmem_shared>> -> memref<10000x128xf32, #tpu.memory_space<vmem_shared>>
    tpu.enqueue_indirect_dma source(%dma_start3A_51 : memref<80x128xf32, #tpu.memory_space<vmem>>) target(%dma_start3A_57 : memref<10000x128xf32, #tpu.memory_space<vmem_shared>>) offsets(%dma_start3A_54 : memref<80xi32, #tpu.memory_space<vmem>>) semaphore(%arg16 : memref<!tpu.dma_semaphore, #tpu.memory_space<semaphore_mem>>) {add = true}
    %dma_start3A_58 = arith.constant 2 : i32
    %dma_start3A_59 = arith.constant 2 : i32
    %dma_start3A_60 = arith.constant 0 : i32
    %dma_start3A_61 = arith.constant 0 : i32
    %dma_start3A_62 = tpu.memref_slice %arg10[%dma_start3A_59, %dma_start3A_60, %dma_start3A_61] : memref<3x80x128xf32, #tpu.memory_space<vmem>> -> memref<1x80x128xf32, #tpu.memory_space<vmem>>
    %dma_start3A_63 = tpu.memref_squeeze %dma_start3A_62 : memref<1x80x128xf32, #tpu.memory_space<vmem>> -> memref<80x128xf32, #tpu.memory_space<vmem>>
    %dma_start3A_64 = arith.constant 0 : i32
    %dma_start3A_65 = tpu.memref_slice %arg8[%dma_start3A_58, %dma_start3A_64] : memref<16x80xi32, #tpu.memory_space<vmem>> -> memref<1x80xi32, #tpu.memory_space<vmem>>
    %dma_start3A_66 = tpu.memref_squeeze %dma_start3A_65 : memref<1x80xi32, #tpu.memory_space<vmem>> -> memref<80xi32, #tpu.memory_space<vmem>>
    %dma_start3A_67 = arith.constant 0 : i32
    %dma_start3A_68 = arith.constant 0 : i32
    %dma_start3A_69 = tpu.memref_slice %arg2[%dma_start3A_67, %dma_start3A_68] : memref<40000x128xf32, #tpu.memory_space<hbm>> -> memref<40000x128xf32, #tpu.memory_space<hbm>>
    tpu.enqueue_indirect_dma source(%dma_start3A_69 : memref<40000x128xf32, #tpu.memory_space<hbm>>) target(%dma_start3A_63 : memref<80x128xf32, #tpu.memory_space<vmem>>) offsets(%dma_start3A_66 : memref<80xi32, #tpu.memory_space<vmem>>) semaphore(%arg15 : memref<!tpu.dma_semaphore, #tpu.memory_space<semaphore_mem>>)
    %dma_wait3A_70 = arith.constant 1 : i32
    %dma_wait3A_71 = arith.constant 1 : i32
    %dma_wait3A_72 = arith.constant 0 : i32
    %dma_wait3A_73 = arith.constant 0 : i32
    %dma_wait3A_74 = tpu.memref_slice %arg10[%dma_wait3A_71, %dma_wait3A_72, %dma_wait3A_73] : memref<3x80x128xf32, #tpu.memory_space<vmem>> -> memref<1x80x128xf32, #tpu.memory_space<vmem>>
    %dma_wait3A_75 = tpu.memref_squeeze %dma_wait3A_74 : memref<1x80x128xf32, #tpu.memory_space<vmem>> -> memref<80x128xf32, #tpu.memory_space<vmem>>
    %dma_wait3A_76 = arith.constant 0 : i32
    %dma_wait3A_77 = tpu.memref_slice %arg8[%dma_wait3A_70, %dma_wait3A_76] : memref<16x80xi32, #tpu.memory_space<vmem>> -> memref<1x80xi32, #tpu.memory_space<vmem>>
    %dma_wait3A_78 = tpu.memref_squeeze %dma_wait3A_77 : memref<1x80xi32, #tpu.memory_space<vmem>> -> memref<80xi32, #tpu.memory_space<vmem>>
    %dma_wait3A_79 = arith.constant 0 : i32
    %dma_wait3A_80 = arith.constant 0 : i32
    %dma_wait3A_81 = tpu.memref_slice %arg2[%dma_wait3A_79, %dma_wait3A_80] : memref<40000x128xf32, #tpu.memory_space<hbm>> -> memref<40000x128xf32, #tpu.memory_space<hbm>>
    tpu.wait_indirect_dma semaphore(%arg14 : memref<!tpu.dma_semaphore, #tpu.memory_space<semaphore_mem>>) src(%dma_wait3A_81 : memref<40000x128xf32, #tpu.memory_space<hbm>>) dst(%dma_wait3A_75 : memref<80x128xf32, #tpu.memory_space<vmem>>)
    %dma_start3A_82 = arith.constant 1 : i32
    %dma_start3A_83 = arith.constant 1 : i32
    %dma_start3A_84 = arith.constant 0 : i32
    %dma_start3A_85 = arith.constant 0 : i32
    %dma_start3A_86 = tpu.memref_slice %arg10[%dma_start3A_82, %dma_start3A_84, %dma_start3A_85] : memref<3x80x128xf32, #tpu.memory_space<vmem>> -> memref<1x80x128xf32, #tpu.memory_space<vmem>>
    %dma_start3A_87 = tpu.memref_squeeze %dma_start3A_86 : memref<1x80x128xf32, #tpu.memory_space<vmem>> -> memref<80x128xf32, #tpu.memory_space<vmem>>
    %dma_start3A_88 = arith.constant 0 : i32
    %dma_start3A_89 = tpu.memref_slice %arg9[%dma_start3A_83, %dma_start3A_88] : memref<16x80xi32, #tpu.memory_space<vmem>> -> memref<1x80xi32, #tpu.memory_space<vmem>>
    %dma_start3A_90 = tpu.memref_squeeze %dma_start3A_89 : memref<1x80xi32, #tpu.memory_space<vmem>> -> memref<80xi32, #tpu.memory_space<vmem>>
    %dma_start3A_91 = arith.constant 0 : i32
    %dma_start3A_92 = arith.constant 0 : i32
    %dma_start3A_93 = tpu.memref_slice %arg12[%dma_start3A_91, %dma_start3A_92] : memref<10000x128xf32, #tpu.memory_space<vmem_shared>> -> memref<10000x128xf32, #tpu.memory_space<vmem_shared>>
    tpu.enqueue_indirect_dma source(%dma_start3A_87 : memref<80x128xf32, #tpu.memory_space<vmem>>) target(%dma_start3A_93 : memref<10000x128xf32, #tpu.memory_space<vmem_shared>>) offsets(%dma_start3A_90 : memref<80xi32, #tpu.memory_space<vmem>>) semaphore(%arg17 : memref<!tpu.dma_semaphore, #tpu.memory_space<semaphore_mem>>) {add = true}
    %dma_wait3A_94 = arith.constant 0 : i32
    %dma_wait3A_95 = arith.constant 0 : i32
    %dma_wait3A_96 = arith.constant 0 : i32
    %dma_wait3A_97 = arith.constant 0 : i32
    %dma_wait3A_98 = tpu.memref_slice %arg10[%dma_wait3A_94, %dma_wait3A_96, %dma_wait3A_97] : memref<3x80x128xf32, #tpu.memory_space<vmem>> -> memref<1x80x128xf32, #tpu.memory_space<vmem>>
    %dma_wait3A_99 = tpu.memref_squeeze %dma_wait3A_98 : memref<1x80x128xf32, #tpu.memory_space<vmem>> -> memref<80x128xf32, #tpu.memory_space<vmem>>
    %dma_wait3A_100 = arith.constant 0 : i32
    %dma_wait3A_101 = tpu.memref_slice %arg9[%dma_wait3A_95, %dma_wait3A_100] : memref<16x80xi32, #tpu.memory_space<vmem>> -> memref<1x80xi32, #tpu.memory_space<vmem>>
    %dma_wait3A_102 = tpu.memref_squeeze %dma_wait3A_101 : memref<1x80xi32, #tpu.memory_space<vmem>> -> memref<80xi32, #tpu.memory_space<vmem>>
    %dma_wait3A_103 = arith.constant 0 : i32
    %dma_wait3A_104 = arith.constant 0 : i32
    %dma_wait3A_105 = tpu.memref_slice %arg12[%dma_wait3A_103, %dma_wait3A_104] : memref<10000x128xf32, #tpu.memory_space<vmem_shared>> -> memref<10000x128xf32, #tpu.memory_space<vmem_shared>>
    tpu.wait_indirect_dma semaphore(%arg16 : memref<!tpu.dma_semaphore, #tpu.memory_space<semaphore_mem>>) src(%dma_wait3A_99 : memref<80x128xf32, #tpu.memory_space<vmem>>) dst(%dma_wait3A_105 : memref<10000x128xf32, #tpu.memory_space<vmem_shared>>)
    %dma_start3A_106 = arith.constant 3 : i32
    %dma_start3A_107 = arith.constant 0 : i32
    %dma_start3A_108 = arith.constant 0 : i32
    %dma_start3A_109 = arith.constant 0 : i32
    %dma_start3A_110 = tpu.memref_slice %arg10[%dma_start3A_107, %dma_start3A_108, %dma_start3A_109] : memref<3x80x128xf32, #tpu.memory_space<vmem>> -> memref<1x80x128xf32, #tpu.memory_space<vmem>>
    %dma_start3A_111 = tpu.memref_squeeze %dma_start3A_110 : memref<1x80x128xf32, #tpu.memory_space<vmem>> -> memref<80x128xf32, #tpu.memory_space<vmem>>
    %dma_start3A_112 = arith.constant 0 : i32
    %dma_start3A_113 = tpu.memref_slice %arg8[%dma_start3A_106, %dma_start3A_112] : memref<16x80xi32, #tpu.memory_space<vmem>> -> memref<1x80xi32, #tpu.memory_space<vmem>>
    %dma_start3A_114 = tpu.memref_squeeze %dma_start3A_113 : memref<1x80xi32, #tpu.memory_space<vmem>> -> memref<80xi32, #tpu.memory_space<vmem>>
    %dma_start3A_115 = arith.constant 0 : i32
    %dma_start3A_116 = arith.constant 0 : i32
    %dma_start3A_117 = tpu.memref_slice %arg2[%dma_start3A_115, %dma_start3A_116] : memref<40000x128xf32, #tpu.memory_space<hbm>> -> memref<40000x128xf32, #tpu.memory_space<hbm>>
    tpu.enqueue_indirect_dma source(%dma_start3A_117 : memref<40000x128xf32, #tpu.memory_space<hbm>>) target(%dma_start3A_111 : memref<80x128xf32, #tpu.memory_space<vmem>>) offsets(%dma_start3A_114 : memref<80xi32, #tpu.memory_space<vmem>>) semaphore(%arg13 : memref<!tpu.dma_semaphore, #tpu.memory_space<semaphore_mem>>)
    %dma_wait3A_118 = arith.constant 2 : i32
    %dma_wait3A_119 = arith.constant 2 : i32
    %dma_wait3A_120 = arith.constant 0 : i32
    %dma_wait3A_121 = arith.constant 0 : i32
    %dma_wait3A_122 = tpu.memref_slice %arg10[%dma_wait3A_119, %dma_wait3A_120, %dma_wait3A_121] : memref<3x80x128xf32, #tpu.memory_space<vmem>> -> memref<1x80x128xf32, #tpu.memory_space<vmem>>
    %dma_wait3A_123 = tpu.memref_squeeze %dma_wait3A_122 : memref<1x80x128xf32, #tpu.memory_space<vmem>> -> memref<80x128xf32, #tpu.memory_space<vmem>>
    %dma_wait3A_124 = arith.constant 0 : i32
    %dma_wait3A_125 = tpu.memref_slice %arg8[%dma_wait3A_118, %dma_wait3A_124] : memref<16x80xi32, #tpu.memory_space<vmem>> -> memref<1x80xi32, #tpu.memory_space<vmem>>
    %dma_wait3A_126 = tpu.memref_squeeze %dma_wait3A_125 : memref<1x80xi32, #tpu.memory_space<vmem>> -> memref<80xi32, #tpu.memory_space<vmem>>
    %dma_wait3A_127 = arith.constant 0 : i32
    %dma_wait3A_128 = arith.constant 0 : i32
    %dma_wait3A_129 = tpu.memref_slice %arg2[%dma_wait3A_127, %dma_wait3A_128] : memref<40000x128xf32, #tpu.memory_space<hbm>> -> memref<40000x128xf32, #tpu.memory_space<hbm>>
    tpu.wait_indirect_dma semaphore(%arg15 : memref<!tpu.dma_semaphore, #tpu.memory_space<semaphore_mem>>) src(%dma_wait3A_129 : memref<40000x128xf32, #tpu.memory_space<hbm>>) dst(%dma_wait3A_123 : memref<80x128xf32, #tpu.memory_space<vmem>>)
    %dma_start3A_130 = arith.constant 2 : i32
    %dma_start3A_131 = arith.constant 2 : i32
    %dma_start3A_132 = arith.constant 0 : i32
    %dma_start3A_133 = arith.constant 0 : i32
    %dma_start3A_134 = tpu.memref_slice %arg10[%dma_start3A_130, %dma_start3A_132, %dma_start3A_133] : memref<3x80x128xf32, #tpu.memory_space<vmem>> -> memref<1x80x128xf32, #tpu.memory_space<vmem>>
    %dma_start3A_135 = tpu.memref_squeeze %dma_start3A_134 : memref<1x80x128xf32, #tpu.memory_space<vmem>> -> memref<80x128xf32, #tpu.memory_space<vmem>>
    %dma_start3A_136 = arith.constant 0 : i32
    %dma_start3A_137 = tpu.memref_slice %arg9[%dma_start3A_131, %dma_start3A_136] : memref<16x80xi32, #tpu.memory_space<vmem>> -> memref<1x80xi32, #tpu.memory_space<vmem>>
    %dma_start3A_138 = tpu.memref_squeeze %dma_start3A_137 : memref<1x80xi32, #tpu.memory_space<vmem>> -> memref<80xi32, #tpu.memory_space<vmem>>
    %dma_start3A_139 = arith.constant 0 : i32
    %dma_start3A_140 = arith.constant 0 : i32
    %dma_start3A_141 = tpu.memref_slice %arg12[%dma_start3A_139, %dma_start3A_140] : memref<10000x128xf32, #tpu.memory_space<vmem_shared>> -> memref<10000x128xf32, #tpu.memory_space<vmem_shared>>
    tpu.enqueue_indirect_dma source(%dma_start3A_135 : memref<80x128xf32, #tpu.memory_space<vmem>>) target(%dma_start3A_141 : memref<10000x128xf32, #tpu.memory_space<vmem_shared>>) offsets(%dma_start3A_138 : memref<80xi32, #tpu.memory_space<vmem>>) semaphore(%arg18 : memref<!tpu.dma_semaphore, #tpu.memory_space<semaphore_mem>>) {add = true}
    %dma_wait3A_142 = arith.constant 1 : i32
    %dma_wait3A_143 = arith.constant 1 : i32
    %dma_wait3A_144 = arith.constant 0 : i32
    %dma_wait3A_145 = arith.constant 0 : i32
    %dma_wait3A_146 = tpu.memref_slice %arg10[%dma_wait3A_142, %dma_wait3A_144, %dma_wait3A_145] : memref<3x80x128xf32, #tpu.memory_space<vmem>> -> memref<1x80x128xf32, #tpu.memory_space<vmem>>
    %dma_wait3A_147 = tpu.memref_squeeze %dma_wait3A_146 : memref<1x80x128xf32, #tpu.memory_space<vmem>> -> memref<80x128xf32, #tpu.memory_space<vmem>>
    %dma_wait3A_148 = arith.constant 0 : i32
    %dma_wait3A_149 = tpu.memref_slice %arg9[%dma_wait3A_143, %dma_wait3A_148] : memref<16x80xi32, #tpu.memory_space<vmem>> -> memref<1x80xi32, #tpu.memory_space<vmem>>
    %dma_wait3A_150 = tpu.memref_squeeze %dma_wait3A_149 : memref<1x80xi32, #tpu.memory_space<vmem>> -> memref<80xi32, #tpu.memory_space<vmem>>
    %dma_wait3A_151 = arith.constant 0 : i32
    %dma_wait3A_152 = arith.constant 0 : i32
    %dma_wait3A_153 = tpu.memref_slice %arg12[%dma_wait3A_151, %dma_wait3A_152] : memref<10000x128xf32, #tpu.memory_space<vmem_shared>> -> memref<10000x128xf32, #tpu.memory_space<vmem_shared>>
    tpu.wait_indirect_dma semaphore(%arg17 : memref<!tpu.dma_semaphore, #tpu.memory_space<semaphore_mem>>) src(%dma_wait3A_147 : memref<80x128xf32, #tpu.memory_space<vmem>>) dst(%dma_wait3A_153 : memref<10000x128xf32, #tpu.memory_space<vmem_shared>>)
    %dma_start3A_154 = arith.constant 4 : i32
    %dma_start3A_155 = arith.constant 1 : i32
    %dma_start3A_156 = arith.constant 0 : i32
    %dma_start3A_157 = arith.constant 0 : i32
    %dma_start3A_158 = tpu.memref_slice %arg10[%dma_start3A_155, %dma_start3A_156, %dma_start3A_157] : memref<3x80x128xf32, #tpu.memory_space<vmem>> -> memref<1x80x128xf32, #tpu.memory_space<vmem>>
    %dma_start3A_159 = tpu.memref_squeeze %dma_start3A_158 : memref<1x80x128xf32, #tpu.memory_space<vmem>> -> memref<80x128xf32, #tpu.memory_space<vmem>>
    %dma_start3A_160 = arith.constant 0 : i32
    %dma_start3A_161 = tpu.memref_slice %arg8[%dma_start3A_154, %dma_start3A_160] : memref<16x80xi32, #tpu.memory_space<vmem>> -> memref<1x80xi32, #tpu.memory_space<vmem>>
    %dma_start3A_162 = tpu.memref_squeeze %dma_start3A_161 : memref<1x80xi32, #tpu.memory_space<vmem>> -> memref<80xi32, #tpu.memory_space<vmem>>
    %dma_start3A_163 = arith.constant 0 : i32
    %dma_start3A_164 = arith.constant 0 : i32
    %dma_start3A_165 = tpu.memref_slice %arg2[%dma_start3A_163, %dma_start3A_164] : memref<40000x128xf32, #tpu.memory_space<hbm>> -> memref<40000x128xf32, #tpu.memory_space<hbm>>
    tpu.enqueue_indirect_dma source(%dma_start3A_165 : memref<40000x128xf32, #tpu.memory_space<hbm>>) target(%dma_start3A_159 : memref<80x128xf32, #tpu.memory_space<vmem>>) offsets(%dma_start3A_162 : memref<80xi32, #tpu.memory_space<vmem>>) semaphore(%arg14 : memref<!tpu.dma_semaphore, #tpu.memory_space<semaphore_mem>>)
    %dma_wait3A_166 = arith.constant 3 : i32
    %dma_wait3A_167 = arith.constant 0 : i32
    %dma_wait3A_168 = arith.constant 0 : i32
    %dma_wait3A_169 = arith.constant 0 : i32
    %dma_wait3A_170 = tpu.memref_slice %arg10[%dma_wait3A_167, %dma_wait3A_168, %dma_wait3A_169] : memref<3x80x128xf32, #tpu.memory_space<vmem>> -> memref<1x80x128xf32, #tpu.memory_space<vmem>>
    %dma_wait3A_171 = tpu.memref_squeeze %dma_wait3A_170 : memref<1x80x128xf32, #tpu.memory_space<vmem>> -> memref<80x128xf32, #tpu.memory_space<vmem>>
    %dma_wait3A_172 = arith.constant 0 : i32
    %dma_wait3A_173 = tpu.memref_slice %arg8[%dma_wait3A_166, %dma_wait3A_172] : memref<16x80xi32, #tpu.memory_space<vmem>> -> memref<1x80xi32, #tpu.memory_space<vmem>>
    %dma_wait3A_174 = tpu.memref_squeeze %dma_wait3A_173 : memref<1x80xi32, #tpu.memory_space<vmem>> -> memref<80xi32, #tpu.memory_space<vmem>>
    %dma_wait3A_175 = arith.constant 0 : i32
    %dma_wait3A_176 = arith.constant 0 : i32
    %dma_wait3A_177 = tpu.memref_slice %arg2[%dma_wait3A_175, %dma_wait3A_176] : memref<40000x128xf32, #tpu.memory_space<hbm>> -> memref<40000x128xf32, #tpu.memory_space<hbm>>
    tpu.wait_indirect_dma semaphore(%arg13 : memref<!tpu.dma_semaphore, #tpu.memory_space<semaphore_mem>>) src(%dma_wait3A_177 : memref<40000x128xf32, #tpu.memory_space<hbm>>) dst(%dma_wait3A_171 : memref<80x128xf32, #tpu.memory_space<vmem>>)
    %dma_start3A_178 = arith.constant 0 : i32
    %dma_start3A_179 = arith.constant 3 : i32
    %dma_start3A_180 = arith.constant 0 : i32
    %dma_start3A_181 = arith.constant 0 : i32
    %dma_start3A_182 = tpu.memref_slice %arg10[%dma_start3A_178, %dma_start3A_180, %dma_start3A_181] : memref<3x80x128xf32, #tpu.memory_space<vmem>> -> memref<1x80x128xf32, #tpu.memory_space<vmem>>
    %dma_start3A_183 = tpu.memref_squeeze %dma_start3A_182 : memref<1x80x128xf32, #tpu.memory_space<vmem>> -> memref<80x128xf32, #tpu.memory_space<vmem>>
    %dma_start3A_184 = arith.constant 0 : i32
    %dma_start3A_185 = tpu.memref_slice %arg9[%dma_start3A_179, %dma_start3A_184] : memref<16x80xi32, #tpu.memory_space<vmem>> -> memref<1x80xi32, #tpu.memory_space<vmem>>
    %dma_start3A_186 = tpu.memref_squeeze %dma_start3A_185 : memref<1x80xi32, #tpu.memory_space<vmem>> -> memref<80xi32, #tpu.memory_space<vmem>>
    %dma_start3A_187 = arith.constant 0 : i32
    %dma_start3A_188 = arith.constant 0 : i32
    %dma_start3A_189 = tpu.memref_slice %arg12[%dma_start3A_187, %dma_start3A_188] : memref<10000x128xf32, #tpu.memory_space<vmem_shared>> -> memref<10000x128xf32, #tpu.memory_space<vmem_shared>>
    tpu.enqueue_indirect_dma source(%dma_start3A_183 : memref<80x128xf32, #tpu.memory_space<vmem>>) target(%dma_start3A_189 : memref<10000x128xf32, #tpu.memory_space<vmem_shared>>) offsets(%dma_start3A_186 : memref<80xi32, #tpu.memory_space<vmem>>) semaphore(%arg16 : memref<!tpu.dma_semaphore, #tpu.memory_space<semaphore_mem>>) {add = true}
    %dma_wait3A_190 = arith.constant 2 : i32
    %dma_wait3A_191 = arith.constant 2 : i32
    %dma_wait3A_192 = arith.constant 0 : i32
    %dma_wait3A_193 = arith.constant 0 : i32
    %dma_wait3A_194 = tpu.memref_slice %arg10[%dma_wait3A_190, %dma_wait3A_192, %dma_wait3A_193] : memref<3x80x128xf32, #tpu.memory_space<vmem>> -> memref<1x80x128xf32, #tpu.memory_space<vmem>>
    %dma_wait3A_195 = tpu.memref_squeeze %dma_wait3A_194 : memref<1x80x128xf32, #tpu.memory_space<vmem>> -> memref<80x128xf32, #tpu.memory_space<vmem>>
    %dma_wait3A_196 = arith.constant 0 : i32
    %dma_wait3A_197 = tpu.memref_slice %arg9[%dma_wait3A_191, %dma_wait3A_196] : memref<16x80xi32, #tpu.memory_space<vmem>> -> memref<1x80xi32, #tpu.memory_space<vmem>>
    %dma_wait3A_198 = tpu.memref_squeeze %dma_wait3A_197 : memref<1x80xi32, #tpu.memory_space<vmem>> -> memref<80xi32, #tpu.memory_space<vmem>>
    %dma_wait3A_199 = arith.constant 0 : i32
    %dma_wait3A_200 = arith.constant 0 : i32
    %dma_wait3A_201 = tpu.memref_slice %arg12[%dma_wait3A_199, %dma_wait3A_200] : memref<10000x128xf32, #tpu.memory_space<vmem_shared>> -> memref<10000x128xf32, #tpu.memory_space<vmem_shared>>
    tpu.wait_indirect_dma semaphore(%arg18 : memref<!tpu.dma_semaphore, #tpu.memory_space<semaphore_mem>>) src(%dma_wait3A_195 : memref<80x128xf32, #tpu.memory_space<vmem>>) dst(%dma_wait3A_201 : memref<10000x128xf32, #tpu.memory_space<vmem_shared>>)
    %dma_start3A_202 = arith.constant 5 : i32
    %dma_start3A_203 = arith.constant 2 : i32
    %dma_start3A_204 = arith.constant 0 : i32
    %dma_start3A_205 = arith.constant 0 : i32
    %dma_start3A_206 = tpu.memref_slice %arg10[%dma_start3A_203, %dma_start3A_204, %dma_start3A_205] : memref<3x80x128xf32, #tpu.memory_space<vmem>> -> memref<1x80x128xf32, #tpu.memory_space<vmem>>
    %dma_start3A_207 = tpu.memref_squeeze %dma_start3A_206 : memref<1x80x128xf32, #tpu.memory_space<vmem>> -> memref<80x128xf32, #tpu.memory_space<vmem>>
    %dma_start3A_208 = arith.constant 0 : i32
    %dma_start3A_209 = tpu.memref_slice %arg8[%dma_start3A_202, %dma_start3A_208] : memref<16x80xi32, #tpu.memory_space<vmem>> -> memref<1x80xi32, #tpu.memory_space<vmem>>
    %dma_start3A_210 = tpu.memref_squeeze %dma_start3A_209 : memref<1x80xi32, #tpu.memory_space<vmem>> -> memref<80xi32, #tpu.memory_space<vmem>>
    %dma_start3A_211 = arith.constant 0 : i32
    %dma_start3A_212 = arith.constant 0 : i32
    %dma_start3A_213 = tpu.memref_slice %arg2[%dma_start3A_211, %dma_start3A_212] : memref<40000x128xf32, #tpu.memory_space<hbm>> -> memref<40000x128xf32, #tpu.memory_space<hbm>>
    tpu.enqueue_indirect_dma source(%dma_start3A_213 : memref<40000x128xf32, #tpu.memory_space<hbm>>) target(%dma_start3A_207 : memref<80x128xf32, #tpu.memory_space<vmem>>) offsets(%dma_start3A_210 : memref<80xi32, #tpu.memory_space<vmem>>) semaphore(%arg15 : memref<!tpu.dma_semaphore, #tpu.memory_space<semaphore_mem>>)
    %dma_wait3A_214 = arith.constant 4 : i32
    %dma_wait3A_215 = arith.constant 1 : i32
    %dma_wait3A_216 = arith.constant 0 : i32
    %dma_wait3A_217 = arith.constant 0 : i32
    %dma_wait3A_218 = tpu.memref_slice %arg10[%dma_wait3A_215, %dma_wait3A_216, %dma_wait3A_217] : memref<3x80x128xf32, #tpu.memory_space<vmem>> -> memref<1x80x128xf32, #tpu.memory_space<vmem>>
    %dma_wait3A_219 = tpu.memref_squeeze %dma_wait3A_218 : memref<1x80x128xf32, #tpu.memory_space<vmem>> -> memref<80x128xf32, #tpu.memory_space<vmem>>
    %dma_wait3A_220 = arith.constant 0 : i32
    %dma_wait3A_221 = tpu.memref_slice %arg8[%dma_wait3A_214, %dma_wait3A_220] : memref<16x80xi32, #tpu.memory_space<vmem>> -> memref<1x80xi32, #tpu.memory_space<vmem>>
    %dma_wait3A_222 = tpu.memref_squeeze %dma_wait3A_221 : memref<1x80xi32, #tpu.memory_space<vmem>> -> memref<80xi32, #tpu.memory_space<vmem>>
    %dma_wait3A_223 = arith.constant 0 : i32
    %dma_wait3A_224 = arith.constant 0 : i32
    %dma_wait3A_225 = tpu.memref_slice %arg2[%dma_wait3A_223, %dma_wait3A_224] : memref<40000x128xf32, #tpu.memory_space<hbm>> -> memref<40000x128xf32, #tpu.memory_space<hbm>>
    tpu.wait_indirect_dma semaphore(%arg14 : memref<!tpu.dma_semaphore, #tpu.memory_space<semaphore_mem>>) src(%dma_wait3A_225 : memref<40000x128xf32, #tpu.memory_space<hbm>>) dst(%dma_wait3A_219 : memref<80x128xf32, #tpu.memory_space<vmem>>)
    %dma_start3A_226 = arith.constant 1 : i32
    %dma_start3A_227 = arith.constant 4 : i32
    %dma_start3A_228 = arith.constant 0 : i32
    %dma_start3A_229 = arith.constant 0 : i32
    %dma_start3A_230 = tpu.memref_slice %arg10[%dma_start3A_226, %dma_start3A_228, %dma_start3A_229] : memref<3x80x128xf32, #tpu.memory_space<vmem>> -> memref<1x80x128xf32, #tpu.memory_space<vmem>>
    %dma_start3A_231 = tpu.memref_squeeze %dma_start3A_230 : memref<1x80x128xf32, #tpu.memory_space<vmem>> -> memref<80x128xf32, #tpu.memory_space<vmem>>
    %dma_start3A_232 = arith.constant 0 : i32
    %dma_start3A_233 = tpu.memref_slice %arg9[%dma_start3A_227, %dma_start3A_232] : memref<16x80xi32, #tpu.memory_space<vmem>> -> memref<1x80xi32, #tpu.memory_space<vmem>>
    %dma_start3A_234 = tpu.memref_squeeze %dma_start3A_233 : memref<1x80xi32, #tpu.memory_space<vmem>> -> memref<80xi32, #tpu.memory_space<vmem>>
    %dma_start3A_235 = arith.constant 0 : i32
    %dma_start3A_236 = arith.constant 0 : i32
    %dma_start3A_237 = tpu.memref_slice %arg12[%dma_start3A_235, %dma_start3A_236] : memref<10000x128xf32, #tpu.memory_space<vmem_shared>> -> memref<10000x128xf32, #tpu.memory_space<vmem_shared>>
    tpu.enqueue_indirect_dma source(%dma_start3A_231 : memref<80x128xf32, #tpu.memory_space<vmem>>) target(%dma_start3A_237 : memref<10000x128xf32, #tpu.memory_space<vmem_shared>>) offsets(%dma_start3A_234 : memref<80xi32, #tpu.memory_space<vmem>>) semaphore(%arg17 : memref<!tpu.dma_semaphore, #tpu.memory_space<semaphore_mem>>) {add = true}
    %dma_wait3A_238 = arith.constant 0 : i32
    %dma_wait3A_239 = arith.constant 3 : i32
    %dma_wait3A_240 = arith.constant 0 : i32
    %dma_wait3A_241 = arith.constant 0 : i32
    %dma_wait3A_242 = tpu.memref_slice %arg10[%dma_wait3A_238, %dma_wait3A_240, %dma_wait3A_241] : memref<3x80x128xf32, #tpu.memory_space<vmem>> -> memref<1x80x128xf32, #tpu.memory_space<vmem>>
    %dma_wait3A_243 = tpu.memref_squeeze %dma_wait3A_242 : memref<1x80x128xf32, #tpu.memory_space<vmem>> -> memref<80x128xf32, #tpu.memory_space<vmem>>
    %dma_wait3A_244 = arith.constant 0 : i32
    %dma_wait3A_245 = tpu.memref_slice %arg9[%dma_wait3A_239, %dma_wait3A_244] : memref<16x80xi32, #tpu.memory_space<vmem>> -> memref<1x80xi32, #tpu.memory_space<vmem>>
    %dma_wait3A_246 = tpu.memref_squeeze %dma_wait3A_245 : memref<1x80xi32, #tpu.memory_space<vmem>> -> memref<80xi32, #tpu.memory_space<vmem>>
    %dma_wait3A_247 = arith.constant 0 : i32
    %dma_wait3A_248 = arith.constant 0 : i32
    %dma_wait3A_249 = tpu.memref_slice %arg12[%dma_wait3A_247, %dma_wait3A_248] : memref<10000x128xf32, #tpu.memory_space<vmem_shared>> -> memref<10000x128xf32, #tpu.memory_space<vmem_shared>>
    tpu.wait_indirect_dma semaphore(%arg16 : memref<!tpu.dma_semaphore, #tpu.memory_space<semaphore_mem>>) src(%dma_wait3A_243 : memref<80x128xf32, #tpu.memory_space<vmem>>) dst(%dma_wait3A_249 : memref<10000x128xf32, #tpu.memory_space<vmem_shared>>)
    %dma_start3A_250 = arith.constant 6 : i32
    %dma_start3A_251 = arith.constant 0 : i32
    %dma_start3A_252 = arith.constant 0 : i32
    %dma_start3A_253 = arith.constant 0 : i32
    %dma_start3A_254 = tpu.memref_slice %arg10[%dma_start3A_251, %dma_start3A_252, %dma_start3A_253] : memref<3x80x128xf32, #tpu.memory_space<vmem>> -> memref<1x80x128xf32, #tpu.memory_space<vmem>>
    %dma_start3A_255 = tpu.memref_squeeze %dma_start3A_254 : memref<1x80x128xf32, #tpu.memory_space<vmem>> -> memref<80x128xf32, #tpu.memory_space<vmem>>
    %dma_start3A_256 = arith.constant 0 : i32
    %dma_start3A_257 = tpu.memref_slice %arg8[%dma_start3A_250, %dma_start3A_256] : memref<16x80xi32, #tpu.memory_space<vmem>> -> memref<1x80xi32, #tpu.memory_space<vmem>>
    %dma_start3A_258 = tpu.memref_squeeze %dma_start3A_257 : memref<1x80xi32, #tpu.memory_space<vmem>> -> memref<80xi32, #tpu.memory_space<vmem>>
    %dma_start3A_259 = arith.constant 0 : i32
    %dma_start3A_260 = arith.constant 0 : i32
    %dma_start3A_261 = tpu.memref_slice %arg2[%dma_start3A_259, %dma_start3A_260] : memref<40000x128xf32, #tpu.memory_space<hbm>> -> memref<40000x128xf32, #tpu.memory_space<hbm>>
    tpu.enqueue_indirect_dma source(%dma_start3A_261 : memref<40000x128xf32, #tpu.memory_space<hbm>>) target(%dma_start3A_255 : memref<80x128xf32, #tpu.memory_space<vmem>>) offsets(%dma_start3A_258 : memref<80xi32, #tpu.memory_space<vmem>>) semaphore(%arg13 : memref<!tpu.dma_semaphore, #tpu.memory_space<semaphore_mem>>)
    %dma_wait3A_262 = arith.constant 5 : i32
    %dma_wait3A_263 = arith.constant 2 : i32
    %dma_wait3A_264 = arith.constant 0 : i32
    %dma_wait3A_265 = arith.constant 0 : i32
    %dma_wait3A_266 = tpu.memref_slice %arg10[%dma_wait3A_263, %dma_wait3A_264, %dma_wait3A_265] : memref<3x80x128xf32, #tpu.memory_space<vmem>> -> memref<1x80x128xf32, #tpu.memory_space<vmem>>
    %dma_wait3A_267 = tpu.memref_squeeze %dma_wait3A_266 : memref<1x80x128xf32, #tpu.memory_space<vmem>> -> memref<80x128xf32, #tpu.memory_space<vmem>>
    %dma_wait3A_268 = arith.constant 0 : i32
    %dma_wait3A_269 = tpu.memref_slice %arg8[%dma_wait3A_262, %dma_wait3A_268] : memref<16x80xi32, #tpu.memory_space<vmem>> -> memref<1x80xi32, #tpu.memory_space<vmem>>
    %dma_wait3A_270 = tpu.memref_squeeze %dma_wait3A_269 : memref<1x80xi32, #tpu.memory_space<vmem>> -> memref<80xi32, #tpu.memory_space<vmem>>
    %dma_wait3A_271 = arith.constant 0 : i32
    %dma_wait3A_272 = arith.constant 0 : i32
    %dma_wait3A_273 = tpu.memref_slice %arg2[%dma_wait3A_271, %dma_wait3A_272] : memref<40000x128xf32, #tpu.memory_space<hbm>> -> memref<40000x128xf32, #tpu.memory_space<hbm>>
    tpu.wait_indirect_dma semaphore(%arg15 : memref<!tpu.dma_semaphore, #tpu.memory_space<semaphore_mem>>) src(%dma_wait3A_273 : memref<40000x128xf32, #tpu.memory_space<hbm>>) dst(%dma_wait3A_267 : memref<80x128xf32, #tpu.memory_space<vmem>>)
    %dma_start3A_274 = arith.constant 2 : i32
    %dma_start3A_275 = arith.constant 5 : i32
    %dma_start3A_276 = arith.constant 0 : i32
    %dma_start3A_277 = arith.constant 0 : i32
    %dma_start3A_278 = tpu.memref_slice %arg10[%dma_start3A_274, %dma_start3A_276, %dma_start3A_277] : memref<3x80x128xf32, #tpu.memory_space<vmem>> -> memref<1x80x128xf32, #tpu.memory_space<vmem>>
    %dma_start3A_279 = tpu.memref_squeeze %dma_start3A_278 : memref<1x80x128xf32, #tpu.memory_space<vmem>> -> memref<80x128xf32, #tpu.memory_space<vmem>>
    %dma_start3A_280 = arith.constant 0 : i32
    %dma_start3A_281 = tpu.memref_slice %arg9[%dma_start3A_275, %dma_start3A_280] : memref<16x80xi32, #tpu.memory_space<vmem>> -> memref<1x80xi32, #tpu.memory_space<vmem>>
    %dma_start3A_282 = tpu.memref_squeeze %dma_start3A_281 : memref<1x80xi32, #tpu.memory_space<vmem>> -> memref<80xi32, #tpu.memory_space<vmem>>
    %dma_start3A_283 = arith.constant 0 : i32
    %dma_start3A_284 = arith.constant 0 : i32
    %dma_start3A_285 = tpu.memref_slice %arg12[%dma_start3A_283, %dma_start3A_284] : memref<10000x128xf32, #tpu.memory_space<vmem_shared>> -> memref<10000x128xf32, #tpu.memory_space<vmem_shared>>
    tpu.enqueue_indirect_dma source(%dma_start3A_279 : memref<80x128xf32, #tpu.memory_space<vmem>>) target(%dma_start3A_285 : memref<10000x128xf32, #tpu.memory_space<vmem_shared>>) offsets(%dma_start3A_282 : memref<80xi32, #tpu.memory_space<vmem>>) semaphore(%arg18 : memref<!tpu.dma_semaphore, #tpu.memory_space<semaphore_mem>>) {add = true}
    %dma_wait3A_286 = arith.constant 1 : i32
    %dma_wait3A_287 = arith.constant 4 : i32
    %dma_wait3A_288 = arith.constant 0 : i32
    %dma_wait3A_289 = arith.constant 0 : i32
    %dma_wait3A_290 = tpu.memref_slice %arg10[%dma_wait3A_286, %dma_wait3A_288, %dma_wait3A_289] : memref<3x80x128xf32, #tpu.memory_space<vmem>> -> memref<1x80x128xf32, #tpu.memory_space<vmem>>
    %dma_wait3A_291 = tpu.memref_squeeze %dma_wait3A_290 : memref<1x80x128xf32, #tpu.memory_space<vmem>> -> memref<80x128xf32, #tpu.memory_space<vmem>>
    %dma_wait3A_292 = arith.constant 0 : i32
    %dma_wait3A_293 = tpu.memref_slice %arg9[%dma_wait3A_287, %dma_wait3A_292] : memref<16x80xi32, #tpu.memory_space<vmem>> -> memref<1x80xi32, #tpu.memory_space<vmem>>
    %dma_wait3A_294 = tpu.memref_squeeze %dma_wait3A_293 : memref<1x80xi32, #tpu.memory_space<vmem>> -> memref<80xi32, #tpu.memory_space<vmem>>
    %dma_wait3A_295 = arith.constant 0 : i32
    %dma_wait3A_296 = arith.constant 0 : i32
    %dma_wait3A_297 = tpu.memref_slice %arg12[%dma_wait3A_295, %dma_wait3A_296] : memref<10000x128xf32, #tpu.memory_space<vmem_shared>> -> memref<10000x128xf32, #tpu.memory_space<vmem_shared>>
    tpu.wait_indirect_dma semaphore(%arg17 : memref<!tpu.dma_semaphore, #tpu.memory_space<semaphore_mem>>) src(%dma_wait3A_291 : memref<80x128xf32, #tpu.memory_space<vmem>>) dst(%dma_wait3A_297 : memref<10000x128xf32, #tpu.memory_space<vmem_shared>>)
    %dma_start3A_298 = arith.constant 7 : i32
    %dma_start3A_299 = arith.constant 1 : i32
    %dma_start3A_300 = arith.constant 0 : i32
    %dma_start3A_301 = arith.constant 0 : i32
    %dma_start3A_302 = tpu.memref_slice %arg10[%dma_start3A_299, %dma_start3A_300, %dma_start3A_301] : memref<3x80x128xf32, #tpu.memory_space<vmem>> -> memref<1x80x128xf32, #tpu.memory_space<vmem>>
    %dma_start3A_303 = tpu.memref_squeeze %dma_start3A_302 : memref<1x80x128xf32, #tpu.memory_space<vmem>> -> memref<80x128xf32, #tpu.memory_space<vmem>>
    %dma_start3A_304 = arith.constant 0 : i32
    %dma_start3A_305 = tpu.memref_slice %arg8[%dma_start3A_298, %dma_start3A_304] : memref<16x80xi32, #tpu.memory_space<vmem>> -> memref<1x80xi32, #tpu.memory_space<vmem>>
    %dma_start3A_306 = tpu.memref_squeeze %dma_start3A_305 : memref<1x80xi32, #tpu.memory_space<vmem>> -> memref<80xi32, #tpu.memory_space<vmem>>
    %dma_start3A_307 = arith.constant 0 : i32
    %dma_start3A_308 = arith.constant 0 : i32
    %dma_start3A_309 = tpu.memref_slice %arg2[%dma_start3A_307, %dma_start3A_308] : memref<40000x128xf32, #tpu.memory_space<hbm>> -> memref<40000x128xf32, #tpu.memory_space<hbm>>
    tpu.enqueue_indirect_dma source(%dma_start3A_309 : memref<40000x128xf32, #tpu.memory_space<hbm>>) target(%dma_start3A_303 : memref<80x128xf32, #tpu.memory_space<vmem>>) offsets(%dma_start3A_306 : memref<80xi32, #tpu.memory_space<vmem>>) semaphore(%arg14 : memref<!tpu.dma_semaphore, #tpu.memory_space<semaphore_mem>>)
    %dma_wait3A_310 = arith.constant 6 : i32
    %dma_wait3A_311 = arith.constant 0 : i32
    %dma_wait3A_312 = arith.constant 0 : i32
    %dma_wait3A_313 = arith.constant 0 : i32
    %dma_wait3A_314 = tpu.memref_slice %arg10[%dma_wait3A_311, %dma_wait3A_312, %dma_wait3A_313] : memref<3x80x128xf32, #tpu.memory_space<vmem>> -> memref<1x80x128xf32, #tpu.memory_space<vmem>>
    %dma_wait3A_315 = tpu.memref_squeeze %dma_wait3A_314 : memref<1x80x128xf32, #tpu.memory_space<vmem>> -> memref<80x128xf32, #tpu.memory_space<vmem>>
    %dma_wait3A_316 = arith.constant 0 : i32
    %dma_wait3A_317 = tpu.memref_slice %arg8[%dma_wait3A_310, %dma_wait3A_316] : memref<16x80xi32, #tpu.memory_space<vmem>> -> memref<1x80xi32, #tpu.memory_space<vmem>>
    %dma_wait3A_318 = tpu.memref_squeeze %dma_wait3A_317 : memref<1x80xi32, #tpu.memory_space<vmem>> -> memref<80xi32, #tpu.memory_space<vmem>>
    %dma_wait3A_319 = arith.constant 0 : i32
    %dma_wait3A_320 = arith.constant 0 : i32
    %dma_wait3A_321 = tpu.memref_slice %arg2[%dma_wait3A_319, %dma_wait3A_320] : memref<40000x128xf32, #tpu.memory_space<hbm>> -> memref<40000x128xf32, #tpu.memory_space<hbm>>
    tpu.wait_indirect_dma semaphore(%arg13 : memref<!tpu.dma_semaphore, #tpu.memory_space<semaphore_mem>>) src(%dma_wait3A_321 : memref<40000x128xf32, #tpu.memory_space<hbm>>) dst(%dma_wait3A_315 : memref<80x128xf32, #tpu.memory_space<vmem>>)
    %dma_start3A_322 = arith.constant 0 : i32
    %dma_start3A_323 = arith.constant 6 : i32
    %dma_start3A_324 = arith.constant 0 : i32
    %dma_start3A_325 = arith.constant 0 : i32
    %dma_start3A_326 = tpu.memref_slice %arg10[%dma_start3A_322, %dma_start3A_324, %dma_start3A_325] : memref<3x80x128xf32, #tpu.memory_space<vmem>> -> memref<1x80x128xf32, #tpu.memory_space<vmem>>
    %dma_start3A_327 = tpu.memref_squeeze %dma_start3A_326 : memref<1x80x128xf32, #tpu.memory_space<vmem>> -> memref<80x128xf32, #tpu.memory_space<vmem>>
    %dma_start3A_328 = arith.constant 0 : i32
    %dma_start3A_329 = tpu.memref_slice %arg9[%dma_start3A_323, %dma_start3A_328] : memref<16x80xi32, #tpu.memory_space<vmem>> -> memref<1x80xi32, #tpu.memory_space<vmem>>
    %dma_start3A_330 = tpu.memref_squeeze %dma_start3A_329 : memref<1x80xi32, #tpu.memory_space<vmem>> -> memref<80xi32, #tpu.memory_space<vmem>>
    %dma_start3A_331 = arith.constant 0 : i32
    %dma_start3A_332 = arith.constant 0 : i32
    %dma_start3A_333 = tpu.memref_slice %arg12[%dma_start3A_331, %dma_start3A_332] : memref<10000x128xf32, #tpu.memory_space<vmem_shared>> -> memref<10000x128xf32, #tpu.memory_space<vmem_shared>>
    tpu.enqueue_indirect_dma source(%dma_start3A_327 : memref<80x128xf32, #tpu.memory_space<vmem>>) target(%dma_start3A_333 : memref<10000x128xf32, #tpu.memory_space<vmem_shared>>) offsets(%dma_start3A_330 : memref<80xi32, #tpu.memory_space<vmem>>) semaphore(%arg16 : memref<!tpu.dma_semaphore, #tpu.memory_space<semaphore_mem>>) {add = true}
    %dma_wait3A_334 = arith.constant 2 : i32
    %dma_wait3A_335 = arith.constant 5 : i32
    %dma_wait3A_336 = arith.constant 0 : i32
    %dma_wait3A_337 = arith.constant 0 : i32
    %dma_wait3A_338 = tpu.memref_slice %arg10[%dma_wait3A_334, %dma_wait3A_336, %dma_wait3A_337] : memref<3x80x128xf32, #tpu.memory_space<vmem>> -> memref<1x80x128xf32, #tpu.memory_space<vmem>>
    %dma_wait3A_339 = tpu.memref_squeeze %dma_wait3A_338 : memref<1x80x128xf32, #tpu.memory_space<vmem>> -> memref<80x128xf32, #tpu.memory_space<vmem>>
    %dma_wait3A_340 = arith.constant 0 : i32
    %dma_wait3A_341 = tpu.memref_slice %arg9[%dma_wait3A_335, %dma_wait3A_340] : memref<16x80xi32, #tpu.memory_space<vmem>> -> memref<1x80xi32, #tpu.memory_space<vmem>>
    %dma_wait3A_342 = tpu.memref_squeeze %dma_wait3A_341 : memref<1x80xi32, #tpu.memory_space<vmem>> -> memref<80xi32, #tpu.memory_space<vmem>>
    %dma_wait3A_343 = arith.constant 0 : i32
    %dma_wait3A_344 = arith.constant 0 : i32
    %dma_wait3A_345 = tpu.memref_slice %arg12[%dma_wait3A_343, %dma_wait3A_344] : memref<10000x128xf32, #tpu.memory_space<vmem_shared>> -> memref<10000x128xf32, #tpu.memory_space<vmem_shared>>
    tpu.wait_indirect_dma semaphore(%arg18 : memref<!tpu.dma_semaphore, #tpu.memory_space<semaphore_mem>>) src(%dma_wait3A_339 : memref<80x128xf32, #tpu.memory_space<vmem>>) dst(%dma_wait3A_345 : memref<10000x128xf32, #tpu.memory_space<vmem_shared>>)
    %dma_start3A_346 = arith.constant 8 : i32
    %dma_start3A_347 = arith.constant 2 : i32
    %dma_start3A_348 = arith.constant 0 : i32
    %dma_start3A_349 = arith.constant 0 : i32
    %dma_start3A_350 = tpu.memref_slice %arg10[%dma_start3A_347, %dma_start3A_348, %dma_start3A_349] : memref<3x80x128xf32, #tpu.memory_space<vmem>> -> memref<1x80x128xf32, #tpu.memory_space<vmem>>
    %dma_start3A_351 = tpu.memref_squeeze %dma_start3A_350 : memref<1x80x128xf32, #tpu.memory_space<vmem>> -> memref<80x128xf32, #tpu.memory_space<vmem>>
    %dma_start3A_352 = arith.constant 0 : i32
    %dma_start3A_353 = tpu.memref_slice %arg8[%dma_start3A_346, %dma_start3A_352] : memref<16x80xi32, #tpu.memory_space<vmem>> -> memref<1x80xi32, #tpu.memory_space<vmem>>
    %dma_start3A_354 = tpu.memref_squeeze %dma_start3A_353 : memref<1x80xi32, #tpu.memory_space<vmem>> -> memref<80xi32, #tpu.memory_space<vmem>>
    %dma_start3A_355 = arith.constant 0 : i32
    %dma_start3A_356 = arith.constant 0 : i32
    %dma_start3A_357 = tpu.memref_slice %arg2[%dma_start3A_355, %dma_start3A_356] : memref<40000x128xf32, #tpu.memory_space<hbm>> -> memref<40000x128xf32, #tpu.memory_space<hbm>>
    tpu.enqueue_indirect_dma source(%dma_start3A_357 : memref<40000x128xf32, #tpu.memory_space<hbm>>) target(%dma_start3A_351 : memref<80x128xf32, #tpu.memory_space<vmem>>) offsets(%dma_start3A_354 : memref<80xi32, #tpu.memory_space<vmem>>) semaphore(%arg15 : memref<!tpu.dma_semaphore, #tpu.memory_space<semaphore_mem>>)
    %dma_wait3A_358 = arith.constant 7 : i32
    %dma_wait3A_359 = arith.constant 1 : i32
    %dma_wait3A_360 = arith.constant 0 : i32
    %dma_wait3A_361 = arith.constant 0 : i32
    %dma_wait3A_362 = tpu.memref_slice %arg10[%dma_wait3A_359, %dma_wait3A_360, %dma_wait3A_361] : memref<3x80x128xf32, #tpu.memory_space<vmem>> -> memref<1x80x128xf32, #tpu.memory_space<vmem>>
    %dma_wait3A_363 = tpu.memref_squeeze %dma_wait3A_362 : memref<1x80x128xf32, #tpu.memory_space<vmem>> -> memref<80x128xf32, #tpu.memory_space<vmem>>
    %dma_wait3A_364 = arith.constant 0 : i32
    %dma_wait3A_365 = tpu.memref_slice %arg8[%dma_wait3A_358, %dma_wait3A_364] : memref<16x80xi32, #tpu.memory_space<vmem>> -> memref<1x80xi32, #tpu.memory_space<vmem>>
    %dma_wait3A_366 = tpu.memref_squeeze %dma_wait3A_365 : memref<1x80xi32, #tpu.memory_space<vmem>> -> memref<80xi32, #tpu.memory_space<vmem>>
    %dma_wait3A_367 = arith.constant 0 : i32
    %dma_wait3A_368 = arith.constant 0 : i32
    %dma_wait3A_369 = tpu.memref_slice %arg2[%dma_wait3A_367, %dma_wait3A_368] : memref<40000x128xf32, #tpu.memory_space<hbm>> -> memref<40000x128xf32, #tpu.memory_space<hbm>>
    tpu.wait_indirect_dma semaphore(%arg14 : memref<!tpu.dma_semaphore, #tpu.memory_space<semaphore_mem>>) src(%dma_wait3A_369 : memref<40000x128xf32, #tpu.memory_space<hbm>>) dst(%dma_wait3A_363 : memref<80x128xf32, #tpu.memory_space<vmem>>)
    %dma_start3A_370 = arith.constant 1 : i32
    %dma_start3A_371 = arith.constant 7 : i32
    %dma_start3A_372 = arith.constant 0 : i32
    %dma_start3A_373 = arith.constant 0 : i32
    %dma_start3A_374 = tpu.memref_slice %arg10[%dma_start3A_370, %dma_start3A_372, %dma_start3A_373] : memref<3x80x128xf32, #tpu.memory_space<vmem>> -> memref<1x80x128xf32, #tpu.memory_space<vmem>>
    %dma_start3A_375 = tpu.memref_squeeze %dma_start3A_374 : memref<1x80x128xf32, #tpu.memory_space<vmem>> -> memref<80x128xf32, #tpu.memory_space<vmem>>
    %dma_start3A_376 = arith.constant 0 : i32
    %dma_start3A_377 = tpu.memref_slice %arg9[%dma_start3A_371, %dma_start3A_376] : memref<16x80xi32, #tpu.memory_space<vmem>> -> memref<1x80xi32, #tpu.memory_space<vmem>>
    %dma_start3A_378 = tpu.memref_squeeze %dma_start3A_377 : memref<1x80xi32, #tpu.memory_space<vmem>> -> memref<80xi32, #tpu.memory_space<vmem>>
    %dma_start3A_379 = arith.constant 0 : i32
    %dma_start3A_380 = arith.constant 0 : i32
    %dma_start3A_381 = tpu.memref_slice %arg12[%dma_start3A_379, %dma_start3A_380] : memref<10000x128xf32, #tpu.memory_space<vmem_shared>> -> memref<10000x128xf32, #tpu.memory_space<vmem_shared>>
    tpu.enqueue_indirect_dma source(%dma_start3A_375 : memref<80x128xf32, #tpu.memory_space<vmem>>) target(%dma_start3A_381 : memref<10000x128xf32, #tpu.memory_space<vmem_shared>>) offsets(%dma_start3A_378 : memref<80xi32, #tpu.memory_space<vmem>>) semaphore(%arg17 : memref<!tpu.dma_semaphore, #tpu.memory_space<semaphore_mem>>) {add = true}
    %dma_wait3A_382 = arith.constant 0 : i32
    %dma_wait3A_383 = arith.constant 6 : i32
    %dma_wait3A_384 = arith.constant 0 : i32
    %dma_wait3A_385 = arith.constant 0 : i32
    %dma_wait3A_386 = tpu.memref_slice %arg10[%dma_wait3A_382, %dma_wait3A_384, %dma_wait3A_385] : memref<3x80x128xf32, #tpu.memory_space<vmem>> -> memref<1x80x128xf32, #tpu.memory_space<vmem>>
    %dma_wait3A_387 = tpu.memref_squeeze %dma_wait3A_386 : memref<1x80x128xf32, #tpu.memory_space<vmem>> -> memref<80x128xf32, #tpu.memory_space<vmem>>
    %dma_wait3A_388 = arith.constant 0 : i32
    %dma_wait3A_389 = tpu.memref_slice %arg9[%dma_wait3A_383, %dma_wait3A_388] : memref<16x80xi32, #tpu.memory_space<vmem>> -> memref<1x80xi32, #tpu.memory_space<vmem>>
    %dma_wait3A_390 = tpu.memref_squeeze %dma_wait3A_389 : memref<1x80xi32, #tpu.memory_space<vmem>> -> memref<80xi32, #tpu.memory_space<vmem>>
    %dma_wait3A_391 = arith.constant 0 : i32
    %dma_wait3A_392 = arith.constant 0 : i32
    %dma_wait3A_393 = tpu.memref_slice %arg12[%dma_wait3A_391, %dma_wait3A_392] : memref<10000x128xf32, #tpu.memory_space<vmem_shared>> -> memref<10000x128xf32, #tpu.memory_space<vmem_shared>>
    tpu.wait_indirect_dma semaphore(%arg16 : memref<!tpu.dma_semaphore, #tpu.memory_space<semaphore_mem>>) src(%dma_wait3A_387 : memref<80x128xf32, #tpu.memory_space<vmem>>) dst(%dma_wait3A_393 : memref<10000x128xf32, #tpu.memory_space<vmem_shared>>)
    %dma_start3A_394 = arith.constant 9 : i32
    %dma_start3A_395 = arith.constant 0 : i32
    %dma_start3A_396 = arith.constant 0 : i32
    %dma_start3A_397 = arith.constant 0 : i32
    %dma_start3A_398 = tpu.memref_slice %arg10[%dma_start3A_395, %dma_start3A_396, %dma_start3A_397] : memref<3x80x128xf32, #tpu.memory_space<vmem>> -> memref<1x80x128xf32, #tpu.memory_space<vmem>>
    %dma_start3A_399 = tpu.memref_squeeze %dma_start3A_398 : memref<1x80x128xf32, #tpu.memory_space<vmem>> -> memref<80x128xf32, #tpu.memory_space<vmem>>
    %dma_start3A_400 = arith.constant 0 : i32
    %dma_start3A_401 = tpu.memref_slice %arg8[%dma_start3A_394, %dma_start3A_400] : memref<16x80xi32, #tpu.memory_space<vmem>> -> memref<1x80xi32, #tpu.memory_space<vmem>>
    %dma_start3A_402 = tpu.memref_squeeze %dma_start3A_401 : memref<1x80xi32, #tpu.memory_space<vmem>> -> memref<80xi32, #tpu.memory_space<vmem>>
    %dma_start3A_403 = arith.constant 0 : i32
    %dma_start3A_404 = arith.constant 0 : i32
    %dma_start3A_405 = tpu.memref_slice %arg2[%dma_start3A_403, %dma_start3A_404] : memref<40000x128xf32, #tpu.memory_space<hbm>> -> memref<40000x128xf32, #tpu.memory_space<hbm>>
    tpu.enqueue_indirect_dma source(%dma_start3A_405 : memref<40000x128xf32, #tpu.memory_space<hbm>>) target(%dma_start3A_399 : memref<80x128xf32, #tpu.memory_space<vmem>>) offsets(%dma_start3A_402 : memref<80xi32, #tpu.memory_space<vmem>>) semaphore(%arg13 : memref<!tpu.dma_semaphore, #tpu.memory_space<semaphore_mem>>)
    %dma_wait3A_406 = arith.constant 8 : i32
    %dma_wait3A_407 = arith.constant 2 : i32
    %dma_wait3A_408 = arith.constant 0 : i32
    %dma_wait3A_409 = arith.constant 0 : i32
    %dma_wait3A_410 = tpu.memref_slice %arg10[%dma_wait3A_407, %dma_wait3A_408, %dma_wait3A_409] : memref<3x80x128xf32, #tpu.memory_space<vmem>> -> memref<1x80x128xf32, #tpu.memory_space<vmem>>
    %dma_wait3A_411 = tpu.memref_squeeze %dma_wait3A_410 : memref<1x80x128xf32, #tpu.memory_space<vmem>> -> memref<80x128xf32, #tpu.memory_space<vmem>>
    %dma_wait3A_412 = arith.constant 0 : i32
    %dma_wait3A_413 = tpu.memref_slice %arg8[%dma_wait3A_406, %dma_wait3A_412] : memref<16x80xi32, #tpu.memory_space<vmem>> -> memref<1x80xi32, #tpu.memory_space<vmem>>
    %dma_wait3A_414 = tpu.memref_squeeze %dma_wait3A_413 : memref<1x80xi32, #tpu.memory_space<vmem>> -> memref<80xi32, #tpu.memory_space<vmem>>
    %dma_wait3A_415 = arith.constant 0 : i32
    %dma_wait3A_416 = arith.constant 0 : i32
    %dma_wait3A_417 = tpu.memref_slice %arg2[%dma_wait3A_415, %dma_wait3A_416] : memref<40000x128xf32, #tpu.memory_space<hbm>> -> memref<40000x128xf32, #tpu.memory_space<hbm>>
    tpu.wait_indirect_dma semaphore(%arg15 : memref<!tpu.dma_semaphore, #tpu.memory_space<semaphore_mem>>) src(%dma_wait3A_417 : memref<40000x128xf32, #tpu.memory_space<hbm>>) dst(%dma_wait3A_411 : memref<80x128xf32, #tpu.memory_space<vmem>>)
    %dma_start3A_418 = arith.constant 2 : i32
    %dma_start3A_419 = arith.constant 8 : i32
    %dma_start3A_420 = arith.constant 0 : i32
    %dma_start3A_421 = arith.constant 0 : i32
    %dma_start3A_422 = tpu.memref_slice %arg10[%dma_start3A_418, %dma_start3A_420, %dma_start3A_421] : memref<3x80x128xf32, #tpu.memory_space<vmem>> -> memref<1x80x128xf32, #tpu.memory_space<vmem>>
    %dma_start3A_423 = tpu.memref_squeeze %dma_start3A_422 : memref<1x80x128xf32, #tpu.memory_space<vmem>> -> memref<80x128xf32, #tpu.memory_space<vmem>>
    %dma_start3A_424 = arith.constant 0 : i32
    %dma_start3A_425 = tpu.memref_slice %arg9[%dma_start3A_419, %dma_start3A_424] : memref<16x80xi32, #tpu.memory_space<vmem>> -> memref<1x80xi32, #tpu.memory_space<vmem>>
    %dma_start3A_426 = tpu.memref_squeeze %dma_start3A_425 : memref<1x80xi32, #tpu.memory_space<vmem>> -> memref<80xi32, #tpu.memory_space<vmem>>
    %dma_start3A_427 = arith.constant 0 : i32
    %dma_start3A_428 = arith.constant 0 : i32
    %dma_start3A_429 = tpu.memref_slice %arg12[%dma_start3A_427, %dma_start3A_428] : memref<10000x128xf32, #tpu.memory_space<vmem_shared>> -> memref<10000x128xf32, #tpu.memory_space<vmem_shared>>
    tpu.enqueue_indirect_dma source(%dma_start3A_423 : memref<80x128xf32, #tpu.memory_space<vmem>>) target(%dma_start3A_429 : memref<10000x128xf32, #tpu.memory_space<vmem_shared>>) offsets(%dma_start3A_426 : memref<80xi32, #tpu.memory_space<vmem>>) semaphore(%arg18 : memref<!tpu.dma_semaphore, #tpu.memory_space<semaphore_mem>>) {add = true}
    %dma_wait3A_430 = arith.constant 1 : i32
    %dma_wait3A_431 = arith.constant 7 : i32
    %dma_wait3A_432 = arith.constant 0 : i32
    %dma_wait3A_433 = arith.constant 0 : i32
    %dma_wait3A_434 = tpu.memref_slice %arg10[%dma_wait3A_430, %dma_wait3A_432, %dma_wait3A_433] : memref<3x80x128xf32, #tpu.memory_space<vmem>> -> memref<1x80x128xf32, #tpu.memory_space<vmem>>
    %dma_wait3A_435 = tpu.memref_squeeze %dma_wait3A_434 : memref<1x80x128xf32, #tpu.memory_space<vmem>> -> memref<80x128xf32, #tpu.memory_space<vmem>>
    %dma_wait3A_436 = arith.constant 0 : i32
    %dma_wait3A_437 = tpu.memref_slice %arg9[%dma_wait3A_431, %dma_wait3A_436] : memref<16x80xi32, #tpu.memory_space<vmem>> -> memref<1x80xi32, #tpu.memory_space<vmem>>
    %dma_wait3A_438 = tpu.memref_squeeze %dma_wait3A_437 : memref<1x80xi32, #tpu.memory_space<vmem>> -> memref<80xi32, #tpu.memory_space<vmem>>
    %dma_wait3A_439 = arith.constant 0 : i32
    %dma_wait3A_440 = arith.constant 0 : i32
    %dma_wait3A_441 = tpu.memref_slice %arg12[%dma_wait3A_439, %dma_wait3A_440] : memref<10000x128xf32, #tpu.memory_space<vmem_shared>> -> memref<10000x128xf32, #tpu.memory_space<vmem_shared>>
    tpu.wait_indirect_dma semaphore(%arg17 : memref<!tpu.dma_semaphore, #tpu.memory_space<semaphore_mem>>) src(%dma_wait3A_435 : memref<80x128xf32, #tpu.memory_space<vmem>>) dst(%dma_wait3A_441 : memref<10000x128xf32, #tpu.memory_space<vmem_shared>>)
    %dma_start3A_442 = arith.constant 10 : i32
    %dma_start3A_443 = arith.constant 1 : i32
    %dma_start3A_444 = arith.constant 0 : i32
    %dma_start3A_445 = arith.constant 0 : i32
    %dma_start3A_446 = tpu.memref_slice %arg10[%dma_start3A_443, %dma_start3A_444, %dma_start3A_445] : memref<3x80x128xf32, #tpu.memory_space<vmem>> -> memref<1x80x128xf32, #tpu.memory_space<vmem>>
    %dma_start3A_447 = tpu.memref_squeeze %dma_start3A_446 : memref<1x80x128xf32, #tpu.memory_space<vmem>> -> memref<80x128xf32, #tpu.memory_space<vmem>>
    %dma_start3A_448 = arith.constant 0 : i32
    %dma_start3A_449 = tpu.memref_slice %arg8[%dma_start3A_442, %dma_start3A_448] : memref<16x80xi32, #tpu.memory_space<vmem>> -> memref<1x80xi32, #tpu.memory_space<vmem>>
    %dma_start3A_450 = tpu.memref_squeeze %dma_start3A_449 : memref<1x80xi32, #tpu.memory_space<vmem>> -> memref<80xi32, #tpu.memory_space<vmem>>
    %dma_start3A_451 = arith.constant 0 : i32
    %dma_start3A_452 = arith.constant 0 : i32
    %dma_start3A_453 = tpu.memref_slice %arg2[%dma_start3A_451, %dma_start3A_452] : memref<40000x128xf32, #tpu.memory_space<hbm>> -> memref<40000x128xf32, #tpu.memory_space<hbm>>
    tpu.enqueue_indirect_dma source(%dma_start3A_453 : memref<40000x128xf32, #tpu.memory_space<hbm>>) target(%dma_start3A_447 : memref<80x128xf32, #tpu.memory_space<vmem>>) offsets(%dma_start3A_450 : memref<80xi32, #tpu.memory_space<vmem>>) semaphore(%arg14 : memref<!tpu.dma_semaphore, #tpu.memory_space<semaphore_mem>>)
    %dma_wait3A_454 = arith.constant 9 : i32
    %dma_wait3A_455 = arith.constant 0 : i32
    %dma_wait3A_456 = arith.constant 0 : i32
    %dma_wait3A_457 = arith.constant 0 : i32
    %dma_wait3A_458 = tpu.memref_slice %arg10[%dma_wait3A_455, %dma_wait3A_456, %dma_wait3A_457] : memref<3x80x128xf32, #tpu.memory_space<vmem>> -> memref<1x80x128xf32, #tpu.memory_space<vmem>>
    %dma_wait3A_459 = tpu.memref_squeeze %dma_wait3A_458 : memref<1x80x128xf32, #tpu.memory_space<vmem>> -> memref<80x128xf32, #tpu.memory_space<vmem>>
    %dma_wait3A_460 = arith.constant 0 : i32
    %dma_wait3A_461 = tpu.memref_slice %arg8[%dma_wait3A_454, %dma_wait3A_460] : memref<16x80xi32, #tpu.memory_space<vmem>> -> memref<1x80xi32, #tpu.memory_space<vmem>>
    %dma_wait3A_462 = tpu.memref_squeeze %dma_wait3A_461 : memref<1x80xi32, #tpu.memory_space<vmem>> -> memref<80xi32, #tpu.memory_space<vmem>>
    %dma_wait3A_463 = arith.constant 0 : i32
    %dma_wait3A_464 = arith.constant 0 : i32
    %dma_wait3A_465 = tpu.memref_slice %arg2[%dma_wait3A_463, %dma_wait3A_464] : memref<40000x128xf32, #tpu.memory_space<hbm>> -> memref<40000x128xf32, #tpu.memory_space<hbm>>
    tpu.wait_indirect_dma semaphore(%arg13 : memref<!tpu.dma_semaphore, #tpu.memory_space<semaphore_mem>>) src(%dma_wait3A_465 : memref<40000x128xf32, #tpu.memory_space<hbm>>) dst(%dma_wait3A_459 : memref<80x128xf32, #tpu.memory_space<vmem>>)
    %dma_start3A_466 = arith.constant 0 : i32
    %dma_start3A_467 = arith.constant 9 : i32
    %dma_start3A_468 = arith.constant 0 : i32
    %dma_start3A_469 = arith.constant 0 : i32
    %dma_start3A_470 = tpu.memref_slice %arg10[%dma_start3A_466, %dma_start3A_468, %dma_start3A_469] : memref<3x80x128xf32, #tpu.memory_space<vmem>> -> memref<1x80x128xf32, #tpu.memory_space<vmem>>
    %dma_start3A_471 = tpu.memref_squeeze %dma_start3A_470 : memref<1x80x128xf32, #tpu.memory_space<vmem>> -> memref<80x128xf32, #tpu.memory_space<vmem>>
    %dma_start3A_472 = arith.constant 0 : i32
    %dma_start3A_473 = tpu.memref_slice %arg9[%dma_start3A_467, %dma_start3A_472] : memref<16x80xi32, #tpu.memory_space<vmem>> -> memref<1x80xi32, #tpu.memory_space<vmem>>
    %dma_start3A_474 = tpu.memref_squeeze %dma_start3A_473 : memref<1x80xi32, #tpu.memory_space<vmem>> -> memref<80xi32, #tpu.memory_space<vmem>>
    %dma_start3A_475 = arith.constant 0 : i32
    %dma_start3A_476 = arith.constant 0 : i32
    %dma_start3A_477 = tpu.memref_slice %arg12[%dma_start3A_475, %dma_start3A_476] : memref<10000x128xf32, #tpu.memory_space<vmem_shared>> -> memref<10000x128xf32, #tpu.memory_space<vmem_shared>>
    tpu.enqueue_indirect_dma source(%dma_start3A_471 : memref<80x128xf32, #tpu.memory_space<vmem>>) target(%dma_start3A_477 : memref<10000x128xf32, #tpu.memory_space<vmem_shared>>) offsets(%dma_start3A_474 : memref<80xi32, #tpu.memory_space<vmem>>) semaphore(%arg16 : memref<!tpu.dma_semaphore, #tpu.memory_space<semaphore_mem>>) {add = true}
    %dma_wait3A_478 = arith.constant 2 : i32
    %dma_wait3A_479 = arith.constant 8 : i32
    %dma_wait3A_480 = arith.constant 0 : i32
    %dma_wait3A_481 = arith.constant 0 : i32
    %dma_wait3A_482 = tpu.memref_slice %arg10[%dma_wait3A_478, %dma_wait3A_480, %dma_wait3A_481] : memref<3x80x128xf32, #tpu.memory_space<vmem>> -> memref<1x80x128xf32, #tpu.memory_space<vmem>>
    %dma_wait3A_483 = tpu.memref_squeeze %dma_wait3A_482 : memref<1x80x128xf32, #tpu.memory_space<vmem>> -> memref<80x128xf32, #tpu.memory_space<vmem>>
    %dma_wait3A_484 = arith.constant 0 : i32
    %dma_wait3A_485 = tpu.memref_slice %arg9[%dma_wait3A_479, %dma_wait3A_484] : memref<16x80xi32, #tpu.memory_space<vmem>> -> memref<1x80xi32, #tpu.memory_space<vmem>>
    %dma_wait3A_486 = tpu.memref_squeeze %dma_wait3A_485 : memref<1x80xi32, #tpu.memory_space<vmem>> -> memref<80xi32, #tpu.memory_space<vmem>>
    %dma_wait3A_487 = arith.constant 0 : i32
    %dma_wait3A_488 = arith.constant 0 : i32
    %dma_wait3A_489 = tpu.memref_slice %arg12[%dma_wait3A_487, %dma_wait3A_488] : memref<10000x128xf32, #tpu.memory_space<vmem_shared>> -> memref<10000x128xf32, #tpu.memory_space<vmem_shared>>
    tpu.wait_indirect_dma semaphore(%arg18 : memref<!tpu.dma_semaphore, #tpu.memory_space<semaphore_mem>>) src(%dma_wait3A_483 : memref<80x128xf32, #tpu.memory_space<vmem>>) dst(%dma_wait3A_489 : memref<10000x128xf32, #tpu.memory_space<vmem_shared>>)
    %dma_start3A_490 = arith.constant 11 : i32
    %dma_start3A_491 = arith.constant 2 : i32
    %dma_start3A_492 = arith.constant 0 : i32
    %dma_start3A_493 = arith.constant 0 : i32
    %dma_start3A_494 = tpu.memref_slice %arg10[%dma_start3A_491, %dma_start3A_492, %dma_start3A_493] : memref<3x80x128xf32, #tpu.memory_space<vmem>> -> memref<1x80x128xf32, #tpu.memory_space<vmem>>
    %dma_start3A_495 = tpu.memref_squeeze %dma_start3A_494 : memref<1x80x128xf32, #tpu.memory_space<vmem>> -> memref<80x128xf32, #tpu.memory_space<vmem>>
    %dma_start3A_496 = arith.constant 0 : i32
    %dma_start3A_497 = tpu.memref_slice %arg8[%dma_start3A_490, %dma_start3A_496] : memref<16x80xi32, #tpu.memory_space<vmem>> -> memref<1x80xi32, #tpu.memory_space<vmem>>
    %dma_start3A_498 = tpu.memref_squeeze %dma_start3A_497 : memref<1x80xi32, #tpu.memory_space<vmem>> -> memref<80xi32, #tpu.memory_space<vmem>>
    %dma_start3A_499 = arith.constant 0 : i32
    %dma_start3A_500 = arith.constant 0 : i32
    %dma_start3A_501 = tpu.memref_slice %arg2[%dma_start3A_499, %dma_start3A_500] : memref<40000x128xf32, #tpu.memory_space<hbm>> -> memref<40000x128xf32, #tpu.memory_space<hbm>>
    tpu.enqueue_indirect_dma source(%dma_start3A_501 : memref<40000x128xf32, #tpu.memory_space<hbm>>) target(%dma_start3A_495 : memref<80x128xf32, #tpu.memory_space<vmem>>) offsets(%dma_start3A_498 : memref<80xi32, #tpu.memory_space<vmem>>) semaphore(%arg15 : memref<!tpu.dma_semaphore, #tpu.memory_space<semaphore_mem>>)
    %dma_wait3A_502 = arith.constant 10 : i32
    %dma_wait3A_503 = arith.constant 1 : i32
    %dma_wait3A_504 = arith.constant 0 : i32
    %dma_wait3A_505 = arith.constant 0 : i32
    %dma_wait3A_506 = tpu.memref_slice %arg10[%dma_wait3A_503, %dma_wait3A_504, %dma_wait3A_505] : memref<3x80x128xf32, #tpu.memory_space<vmem>> -> memref<1x80x128xf32, #tpu.memory_space<vmem>>
    %dma_wait3A_507 = tpu.memref_squeeze %dma_wait3A_506 : memref<1x80x128xf32, #tpu.memory_space<vmem>> -> memref<80x128xf32, #tpu.memory_space<vmem>>
    %dma_wait3A_508 = arith.constant 0 : i32
    %dma_wait3A_509 = tpu.memref_slice %arg8[%dma_wait3A_502, %dma_wait3A_508] : memref<16x80xi32, #tpu.memory_space<vmem>> -> memref<1x80xi32, #tpu.memory_space<vmem>>
    %dma_wait3A_510 = tpu.memref_squeeze %dma_wait3A_509 : memref<1x80xi32, #tpu.memory_space<vmem>> -> memref<80xi32, #tpu.memory_space<vmem>>
    %dma_wait3A_511 = arith.constant 0 : i32
    %dma_wait3A_512 = arith.constant 0 : i32
    %dma_wait3A_513 = tpu.memref_slice %arg2[%dma_wait3A_511, %dma_wait3A_512] : memref<40000x128xf32, #tpu.memory_space<hbm>> -> memref<40000x128xf32, #tpu.memory_space<hbm>>
    tpu.wait_indirect_dma semaphore(%arg14 : memref<!tpu.dma_semaphore, #tpu.memory_space<semaphore_mem>>) src(%dma_wait3A_513 : memref<40000x128xf32, #tpu.memory_space<hbm>>) dst(%dma_wait3A_507 : memref<80x128xf32, #tpu.memory_space<vmem>>)
    %dma_start3A_514 = arith.constant 1 : i32
    %dma_start3A_515 = arith.constant 10 : i32
    %dma_start3A_516 = arith.constant 0 : i32
    %dma_start3A_517 = arith.constant 0 : i32
    %dma_start3A_518 = tpu.memref_slice %arg10[%dma_start3A_514, %dma_start3A_516, %dma_start3A_517] : memref<3x80x128xf32, #tpu.memory_space<vmem>> -> memref<1x80x128xf32, #tpu.memory_space<vmem>>
    %dma_start3A_519 = tpu.memref_squeeze %dma_start3A_518 : memref<1x80x128xf32, #tpu.memory_space<vmem>> -> memref<80x128xf32, #tpu.memory_space<vmem>>
    %dma_start3A_520 = arith.constant 0 : i32
    %dma_start3A_521 = tpu.memref_slice %arg9[%dma_start3A_515, %dma_start3A_520] : memref<16x80xi32, #tpu.memory_space<vmem>> -> memref<1x80xi32, #tpu.memory_space<vmem>>
    %dma_start3A_522 = tpu.memref_squeeze %dma_start3A_521 : memref<1x80xi32, #tpu.memory_space<vmem>> -> memref<80xi32, #tpu.memory_space<vmem>>
    %dma_start3A_523 = arith.constant 0 : i32
    %dma_start3A_524 = arith.constant 0 : i32
    %dma_start3A_525 = tpu.memref_slice %arg12[%dma_start3A_523, %dma_start3A_524] : memref<10000x128xf32, #tpu.memory_space<vmem_shared>> -> memref<10000x128xf32, #tpu.memory_space<vmem_shared>>
    tpu.enqueue_indirect_dma source(%dma_start3A_519 : memref<80x128xf32, #tpu.memory_space<vmem>>) target(%dma_start3A_525 : memref<10000x128xf32, #tpu.memory_space<vmem_shared>>) offsets(%dma_start3A_522 : memref<80xi32, #tpu.memory_space<vmem>>) semaphore(%arg17 : memref<!tpu.dma_semaphore, #tpu.memory_space<semaphore_mem>>) {add = true}
    %dma_wait3A_526 = arith.constant 0 : i32
    %dma_wait3A_527 = arith.constant 9 : i32
    %dma_wait3A_528 = arith.constant 0 : i32
    %dma_wait3A_529 = arith.constant 0 : i32
    %dma_wait3A_530 = tpu.memref_slice %arg10[%dma_wait3A_526, %dma_wait3A_528, %dma_wait3A_529] : memref<3x80x128xf32, #tpu.memory_space<vmem>> -> memref<1x80x128xf32, #tpu.memory_space<vmem>>
    %dma_wait3A_531 = tpu.memref_squeeze %dma_wait3A_530 : memref<1x80x128xf32, #tpu.memory_space<vmem>> -> memref<80x128xf32, #tpu.memory_space<vmem>>
    %dma_wait3A_532 = arith.constant 0 : i32
    %dma_wait3A_533 = tpu.memref_slice %arg9[%dma_wait3A_527, %dma_wait3A_532] : memref<16x80xi32, #tpu.memory_space<vmem>> -> memref<1x80xi32, #tpu.memory_space<vmem>>
    %dma_wait3A_534 = tpu.memref_squeeze %dma_wait3A_533 : memref<1x80xi32, #tpu.memory_space<vmem>> -> memref<80xi32, #tpu.memory_space<vmem>>
    %dma_wait3A_535 = arith.constant 0 : i32
    %dma_wait3A_536 = arith.constant 0 : i32
    %dma_wait3A_537 = tpu.memref_slice %arg12[%dma_wait3A_535, %dma_wait3A_536] : memref<10000x128xf32, #tpu.memory_space<vmem_shared>> -> memref<10000x128xf32, #tpu.memory_space<vmem_shared>>
    tpu.wait_indirect_dma semaphore(%arg16 : memref<!tpu.dma_semaphore, #tpu.memory_space<semaphore_mem>>) src(%dma_wait3A_531 : memref<80x128xf32, #tpu.memory_space<vmem>>) dst(%dma_wait3A_537 : memref<10000x128xf32, #tpu.memory_space<vmem_shared>>)
    %dma_start3A_538 = arith.constant 12 : i32
    %dma_start3A_539 = arith.constant 0 : i32
    %dma_start3A_540 = arith.constant 0 : i32
    %dma_start3A_541 = arith.constant 0 : i32
    %dma_start3A_542 = tpu.memref_slice %arg10[%dma_start3A_539, %dma_start3A_540, %dma_start3A_541] : memref<3x80x128xf32, #tpu.memory_space<vmem>> -> memref<1x80x128xf32, #tpu.memory_space<vmem>>
    %dma_start3A_543 = tpu.memref_squeeze %dma_start3A_542 : memref<1x80x128xf32, #tpu.memory_space<vmem>> -> memref<80x128xf32, #tpu.memory_space<vmem>>
    %dma_start3A_544 = arith.constant 0 : i32
    %dma_start3A_545 = tpu.memref_slice %arg8[%dma_start3A_538, %dma_start3A_544] : memref<16x80xi32, #tpu.memory_space<vmem>> -> memref<1x80xi32, #tpu.memory_space<vmem>>
    %dma_start3A_546 = tpu.memref_squeeze %dma_start3A_545 : memref<1x80xi32, #tpu.memory_space<vmem>> -> memref<80xi32, #tpu.memory_space<vmem>>
    %dma_start3A_547 = arith.constant 0 : i32
    %dma_start3A_548 = arith.constant 0 : i32
    %dma_start3A_549 = tpu.memref_slice %arg2[%dma_start3A_547, %dma_start3A_548] : memref<40000x128xf32, #tpu.memory_space<hbm>> -> memref<40000x128xf32, #tpu.memory_space<hbm>>
    tpu.enqueue_indirect_dma source(%dma_start3A_549 : memref<40000x128xf32, #tpu.memory_space<hbm>>) target(%dma_start3A_543 : memref<80x128xf32, #tpu.memory_space<vmem>>) offsets(%dma_start3A_546 : memref<80xi32, #tpu.memory_space<vmem>>) semaphore(%arg13 : memref<!tpu.dma_semaphore, #tpu.memory_space<semaphore_mem>>)
    %dma_wait3A_550 = arith.constant 11 : i32
    %dma_wait3A_551 = arith.constant 2 : i32
    %dma_wait3A_552 = arith.constant 0 : i32
    %dma_wait3A_553 = arith.constant 0 : i32
    %dma_wait3A_554 = tpu.memref_slice %arg10[%dma_wait3A_551, %dma_wait3A_552, %dma_wait3A_553] : memref<3x80x128xf32, #tpu.memory_space<vmem>> -> memref<1x80x128xf32, #tpu.memory_space<vmem>>
    %dma_wait3A_555 = tpu.memref_squeeze %dma_wait3A_554 : memref<1x80x128xf32, #tpu.memory_space<vmem>> -> memref<80x128xf32, #tpu.memory_space<vmem>>
    %dma_wait3A_556 = arith.constant 0 : i32
    %dma_wait3A_557 = tpu.memref_slice %arg8[%dma_wait3A_550, %dma_wait3A_556] : memref<16x80xi32, #tpu.memory_space<vmem>> -> memref<1x80xi32, #tpu.memory_space<vmem>>
    %dma_wait3A_558 = tpu.memref_squeeze %dma_wait3A_557 : memref<1x80xi32, #tpu.memory_space<vmem>> -> memref<80xi32, #tpu.memory_space<vmem>>
    %dma_wait3A_559 = arith.constant 0 : i32
    %dma_wait3A_560 = arith.constant 0 : i32
    %dma_wait3A_561 = tpu.memref_slice %arg2[%dma_wait3A_559, %dma_wait3A_560] : memref<40000x128xf32, #tpu.memory_space<hbm>> -> memref<40000x128xf32, #tpu.memory_space<hbm>>
    tpu.wait_indirect_dma semaphore(%arg15 : memref<!tpu.dma_semaphore, #tpu.memory_space<semaphore_mem>>) src(%dma_wait3A_561 : memref<40000x128xf32, #tpu.memory_space<hbm>>) dst(%dma_wait3A_555 : memref<80x128xf32, #tpu.memory_space<vmem>>)
    %dma_start3A_562 = arith.constant 2 : i32
    %dma_start3A_563 = arith.constant 11 : i32
    %dma_start3A_564 = arith.constant 0 : i32
    %dma_start3A_565 = arith.constant 0 : i32
    %dma_start3A_566 = tpu.memref_slice %arg10[%dma_start3A_562, %dma_start3A_564, %dma_start3A_565] : memref<3x80x128xf32, #tpu.memory_space<vmem>> -> memref<1x80x128xf32, #tpu.memory_space<vmem>>
    %dma_start3A_567 = tpu.memref_squeeze %dma_start3A_566 : memref<1x80x128xf32, #tpu.memory_space<vmem>> -> memref<80x128xf32, #tpu.memory_space<vmem>>
    %dma_start3A_568 = arith.constant 0 : i32
    %dma_start3A_569 = tpu.memref_slice %arg9[%dma_start3A_563, %dma_start3A_568] : memref<16x80xi32, #tpu.memory_space<vmem>> -> memref<1x80xi32, #tpu.memory_space<vmem>>
    %dma_start3A_570 = tpu.memref_squeeze %dma_start3A_569 : memref<1x80xi32, #tpu.memory_space<vmem>> -> memref<80xi32, #tpu.memory_space<vmem>>
    %dma_start3A_571 = arith.constant 0 : i32
    %dma_start3A_572 = arith.constant 0 : i32
    %dma_start3A_573 = tpu.memref_slice %arg12[%dma_start3A_571, %dma_start3A_572] : memref<10000x128xf32, #tpu.memory_space<vmem_shared>> -> memref<10000x128xf32, #tpu.memory_space<vmem_shared>>
    tpu.enqueue_indirect_dma source(%dma_start3A_567 : memref<80x128xf32, #tpu.memory_space<vmem>>) target(%dma_start3A_573 : memref<10000x128xf32, #tpu.memory_space<vmem_shared>>) offsets(%dma_start3A_570 : memref<80xi32, #tpu.memory_space<vmem>>) semaphore(%arg18 : memref<!tpu.dma_semaphore, #tpu.memory_space<semaphore_mem>>) {add = true}
    %dma_wait3A_574 = arith.constant 12 : i32
    %dma_wait3A_575 = arith.constant 0 : i32
    %dma_wait3A_576 = arith.constant 0 : i32
    %dma_wait3A_577 = arith.constant 0 : i32
    %dma_wait3A_578 = tpu.memref_slice %arg10[%dma_wait3A_575, %dma_wait3A_576, %dma_wait3A_577] : memref<3x80x128xf32, #tpu.memory_space<vmem>> -> memref<1x80x128xf32, #tpu.memory_space<vmem>>
    %dma_wait3A_579 = tpu.memref_squeeze %dma_wait3A_578 : memref<1x80x128xf32, #tpu.memory_space<vmem>> -> memref<80x128xf32, #tpu.memory_space<vmem>>
    %dma_wait3A_580 = arith.constant 0 : i32
    %dma_wait3A_581 = tpu.memref_slice %arg8[%dma_wait3A_574, %dma_wait3A_580] : memref<16x80xi32, #tpu.memory_space<vmem>> -> memref<1x80xi32, #tpu.memory_space<vmem>>
    %dma_wait3A_582 = tpu.memref_squeeze %dma_wait3A_581 : memref<1x80xi32, #tpu.memory_space<vmem>> -> memref<80xi32, #tpu.memory_space<vmem>>
    %dma_wait3A_583 = arith.constant 0 : i32
    %dma_wait3A_584 = arith.constant 0 : i32
    %dma_wait3A_585 = tpu.memref_slice %arg2[%dma_wait3A_583, %dma_wait3A_584] : memref<40000x128xf32, #tpu.memory_space<hbm>> -> memref<40000x128xf32, #tpu.memory_space<hbm>>
    tpu.wait_indirect_dma semaphore(%arg13 : memref<!tpu.dma_semaphore, #tpu.memory_space<semaphore_mem>>) src(%dma_wait3A_585 : memref<40000x128xf32, #tpu.memory_space<hbm>>) dst(%dma_wait3A_579 : memref<80x128xf32, #tpu.memory_space<vmem>>)
    %dma_start3A_586 = arith.constant 0 : i32
    %dma_start3A_587 = arith.constant 12 : i32
    %dma_start3A_588 = arith.constant 0 : i32
    %dma_start3A_589 = arith.constant 0 : i32
    %dma_start3A_590 = tpu.memref_slice %arg10[%dma_start3A_586, %dma_start3A_588, %dma_start3A_589] : memref<3x80x128xf32, #tpu.memory_space<vmem>> -> memref<1x80x128xf32, #tpu.memory_space<vmem>>
    %dma_start3A_591 = tpu.memref_squeeze %dma_start3A_590 : memref<1x80x128xf32, #tpu.memory_space<vmem>> -> memref<80x128xf32, #tpu.memory_space<vmem>>
    %dma_start3A_592 = arith.constant 0 : i32
    %dma_start3A_593 = tpu.memref_slice %arg9[%dma_start3A_587, %dma_start3A_592] : memref<16x80xi32, #tpu.memory_space<vmem>> -> memref<1x80xi32, #tpu.memory_space<vmem>>
    %dma_start3A_594 = tpu.memref_squeeze %dma_start3A_593 : memref<1x80xi32, #tpu.memory_space<vmem>> -> memref<80xi32, #tpu.memory_space<vmem>>
    %dma_start3A_595 = arith.constant 0 : i32
    %dma_start3A_596 = arith.constant 0 : i32
    %dma_start3A_597 = tpu.memref_slice %arg12[%dma_start3A_595, %dma_start3A_596] : memref<10000x128xf32, #tpu.memory_space<vmem_shared>> -> memref<10000x128xf32, #tpu.memory_space<vmem_shared>>
    tpu.enqueue_indirect_dma source(%dma_start3A_591 : memref<80x128xf32, #tpu.memory_space<vmem>>) target(%dma_start3A_597 : memref<10000x128xf32, #tpu.memory_space<vmem_shared>>) offsets(%dma_start3A_594 : memref<80xi32, #tpu.memory_space<vmem>>) semaphore(%arg16 : memref<!tpu.dma_semaphore, #tpu.memory_space<semaphore_mem>>) {add = true}
    %dma_wait3A_598 = arith.constant 0 : i32
    %dma_wait3A_599 = arith.constant 12 : i32
    %dma_wait3A_600 = arith.constant 0 : i32
    %dma_wait3A_601 = arith.constant 0 : i32
    %dma_wait3A_602 = tpu.memref_slice %arg10[%dma_wait3A_598, %dma_wait3A_600, %dma_wait3A_601] : memref<3x80x128xf32, #tpu.memory_space<vmem>> -> memref<1x80x128xf32, #tpu.memory_space<vmem>>
    %dma_wait3A_603 = tpu.memref_squeeze %dma_wait3A_602 : memref<1x80x128xf32, #tpu.memory_space<vmem>> -> memref<80x128xf32, #tpu.memory_space<vmem>>
    %dma_wait3A_604 = arith.constant 0 : i32
    %dma_wait3A_605 = tpu.memref_slice %arg9[%dma_wait3A_599, %dma_wait3A_604] : memref<16x80xi32, #tpu.memory_space<vmem>> -> memref<1x80xi32, #tpu.memory_space<vmem>>
    %dma_wait3A_606 = tpu.memref_squeeze %dma_wait3A_605 : memref<1x80xi32, #tpu.memory_space<vmem>> -> memref<80xi32, #tpu.memory_space<vmem>>
    %dma_wait3A_607 = arith.constant 0 : i32
    %dma_wait3A_608 = arith.constant 0 : i32
    %dma_wait3A_609 = tpu.memref_slice %arg12[%dma_wait3A_607, %dma_wait3A_608] : memref<10000x128xf32, #tpu.memory_space<vmem_shared>> -> memref<10000x128xf32, #tpu.memory_space<vmem_shared>>
    tpu.wait_indirect_dma semaphore(%arg16 : memref<!tpu.dma_semaphore, #tpu.memory_space<semaphore_mem>>) src(%dma_wait3A_603 : memref<80x128xf32, #tpu.memory_space<vmem>>) dst(%dma_wait3A_609 : memref<10000x128xf32, #tpu.memory_space<vmem_shared>>)
    %dma_wait3A_610 = arith.constant 1 : i32
    %dma_wait3A_611 = arith.constant 10 : i32
    %dma_wait3A_612 = arith.constant 0 : i32
    %dma_wait3A_613 = arith.constant 0 : i32
    %dma_wait3A_614 = tpu.memref_slice %arg10[%dma_wait3A_610, %dma_wait3A_612, %dma_wait3A_613] : memref<3x80x128xf32, #tpu.memory_space<vmem>> -> memref<1x80x128xf32, #tpu.memory_space<vmem>>
    %dma_wait3A_615 = tpu.memref_squeeze %dma_wait3A_614 : memref<1x80x128xf32, #tpu.memory_space<vmem>> -> memref<80x128xf32, #tpu.memory_space<vmem>>
    %dma_wait3A_616 = arith.constant 0 : i32
    %dma_wait3A_617 = tpu.memref_slice %arg9[%dma_wait3A_611, %dma_wait3A_616] : memref<16x80xi32, #tpu.memory_space<vmem>> -> memref<1x80xi32, #tpu.memory_space<vmem>>
    %dma_wait3A_618 = tpu.memref_squeeze %dma_wait3A_617 : memref<1x80xi32, #tpu.memory_space<vmem>> -> memref<80xi32, #tpu.memory_space<vmem>>
    %dma_wait3A_619 = arith.constant 0 : i32
    %dma_wait3A_620 = arith.constant 0 : i32
    %dma_wait3A_621 = tpu.memref_slice %arg12[%dma_wait3A_619, %dma_wait3A_620] : memref<10000x128xf32, #tpu.memory_space<vmem_shared>> -> memref<10000x128xf32, #tpu.memory_space<vmem_shared>>
    tpu.wait_indirect_dma semaphore(%arg17 : memref<!tpu.dma_semaphore, #tpu.memory_space<semaphore_mem>>) src(%dma_wait3A_615 : memref<80x128xf32, #tpu.memory_space<vmem>>) dst(%dma_wait3A_621 : memref<10000x128xf32, #tpu.memory_space<vmem_shared>>)
    %dma_wait3A_622 = arith.constant 2 : i32
    %dma_wait3A_623 = arith.constant 11 : i32
    %dma_wait3A_624 = arith.constant 0 : i32
    %dma_wait3A_625 = arith.constant 0 : i32
    %dma_wait3A_626 = tpu.memref_slice %arg10[%dma_wait3A_622, %dma_wait3A_624, %dma_wait3A_625] : memref<3x80x128xf32, #tpu.memory_space<vmem>> -> memref<1x80x128xf32, #tpu.memory_space<vmem>>
    %dma_wait3A_627 = tpu.memref_squeeze %dma_wait3A_626 : memref<1x80x128xf32, #tpu.memory_space<vmem>> -> memref<80x128xf32, #tpu.memory_space<vmem>>
    %dma_wait3A_628 = arith.constant 0 : i32
    %dma_wait3A_629 = tpu.memref_slice %arg9[%dma_wait3A_623, %dma_wait3A_628] : memref<16x80xi32, #tpu.memory_space<vmem>> -> memref<1x80xi32, #tpu.memory_space<vmem>>
    %dma_wait3A_630 = tpu.memref_squeeze %dma_wait3A_629 : memref<1x80xi32, #tpu.memory_space<vmem>> -> memref<80xi32, #tpu.memory_space<vmem>>
    %dma_wait3A_631 = arith.constant 0 : i32
    %dma_wait3A_632 = arith.constant 0 : i32
    %dma_wait3A_633 = tpu.memref_slice %arg12[%dma_wait3A_631, %dma_wait3A_632] : memref<10000x128xf32, #tpu.memory_space<vmem_shared>> -> memref<10000x128xf32, #tpu.memory_space<vmem_shared>>
    tpu.wait_indirect_dma semaphore(%arg18 : memref<!tpu.dma_semaphore, #tpu.memory_space<semaphore_mem>>) src(%dma_wait3A_627 : memref<80x128xf32, #tpu.memory_space<vmem>>) dst(%dma_wait3A_633 : memref<10000x128xf32, #tpu.memory_space<vmem_shared>>)
    %barrier3A_634 = arith.constant 0 : index
    tpu.barrier barrier_id(%barrier3A_634)
    "tpu.region"() ({
      %run_scoped3A = tpu.sem_alloc : memref<!tpu.dma_semaphore, #tpu.memory_space<semaphore_mem>>
      %dma_start3A_842 = arith.constant 0 : i32
      %dma_start3A_843 = tpu.memref_slice %arg7[%arg0, %mul3A_4, %dma_start3A_842] : memref<4x10000x128xf32, #tpu.memory_space<hbm>> -> memref<1x624x128xf32, #tpu.memory_space<hbm>>
      %dma_start3A_844 = tpu.memref_squeeze %dma_start3A_843 : memref<1x624x128xf32, #tpu.memory_space<hbm>> -> memref<624x128xf32, #tpu.memory_space<hbm>>
      %dma_start3A_845 = arith.constant 0 : i32
      %dma_start3A_846 = tpu.memref_slice %arg12[%mul3A_4, %dma_start3A_845] : memref<10000x128xf32, #tpu.memory_space<vmem_shared>> -> memref<624x128xf32, #tpu.memory_space<vmem_shared>>
      tpu.enqueue_dma source(%dma_start3A_846 : memref<624x128xf32, #tpu.memory_space<vmem_shared>>) target(%dma_start3A_844 : memref<624x128xf32, #tpu.memory_space<hbm>>) target_semaphore(%run_scoped3A : memref<!tpu.dma_semaphore, #tpu.memory_space<semaphore_mem>>)
      %dma_wait3A_847 = arith.constant 0 : i32
      %dma_wait3A_848 = tpu.memref_slice %arg7[%arg0, %mul3A_4, %dma_wait3A_847] : memref<4x10000x128xf32, #tpu.memory_space<hbm>> -> memref<1x624x128xf32, #tpu.memory_space<hbm>>
      %dma_wait3A_849 = tpu.memref_squeeze %dma_wait3A_848 : memref<1x624x128xf32, #tpu.memory_space<hbm>> -> memref<624x128xf32, #tpu.memory_space<hbm>>
      %dma_wait3A_850 = arith.constant 0 : i32
      %dma_wait3A_851 = tpu.memref_slice %arg12[%mul3A_4, %dma_wait3A_850] : memref<10000x128xf32, #tpu.memory_space<vmem_shared>> -> memref<624x128xf32, #tpu.memory_space<vmem_shared>>
      tpu.wait_dma2 semaphore(%run_scoped3A : memref<!tpu.dma_semaphore, #tpu.memory_space<semaphore_mem>>) src(%dma_wait3A_851 : memref<624x128xf32, #tpu.memory_space<vmem_shared>>) dst(%dma_wait3A_849 : memref<624x128xf32, #tpu.memory_space<hbm>>)
      tpu.yield
    }) : () -> ()
    %eq3A_635 = arith.constant 15 : i32
    %eq3A_636 = arith.cmpi eq, %arg1, %eq3A_635 : i32
    %convert_element_type3A_637 = arith.extui %eq3A_636 : i1 to i32
    %cond3A_638 = arith.constant 0 : i32
    %cond3A_639 = arith.cmpi ne, %convert_element_type3A_637, %cond3A_638 : i32
    scf.if %cond3A_639 {
      "tpu.region"() ({
        %run_scoped3A = tpu.sem_alloc : memref<!tpu.dma_semaphore, #tpu.memory_space<semaphore_mem>>
        %dma_start3A_842 = arith.constant 9984 : i32
        %dma_start3A_843 = arith.constant 0 : i32
        %dma_start3A_844 = tpu.memref_slice %arg7[%arg0, %dma_start3A_842, %dma_start3A_843] : memref<4x10000x128xf32, #tpu.memory_space<hbm>> -> memref<1x16x128xf32, #tpu.memory_space<hbm>>
        %dma_start3A_845 = tpu.memref_squeeze %dma_start3A_844 : memref<1x16x128xf32, #tpu.memory_space<hbm>> -> memref<16x128xf32, #tpu.memory_space<hbm>>
        %dma_start3A_846 = arith.constant 9984 : i32
        %dma_start3A_847 = arith.constant 0 : i32
        %dma_start3A_848 = tpu.memref_slice %arg12[%dma_start3A_846, %dma_start3A_847] : memref<10000x128xf32, #tpu.memory_space<vmem_shared>> -> memref<16x128xf32, #tpu.memory_space<vmem_shared>>
        tpu.enqueue_dma source(%dma_start3A_848 : memref<16x128xf32, #tpu.memory_space<vmem_shared>>) target(%dma_start3A_845 : memref<16x128xf32, #tpu.memory_space<hbm>>) target_semaphore(%run_scoped3A : memref<!tpu.dma_semaphore, #tpu.memory_space<semaphore_mem>>)
        %dma_wait3A_849 = arith.constant 9984 : i32
        %dma_wait3A_850 = arith.constant 0 : i32
        %dma_wait3A_851 = tpu.memref_slice %arg7[%arg0, %dma_wait3A_849, %dma_wait3A_850] : memref<4x10000x128xf32, #tpu.memory_space<hbm>> -> memref<1x16x128xf32, #tpu.memory_space<hbm>>
        %dma_wait3A_852 = tpu.memref_squeeze %dma_wait3A_851 : memref<1x16x128xf32, #tpu.memory_space<hbm>> -> memref<16x128xf32, #tpu.memory_space<hbm>>
        %dma_wait3A_853 = arith.constant 9984 : i32
        %dma_wait3A_854 = arith.constant 0 : i32
        %dma_wait3A_855 = tpu.memref_slice %arg12[%dma_wait3A_853, %dma_wait3A_854] : memref<10000x128xf32, #tpu.memory_space<vmem_shared>> -> memref<16x128xf32, #tpu.memory_space<vmem_shared>>
        tpu.wait_dma2 semaphore(%run_scoped3A : memref<!tpu.dma_semaphore, #tpu.memory_space<semaphore_mem>>) src(%dma_wait3A_855 : memref<16x128xf32, #tpu.memory_space<vmem_shared>>) dst(%dma_wait3A_852 : memref<16x128xf32, #tpu.memory_space<hbm>>)
        tpu.yield
      }) : () -> ()
    } else {
    }
    "tpu.region"() ({
      %run_scoped3A = tpu.sem_alloc : memref<!tpu.dma_semaphore, #tpu.memory_space<semaphore_mem>>
      %dma_start3A_842 = arith.constant 0 : i32
      %dma_start3A_843 = tpu.memref_slice %arg12[%mul3A_4, %dma_start3A_842] : memref<10000x128xf32, #tpu.memory_space<vmem_shared>> -> memref<624x128xf32, #tpu.memory_space<vmem_shared>>
      %dma_start3A_844 = arith.constant 0 : i32
      %dma_start3A_845 = tpu.memref_slice %arg5[%mul3A_4, %dma_start3A_844] : memref<10000x128xf32, #tpu.memory_space<hbm>> -> memref<624x128xf32, #tpu.memory_space<hbm>>
      tpu.enqueue_dma source(%dma_start3A_845 : memref<624x128xf32, #tpu.memory_space<hbm>>) target(%dma_start3A_843 : memref<624x128xf32, #tpu.memory_space<vmem_shared>>) target_semaphore(%run_scoped3A : memref<!tpu.dma_semaphore, #tpu.memory_space<semaphore_mem>>)
      %dma_wait3A_846 = arith.constant 0 : i32
      %dma_wait3A_847 = tpu.memref_slice %arg12[%mul3A_4, %dma_wait3A_846] : memref<10000x128xf32, #tpu.memory_space<vmem_shared>> -> memref<624x128xf32, #tpu.memory_space<vmem_shared>>
      %dma_wait3A_848 = arith.constant 0 : i32
      %dma_wait3A_849 = tpu.memref_slice %arg5[%mul3A_4, %dma_wait3A_848] : memref<10000x128xf32, #tpu.memory_space<hbm>> -> memref<624x128xf32, #tpu.memory_space<hbm>>
      tpu.wait_dma2 semaphore(%run_scoped3A : memref<!tpu.dma_semaphore, #tpu.memory_space<semaphore_mem>>) src(%dma_wait3A_849 : memref<624x128xf32, #tpu.memory_space<hbm>>) dst(%dma_wait3A_847 : memref<624x128xf32, #tpu.memory_space<vmem_shared>>)
      tpu.yield
    }) : () -> ()
    %eq3A_640 = arith.constant 15 : i32
    %eq3A_641 = arith.cmpi eq, %arg1, %eq3A_640 : i32
    %convert_element_type3A_642 = arith.extui %eq3A_641 : i1 to i32
    %cond3A_643 = arith.constant 0 : i32
    %cond3A_644 = arith.cmpi ne, %convert_element_type3A_642, %cond3A_643 : i32
    scf.if %cond3A_644 {
      "tpu.region"() ({
        %run_scoped3A = tpu.sem_alloc : memref<!tpu.dma_semaphore, #tpu.memory_space<semaphore_mem>>
        %dma_start3A_842 = arith.constant 9984 : i32
        %dma_start3A_843 = arith.constant 0 : i32
        %dma_start3A_844 = tpu.memref_slice %arg12[%dma_start3A_842, %dma_start3A_843] : memref<10000x128xf32, #tpu.memory_space<vmem_shared>> -> memref<16x128xf32, #tpu.memory_space<vmem_shared>>
        %dma_start3A_845 = arith.constant 9984 : i32
        %dma_start3A_846 = arith.constant 0 : i32
        %dma_start3A_847 = tpu.memref_slice %arg5[%dma_start3A_845, %dma_start3A_846] : memref<10000x128xf32, #tpu.memory_space<hbm>> -> memref<16x128xf32, #tpu.memory_space<hbm>>
        tpu.enqueue_dma source(%dma_start3A_847 : memref<16x128xf32, #tpu.memory_space<hbm>>) target(%dma_start3A_844 : memref<16x128xf32, #tpu.memory_space<vmem_shared>>) target_semaphore(%run_scoped3A : memref<!tpu.dma_semaphore, #tpu.memory_space<semaphore_mem>>)
        %dma_wait3A_848 = arith.constant 9984 : i32
        %dma_wait3A_849 = arith.constant 0 : i32
        %dma_wait3A_850 = tpu.memref_slice %arg12[%dma_wait3A_848, %dma_wait3A_849] : memref<10000x128xf32, #tpu.memory_space<vmem_shared>> -> memref<16x128xf32, #tpu.memory_space<vmem_shared>>
        %dma_wait3A_851 = arith.constant 9984 : i32
        %dma_wait3A_852 = arith.constant 0 : i32
        %dma_wait3A_853 = tpu.memref_slice %arg5[%dma_wait3A_851, %dma_wait3A_852] : memref<10000x128xf32, #tpu.memory_space<hbm>> -> memref<16x128xf32, #tpu.memory_space<hbm>>
        tpu.wait_dma2 semaphore(%run_scoped3A : memref<!tpu.dma_semaphore, #tpu.memory_space<semaphore_mem>>) src(%dma_wait3A_853 : memref<16x128xf32, #tpu.memory_space<hbm>>) dst(%dma_wait3A_850 : memref<16x128xf32, #tpu.memory_space<vmem_shared>>)
        tpu.yield
      }) : () -> ()
    } else {
    }
    "tpu.region"() ({
      %run_scoped3A = tpu.sem_alloc : memref<!tpu.dma_semaphore, #tpu.memory_space<semaphore_mem>>
      tpu.enqueue_dma source(%arg6 : memref<80x128xf32, #tpu.memory_space<hbm>>) target(%arg11 : memref<80x128xf32, #tpu.memory_space<vmem>>) target_semaphore(%run_scoped3A : memref<!tpu.dma_semaphore, #tpu.memory_space<semaphore_mem>>)
      tpu.wait_dma2 semaphore(%run_scoped3A : memref<!tpu.dma_semaphore, #tpu.memory_space<semaphore_mem>>) src(%arg6 : memref<80x128xf32, #tpu.memory_space<hbm>>) dst(%arg11 : memref<80x128xf32, #tpu.memory_space<vmem>>)
      tpu.yield
    }) : () -> ()
    %barrier3A_645 = arith.constant 0 : index
    tpu.barrier barrier_id(%barrier3A_645)
    %scan3A_646 = arith.constant 0 : i32
    %scan3A_647 = arith.constant 0 : i32
    %scan3A_648 = arith.constant 7 : i32
    %scan3A_649 = arith.addi %scan3A_647, %scan3A_648 : i32
    %scan3A_650 = arith.constant 1 : i32
    scf.for %scan3A_842 = %scan3A_647 to %scan3A_649 step %scan3A_650  : i32 {
      %mul3A_843 = arith.constant 16 : i32
      %mul3A_844 = arith.muli %scan3A_842, %mul3A_843 : i32
      "tpu.region"() ({
        %run_scoped3A = tpu.sem_alloc : memref<!tpu.dma_semaphore, #tpu.memory_space<semaphore_mem>>
        %dma_start3A_1069 = arith.constant 0 : i32
        %dma_start3A_1070 = arith.constant 0 : i32
        %dma_start3A_1071 = tpu.memref_slice %arg9[%dma_start3A_1069, %dma_start3A_1070] : memref<16x80xi32, #tpu.memory_space<vmem>> -> memref<16x80xi32, #tpu.memory_space<vmem>>
        %dma_start3A_1072 = arith.constant 0 : i32
        %dma_start3A_1073 = tpu.memref_slice %arg4[%add3A, %mul3A_844, %dma_start3A_1072] : memref<32x125x80xi32, #tpu.memory_space<hbm>> -> memref<1x16x80xi32, #tpu.memory_space<hbm>>
        %dma_start3A_1074 = tpu.memref_squeeze %dma_start3A_1073 : memref<1x16x80xi32, #tpu.memory_space<hbm>> -> memref<16x80xi32, #tpu.memory_space<hbm>>
        %dma_start3A_1075 = arith.constant 0 : i32
        %dma_start3A_1076 = arith.constant 0 : i32
        %dma_start3A_1077 = tpu.memref_slice %arg9[%dma_start3A_1075, %dma_start3A_1076] : memref<16x80xi32, #tpu.memory_space<vmem>> -> memref<16x80xi32, #tpu.memory_space<vmem>>
        %dma_start3A_1078 = arith.constant 0 : i32
        %dma_start3A_1079 = tpu.memref_slice %arg4[%add3A, %mul3A_844, %dma_start3A_1078] : memref<32x125x80xi32, #tpu.memory_space<hbm>> -> memref<1x16x80xi32, #tpu.memory_space<hbm>>
        %dma_start3A_1080 = tpu.memref_squeeze %dma_start3A_1079 : memref<1x16x80xi32, #tpu.memory_space<hbm>> -> memref<16x80xi32, #tpu.memory_space<hbm>>
        tpu.enqueue_dma source(%dma_start3A_1080 : memref<16x80xi32, #tpu.memory_space<hbm>>) target(%dma_start3A_1077 : memref<16x80xi32, #tpu.memory_space<vmem>>) target_semaphore(%run_scoped3A : memref<!tpu.dma_semaphore, #tpu.memory_space<semaphore_mem>>)
        %dma_wait3A_1081 = arith.constant 0 : i32
        %dma_wait3A_1082 = arith.constant 0 : i32
        %dma_wait3A_1083 = tpu.memref_slice %arg9[%dma_wait3A_1081, %dma_wait3A_1082] : memref<16x80xi32, #tpu.memory_space<vmem>> -> memref<16x80xi32, #tpu.memory_space<vmem>>
        %dma_wait3A_1084 = arith.constant 0 : i32
        %dma_wait3A_1085 = tpu.memref_slice %arg4[%add3A, %mul3A_844, %dma_wait3A_1084] : memref<32x125x80xi32, #tpu.memory_space<hbm>> -> memref<1x16x80xi32, #tpu.memory_space<hbm>>
        %dma_wait3A_1086 = tpu.memref_squeeze %dma_wait3A_1085 : memref<1x16x80xi32, #tpu.memory_space<hbm>> -> memref<16x80xi32, #tpu.memory_space<hbm>>
        %dma_wait3A_1087 = arith.constant 0 : i32
        %dma_wait3A_1088 = arith.constant 0 : i32
        %dma_wait3A_1089 = tpu.memref_slice %arg9[%dma_wait3A_1087, %dma_wait3A_1088] : memref<16x80xi32, #tpu.memory_space<vmem>> -> memref<16x80xi32, #tpu.memory_space<vmem>>
        %dma_wait3A_1090 = arith.constant 0 : i32
        %dma_wait3A_1091 = tpu.memref_slice %arg4[%add3A, %mul3A_844, %dma_wait3A_1090] : memref<32x125x80xi32, #tpu.memory_space<hbm>> -> memref<1x16x80xi32, #tpu.memory_space<hbm>>
        %dma_wait3A_1092 = tpu.memref_squeeze %dma_wait3A_1091 : memref<1x16x80xi32, #tpu.memory_space<hbm>> -> memref<16x80xi32, #tpu.memory_space<hbm>>
        tpu.wait_dma2 semaphore(%run_scoped3A : memref<!tpu.dma_semaphore, #tpu.memory_space<semaphore_mem>>) src(%dma_wait3A_1092 : memref<16x80xi32, #tpu.memory_space<hbm>>) dst(%dma_wait3A_1089 : memref<16x80xi32, #tpu.memory_space<vmem>>)
        tpu.yield
      }) : () -> ()
      %dma_start3A_845 = arith.constant 0 : i32
      %dma_start3A_846 = arith.constant 0 : i32
      %dma_start3A_847 = tpu.memref_slice %arg9[%dma_start3A_845, %dma_start3A_846] : memref<16x80xi32, #tpu.memory_space<vmem>> -> memref<1x80xi32, #tpu.memory_space<vmem>>
      %dma_start3A_848 = tpu.memref_squeeze %dma_start3A_847 : memref<1x80xi32, #tpu.memory_space<vmem>> -> memref<80xi32, #tpu.memory_space<vmem>>
      %dma_start3A_849 = arith.constant 0 : i32
      %dma_start3A_850 = arith.constant 0 : i32
      %dma_start3A_851 = tpu.memref_slice %arg12[%dma_start3A_849, %dma_start3A_850] : memref<10000x128xf32, #tpu.memory_space<vmem_shared>> -> memref<10000x128xf32, #tpu.memory_space<vmem_shared>>
      tpu.enqueue_indirect_dma source(%arg11 : memref<80x128xf32, #tpu.memory_space<vmem>>) target(%dma_start3A_851 : memref<10000x128xf32, #tpu.memory_space<vmem_shared>>) offsets(%dma_start3A_848 : memref<80xi32, #tpu.memory_space<vmem>>) semaphore(%arg16 : memref<!tpu.dma_semaphore, #tpu.memory_space<semaphore_mem>>) {add = true}
      %dma_start3A_852 = arith.constant 1 : i32
      %dma_start3A_853 = arith.constant 0 : i32
      %dma_start3A_854 = tpu.memref_slice %arg9[%dma_start3A_852, %dma_start3A_853] : memref<16x80xi32, #tpu.memory_space<vmem>> -> memref<1x80xi32, #tpu.memory_space<vmem>>
      %dma_start3A_855 = tpu.memref_squeeze %dma_start3A_854 : memref<1x80xi32, #tpu.memory_space<vmem>> -> memref<80xi32, #tpu.memory_space<vmem>>
      %dma_start3A_856 = arith.constant 0 : i32
      %dma_start3A_857 = arith.constant 0 : i32
      %dma_start3A_858 = tpu.memref_slice %arg12[%dma_start3A_856, %dma_start3A_857] : memref<10000x128xf32, #tpu.memory_space<vmem_shared>> -> memref<10000x128xf32, #tpu.memory_space<vmem_shared>>
      tpu.enqueue_indirect_dma source(%arg11 : memref<80x128xf32, #tpu.memory_space<vmem>>) target(%dma_start3A_858 : memref<10000x128xf32, #tpu.memory_space<vmem_shared>>) offsets(%dma_start3A_855 : memref<80xi32, #tpu.memory_space<vmem>>) semaphore(%arg16 : memref<!tpu.dma_semaphore, #tpu.memory_space<semaphore_mem>>) {add = true}
      %dma_start3A_859 = arith.constant 2 : i32
      %dma_start3A_860 = arith.constant 0 : i32
      %dma_start3A_861 = tpu.memref_slice %arg9[%dma_start3A_859, %dma_start3A_860] : memref<16x80xi32, #tpu.memory_space<vmem>> -> memref<1x80xi32, #tpu.memory_space<vmem>>
      %dma_start3A_862 = tpu.memref_squeeze %dma_start3A_861 : memref<1x80xi32, #tpu.memory_space<vmem>> -> memref<80xi32, #tpu.memory_space<vmem>>
      %dma_start3A_863 = arith.constant 0 : i32
      %dma_start3A_864 = arith.constant 0 : i32
      %dma_start3A_865 = tpu.memref_slice %arg12[%dma_start3A_863, %dma_start3A_864] : memref<10000x128xf32, #tpu.memory_space<vmem_shared>> -> memref<10000x128xf32, #tpu.memory_space<vmem_shared>>
      tpu.enqueue_indirect_dma source(%arg11 : memref<80x128xf32, #tpu.memory_space<vmem>>) target(%dma_start3A_865 : memref<10000x128xf32, #tpu.memory_space<vmem_shared>>) offsets(%dma_start3A_862 : memref<80xi32, #tpu.memory_space<vmem>>) semaphore(%arg16 : memref<!tpu.dma_semaphore, #tpu.memory_space<semaphore_mem>>) {add = true}
      %dma_start3A_866 = arith.constant 3 : i32
      %dma_start3A_867 = arith.constant 0 : i32
      %dma_start3A_868 = tpu.memref_slice %arg9[%dma_start3A_866, %dma_start3A_867] : memref<16x80xi32, #tpu.memory_space<vmem>> -> memref<1x80xi32, #tpu.memory_space<vmem>>
      %dma_start3A_869 = tpu.memref_squeeze %dma_start3A_868 : memref<1x80xi32, #tpu.memory_space<vmem>> -> memref<80xi32, #tpu.memory_space<vmem>>
      %dma_start3A_870 = arith.constant 0 : i32
      %dma_start3A_871 = arith.constant 0 : i32
      %dma_start3A_872 = tpu.memref_slice %arg12[%dma_start3A_870, %dma_start3A_871] : memref<10000x128xf32, #tpu.memory_space<vmem_shared>> -> memref<10000x128xf32, #tpu.memory_space<vmem_shared>>
      tpu.enqueue_indirect_dma source(%arg11 : memref<80x128xf32, #tpu.memory_space<vmem>>) target(%dma_start3A_872 : memref<10000x128xf32, #tpu.memory_space<vmem_shared>>) offsets(%dma_start3A_869 : memref<80xi32, #tpu.memory_space<vmem>>) semaphore(%arg16 : memref<!tpu.dma_semaphore, #tpu.memory_space<semaphore_mem>>) {add = true}
      %dma_start3A_873 = arith.constant 4 : i32
      %dma_start3A_874 = arith.constant 0 : i32
      %dma_start3A_875 = tpu.memref_slice %arg9[%dma_start3A_873, %dma_start3A_874] : memref<16x80xi32, #tpu.memory_space<vmem>> -> memref<1x80xi32, #tpu.memory_space<vmem>>
      %dma_start3A_876 = tpu.memref_squeeze %dma_start3A_875 : memref<1x80xi32, #tpu.memory_space<vmem>> -> memref<80xi32, #tpu.memory_space<vmem>>
      %dma_start3A_877 = arith.constant 0 : i32
      %dma_start3A_878 = arith.constant 0 : i32
      %dma_start3A_879 = tpu.memref_slice %arg12[%dma_start3A_877, %dma_start3A_878] : memref<10000x128xf32, #tpu.memory_space<vmem_shared>> -> memref<10000x128xf32, #tpu.memory_space<vmem_shared>>
      tpu.enqueue_indirect_dma source(%arg11 : memref<80x128xf32, #tpu.memory_space<vmem>>) target(%dma_start3A_879 : memref<10000x128xf32, #tpu.memory_space<vmem_shared>>) offsets(%dma_start3A_876 : memref<80xi32, #tpu.memory_space<vmem>>) semaphore(%arg16 : memref<!tpu.dma_semaphore, #tpu.memory_space<semaphore_mem>>) {add = true}
      %dma_start3A_880 = arith.constant 5 : i32
      %dma_start3A_881 = arith.constant 0 : i32
      %dma_start3A_882 = tpu.memref_slice %arg9[%dma_start3A_880, %dma_start3A_881] : memref<16x80xi32, #tpu.memory_space<vmem>> -> memref<1x80xi32, #tpu.memory_space<vmem>>
      %dma_start3A_883 = tpu.memref_squeeze %dma_start3A_882 : memref<1x80xi32, #tpu.memory_space<vmem>> -> memref<80xi32, #tpu.memory_space<vmem>>
      %dma_start3A_884 = arith.constant 0 : i32
      %dma_start3A_885 = arith.constant 0 : i32
      %dma_start3A_886 = tpu.memref_slice %arg12[%dma_start3A_884, %dma_start3A_885] : memref<10000x128xf32, #tpu.memory_space<vmem_shared>> -> memref<10000x128xf32, #tpu.memory_space<vmem_shared>>
      tpu.enqueue_indirect_dma source(%arg11 : memref<80x128xf32, #tpu.memory_space<vmem>>) target(%dma_start3A_886 : memref<10000x128xf32, #tpu.memory_space<vmem_shared>>) offsets(%dma_start3A_883 : memref<80xi32, #tpu.memory_space<vmem>>) semaphore(%arg16 : memref<!tpu.dma_semaphore, #tpu.memory_space<semaphore_mem>>) {add = true}
      %dma_start3A_887 = arith.constant 6 : i32
      %dma_start3A_888 = arith.constant 0 : i32
      %dma_start3A_889 = tpu.memref_slice %arg9[%dma_start3A_887, %dma_start3A_888] : memref<16x80xi32, #tpu.memory_space<vmem>> -> memref<1x80xi32, #tpu.memory_space<vmem>>
      %dma_start3A_890 = tpu.memref_squeeze %dma_start3A_889 : memref<1x80xi32, #tpu.memory_space<vmem>> -> memref<80xi32, #tpu.memory_space<vmem>>
      %dma_start3A_891 = arith.constant 0 : i32
      %dma_start3A_892 = arith.constant 0 : i32
      %dma_start3A_893 = tpu.memref_slice %arg12[%dma_start3A_891, %dma_start3A_892] : memref<10000x128xf32, #tpu.memory_space<vmem_shared>> -> memref<10000x128xf32, #tpu.memory_space<vmem_shared>>
      tpu.enqueue_indirect_dma source(%arg11 : memref<80x128xf32, #tpu.memory_space<vmem>>) target(%dma_start3A_893 : memref<10000x128xf32, #tpu.memory_space<vmem_shared>>) offsets(%dma_start3A_890 : memref<80xi32, #tpu.memory_space<vmem>>) semaphore(%arg16 : memref<!tpu.dma_semaphore, #tpu.memory_space<semaphore_mem>>) {add = true}
      %dma_start3A_894 = arith.constant 7 : i32
      %dma_start3A_895 = arith.constant 0 : i32
      %dma_start3A_896 = tpu.memref_slice %arg9[%dma_start3A_894, %dma_start3A_895] : memref<16x80xi32, #tpu.memory_space<vmem>> -> memref<1x80xi32, #tpu.memory_space<vmem>>
      %dma_start3A_897 = tpu.memref_squeeze %dma_start3A_896 : memref<1x80xi32, #tpu.memory_space<vmem>> -> memref<80xi32, #tpu.memory_space<vmem>>
      %dma_start3A_898 = arith.constant 0 : i32
      %dma_start3A_899 = arith.constant 0 : i32
      %dma_start3A_900 = tpu.memref_slice %arg12[%dma_start3A_898, %dma_start3A_899] : memref<10000x128xf32, #tpu.memory_space<vmem_shared>> -> memref<10000x128xf32, #tpu.memory_space<vmem_shared>>
      tpu.enqueue_indirect_dma source(%arg11 : memref<80x128xf32, #tpu.memory_space<vmem>>) target(%dma_start3A_900 : memref<10000x128xf32, #tpu.memory_space<vmem_shared>>) offsets(%dma_start3A_897 : memref<80xi32, #tpu.memory_space<vmem>>) semaphore(%arg16 : memref<!tpu.dma_semaphore, #tpu.memory_space<semaphore_mem>>) {add = true}
      %dma_start3A_901 = arith.constant 8 : i32
      %dma_start3A_902 = arith.constant 0 : i32
      %dma_start3A_903 = tpu.memref_slice %arg9[%dma_start3A_901, %dma_start3A_902] : memref<16x80xi32, #tpu.memory_space<vmem>> -> memref<1x80xi32, #tpu.memory_space<vmem>>
      %dma_start3A_904 = tpu.memref_squeeze %dma_start3A_903 : memref<1x80xi32, #tpu.memory_space<vmem>> -> memref<80xi32, #tpu.memory_space<vmem>>
      %dma_start3A_905 = arith.constant 0 : i32
      %dma_start3A_906 = arith.constant 0 : i32
      %dma_start3A_907 = tpu.memref_slice %arg12[%dma_start3A_905, %dma_start3A_906] : memref<10000x128xf32, #tpu.memory_space<vmem_shared>> -> memref<10000x128xf32, #tpu.memory_space<vmem_shared>>
      tpu.enqueue_indirect_dma source(%arg11 : memref<80x128xf32, #tpu.memory_space<vmem>>) target(%dma_start3A_907 : memref<10000x128xf32, #tpu.memory_space<vmem_shared>>) offsets(%dma_start3A_904 : memref<80xi32, #tpu.memory_space<vmem>>) semaphore(%arg16 : memref<!tpu.dma_semaphore, #tpu.memory_space<semaphore_mem>>) {add = true}
      %dma_start3A_908 = arith.constant 9 : i32
      %dma_start3A_909 = arith.constant 0 : i32
      %dma_start3A_910 = tpu.memref_slice %arg9[%dma_start3A_908, %dma_start3A_909] : memref<16x80xi32, #tpu.memory_space<vmem>> -> memref<1x80xi32, #tpu.memory_space<vmem>>
      %dma_start3A_911 = tpu.memref_squeeze %dma_start3A_910 : memref<1x80xi32, #tpu.memory_space<vmem>> -> memref<80xi32, #tpu.memory_space<vmem>>
      %dma_start3A_912 = arith.constant 0 : i32
      %dma_start3A_913 = arith.constant 0 : i32
      %dma_start3A_914 = tpu.memref_slice %arg12[%dma_start3A_912, %dma_start3A_913] : memref<10000x128xf32, #tpu.memory_space<vmem_shared>> -> memref<10000x128xf32, #tpu.memory_space<vmem_shared>>
      tpu.enqueue_indirect_dma source(%arg11 : memref<80x128xf32, #tpu.memory_space<vmem>>) target(%dma_start3A_914 : memref<10000x128xf32, #tpu.memory_space<vmem_shared>>) offsets(%dma_start3A_911 : memref<80xi32, #tpu.memory_space<vmem>>) semaphore(%arg16 : memref<!tpu.dma_semaphore, #tpu.memory_space<semaphore_mem>>) {add = true}
      %dma_start3A_915 = arith.constant 10 : i32
      %dma_start3A_916 = arith.constant 0 : i32
      %dma_start3A_917 = tpu.memref_slice %arg9[%dma_start3A_915, %dma_start3A_916] : memref<16x80xi32, #tpu.memory_space<vmem>> -> memref<1x80xi32, #tpu.memory_space<vmem>>
      %dma_start3A_918 = tpu.memref_squeeze %dma_start3A_917 : memref<1x80xi32, #tpu.memory_space<vmem>> -> memref<80xi32, #tpu.memory_space<vmem>>
      %dma_start3A_919 = arith.constant 0 : i32
      %dma_start3A_920 = arith.constant 0 : i32
      %dma_start3A_921 = tpu.memref_slice %arg12[%dma_start3A_919, %dma_start3A_920] : memref<10000x128xf32, #tpu.memory_space<vmem_shared>> -> memref<10000x128xf32, #tpu.memory_space<vmem_shared>>
      tpu.enqueue_indirect_dma source(%arg11 : memref<80x128xf32, #tpu.memory_space<vmem>>) target(%dma_start3A_921 : memref<10000x128xf32, #tpu.memory_space<vmem_shared>>) offsets(%dma_start3A_918 : memref<80xi32, #tpu.memory_space<vmem>>) semaphore(%arg16 : memref<!tpu.dma_semaphore, #tpu.memory_space<semaphore_mem>>) {add = true}
      %dma_start3A_922 = arith.constant 11 : i32
      %dma_start3A_923 = arith.constant 0 : i32
      %dma_start3A_924 = tpu.memref_slice %arg9[%dma_start3A_922, %dma_start3A_923] : memref<16x80xi32, #tpu.memory_space<vmem>> -> memref<1x80xi32, #tpu.memory_space<vmem>>
      %dma_start3A_925 = tpu.memref_squeeze %dma_start3A_924 : memref<1x80xi32, #tpu.memory_space<vmem>> -> memref<80xi32, #tpu.memory_space<vmem>>
      %dma_start3A_926 = arith.constant 0 : i32
      %dma_start3A_927 = arith.constant 0 : i32
      %dma_start3A_928 = tpu.memref_slice %arg12[%dma_start3A_926, %dma_start3A_927] : memref<10000x128xf32, #tpu.memory_space<vmem_shared>> -> memref<10000x128xf32, #tpu.memory_space<vmem_shared>>
      tpu.enqueue_indirect_dma source(%arg11 : memref<80x128xf32, #tpu.memory_space<vmem>>) target(%dma_start3A_928 : memref<10000x128xf32, #tpu.memory_space<vmem_shared>>) offsets(%dma_start3A_925 : memref<80xi32, #tpu.memory_space<vmem>>) semaphore(%arg16 : memref<!tpu.dma_semaphore, #tpu.memory_space<semaphore_mem>>) {add = true}
      %dma_start3A_929 = arith.constant 12 : i32
      %dma_start3A_930 = arith.constant 0 : i32
      %dma_start3A_931 = tpu.memref_slice %arg9[%dma_start3A_929, %dma_start3A_930] : memref<16x80xi32, #tpu.memory_space<vmem>> -> memref<1x80xi32, #tpu.memory_space<vmem>>
      %dma_start3A_932 = tpu.memref_squeeze %dma_start3A_931 : memref<1x80xi32, #tpu.memory_space<vmem>> -> memref<80xi32, #tpu.memory_space<vmem>>
      %dma_start3A_933 = arith.constant 0 : i32
      %dma_start3A_934 = arith.constant 0 : i32
      %dma_start3A_935 = tpu.memref_slice %arg12[%dma_start3A_933, %dma_start3A_934] : memref<10000x128xf32, #tpu.memory_space<vmem_shared>> -> memref<10000x128xf32, #tpu.memory_space<vmem_shared>>
      tpu.enqueue_indirect_dma source(%arg11 : memref<80x128xf32, #tpu.memory_space<vmem>>) target(%dma_start3A_935 : memref<10000x128xf32, #tpu.memory_space<vmem_shared>>) offsets(%dma_start3A_932 : memref<80xi32, #tpu.memory_space<vmem>>) semaphore(%arg16 : memref<!tpu.dma_semaphore, #tpu.memory_space<semaphore_mem>>) {add = true}
      %dma_start3A_936 = arith.constant 13 : i32
      %dma_start3A_937 = arith.constant 0 : i32
      %dma_start3A_938 = tpu.memref_slice %arg9[%dma_start3A_936, %dma_start3A_937] : memref<16x80xi32, #tpu.memory_space<vmem>> -> memref<1x80xi32, #tpu.memory_space<vmem>>
      %dma_start3A_939 = tpu.memref_squeeze %dma_start3A_938 : memref<1x80xi32, #tpu.memory_space<vmem>> -> memref<80xi32, #tpu.memory_space<vmem>>
      %dma_start3A_940 = arith.constant 0 : i32
      %dma_start3A_941 = arith.constant 0 : i32
      %dma_start3A_942 = tpu.memref_slice %arg12[%dma_start3A_940, %dma_start3A_941] : memref<10000x128xf32, #tpu.memory_space<vmem_shared>> -> memref<10000x128xf32, #tpu.memory_space<vmem_shared>>
      tpu.enqueue_indirect_dma source(%arg11 : memref<80x128xf32, #tpu.memory_space<vmem>>) target(%dma_start3A_942 : memref<10000x128xf32, #tpu.memory_space<vmem_shared>>) offsets(%dma_start3A_939 : memref<80xi32, #tpu.memory_space<vmem>>) semaphore(%arg16 : memref<!tpu.dma_semaphore, #tpu.memory_space<semaphore_mem>>) {add = true}
      %dma_start3A_943 = arith.constant 14 : i32
      %dma_start3A_944 = arith.constant 0 : i32
      %dma_start3A_945 = tpu.memref_slice %arg9[%dma_start3A_943, %dma_start3A_944] : memref<16x80xi32, #tpu.memory_space<vmem>> -> memref<1x80xi32, #tpu.memory_space<vmem>>
      %dma_start3A_946 = tpu.memref_squeeze %dma_start3A_945 : memref<1x80xi32, #tpu.memory_space<vmem>> -> memref<80xi32, #tpu.memory_space<vmem>>
      %dma_start3A_947 = arith.constant 0 : i32
      %dma_start3A_948 = arith.constant 0 : i32
      %dma_start3A_949 = tpu.memref_slice %arg12[%dma_start3A_947, %dma_start3A_948] : memref<10000x128xf32, #tpu.memory_space<vmem_shared>> -> memref<10000x128xf32, #tpu.memory_space<vmem_shared>>
      tpu.enqueue_indirect_dma source(%arg11 : memref<80x128xf32, #tpu.memory_space<vmem>>) target(%dma_start3A_949 : memref<10000x128xf32, #tpu.memory_space<vmem_shared>>) offsets(%dma_start3A_946 : memref<80xi32, #tpu.memory_space<vmem>>) semaphore(%arg16 : memref<!tpu.dma_semaphore, #tpu.memory_space<semaphore_mem>>) {add = true}
      %dma_start3A_950 = arith.constant 15 : i32
      %dma_start3A_951 = arith.constant 0 : i32
      %dma_start3A_952 = tpu.memref_slice %arg9[%dma_start3A_950, %dma_start3A_951] : memref<16x80xi32, #tpu.memory_space<vmem>> -> memref<1x80xi32, #tpu.memory_space<vmem>>
      %dma_start3A_953 = tpu.memref_squeeze %dma_start3A_952 : memref<1x80xi32, #tpu.memory_space<vmem>> -> memref<80xi32, #tpu.memory_space<vmem>>
      %dma_start3A_954 = arith.constant 0 : i32
      %dma_start3A_955 = arith.constant 0 : i32
      %dma_start3A_956 = tpu.memref_slice %arg12[%dma_start3A_954, %dma_start3A_955] : memref<10000x128xf32, #tpu.memory_space<vmem_shared>> -> memref<10000x128xf32, #tpu.memory_space<vmem_shared>>
      tpu.enqueue_indirect_dma source(%arg11 : memref<80x128xf32, #tpu.memory_space<vmem>>) target(%dma_start3A_956 : memref<10000x128xf32, #tpu.memory_space<vmem_shared>>) offsets(%dma_start3A_953 : memref<80xi32, #tpu.memory_space<vmem>>) semaphore(%arg16 : memref<!tpu.dma_semaphore, #tpu.memory_space<semaphore_mem>>) {add = true}
      %dma_wait3A_957 = arith.constant 0 : i32
      %dma_wait3A_958 = arith.constant 0 : i32
      %dma_wait3A_959 = tpu.memref_slice %arg9[%dma_wait3A_957, %dma_wait3A_958] : memref<16x80xi32, #tpu.memory_space<vmem>> -> memref<1x80xi32, #tpu.memory_space<vmem>>
      %dma_wait3A_960 = tpu.memref_squeeze %dma_wait3A_959 : memref<1x80xi32, #tpu.memory_space<vmem>> -> memref<80xi32, #tpu.memory_space<vmem>>
      %dma_wait3A_961 = arith.constant 0 : i32
      %dma_wait3A_962 = arith.constant 0 : i32
      %dma_wait3A_963 = tpu.memref_slice %arg12[%dma_wait3A_961, %dma_wait3A_962] : memref<10000x128xf32, #tpu.memory_space<vmem_shared>> -> memref<10000x128xf32, #tpu.memory_space<vmem_shared>>
      tpu.wait_indirect_dma semaphore(%arg16 : memref<!tpu.dma_semaphore, #tpu.memory_space<semaphore_mem>>) src(%arg11 : memref<80x128xf32, #tpu.memory_space<vmem>>) dst(%dma_wait3A_963 : memref<10000x128xf32, #tpu.memory_space<vmem_shared>>)
      %dma_wait3A_964 = arith.constant 1 : i32
      %dma_wait3A_965 = arith.constant 0 : i32
      %dma_wait3A_966 = tpu.memref_slice %arg9[%dma_wait3A_964, %dma_wait3A_965] : memref<16x80xi32, #tpu.memory_space<vmem>> -> memref<1x80xi32, #tpu.memory_space<vmem>>
      %dma_wait3A_967 = tpu.memref_squeeze %dma_wait3A_966 : memref<1x80xi32, #tpu.memory_space<vmem>> -> memref<80xi32, #tpu.memory_space<vmem>>
      %dma_wait3A_968 = arith.constant 0 : i32
      %dma_wait3A_969 = arith.constant 0 : i32
      %dma_wait3A_970 = tpu.memref_slice %arg12[%dma_wait3A_968, %dma_wait3A_969] : memref<10000x128xf32, #tpu.memory_space<vmem_shared>> -> memref<10000x128xf32, #tpu.memory_space<vmem_shared>>
      tpu.wait_indirect_dma semaphore(%arg16 : memref<!tpu.dma_semaphore, #tpu.memory_space<semaphore_mem>>) src(%arg11 : memref<80x128xf32, #tpu.memory_space<vmem>>) dst(%dma_wait3A_970 : memref<10000x128xf32, #tpu.memory_space<vmem_shared>>)
      %dma_wait3A_971 = arith.constant 2 : i32
      %dma_wait3A_972 = arith.constant 0 : i32
      %dma_wait3A_973 = tpu.memref_slice %arg9[%dma_wait3A_971, %dma_wait3A_972] : memref<16x80xi32, #tpu.memory_space<vmem>> -> memref<1x80xi32, #tpu.memory_space<vmem>>
      %dma_wait3A_974 = tpu.memref_squeeze %dma_wait3A_973 : memref<1x80xi32, #tpu.memory_space<vmem>> -> memref<80xi32, #tpu.memory_space<vmem>>
      %dma_wait3A_975 = arith.constant 0 : i32
      %dma_wait3A_976 = arith.constant 0 : i32
      %dma_wait3A_977 = tpu.memref_slice %arg12[%dma_wait3A_975, %dma_wait3A_976] : memref<10000x128xf32, #tpu.memory_space<vmem_shared>> -> memref<10000x128xf32, #tpu.memory_space<vmem_shared>>
      tpu.wait_indirect_dma semaphore(%arg16 : memref<!tpu.dma_semaphore, #tpu.memory_space<semaphore_mem>>) src(%arg11 : memref<80x128xf32, #tpu.memory_space<vmem>>) dst(%dma_wait3A_977 : memref<10000x128xf32, #tpu.memory_space<vmem_shared>>)
      %dma_wait3A_978 = arith.constant 3 : i32
      %dma_wait3A_979 = arith.constant 0 : i32
      %dma_wait3A_980 = tpu.memref_slice %arg9[%dma_wait3A_978, %dma_wait3A_979] : memref<16x80xi32, #tpu.memory_space<vmem>> -> memref<1x80xi32, #tpu.memory_space<vmem>>
      %dma_wait3A_981 = tpu.memref_squeeze %dma_wait3A_980 : memref<1x80xi32, #tpu.memory_space<vmem>> -> memref<80xi32, #tpu.memory_space<vmem>>
      %dma_wait3A_982 = arith.constant 0 : i32
      %dma_wait3A_983 = arith.constant 0 : i32
      %dma_wait3A_984 = tpu.memref_slice %arg12[%dma_wait3A_982, %dma_wait3A_983] : memref<10000x128xf32, #tpu.memory_space<vmem_shared>> -> memref<10000x128xf32, #tpu.memory_space<vmem_shared>>
      tpu.wait_indirect_dma semaphore(%arg16 : memref<!tpu.dma_semaphore, #tpu.memory_space<semaphore_mem>>) src(%arg11 : memref<80x128xf32, #tpu.memory_space<vmem>>) dst(%dma_wait3A_984 : memref<10000x128xf32, #tpu.memory_space<vmem_shared>>)
      %dma_wait3A_985 = arith.constant 4 : i32
      %dma_wait3A_986 = arith.constant 0 : i32
      %dma_wait3A_987 = tpu.memref_slice %arg9[%dma_wait3A_985, %dma_wait3A_986] : memref<16x80xi32, #tpu.memory_space<vmem>> -> memref<1x80xi32, #tpu.memory_space<vmem>>
      %dma_wait3A_988 = tpu.memref_squeeze %dma_wait3A_987 : memref<1x80xi32, #tpu.memory_space<vmem>> -> memref<80xi32, #tpu.memory_space<vmem>>
      %dma_wait3A_989 = arith.constant 0 : i32
      %dma_wait3A_990 = arith.constant 0 : i32
      %dma_wait3A_991 = tpu.memref_slice %arg12[%dma_wait3A_989, %dma_wait3A_990] : memref<10000x128xf32, #tpu.memory_space<vmem_shared>> -> memref<10000x128xf32, #tpu.memory_space<vmem_shared>>
      tpu.wait_indirect_dma semaphore(%arg16 : memref<!tpu.dma_semaphore, #tpu.memory_space<semaphore_mem>>) src(%arg11 : memref<80x128xf32, #tpu.memory_space<vmem>>) dst(%dma_wait3A_991 : memref<10000x128xf32, #tpu.memory_space<vmem_shared>>)
      %dma_wait3A_992 = arith.constant 5 : i32
      %dma_wait3A_993 = arith.constant 0 : i32
      %dma_wait3A_994 = tpu.memref_slice %arg9[%dma_wait3A_992, %dma_wait3A_993] : memref<16x80xi32, #tpu.memory_space<vmem>> -> memref<1x80xi32, #tpu.memory_space<vmem>>
      %dma_wait3A_995 = tpu.memref_squeeze %dma_wait3A_994 : memref<1x80xi32, #tpu.memory_space<vmem>> -> memref<80xi32, #tpu.memory_space<vmem>>
      %dma_wait3A_996 = arith.constant 0 : i32
      %dma_wait3A_997 = arith.constant 0 : i32
      %dma_wait3A_998 = tpu.memref_slice %arg12[%dma_wait3A_996, %dma_wait3A_997] : memref<10000x128xf32, #tpu.memory_space<vmem_shared>> -> memref<10000x128xf32, #tpu.memory_space<vmem_shared>>
      tpu.wait_indirect_dma semaphore(%arg16 : memref<!tpu.dma_semaphore, #tpu.memory_space<semaphore_mem>>) src(%arg11 : memref<80x128xf32, #tpu.memory_space<vmem>>) dst(%dma_wait3A_998 : memref<10000x128xf32, #tpu.memory_space<vmem_shared>>)
      %dma_wait3A_999 = arith.constant 6 : i32
      %dma_wait3A_1000 = arith.constant 0 : i32
      %dma_wait3A_1001 = tpu.memref_slice %arg9[%dma_wait3A_999, %dma_wait3A_1000] : memref<16x80xi32, #tpu.memory_space<vmem>> -> memref<1x80xi32, #tpu.memory_space<vmem>>
      %dma_wait3A_1002 = tpu.memref_squeeze %dma_wait3A_1001 : memref<1x80xi32, #tpu.memory_space<vmem>> -> memref<80xi32, #tpu.memory_space<vmem>>
      %dma_wait3A_1003 = arith.constant 0 : i32
      %dma_wait3A_1004 = arith.constant 0 : i32
      %dma_wait3A_1005 = tpu.memref_slice %arg12[%dma_wait3A_1003, %dma_wait3A_1004] : memref<10000x128xf32, #tpu.memory_space<vmem_shared>> -> memref<10000x128xf32, #tpu.memory_space<vmem_shared>>
      tpu.wait_indirect_dma semaphore(%arg16 : memref<!tpu.dma_semaphore, #tpu.memory_space<semaphore_mem>>) src(%arg11 : memref<80x128xf32, #tpu.memory_space<vmem>>) dst(%dma_wait3A_1005 : memref<10000x128xf32, #tpu.memory_space<vmem_shared>>)
      %dma_wait3A_1006 = arith.constant 7 : i32
      %dma_wait3A_1007 = arith.constant 0 : i32
      %dma_wait3A_1008 = tpu.memref_slice %arg9[%dma_wait3A_1006, %dma_wait3A_1007] : memref<16x80xi32, #tpu.memory_space<vmem>> -> memref<1x80xi32, #tpu.memory_space<vmem>>
      %dma_wait3A_1009 = tpu.memref_squeeze %dma_wait3A_1008 : memref<1x80xi32, #tpu.memory_space<vmem>> -> memref<80xi32, #tpu.memory_space<vmem>>
      %dma_wait3A_1010 = arith.constant 0 : i32
      %dma_wait3A_1011 = arith.constant 0 : i32
      %dma_wait3A_1012 = tpu.memref_slice %arg12[%dma_wait3A_1010, %dma_wait3A_1011] : memref<10000x128xf32, #tpu.memory_space<vmem_shared>> -> memref<10000x128xf32, #tpu.memory_space<vmem_shared>>
      tpu.wait_indirect_dma semaphore(%arg16 : memref<!tpu.dma_semaphore, #tpu.memory_space<semaphore_mem>>) src(%arg11 : memref<80x128xf32, #tpu.memory_space<vmem>>) dst(%dma_wait3A_1012 : memref<10000x128xf32, #tpu.memory_space<vmem_shared>>)
      %dma_wait3A_1013 = arith.constant 8 : i32
      %dma_wait3A_1014 = arith.constant 0 : i32
      %dma_wait3A_1015 = tpu.memref_slice %arg9[%dma_wait3A_1013, %dma_wait3A_1014] : memref<16x80xi32, #tpu.memory_space<vmem>> -> memref<1x80xi32, #tpu.memory_space<vmem>>
      %dma_wait3A_1016 = tpu.memref_squeeze %dma_wait3A_1015 : memref<1x80xi32, #tpu.memory_space<vmem>> -> memref<80xi32, #tpu.memory_space<vmem>>
      %dma_wait3A_1017 = arith.constant 0 : i32
      %dma_wait3A_1018 = arith.constant 0 : i32
      %dma_wait3A_1019 = tpu.memref_slice %arg12[%dma_wait3A_1017, %dma_wait3A_1018] : memref<10000x128xf32, #tpu.memory_space<vmem_shared>> -> memref<10000x128xf32, #tpu.memory_space<vmem_shared>>
      tpu.wait_indirect_dma semaphore(%arg16 : memref<!tpu.dma_semaphore, #tpu.memory_space<semaphore_mem>>) src(%arg11 : memref<80x128xf32, #tpu.memory_space<vmem>>) dst(%dma_wait3A_1019 : memref<10000x128xf32, #tpu.memory_space<vmem_shared>>)
      %dma_wait3A_1020 = arith.constant 9 : i32
      %dma_wait3A_1021 = arith.constant 0 : i32
      %dma_wait3A_1022 = tpu.memref_slice %arg9[%dma_wait3A_1020, %dma_wait3A_1021] : memref<16x80xi32, #tpu.memory_space<vmem>> -> memref<1x80xi32, #tpu.memory_space<vmem>>
      %dma_wait3A_1023 = tpu.memref_squeeze %dma_wait3A_1022 : memref<1x80xi32, #tpu.memory_space<vmem>> -> memref<80xi32, #tpu.memory_space<vmem>>
      %dma_wait3A_1024 = arith.constant 0 : i32
      %dma_wait3A_1025 = arith.constant 0 : i32
      %dma_wait3A_1026 = tpu.memref_slice %arg12[%dma_wait3A_1024, %dma_wait3A_1025] : memref<10000x128xf32, #tpu.memory_space<vmem_shared>> -> memref<10000x128xf32, #tpu.memory_space<vmem_shared>>
      tpu.wait_indirect_dma semaphore(%arg16 : memref<!tpu.dma_semaphore, #tpu.memory_space<semaphore_mem>>) src(%arg11 : memref<80x128xf32, #tpu.memory_space<vmem>>) dst(%dma_wait3A_1026 : memref<10000x128xf32, #tpu.memory_space<vmem_shared>>)
      %dma_wait3A_1027 = arith.constant 10 : i32
      %dma_wait3A_1028 = arith.constant 0 : i32
      %dma_wait3A_1029 = tpu.memref_slice %arg9[%dma_wait3A_1027, %dma_wait3A_1028] : memref<16x80xi32, #tpu.memory_space<vmem>> -> memref<1x80xi32, #tpu.memory_space<vmem>>
      %dma_wait3A_1030 = tpu.memref_squeeze %dma_wait3A_1029 : memref<1x80xi32, #tpu.memory_space<vmem>> -> memref<80xi32, #tpu.memory_space<vmem>>
      %dma_wait3A_1031 = arith.constant 0 : i32
      %dma_wait3A_1032 = arith.constant 0 : i32
      %dma_wait3A_1033 = tpu.memref_slice %arg12[%dma_wait3A_1031, %dma_wait3A_1032] : memref<10000x128xf32, #tpu.memory_space<vmem_shared>> -> memref<10000x128xf32, #tpu.memory_space<vmem_shared>>
      tpu.wait_indirect_dma semaphore(%arg16 : memref<!tpu.dma_semaphore, #tpu.memory_space<semaphore_mem>>) src(%arg11 : memref<80x128xf32, #tpu.memory_space<vmem>>) dst(%dma_wait3A_1033 : memref<10000x128xf32, #tpu.memory_space<vmem_shared>>)
      %dma_wait3A_1034 = arith.constant 11 : i32
      %dma_wait3A_1035 = arith.constant 0 : i32
      %dma_wait3A_1036 = tpu.memref_slice %arg9[%dma_wait3A_1034, %dma_wait3A_1035] : memref<16x80xi32, #tpu.memory_space<vmem>> -> memref<1x80xi32, #tpu.memory_space<vmem>>
      %dma_wait3A_1037 = tpu.memref_squeeze %dma_wait3A_1036 : memref<1x80xi32, #tpu.memory_space<vmem>> -> memref<80xi32, #tpu.memory_space<vmem>>
      %dma_wait3A_1038 = arith.constant 0 : i32
      %dma_wait3A_1039 = arith.constant 0 : i32
      %dma_wait3A_1040 = tpu.memref_slice %arg12[%dma_wait3A_1038, %dma_wait3A_1039] : memref<10000x128xf32, #tpu.memory_space<vmem_shared>> -> memref<10000x128xf32, #tpu.memory_space<vmem_shared>>
      tpu.wait_indirect_dma semaphore(%arg16 : memref<!tpu.dma_semaphore, #tpu.memory_space<semaphore_mem>>) src(%arg11 : memref<80x128xf32, #tpu.memory_space<vmem>>) dst(%dma_wait3A_1040 : memref<10000x128xf32, #tpu.memory_space<vmem_shared>>)
      %dma_wait3A_1041 = arith.constant 12 : i32
      %dma_wait3A_1042 = arith.constant 0 : i32
      %dma_wait3A_1043 = tpu.memref_slice %arg9[%dma_wait3A_1041, %dma_wait3A_1042] : memref<16x80xi32, #tpu.memory_space<vmem>> -> memref<1x80xi32, #tpu.memory_space<vmem>>
      %dma_wait3A_1044 = tpu.memref_squeeze %dma_wait3A_1043 : memref<1x80xi32, #tpu.memory_space<vmem>> -> memref<80xi32, #tpu.memory_space<vmem>>
      %dma_wait3A_1045 = arith.constant 0 : i32
      %dma_wait3A_1046 = arith.constant 0 : i32
      %dma_wait3A_1047 = tpu.memref_slice %arg12[%dma_wait3A_1045, %dma_wait3A_1046] : memref<10000x128xf32, #tpu.memory_space<vmem_shared>> -> memref<10000x128xf32, #tpu.memory_space<vmem_shared>>
      tpu.wait_indirect_dma semaphore(%arg16 : memref<!tpu.dma_semaphore, #tpu.memory_space<semaphore_mem>>) src(%arg11 : memref<80x128xf32, #tpu.memory_space<vmem>>) dst(%dma_wait3A_1047 : memref<10000x128xf32, #tpu.memory_space<vmem_shared>>)
      %dma_wait3A_1048 = arith.constant 13 : i32
      %dma_wait3A_1049 = arith.constant 0 : i32
      %dma_wait3A_1050 = tpu.memref_slice %arg9[%dma_wait3A_1048, %dma_wait3A_1049] : memref<16x80xi32, #tpu.memory_space<vmem>> -> memref<1x80xi32, #tpu.memory_space<vmem>>
      %dma_wait3A_1051 = tpu.memref_squeeze %dma_wait3A_1050 : memref<1x80xi32, #tpu.memory_space<vmem>> -> memref<80xi32, #tpu.memory_space<vmem>>
      %dma_wait3A_1052 = arith.constant 0 : i32
      %dma_wait3A_1053 = arith.constant 0 : i32
      %dma_wait3A_1054 = tpu.memref_slice %arg12[%dma_wait3A_1052, %dma_wait3A_1053] : memref<10000x128xf32, #tpu.memory_space<vmem_shared>> -> memref<10000x128xf32, #tpu.memory_space<vmem_shared>>
      tpu.wait_indirect_dma semaphore(%arg16 : memref<!tpu.dma_semaphore, #tpu.memory_space<semaphore_mem>>) src(%arg11 : memref<80x128xf32, #tpu.memory_space<vmem>>) dst(%dma_wait3A_1054 : memref<10000x128xf32, #tpu.memory_space<vmem_shared>>)
      %dma_wait3A_1055 = arith.constant 14 : i32
      %dma_wait3A_1056 = arith.constant 0 : i32
      %dma_wait3A_1057 = tpu.memref_slice %arg9[%dma_wait3A_1055, %dma_wait3A_1056] : memref<16x80xi32, #tpu.memory_space<vmem>> -> memref<1x80xi32, #tpu.memory_space<vmem>>
      %dma_wait3A_1058 = tpu.memref_squeeze %dma_wait3A_1057 : memref<1x80xi32, #tpu.memory_space<vmem>> -> memref<80xi32, #tpu.memory_space<vmem>>
      %dma_wait3A_1059 = arith.constant 0 : i32
      %dma_wait3A_1060 = arith.constant 0 : i32
      %dma_wait3A_1061 = tpu.memref_slice %arg12[%dma_wait3A_1059, %dma_wait3A_1060] : memref<10000x128xf32, #tpu.memory_space<vmem_shared>> -> memref<10000x128xf32, #tpu.memory_space<vmem_shared>>
      tpu.wait_indirect_dma semaphore(%arg16 : memref<!tpu.dma_semaphore, #tpu.memory_space<semaphore_mem>>) src(%arg11 : memref<80x128xf32, #tpu.memory_space<vmem>>) dst(%dma_wait3A_1061 : memref<10000x128xf32, #tpu.memory_space<vmem_shared>>)
      %dma_wait3A_1062 = arith.constant 15 : i32
      %dma_wait3A_1063 = arith.constant 0 : i32
      %dma_wait3A_1064 = tpu.memref_slice %arg9[%dma_wait3A_1062, %dma_wait3A_1063] : memref<16x80xi32, #tpu.memory_space<vmem>> -> memref<1x80xi32, #tpu.memory_space<vmem>>
      %dma_wait3A_1065 = tpu.memref_squeeze %dma_wait3A_1064 : memref<1x80xi32, #tpu.memory_space<vmem>> -> memref<80xi32, #tpu.memory_space<vmem>>
      %dma_wait3A_1066 = arith.constant 0 : i32
      %dma_wait3A_1067 = arith.constant 0 : i32
      %dma_wait3A_1068 = tpu.memref_slice %arg12[%dma_wait3A_1066, %dma_wait3A_1067] : memref<10000x128xf32, #tpu.memory_space<vmem_shared>> -> memref<10000x128xf32, #tpu.memory_space<vmem_shared>>
      tpu.wait_indirect_dma semaphore(%arg16 : memref<!tpu.dma_semaphore, #tpu.memory_space<semaphore_mem>>) src(%arg11 : memref<80x128xf32, #tpu.memory_space<vmem>>) dst(%dma_wait3A_1068 : memref<10000x128xf32, #tpu.memory_space<vmem_shared>>)
    }
    %scan3A_651 = arith.constant 7 : i32
    "tpu.region"() ({
      %run_scoped3A = tpu.sem_alloc : memref<!tpu.dma_semaphore, #tpu.memory_space<semaphore_mem>>
      %dma_start3A_842 = arith.constant 0 : i32
      %dma_start3A_843 = arith.constant 0 : i32
      %dma_start3A_844 = tpu.memref_slice %arg9[%dma_start3A_842, %dma_start3A_843] : memref<16x80xi32, #tpu.memory_space<vmem>> -> memref<13x80xi32, #tpu.memory_space<vmem>>
      %dma_start3A_845 = arith.constant 112 : i32
      %dma_start3A_846 = arith.constant 0 : i32
      %dma_start3A_847 = tpu.memref_slice %arg4[%add3A, %dma_start3A_845, %dma_start3A_846] : memref<32x125x80xi32, #tpu.memory_space<hbm>> -> memref<1x13x80xi32, #tpu.memory_space<hbm>>
      %dma_start3A_848 = tpu.memref_squeeze %dma_start3A_847 : memref<1x13x80xi32, #tpu.memory_space<hbm>> -> memref<13x80xi32, #tpu.memory_space<hbm>>
      %dma_start3A_849 = arith.constant 0 : i32
      %dma_start3A_850 = arith.constant 0 : i32
      %dma_start3A_851 = tpu.memref_slice %arg9[%dma_start3A_849, %dma_start3A_850] : memref<16x80xi32, #tpu.memory_space<vmem>> -> memref<13x80xi32, #tpu.memory_space<vmem>>
      %dma_start3A_852 = arith.constant 112 : i32
      %dma_start3A_853 = arith.constant 0 : i32
      %dma_start3A_854 = tpu.memref_slice %arg4[%add3A, %dma_start3A_852, %dma_start3A_853] : memref<32x125x80xi32, #tpu.memory_space<hbm>> -> memref<1x13x80xi32, #tpu.memory_space<hbm>>
      %dma_start3A_855 = tpu.memref_squeeze %dma_start3A_854 : memref<1x13x80xi32, #tpu.memory_space<hbm>> -> memref<13x80xi32, #tpu.memory_space<hbm>>
      tpu.enqueue_dma source(%dma_start3A_855 : memref<13x80xi32, #tpu.memory_space<hbm>>) target(%dma_start3A_851 : memref<13x80xi32, #tpu.memory_space<vmem>>) target_semaphore(%run_scoped3A : memref<!tpu.dma_semaphore, #tpu.memory_space<semaphore_mem>>)
      %dma_wait3A_856 = arith.constant 0 : i32
      %dma_wait3A_857 = arith.constant 0 : i32
      %dma_wait3A_858 = tpu.memref_slice %arg9[%dma_wait3A_856, %dma_wait3A_857] : memref<16x80xi32, #tpu.memory_space<vmem>> -> memref<13x80xi32, #tpu.memory_space<vmem>>
      %dma_wait3A_859 = arith.constant 112 : i32
      %dma_wait3A_860 = arith.constant 0 : i32
      %dma_wait3A_861 = tpu.memref_slice %arg4[%add3A, %dma_wait3A_859, %dma_wait3A_860] : memref<32x125x80xi32, #tpu.memory_space<hbm>> -> memref<1x13x80xi32, #tpu.memory_space<hbm>>
      %dma_wait3A_862 = tpu.memref_squeeze %dma_wait3A_861 : memref<1x13x80xi32, #tpu.memory_space<hbm>> -> memref<13x80xi32, #tpu.memory_space<hbm>>
      %dma_wait3A_863 = arith.constant 0 : i32
      %dma_wait3A_864 = arith.constant 0 : i32
      %dma_wait3A_865 = tpu.memref_slice %arg9[%dma_wait3A_863, %dma_wait3A_864] : memref<16x80xi32, #tpu.memory_space<vmem>> -> memref<13x80xi32, #tpu.memory_space<vmem>>
      %dma_wait3A_866 = arith.constant 112 : i32
      %dma_wait3A_867 = arith.constant 0 : i32
      %dma_wait3A_868 = tpu.memref_slice %arg4[%add3A, %dma_wait3A_866, %dma_wait3A_867] : memref<32x125x80xi32, #tpu.memory_space<hbm>> -> memref<1x13x80xi32, #tpu.memory_space<hbm>>
      %dma_wait3A_869 = tpu.memref_squeeze %dma_wait3A_868 : memref<1x13x80xi32, #tpu.memory_space<hbm>> -> memref<13x80xi32, #tpu.memory_space<hbm>>
      tpu.wait_dma2 semaphore(%run_scoped3A : memref<!tpu.dma_semaphore, #tpu.memory_space<semaphore_mem>>) src(%dma_wait3A_869 : memref<13x80xi32, #tpu.memory_space<hbm>>) dst(%dma_wait3A_865 : memref<13x80xi32, #tpu.memory_space<vmem>>)
      tpu.yield
    }) : () -> ()
    %dma_start3A_652 = arith.constant 0 : i32
    %dma_start3A_653 = arith.constant 0 : i32
    %dma_start3A_654 = tpu.memref_slice %arg9[%dma_start3A_652, %dma_start3A_653] : memref<16x80xi32, #tpu.memory_space<vmem>> -> memref<1x80xi32, #tpu.memory_space<vmem>>
    %dma_start3A_655 = tpu.memref_squeeze %dma_start3A_654 : memref<1x80xi32, #tpu.memory_space<vmem>> -> memref<80xi32, #tpu.memory_space<vmem>>
    %dma_start3A_656 = arith.constant 0 : i32
    %dma_start3A_657 = arith.constant 0 : i32
    %dma_start3A_658 = tpu.memref_slice %arg12[%dma_start3A_656, %dma_start3A_657] : memref<10000x128xf32, #tpu.memory_space<vmem_shared>> -> memref<10000x128xf32, #tpu.memory_space<vmem_shared>>
    tpu.enqueue_indirect_dma source(%arg11 : memref<80x128xf32, #tpu.memory_space<vmem>>) target(%dma_start3A_658 : memref<10000x128xf32, #tpu.memory_space<vmem_shared>>) offsets(%dma_start3A_655 : memref<80xi32, #tpu.memory_space<vmem>>) semaphore(%arg16 : memref<!tpu.dma_semaphore, #tpu.memory_space<semaphore_mem>>) {add = true}
    %dma_start3A_659 = arith.constant 1 : i32
    %dma_start3A_660 = arith.constant 0 : i32
    %dma_start3A_661 = tpu.memref_slice %arg9[%dma_start3A_659, %dma_start3A_660] : memref<16x80xi32, #tpu.memory_space<vmem>> -> memref<1x80xi32, #tpu.memory_space<vmem>>
    %dma_start3A_662 = tpu.memref_squeeze %dma_start3A_661 : memref<1x80xi32, #tpu.memory_space<vmem>> -> memref<80xi32, #tpu.memory_space<vmem>>
    %dma_start3A_663 = arith.constant 0 : i32
    %dma_start3A_664 = arith.constant 0 : i32
    %dma_start3A_665 = tpu.memref_slice %arg12[%dma_start3A_663, %dma_start3A_664] : memref<10000x128xf32, #tpu.memory_space<vmem_shared>> -> memref<10000x128xf32, #tpu.memory_space<vmem_shared>>
    tpu.enqueue_indirect_dma source(%arg11 : memref<80x128xf32, #tpu.memory_space<vmem>>) target(%dma_start3A_665 : memref<10000x128xf32, #tpu.memory_space<vmem_shared>>) offsets(%dma_start3A_662 : memref<80xi32, #tpu.memory_space<vmem>>) semaphore(%arg16 : memref<!tpu.dma_semaphore, #tpu.memory_space<semaphore_mem>>) {add = true}
    %dma_start3A_666 = arith.constant 2 : i32
    %dma_start3A_667 = arith.constant 0 : i32
    %dma_start3A_668 = tpu.memref_slice %arg9[%dma_start3A_666, %dma_start3A_667] : memref<16x80xi32, #tpu.memory_space<vmem>> -> memref<1x80xi32, #tpu.memory_space<vmem>>
    %dma_start3A_669 = tpu.memref_squeeze %dma_start3A_668 : memref<1x80xi32, #tpu.memory_space<vmem>> -> memref<80xi32, #tpu.memory_space<vmem>>
    %dma_start3A_670 = arith.constant 0 : i32
    %dma_start3A_671 = arith.constant 0 : i32
    %dma_start3A_672 = tpu.memref_slice %arg12[%dma_start3A_670, %dma_start3A_671] : memref<10000x128xf32, #tpu.memory_space<vmem_shared>> -> memref<10000x128xf32, #tpu.memory_space<vmem_shared>>
    tpu.enqueue_indirect_dma source(%arg11 : memref<80x128xf32, #tpu.memory_space<vmem>>) target(%dma_start3A_672 : memref<10000x128xf32, #tpu.memory_space<vmem_shared>>) offsets(%dma_start3A_669 : memref<80xi32, #tpu.memory_space<vmem>>) semaphore(%arg16 : memref<!tpu.dma_semaphore, #tpu.memory_space<semaphore_mem>>) {add = true}
    %dma_start3A_673 = arith.constant 3 : i32
    %dma_start3A_674 = arith.constant 0 : i32
    %dma_start3A_675 = tpu.memref_slice %arg9[%dma_start3A_673, %dma_start3A_674] : memref<16x80xi32, #tpu.memory_space<vmem>> -> memref<1x80xi32, #tpu.memory_space<vmem>>
    %dma_start3A_676 = tpu.memref_squeeze %dma_start3A_675 : memref<1x80xi32, #tpu.memory_space<vmem>> -> memref<80xi32, #tpu.memory_space<vmem>>
    %dma_start3A_677 = arith.constant 0 : i32
    %dma_start3A_678 = arith.constant 0 : i32
    %dma_start3A_679 = tpu.memref_slice %arg12[%dma_start3A_677, %dma_start3A_678] : memref<10000x128xf32, #tpu.memory_space<vmem_shared>> -> memref<10000x128xf32, #tpu.memory_space<vmem_shared>>
    tpu.enqueue_indirect_dma source(%arg11 : memref<80x128xf32, #tpu.memory_space<vmem>>) target(%dma_start3A_679 : memref<10000x128xf32, #tpu.memory_space<vmem_shared>>) offsets(%dma_start3A_676 : memref<80xi32, #tpu.memory_space<vmem>>) semaphore(%arg16 : memref<!tpu.dma_semaphore, #tpu.memory_space<semaphore_mem>>) {add = true}
    %dma_start3A_680 = arith.constant 4 : i32
    %dma_start3A_681 = arith.constant 0 : i32
    %dma_start3A_682 = tpu.memref_slice %arg9[%dma_start3A_680, %dma_start3A_681] : memref<16x80xi32, #tpu.memory_space<vmem>> -> memref<1x80xi32, #tpu.memory_space<vmem>>
    %dma_start3A_683 = tpu.memref_squeeze %dma_start3A_682 : memref<1x80xi32, #tpu.memory_space<vmem>> -> memref<80xi32, #tpu.memory_space<vmem>>
    %dma_start3A_684 = arith.constant 0 : i32
    %dma_start3A_685 = arith.constant 0 : i32
    %dma_start3A_686 = tpu.memref_slice %arg12[%dma_start3A_684, %dma_start3A_685] : memref<10000x128xf32, #tpu.memory_space<vmem_shared>> -> memref<10000x128xf32, #tpu.memory_space<vmem_shared>>
    tpu.enqueue_indirect_dma source(%arg11 : memref<80x128xf32, #tpu.memory_space<vmem>>) target(%dma_start3A_686 : memref<10000x128xf32, #tpu.memory_space<vmem_shared>>) offsets(%dma_start3A_683 : memref<80xi32, #tpu.memory_space<vmem>>) semaphore(%arg16 : memref<!tpu.dma_semaphore, #tpu.memory_space<semaphore_mem>>) {add = true}
    %dma_start3A_687 = arith.constant 5 : i32
    %dma_start3A_688 = arith.constant 0 : i32
    %dma_start3A_689 = tpu.memref_slice %arg9[%dma_start3A_687, %dma_start3A_688] : memref<16x80xi32, #tpu.memory_space<vmem>> -> memref<1x80xi32, #tpu.memory_space<vmem>>
    %dma_start3A_690 = tpu.memref_squeeze %dma_start3A_689 : memref<1x80xi32, #tpu.memory_space<vmem>> -> memref<80xi32, #tpu.memory_space<vmem>>
    %dma_start3A_691 = arith.constant 0 : i32
    %dma_start3A_692 = arith.constant 0 : i32
    %dma_start3A_693 = tpu.memref_slice %arg12[%dma_start3A_691, %dma_start3A_692] : memref<10000x128xf32, #tpu.memory_space<vmem_shared>> -> memref<10000x128xf32, #tpu.memory_space<vmem_shared>>
    tpu.enqueue_indirect_dma source(%arg11 : memref<80x128xf32, #tpu.memory_space<vmem>>) target(%dma_start3A_693 : memref<10000x128xf32, #tpu.memory_space<vmem_shared>>) offsets(%dma_start3A_690 : memref<80xi32, #tpu.memory_space<vmem>>) semaphore(%arg16 : memref<!tpu.dma_semaphore, #tpu.memory_space<semaphore_mem>>) {add = true}
    %dma_start3A_694 = arith.constant 6 : i32
    %dma_start3A_695 = arith.constant 0 : i32
    %dma_start3A_696 = tpu.memref_slice %arg9[%dma_start3A_694, %dma_start3A_695] : memref<16x80xi32, #tpu.memory_space<vmem>> -> memref<1x80xi32, #tpu.memory_space<vmem>>
    %dma_start3A_697 = tpu.memref_squeeze %dma_start3A_696 : memref<1x80xi32, #tpu.memory_space<vmem>> -> memref<80xi32, #tpu.memory_space<vmem>>
    %dma_start3A_698 = arith.constant 0 : i32
    %dma_start3A_699 = arith.constant 0 : i32
    %dma_start3A_700 = tpu.memref_slice %arg12[%dma_start3A_698, %dma_start3A_699] : memref<10000x128xf32, #tpu.memory_space<vmem_shared>> -> memref<10000x128xf32, #tpu.memory_space<vmem_shared>>
    tpu.enqueue_indirect_dma source(%arg11 : memref<80x128xf32, #tpu.memory_space<vmem>>) target(%dma_start3A_700 : memref<10000x128xf32, #tpu.memory_space<vmem_shared>>) offsets(%dma_start3A_697 : memref<80xi32, #tpu.memory_space<vmem>>) semaphore(%arg16 : memref<!tpu.dma_semaphore, #tpu.memory_space<semaphore_mem>>) {add = true}
    %dma_start3A_701 = arith.constant 7 : i32
    %dma_start3A_702 = arith.constant 0 : i32
    %dma_start3A_703 = tpu.memref_slice %arg9[%dma_start3A_701, %dma_start3A_702] : memref<16x80xi32, #tpu.memory_space<vmem>> -> memref<1x80xi32, #tpu.memory_space<vmem>>
    %dma_start3A_704 = tpu.memref_squeeze %dma_start3A_703 : memref<1x80xi32, #tpu.memory_space<vmem>> -> memref<80xi32, #tpu.memory_space<vmem>>
    %dma_start3A_705 = arith.constant 0 : i32
    %dma_start3A_706 = arith.constant 0 : i32
    %dma_start3A_707 = tpu.memref_slice %arg12[%dma_start3A_705, %dma_start3A_706] : memref<10000x128xf32, #tpu.memory_space<vmem_shared>> -> memref<10000x128xf32, #tpu.memory_space<vmem_shared>>
    tpu.enqueue_indirect_dma source(%arg11 : memref<80x128xf32, #tpu.memory_space<vmem>>) target(%dma_start3A_707 : memref<10000x128xf32, #tpu.memory_space<vmem_shared>>) offsets(%dma_start3A_704 : memref<80xi32, #tpu.memory_space<vmem>>) semaphore(%arg16 : memref<!tpu.dma_semaphore, #tpu.memory_space<semaphore_mem>>) {add = true}
    %dma_start3A_708 = arith.constant 8 : i32
    %dma_start3A_709 = arith.constant 0 : i32
    %dma_start3A_710 = tpu.memref_slice %arg9[%dma_start3A_708, %dma_start3A_709] : memref<16x80xi32, #tpu.memory_space<vmem>> -> memref<1x80xi32, #tpu.memory_space<vmem>>
    %dma_start3A_711 = tpu.memref_squeeze %dma_start3A_710 : memref<1x80xi32, #tpu.memory_space<vmem>> -> memref<80xi32, #tpu.memory_space<vmem>>
    %dma_start3A_712 = arith.constant 0 : i32
    %dma_start3A_713 = arith.constant 0 : i32
    %dma_start3A_714 = tpu.memref_slice %arg12[%dma_start3A_712, %dma_start3A_713] : memref<10000x128xf32, #tpu.memory_space<vmem_shared>> -> memref<10000x128xf32, #tpu.memory_space<vmem_shared>>
    tpu.enqueue_indirect_dma source(%arg11 : memref<80x128xf32, #tpu.memory_space<vmem>>) target(%dma_start3A_714 : memref<10000x128xf32, #tpu.memory_space<vmem_shared>>) offsets(%dma_start3A_711 : memref<80xi32, #tpu.memory_space<vmem>>) semaphore(%arg16 : memref<!tpu.dma_semaphore, #tpu.memory_space<semaphore_mem>>) {add = true}
    %dma_start3A_715 = arith.constant 9 : i32
    %dma_start3A_716 = arith.constant 0 : i32
    %dma_start3A_717 = tpu.memref_slice %arg9[%dma_start3A_715, %dma_start3A_716] : memref<16x80xi32, #tpu.memory_space<vmem>> -> memref<1x80xi32, #tpu.memory_space<vmem>>
    %dma_start3A_718 = tpu.memref_squeeze %dma_start3A_717 : memref<1x80xi32, #tpu.memory_space<vmem>> -> memref<80xi32, #tpu.memory_space<vmem>>
    %dma_start3A_719 = arith.constant 0 : i32
    %dma_start3A_720 = arith.constant 0 : i32
    %dma_start3A_721 = tpu.memref_slice %arg12[%dma_start3A_719, %dma_start3A_720] : memref<10000x128xf32, #tpu.memory_space<vmem_shared>> -> memref<10000x128xf32, #tpu.memory_space<vmem_shared>>
    tpu.enqueue_indirect_dma source(%arg11 : memref<80x128xf32, #tpu.memory_space<vmem>>) target(%dma_start3A_721 : memref<10000x128xf32, #tpu.memory_space<vmem_shared>>) offsets(%dma_start3A_718 : memref<80xi32, #tpu.memory_space<vmem>>) semaphore(%arg16 : memref<!tpu.dma_semaphore, #tpu.memory_space<semaphore_mem>>) {add = true}
    %dma_start3A_722 = arith.constant 10 : i32
    %dma_start3A_723 = arith.constant 0 : i32
    %dma_start3A_724 = tpu.memref_slice %arg9[%dma_start3A_722, %dma_start3A_723] : memref<16x80xi32, #tpu.memory_space<vmem>> -> memref<1x80xi32, #tpu.memory_space<vmem>>
    %dma_start3A_725 = tpu.memref_squeeze %dma_start3A_724 : memref<1x80xi32, #tpu.memory_space<vmem>> -> memref<80xi32, #tpu.memory_space<vmem>>
    %dma_start3A_726 = arith.constant 0 : i32
    %dma_start3A_727 = arith.constant 0 : i32
    %dma_start3A_728 = tpu.memref_slice %arg12[%dma_start3A_726, %dma_start3A_727] : memref<10000x128xf32, #tpu.memory_space<vmem_shared>> -> memref<10000x128xf32, #tpu.memory_space<vmem_shared>>
    tpu.enqueue_indirect_dma source(%arg11 : memref<80x128xf32, #tpu.memory_space<vmem>>) target(%dma_start3A_728 : memref<10000x128xf32, #tpu.memory_space<vmem_shared>>) offsets(%dma_start3A_725 : memref<80xi32, #tpu.memory_space<vmem>>) semaphore(%arg16 : memref<!tpu.dma_semaphore, #tpu.memory_space<semaphore_mem>>) {add = true}
    %dma_start3A_729 = arith.constant 11 : i32
    %dma_start3A_730 = arith.constant 0 : i32
    %dma_start3A_731 = tpu.memref_slice %arg9[%dma_start3A_729, %dma_start3A_730] : memref<16x80xi32, #tpu.memory_space<vmem>> -> memref<1x80xi32, #tpu.memory_space<vmem>>
    %dma_start3A_732 = tpu.memref_squeeze %dma_start3A_731 : memref<1x80xi32, #tpu.memory_space<vmem>> -> memref<80xi32, #tpu.memory_space<vmem>>
    %dma_start3A_733 = arith.constant 0 : i32
    %dma_start3A_734 = arith.constant 0 : i32
    %dma_start3A_735 = tpu.memref_slice %arg12[%dma_start3A_733, %dma_start3A_734] : memref<10000x128xf32, #tpu.memory_space<vmem_shared>> -> memref<10000x128xf32, #tpu.memory_space<vmem_shared>>
    tpu.enqueue_indirect_dma source(%arg11 : memref<80x128xf32, #tpu.memory_space<vmem>>) target(%dma_start3A_735 : memref<10000x128xf32, #tpu.memory_space<vmem_shared>>) offsets(%dma_start3A_732 : memref<80xi32, #tpu.memory_space<vmem>>) semaphore(%arg16 : memref<!tpu.dma_semaphore, #tpu.memory_space<semaphore_mem>>) {add = true}
    %dma_start3A_736 = arith.constant 12 : i32
    %dma_start3A_737 = arith.constant 0 : i32
    %dma_start3A_738 = tpu.memref_slice %arg9[%dma_start3A_736, %dma_start3A_737] : memref<16x80xi32, #tpu.memory_space<vmem>> -> memref<1x80xi32, #tpu.memory_space<vmem>>
    %dma_start3A_739 = tpu.memref_squeeze %dma_start3A_738 : memref<1x80xi32, #tpu.memory_space<vmem>> -> memref<80xi32, #tpu.memory_space<vmem>>
    %dma_start3A_740 = arith.constant 0 : i32
    %dma_start3A_741 = arith.constant 0 : i32
    %dma_start3A_742 = tpu.memref_slice %arg12[%dma_start3A_740, %dma_start3A_741] : memref<10000x128xf32, #tpu.memory_space<vmem_shared>> -> memref<10000x128xf32, #tpu.memory_space<vmem_shared>>
    tpu.enqueue_indirect_dma source(%arg11 : memref<80x128xf32, #tpu.memory_space<vmem>>) target(%dma_start3A_742 : memref<10000x128xf32, #tpu.memory_space<vmem_shared>>) offsets(%dma_start3A_739 : memref<80xi32, #tpu.memory_space<vmem>>) semaphore(%arg16 : memref<!tpu.dma_semaphore, #tpu.memory_space<semaphore_mem>>) {add = true}
    %dma_wait3A_743 = arith.constant 0 : i32
    %dma_wait3A_744 = arith.constant 0 : i32
    %dma_wait3A_745 = tpu.memref_slice %arg9[%dma_wait3A_743, %dma_wait3A_744] : memref<16x80xi32, #tpu.memory_space<vmem>> -> memref<1x80xi32, #tpu.memory_space<vmem>>
    %dma_wait3A_746 = tpu.memref_squeeze %dma_wait3A_745 : memref<1x80xi32, #tpu.memory_space<vmem>> -> memref<80xi32, #tpu.memory_space<vmem>>
    %dma_wait3A_747 = arith.constant 0 : i32
    %dma_wait3A_748 = arith.constant 0 : i32
    %dma_wait3A_749 = tpu.memref_slice %arg12[%dma_wait3A_747, %dma_wait3A_748] : memref<10000x128xf32, #tpu.memory_space<vmem_shared>> -> memref<10000x128xf32, #tpu.memory_space<vmem_shared>>
    tpu.wait_indirect_dma semaphore(%arg16 : memref<!tpu.dma_semaphore, #tpu.memory_space<semaphore_mem>>) src(%arg11 : memref<80x128xf32, #tpu.memory_space<vmem>>) dst(%dma_wait3A_749 : memref<10000x128xf32, #tpu.memory_space<vmem_shared>>)
    %dma_wait3A_750 = arith.constant 1 : i32
    %dma_wait3A_751 = arith.constant 0 : i32
    %dma_wait3A_752 = tpu.memref_slice %arg9[%dma_wait3A_750, %dma_wait3A_751] : memref<16x80xi32, #tpu.memory_space<vmem>> -> memref<1x80xi32, #tpu.memory_space<vmem>>
    %dma_wait3A_753 = tpu.memref_squeeze %dma_wait3A_752 : memref<1x80xi32, #tpu.memory_space<vmem>> -> memref<80xi32, #tpu.memory_space<vmem>>
    %dma_wait3A_754 = arith.constant 0 : i32
    %dma_wait3A_755 = arith.constant 0 : i32
    %dma_wait3A_756 = tpu.memref_slice %arg12[%dma_wait3A_754, %dma_wait3A_755] : memref<10000x128xf32, #tpu.memory_space<vmem_shared>> -> memref<10000x128xf32, #tpu.memory_space<vmem_shared>>
    tpu.wait_indirect_dma semaphore(%arg16 : memref<!tpu.dma_semaphore, #tpu.memory_space<semaphore_mem>>) src(%arg11 : memref<80x128xf32, #tpu.memory_space<vmem>>) dst(%dma_wait3A_756 : memref<10000x128xf32, #tpu.memory_space<vmem_shared>>)
    %dma_wait3A_757 = arith.constant 2 : i32
    %dma_wait3A_758 = arith.constant 0 : i32
    %dma_wait3A_759 = tpu.memref_slice %arg9[%dma_wait3A_757, %dma_wait3A_758] : memref<16x80xi32, #tpu.memory_space<vmem>> -> memref<1x80xi32, #tpu.memory_space<vmem>>
    %dma_wait3A_760 = tpu.memref_squeeze %dma_wait3A_759 : memref<1x80xi32, #tpu.memory_space<vmem>> -> memref<80xi32, #tpu.memory_space<vmem>>
    %dma_wait3A_761 = arith.constant 0 : i32
    %dma_wait3A_762 = arith.constant 0 : i32
    %dma_wait3A_763 = tpu.memref_slice %arg12[%dma_wait3A_761, %dma_wait3A_762] : memref<10000x128xf32, #tpu.memory_space<vmem_shared>> -> memref<10000x128xf32, #tpu.memory_space<vmem_shared>>
    tpu.wait_indirect_dma semaphore(%arg16 : memref<!tpu.dma_semaphore, #tpu.memory_space<semaphore_mem>>) src(%arg11 : memref<80x128xf32, #tpu.memory_space<vmem>>) dst(%dma_wait3A_763 : memref<10000x128xf32, #tpu.memory_space<vmem_shared>>)
    %dma_wait3A_764 = arith.constant 3 : i32
    %dma_wait3A_765 = arith.constant 0 : i32
    %dma_wait3A_766 = tpu.memref_slice %arg9[%dma_wait3A_764, %dma_wait3A_765] : memref<16x80xi32, #tpu.memory_space<vmem>> -> memref<1x80xi32, #tpu.memory_space<vmem>>
    %dma_wait3A_767 = tpu.memref_squeeze %dma_wait3A_766 : memref<1x80xi32, #tpu.memory_space<vmem>> -> memref<80xi32, #tpu.memory_space<vmem>>
    %dma_wait3A_768 = arith.constant 0 : i32
    %dma_wait3A_769 = arith.constant 0 : i32
    %dma_wait3A_770 = tpu.memref_slice %arg12[%dma_wait3A_768, %dma_wait3A_769] : memref<10000x128xf32, #tpu.memory_space<vmem_shared>> -> memref<10000x128xf32, #tpu.memory_space<vmem_shared>>
    tpu.wait_indirect_dma semaphore(%arg16 : memref<!tpu.dma_semaphore, #tpu.memory_space<semaphore_mem>>) src(%arg11 : memref<80x128xf32, #tpu.memory_space<vmem>>) dst(%dma_wait3A_770 : memref<10000x128xf32, #tpu.memory_space<vmem_shared>>)
    %dma_wait3A_771 = arith.constant 4 : i32
    %dma_wait3A_772 = arith.constant 0 : i32
    %dma_wait3A_773 = tpu.memref_slice %arg9[%dma_wait3A_771, %dma_wait3A_772] : memref<16x80xi32, #tpu.memory_space<vmem>> -> memref<1x80xi32, #tpu.memory_space<vmem>>
    %dma_wait3A_774 = tpu.memref_squeeze %dma_wait3A_773 : memref<1x80xi32, #tpu.memory_space<vmem>> -> memref<80xi32, #tpu.memory_space<vmem>>
    %dma_wait3A_775 = arith.constant 0 : i32
    %dma_wait3A_776 = arith.constant 0 : i32
    %dma_wait3A_777 = tpu.memref_slice %arg12[%dma_wait3A_775, %dma_wait3A_776] : memref<10000x128xf32, #tpu.memory_space<vmem_shared>> -> memref<10000x128xf32, #tpu.memory_space<vmem_shared>>
    tpu.wait_indirect_dma semaphore(%arg16 : memref<!tpu.dma_semaphore, #tpu.memory_space<semaphore_mem>>) src(%arg11 : memref<80x128xf32, #tpu.memory_space<vmem>>) dst(%dma_wait3A_777 : memref<10000x128xf32, #tpu.memory_space<vmem_shared>>)
    %dma_wait3A_778 = arith.constant 5 : i32
    %dma_wait3A_779 = arith.constant 0 : i32
    %dma_wait3A_780 = tpu.memref_slice %arg9[%dma_wait3A_778, %dma_wait3A_779] : memref<16x80xi32, #tpu.memory_space<vmem>> -> memref<1x80xi32, #tpu.memory_space<vmem>>
    %dma_wait3A_781 = tpu.memref_squeeze %dma_wait3A_780 : memref<1x80xi32, #tpu.memory_space<vmem>> -> memref<80xi32, #tpu.memory_space<vmem>>
    %dma_wait3A_782 = arith.constant 0 : i32
    %dma_wait3A_783 = arith.constant 0 : i32
    %dma_wait3A_784 = tpu.memref_slice %arg12[%dma_wait3A_782, %dma_wait3A_783] : memref<10000x128xf32, #tpu.memory_space<vmem_shared>> -> memref<10000x128xf32, #tpu.memory_space<vmem_shared>>
    tpu.wait_indirect_dma semaphore(%arg16 : memref<!tpu.dma_semaphore, #tpu.memory_space<semaphore_mem>>) src(%arg11 : memref<80x128xf32, #tpu.memory_space<vmem>>) dst(%dma_wait3A_784 : memref<10000x128xf32, #tpu.memory_space<vmem_shared>>)
    %dma_wait3A_785 = arith.constant 6 : i32
    %dma_wait3A_786 = arith.constant 0 : i32
    %dma_wait3A_787 = tpu.memref_slice %arg9[%dma_wait3A_785, %dma_wait3A_786] : memref<16x80xi32, #tpu.memory_space<vmem>> -> memref<1x80xi32, #tpu.memory_space<vmem>>
    %dma_wait3A_788 = tpu.memref_squeeze %dma_wait3A_787 : memref<1x80xi32, #tpu.memory_space<vmem>> -> memref<80xi32, #tpu.memory_space<vmem>>
    %dma_wait3A_789 = arith.constant 0 : i32
    %dma_wait3A_790 = arith.constant 0 : i32
    %dma_wait3A_791 = tpu.memref_slice %arg12[%dma_wait3A_789, %dma_wait3A_790] : memref<10000x128xf32, #tpu.memory_space<vmem_shared>> -> memref<10000x128xf32, #tpu.memory_space<vmem_shared>>
    tpu.wait_indirect_dma semaphore(%arg16 : memref<!tpu.dma_semaphore, #tpu.memory_space<semaphore_mem>>) src(%arg11 : memref<80x128xf32, #tpu.memory_space<vmem>>) dst(%dma_wait3A_791 : memref<10000x128xf32, #tpu.memory_space<vmem_shared>>)
    %dma_wait3A_792 = arith.constant 7 : i32
    %dma_wait3A_793 = arith.constant 0 : i32
    %dma_wait3A_794 = tpu.memref_slice %arg9[%dma_wait3A_792, %dma_wait3A_793] : memref<16x80xi32, #tpu.memory_space<vmem>> -> memref<1x80xi32, #tpu.memory_space<vmem>>
    %dma_wait3A_795 = tpu.memref_squeeze %dma_wait3A_794 : memref<1x80xi32, #tpu.memory_space<vmem>> -> memref<80xi32, #tpu.memory_space<vmem>>
    %dma_wait3A_796 = arith.constant 0 : i32
    %dma_wait3A_797 = arith.constant 0 : i32
    %dma_wait3A_798 = tpu.memref_slice %arg12[%dma_wait3A_796, %dma_wait3A_797] : memref<10000x128xf32, #tpu.memory_space<vmem_shared>> -> memref<10000x128xf32, #tpu.memory_space<vmem_shared>>
    tpu.wait_indirect_dma semaphore(%arg16 : memref<!tpu.dma_semaphore, #tpu.memory_space<semaphore_mem>>) src(%arg11 : memref<80x128xf32, #tpu.memory_space<vmem>>) dst(%dma_wait3A_798 : memref<10000x128xf32, #tpu.memory_space<vmem_shared>>)
    %dma_wait3A_799 = arith.constant 8 : i32
    %dma_wait3A_800 = arith.constant 0 : i32
    %dma_wait3A_801 = tpu.memref_slice %arg9[%dma_wait3A_799, %dma_wait3A_800] : memref<16x80xi32, #tpu.memory_space<vmem>> -> memref<1x80xi32, #tpu.memory_space<vmem>>
    %dma_wait3A_802 = tpu.memref_squeeze %dma_wait3A_801 : memref<1x80xi32, #tpu.memory_space<vmem>> -> memref<80xi32, #tpu.memory_space<vmem>>
    %dma_wait3A_803 = arith.constant 0 : i32
    %dma_wait3A_804 = arith.constant 0 : i32
    %dma_wait3A_805 = tpu.memref_slice %arg12[%dma_wait3A_803, %dma_wait3A_804] : memref<10000x128xf32, #tpu.memory_space<vmem_shared>> -> memref<10000x128xf32, #tpu.memory_space<vmem_shared>>
    tpu.wait_indirect_dma semaphore(%arg16 : memref<!tpu.dma_semaphore, #tpu.memory_space<semaphore_mem>>) src(%arg11 : memref<80x128xf32, #tpu.memory_space<vmem>>) dst(%dma_wait3A_805 : memref<10000x128xf32, #tpu.memory_space<vmem_shared>>)
    %dma_wait3A_806 = arith.constant 9 : i32
    %dma_wait3A_807 = arith.constant 0 : i32
    %dma_wait3A_808 = tpu.memref_slice %arg9[%dma_wait3A_806, %dma_wait3A_807] : memref<16x80xi32, #tpu.memory_space<vmem>> -> memref<1x80xi32, #tpu.memory_space<vmem>>
    %dma_wait3A_809 = tpu.memref_squeeze %dma_wait3A_808 : memref<1x80xi32, #tpu.memory_space<vmem>> -> memref<80xi32, #tpu.memory_space<vmem>>
    %dma_wait3A_810 = arith.constant 0 : i32
    %dma_wait3A_811 = arith.constant 0 : i32
    %dma_wait3A_812 = tpu.memref_slice %arg12[%dma_wait3A_810, %dma_wait3A_811] : memref<10000x128xf32, #tpu.memory_space<vmem_shared>> -> memref<10000x128xf32, #tpu.memory_space<vmem_shared>>
    tpu.wait_indirect_dma semaphore(%arg16 : memref<!tpu.dma_semaphore, #tpu.memory_space<semaphore_mem>>) src(%arg11 : memref<80x128xf32, #tpu.memory_space<vmem>>) dst(%dma_wait3A_812 : memref<10000x128xf32, #tpu.memory_space<vmem_shared>>)
    %dma_wait3A_813 = arith.constant 10 : i32
    %dma_wait3A_814 = arith.constant 0 : i32
    %dma_wait3A_815 = tpu.memref_slice %arg9[%dma_wait3A_813, %dma_wait3A_814] : memref<16x80xi32, #tpu.memory_space<vmem>> -> memref<1x80xi32, #tpu.memory_space<vmem>>
    %dma_wait3A_816 = tpu.memref_squeeze %dma_wait3A_815 : memref<1x80xi32, #tpu.memory_space<vmem>> -> memref<80xi32, #tpu.memory_space<vmem>>
    %dma_wait3A_817 = arith.constant 0 : i32
    %dma_wait3A_818 = arith.constant 0 : i32
    %dma_wait3A_819 = tpu.memref_slice %arg12[%dma_wait3A_817, %dma_wait3A_818] : memref<10000x128xf32, #tpu.memory_space<vmem_shared>> -> memref<10000x128xf32, #tpu.memory_space<vmem_shared>>
    tpu.wait_indirect_dma semaphore(%arg16 : memref<!tpu.dma_semaphore, #tpu.memory_space<semaphore_mem>>) src(%arg11 : memref<80x128xf32, #tpu.memory_space<vmem>>) dst(%dma_wait3A_819 : memref<10000x128xf32, #tpu.memory_space<vmem_shared>>)
    %dma_wait3A_820 = arith.constant 11 : i32
    %dma_wait3A_821 = arith.constant 0 : i32
    %dma_wait3A_822 = tpu.memref_slice %arg9[%dma_wait3A_820, %dma_wait3A_821] : memref<16x80xi32, #tpu.memory_space<vmem>> -> memref<1x80xi32, #tpu.memory_space<vmem>>
    %dma_wait3A_823 = tpu.memref_squeeze %dma_wait3A_822 : memref<1x80xi32, #tpu.memory_space<vmem>> -> memref<80xi32, #tpu.memory_space<vmem>>
    %dma_wait3A_824 = arith.constant 0 : i32
    %dma_wait3A_825 = arith.constant 0 : i32
    %dma_wait3A_826 = tpu.memref_slice %arg12[%dma_wait3A_824, %dma_wait3A_825] : memref<10000x128xf32, #tpu.memory_space<vmem_shared>> -> memref<10000x128xf32, #tpu.memory_space<vmem_shared>>
    tpu.wait_indirect_dma semaphore(%arg16 : memref<!tpu.dma_semaphore, #tpu.memory_space<semaphore_mem>>) src(%arg11 : memref<80x128xf32, #tpu.memory_space<vmem>>) dst(%dma_wait3A_826 : memref<10000x128xf32, #tpu.memory_space<vmem_shared>>)
    %dma_wait3A_827 = arith.constant 12 : i32
    %dma_wait3A_828 = arith.constant 0 : i32
    %dma_wait3A_829 = tpu.memref_slice %arg9[%dma_wait3A_827, %dma_wait3A_828] : memref<16x80xi32, #tpu.memory_space<vmem>> -> memref<1x80xi32, #tpu.memory_space<vmem>>
    %dma_wait3A_830 = tpu.memref_squeeze %dma_wait3A_829 : memref<1x80xi32, #tpu.memory_space<vmem>> -> memref<80xi32, #tpu.memory_space<vmem>>
    %dma_wait3A_831 = arith.constant 0 : i32
    %dma_wait3A_832 = arith.constant 0 : i32
    %dma_wait3A_833 = tpu.memref_slice %arg12[%dma_wait3A_831, %dma_wait3A_832] : memref<10000x128xf32, #tpu.memory_space<vmem_shared>> -> memref<10000x128xf32, #tpu.memory_space<vmem_shared>>
    tpu.wait_indirect_dma semaphore(%arg16 : memref<!tpu.dma_semaphore, #tpu.memory_space<semaphore_mem>>) src(%arg11 : memref<80x128xf32, #tpu.memory_space<vmem>>) dst(%dma_wait3A_833 : memref<10000x128xf32, #tpu.memory_space<vmem_shared>>)
    %barrier3A_834 = arith.constant 0 : index
    tpu.barrier barrier_id(%barrier3A_834)
    %add3A_835 = arith.constant 2 : i32
    %add3A_836 = arith.addi %add3A_835, %arg0 : i32
    "tpu.region"() ({
      %run_scoped3A = tpu.sem_alloc : memref<!tpu.dma_semaphore, #tpu.memory_space<semaphore_mem>>
      %dma_start3A_842 = arith.constant 0 : i32
      %dma_start3A_843 = tpu.memref_slice %arg7[%add3A_836, %mul3A_4, %dma_start3A_842] : memref<4x10000x128xf32, #tpu.memory_space<hbm>> -> memref<1x624x128xf32, #tpu.memory_space<hbm>>
      %dma_start3A_844 = tpu.memref_squeeze %dma_start3A_843 : memref<1x624x128xf32, #tpu.memory_space<hbm>> -> memref<624x128xf32, #tpu.memory_space<hbm>>
      %dma_start3A_845 = arith.constant 0 : i32
      %dma_start3A_846 = tpu.memref_slice %arg12[%mul3A_4, %dma_start3A_845] : memref<10000x128xf32, #tpu.memory_space<vmem_shared>> -> memref<624x128xf32, #tpu.memory_space<vmem_shared>>
      tpu.enqueue_dma source(%dma_start3A_846 : memref<624x128xf32, #tpu.memory_space<vmem_shared>>) target(%dma_start3A_844 : memref<624x128xf32, #tpu.memory_space<hbm>>) target_semaphore(%run_scoped3A : memref<!tpu.dma_semaphore, #tpu.memory_space<semaphore_mem>>)
      %dma_wait3A_847 = arith.constant 0 : i32
      %dma_wait3A_848 = tpu.memref_slice %arg7[%add3A_836, %mul3A_4, %dma_wait3A_847] : memref<4x10000x128xf32, #tpu.memory_space<hbm>> -> memref<1x624x128xf32, #tpu.memory_space<hbm>>
      %dma_wait3A_849 = tpu.memref_squeeze %dma_wait3A_848 : memref<1x624x128xf32, #tpu.memory_space<hbm>> -> memref<624x128xf32, #tpu.memory_space<hbm>>
      %dma_wait3A_850 = arith.constant 0 : i32
      %dma_wait3A_851 = tpu.memref_slice %arg12[%mul3A_4, %dma_wait3A_850] : memref<10000x128xf32, #tpu.memory_space<vmem_shared>> -> memref<624x128xf32, #tpu.memory_space<vmem_shared>>
      tpu.wait_dma2 semaphore(%run_scoped3A : memref<!tpu.dma_semaphore, #tpu.memory_space<semaphore_mem>>) src(%dma_wait3A_851 : memref<624x128xf32, #tpu.memory_space<vmem_shared>>) dst(%dma_wait3A_849 : memref<624x128xf32, #tpu.memory_space<hbm>>)
      tpu.yield
    }) : () -> ()
    %eq3A_837 = arith.constant 15 : i32
    %eq3A_838 = arith.cmpi eq, %arg1, %eq3A_837 : i32
    %convert_element_type3A_839 = arith.extui %eq3A_838 : i1 to i32
    %cond3A_840 = arith.constant 0 : i32
    %cond3A_841 = arith.cmpi ne, %convert_element_type3A_839, %cond3A_840 : i32
    scf.if %cond3A_841 {
      "tpu.region"() ({
        %run_scoped3A = tpu.sem_alloc : memref<!tpu.dma_semaphore, #tpu.memory_space<semaphore_mem>>
        %dma_start3A_842 = arith.constant 9984 : i32
        %dma_start3A_843 = arith.constant 0 : i32
        %dma_start3A_844 = tpu.memref_slice %arg7[%add3A_836, %dma_start3A_842, %dma_start3A_843] : memref<4x10000x128xf32, #tpu.memory_space<hbm>> -> memref<1x16x128xf32, #tpu.memory_space<hbm>>
        %dma_start3A_845 = tpu.memref_squeeze %dma_start3A_844 : memref<1x16x128xf32, #tpu.memory_space<hbm>> -> memref<16x128xf32, #tpu.memory_space<hbm>>
        %dma_start3A_846 = arith.constant 9984 : i32
        %dma_start3A_847 = arith.constant 0 : i32
        %dma_start3A_848 = tpu.memref_slice %arg12[%dma_start3A_846, %dma_start3A_847] : memref<10000x128xf32, #tpu.memory_space<vmem_shared>> -> memref<16x128xf32, #tpu.memory_space<vmem_shared>>
        tpu.enqueue_dma source(%dma_start3A_848 : memref<16x128xf32, #tpu.memory_space<vmem_shared>>) target(%dma_start3A_845 : memref<16x128xf32, #tpu.memory_space<hbm>>) target_semaphore(%run_scoped3A : memref<!tpu.dma_semaphore, #tpu.memory_space<semaphore_mem>>)
        %dma_wait3A_849 = arith.constant 9984 : i32
        %dma_wait3A_850 = arith.constant 0 : i32
        %dma_wait3A_851 = tpu.memref_slice %arg7[%add3A_836, %dma_wait3A_849, %dma_wait3A_850] : memref<4x10000x128xf32, #tpu.memory_space<hbm>> -> memref<1x16x128xf32, #tpu.memory_space<hbm>>
        %dma_wait3A_852 = tpu.memref_squeeze %dma_wait3A_851 : memref<1x16x128xf32, #tpu.memory_space<hbm>> -> memref<16x128xf32, #tpu.memory_space<hbm>>
        %dma_wait3A_853 = arith.constant 9984 : i32
        %dma_wait3A_854 = arith.constant 0 : i32
        %dma_wait3A_855 = tpu.memref_slice %arg12[%dma_wait3A_853, %dma_wait3A_854] : memref<10000x128xf32, #tpu.memory_space<vmem_shared>> -> memref<16x128xf32, #tpu.memory_space<vmem_shared>>
        tpu.wait_dma2 semaphore(%run_scoped3A : memref<!tpu.dma_semaphore, #tpu.memory_space<semaphore_mem>>) src(%dma_wait3A_855 : memref<16x128xf32, #tpu.memory_space<vmem_shared>>) dst(%dma_wait3A_852 : memref<16x128xf32, #tpu.memory_space<hbm>>)
        tpu.yield
      }) : () -> ()
    } else {
    }
    return
  }
}

module attributes {stable_mosaic.version = 14 : i64} {
  func.func @_tc_body(%arg0: i32, %arg1: memref<4x1000x128xf32, #tpu.memory_space<vmem>>, %arg2: memref<1000x128xf32, #tpu.memory_space<vmem>>, %arg3: memref<128x128xf32, #tpu.memory_space<vmem>>, %arg4: memref<1x128xf32, #tpu.memory_space<vmem>>, %arg5: memref<1000x128xf32, #tpu.memory_space<vmem>>) attributes {dimension_semantics = [#tpu.dimension_semantics<arbitrary>], iteration_bounds = array<i64: 10>, scalar_prefetch = 0 : i64, scratch_operands = 0 : i64, tpu.core_type = #tpu.core_type<tc>, window_params = [{transform_indices = @transform_0, window_bounds = array<i64: 4, 1000, 128>}, {transform_indices = @transform_1, window_bounds = array<i64: 1000, 128>}, {pipeline_mode = #tpu.pipeline_mode<synchronous>, transform_indices = @transform_2, window_bounds = array<i64: 128, 128>}, {pipeline_mode = #tpu.pipeline_mode<synchronous>, transform_indices = @transform_3, window_bounds = array<i64: 1, 128>}, {transform_indices = @transform_4, window_bounds = array<i64: 1000, 128>}]} {
    %get3A = arith.constant 0 : index
    %get3A_0 = arith.constant 0 : index
    %get3A_1 = arith.constant 0 : index
    %get3A_2 = vector.load %arg1[%get3A, %get3A_0, %get3A_1] : memref<4x1000x128xf32, #tpu.memory_space<vmem>>, vector<1x1000x128xf32>
    %get3A_3 = vector.shape_cast %get3A_2 : vector<1x1000x128xf32> to vector<1000x128xf32>
    %get3A_4 = arith.constant 1 : index
    %get3A_5 = arith.constant 0 : index
    %get3A_6 = arith.constant 0 : index
    %get3A_7 = vector.load %arg1[%get3A_4, %get3A_5, %get3A_6] : memref<4x1000x128xf32, #tpu.memory_space<vmem>>, vector<1x1000x128xf32>
    %get3A_8 = vector.shape_cast %get3A_7 : vector<1x1000x128xf32> to vector<1000x128xf32>
    %add3A = arith.addf %get3A_3, %get3A_8 : vector<1000x128xf32>
    %get3A_9 = arith.constant 2 : index
    %get3A_10 = arith.constant 0 : index
    %get3A_11 = arith.constant 0 : index
    %get3A_12 = vector.load %arg1[%get3A_9, %get3A_10, %get3A_11] : memref<4x1000x128xf32, #tpu.memory_space<vmem>>, vector<1x1000x128xf32>
    %get3A_13 = vector.shape_cast %get3A_12 : vector<1x1000x128xf32> to vector<1000x128xf32>
    %get3A_14 = arith.constant 3 : index
    %get3A_15 = arith.constant 0 : index
    %get3A_16 = arith.constant 0 : index
    %get3A_17 = vector.load %arg1[%get3A_14, %get3A_15, %get3A_16] : memref<4x1000x128xf32, #tpu.memory_space<vmem>>, vector<1x1000x128xf32>
    %get3A_18 = vector.shape_cast %get3A_17 : vector<1x1000x128xf32> to vector<1000x128xf32>
    %add3A_19 = arith.addf %get3A_13, %get3A_18 : vector<1000x128xf32>
    %slice3A = vector.extract_strided_slice %add3A_19 {offsets = [0, 0], sizes = [1000, 1], strides = [1, 1]} : vector<1000x128xf32> to vector<1000x1xf32>
    %get3A_20 = arith.constant 0 : index
    %get3A_21 = arith.constant 0 : index
    %get3A_22 = vector.load %arg3[%get3A_20, %get3A_21] : memref<128x128xf32, #tpu.memory_space<vmem>>, vector<128x128xf32>
    %dot_general3A = arith.constant dense<0.000000e+00> : vector<1000x128xf32>
    %dot_general3A_23 = tpu.matmul %add3A, %get3A_22, %dot_general3A {dimension_numbers = #tpu.dot_dimension_numbers<[1], [1], [0], [0], [0, 0, 1, 0], [], []>, transpose_lhs_hint = false} : vector<1000x128xf32>, vector<128x128xf32>, vector<1000x128xf32> -> vector<1000x128xf32>
    %get3A_24 = arith.constant 0 : index
    %get3A_25 = arith.constant 0 : index
    %get3A_26 = vector.load %arg4[%get3A_24, %get3A_25] : memref<1x128xf32, #tpu.memory_space<vmem>>, vector<1x128xf32>
    %mul3A = vector.broadcast %slice3A : vector<1000x1xf32> to vector<1000x128xf32>
    %mul3A_27 = vector.broadcast %get3A_26 : vector<1x128xf32> to vector<1000x128xf32>
    %mul3A_28 = arith.mulf %mul3A, %mul3A_27 : vector<1000x128xf32>
    %add3A_29 = arith.addf %dot_general3A_23, %mul3A_28 : vector<1000x128xf32>
    %max3A = arith.constant 1.000000e+00 : f32
    %max3A_30 = vector.broadcast %max3A : f32 to vector<1000x1xf32>
    %max3A_31 = arith.maximumf %slice3A, %max3A_30 : vector<1000x1xf32>
    %div3A = vector.broadcast %max3A_31 : vector<1000x1xf32> to vector<1000x128xf32>
    %div3A_32 = arith.divf %add3A_29, %div3A : vector<1000x128xf32>
    %gt3A = arith.constant 0.000000e+00 : f32
    %gt3A_33 = vector.broadcast %gt3A : f32 to vector<1000x1xf32>
    %gt3A_34 = arith.cmpf ogt, %slice3A, %gt3A_33 : vector<1000x1xf32>
    %get3A_35 = arith.constant 0 : index
    %get3A_36 = arith.constant 0 : index
    %get3A_37 = vector.load %arg2[%get3A_35, %get3A_36] : memref<1000x128xf32, #tpu.memory_space<vmem>>, vector<1000x128xf32>
    %broadcast_in_dim3A = vector.shape_cast %gt3A_34 : vector<1000x1xi1> to vector<1000x1xi1>
    %broadcast_in_dim3A_38 = vector.broadcast %broadcast_in_dim3A : vector<1000x1xi1> to vector<1000x128xi1>
    %select_n3A = arith.select %broadcast_in_dim3A_38, %div3A_32, %get3A_37 : vector<1000x128xi1>, vector<1000x128xf32>
    %swap3A = arith.constant 0 : index
    %swap3A_39 = arith.constant 0 : index
    %swap3A_40 = vector.load %arg5[%swap3A, %swap3A_39] : memref<1000x128xf32, #tpu.memory_space<vmem>>, vector<1000x128xf32>
    tpu.vector_store %arg5[%swap3A, %swap3A_39], %select_n3A {strides = array<i32>} : memref<1000x128xf32, #tpu.memory_space<vmem>>, vector<1000x128xf32>,
    return
  }
  func.func @transform_0(%arg0: i32) -> (i32, i32, i32) {
    %c0_i32 = arith.constant 0 : i32
    %c0_i32_0 = arith.constant 0 : i32
    %c0_i32_1 = arith.constant 0 : i32
    return %c0_i32, %arg0, %c0_i32_0 : i32, i32, i32
  }
  func.func @transform_1(%arg0: i32) -> (i32, i32) {
    %c0_i32 = arith.constant 0 : i32
    %c0_i32_0 = arith.constant 0 : i32
    return %arg0, %c0_i32 : i32, i32
  }
  func.func @transform_2(%arg0: i32) -> (i32, i32) {
    %c0_i32 = arith.constant 0 : i32
    %c0_i32_0 = arith.constant 0 : i32
    %c0_i32_1 = arith.constant 0 : i32
    return %c0_i32, %c0_i32_0 : i32, i32
  }
  func.func @transform_3(%arg0: i32) -> (i32, i32) {
    %c0_i32 = arith.constant 0 : i32
    %c0_i32_0 = arith.constant 0 : i32
    %c0_i32_1 = arith.constant 0 : i32
    return %c0_i32, %c0_i32_0 : i32, i32
  }
  func.func @transform_4(%arg0: i32) -> (i32, i32) {
    %c0_i32 = arith.constant 0 : i32
    %c0_i32_0 = arith.constant 0 : i32
    return %arg0, %c0_i32 : i32, i32
  }
}

</mosaic_0001>

<sc_bundles>
// kernel: kernel.4.cloned.1.call-start
scs
__scs_entry_jumppad:
0x0: {  	(pc) =	sbr.rel $0x88, $3  }
0x1: {  	(tag) =	ssettag $0x0;
	lr =	simm.s32 $0x1  }
0x2: {  	[smem:$0x3F9B] =	sst lr;
	_ =	strace $0xD0000000  }
0x3: {  	_ = 	snop  }
0x4: {  	_ = 	snop  }
0x5: {  	_ = 	snop  }
0x6: {  	_ = 	snop  }
0x7: {  	_ = 	snop  }
__scs_overlays_trampoline_lowered:
0x8: {  	[smem:$0x3FAA] =	sst s0  }
0x9: {  	[smem:$0x3FAB] =	sst s1  }
0xa: {  	[smem:$0x3FAC] =	sst s2  }
0xb: {  	[smem:$0x3FAD] =	sst s3  }
0xc: {  	[smem:$0x3FAE] =	sst s4  }
0xd: {  	[smem:$0x3FAF] =	sst s5  }
0xe: {  	[smem:$0x3FB0] =	sst s6  }
0xf: {  	[smem:$0x3FB1] =	sst s7  }
0x10: {  	[smem:$0x3FB2] =	sst s8  }
0x11: {  	[smem:$0x3FB3] =	sst s9;
	s0 =	simm.s32 @!p0 $0x0  }
0x12: {  	s1 =	sld [smem:$0x3F99];
	s0 =	simm.s32 @p0 $0x1  }
0x13: {  	[smem:$0x3FB4] =	sst s0;
	s0 =	simm.s32 @!p1 $0x0  }
0x14: {  	s2 =	sld [smem:$0x3F98];
	s0 =	simm.s32 @p1 $0x1  }
0x15: {  	[smem:$0x3FB5] =	sst s0;
	s0 =	simm.s32 @!p2 $0x0  }
0x16: {  	s3 =	sld [smem:$0x3FDB];
	s0 =	simm.s32 @p2 $0x1  }
0x17: {  	s4 =	simm.s32 $0x1BF5;
	[smem:$0x3FB7] =	sst s0  }
0x18: {  	s0 =	sld [smem:$0x3F9A];
	_ =	swait.ge [sflag:s4], $0x0  }
0x19: {  	s7 =	sld [smem:$0x3F9B]  }
0x1a: {  	s8 =	sadd.s32 $0xFFFFE003, lr  }
0x1b: {  	s9 =	sadd.s32 $0xFFFFFEF7, lr;
	s5 =	simm.s32 $0xFFFFFFFF;
	p2 =	slt.u32 s8, $0xFFFFF086  }
0x1c: {  	p1 =	slt.u32 s9, $0xF7A;
	s5 =	simm.s32 @!p2 $0x0  }
0x1d: {  	s5 =	simm.s32 @p1 $0x1;
	p0 =	seq.s32 s7, s2  }
0x1e: {  	s7 =	smul.u32 @!p0 $0xF7A, s2;
	p2 =	seq.s32 @!p0 s5, $0x0  }
0x1f: {  	s9 =	smul.u32 $0xF7A, s1;
	s8 =	simm.s32 @!p0 $0x1BF5;
	p2 =	por !p2, p0  }
0x20: {  	[sflag:s8] =	ssyncset.s32 @!p0 $0xFFFFF086;
	s6 =	sadd.s32 @!p0 s3, s7;
	s7 =	simm.s32 @!p0 $0x108  }
0x21: {  	s3 =	sadd.s32 s3, s9;
	s6 =	sadd.s32 @!p0 $0x88, s6;
	s7 =	simm.s32 @p2 $0x1082  }
0x22: {  	[simem:s7], [sflag:s8] =	dma.local @!p0 [hbm:s6], $0xF7A  }
0x23: {  	s9 =	sor.u32 $0xD0000000, s2;
	s6 =	simm.s32 $0x108;
	_ =	swait.ge @!p0 [sflag:s8], $0x0  }
0x24: {  	s3 =	sadd.s32 $0x88, s3;
	s6 =	simm.s32 @!p1 $0x1082;
	[sflag:s4] =	ssyncset.s32 $0xFFFFF086  }
0x25: {  	[simem:s6], [sflag:s4] =	dma.local [hbm:s3], $0xF7A  }
0x26: {  	[smem:$0x3F9B] =	sst s1;
	(tag) =	ssettag s2;
	_ =	strace s9  }
0x27: {  	s1 =	sld [smem:$0x3FAB]  }
0x28: {  	s2 =	sld [smem:$0x3FAC]  }
0x29: {  	s4 =	sld [smem:$0x3FAE]  }
0x2a: {  	p0 =	seq.s32 s5, $0x0;
	s5 =	sld [smem:$0x3FAF]  }
0x2b: {  	s6 =	sld [smem:$0x3FB0]  }
0x2c: {  	s7 =	sld [smem:$0x3FB1]  }
0x2d: {  	s3 =	simm.s32 $0x108;
	s8 =	sld [smem:$0x3FB2]  }
0x2e: {  	s3 =	simm.s32 @!p0 $0x1082;
	s9 =	sld [smem:$0x3FB3]  }
0x2f: {  	lr =	sadd.s32 s0, s3;
	s0 =	sld [smem:$0x3FAA]  }
0x30: {  	s3 =	sld [smem:$0x3FAD]  }
0x31: {  	[smem:$0x3FB6] =	sst s10  }
0x32: {  	s10 =	sld [smem:$0x3FB4];
	_ =	sdelay $0x3  }
0x33: {  	p0 =	seq.s32 s10, $0x1;
	s10 =	sld [smem:$0x3FB6];
	_ =	sdelay $0x3  }
0x34: {  	[smem:$0x3FB6] =	sst s10  }
0x35: {  	s10 =	sld [smem:$0x3FB5];
	_ =	sdelay $0x3  }
0x36: {  	p1 =	seq.s32 s10, $0x1;
	s10 =	sld [smem:$0x3FB6];
	_ =	sdelay $0x3  }
0x37: {  	[smem:$0x3FB6] =	sst s10  }
0x38: {  	s10 =	sld [smem:$0x3FB7]  }
0x39: {  	_ = 	snop;
	(pc) =	sbr.ind lr, $3  }
0x3a: {  	_ = 	snop  }
0x3b: {  	_ = 	snop  }
0x3c: {  	p2 =	seq.s32 s10, $0x1;
	s10 =	sld [smem:$0x3FB6]  }
0x3d: {  	_ =	shalt  }
0x3e: {  	_ =	shalt  }
0x3f: {  	_ =	shalt  }
0x40: {  	_ =	shalt  }
0x41: {  	_ =	shalt  }
0x42: {  	_ =	shalt  }
0x43: {  	_ =	shalt  }
0x44: {  	_ =	shalt  }
0x45: {  	_ =	shalt  }
0x46: {  	_ =	shalt  }
0x47: {  	_ =	shalt  }
0x48: {  	_ =	shalt  }
0x49: {  	_ =	shalt  }
0x4a: {  	_ =	shalt  }
0x4b: {  	_ =	shalt  }
0x4c: {  	_ =	shalt  }
0x4d: {  	_ =	shalt  }
0x4e: {  	_ =	shalt  }
0x4f: {  	_ =	shalt  }
0x50: {  	_ =	shalt  }
0x51: {  	_ =	shalt  }
0x52: {  	_ =	shalt  }
0x53: {  	_ =	shalt  }
0x54: {  	_ =	shalt  }
0x55: {  	_ =	shalt  }
0x56: {  	_ =	shalt  }
0x57: {  	_ =	shalt  }
0x58: {  	_ =	shalt  }
0x59: {  	_ =	shalt  }
0x5a: {  	_ =	shalt  }
0x5b: {  	_ =	shalt  }
0x5c: {  	_ =	shalt  }
0x5d: {  	_ =	shalt  }
0x5e: {  	_ =	shalt  }
0x5f: {  	_ =	shalt  }
0x60: {  	_ =	shalt  }
0x61: {  	_ =	shalt  }
0x62: {  	_ =	shalt  }
0x63: {  	_ =	shalt  }
0x64: {  	_ =	shalt  }
0x65: {  	_ =	shalt  }
0x66: {  	_ =	shalt  }
0x67: {  	_ =	shalt  }
0x68: {  	_ =	shalt  }
0x69: {  	_ =	shalt  }
0x6a: {  	_ =	shalt  }
0x6b: {  	_ =	shalt  }
0x6c: {  	_ =	shalt  }
0x6d: {  	_ =	shalt  }
0x6e: {  	_ =	shalt  }
0x6f: {  	_ =	shalt  }
0x70: {  	_ =	shalt  }
0x71: {  	_ =	shalt  }
0x72: {  	_ =	shalt  }
0x73: {  	_ =	shalt  }
0x74: {  	_ =	shalt  }
0x75: {  	_ =	shalt  }
0x76: {  	_ =	shalt  }
0x77: {  	_ =	shalt  }
0x78: {  	_ =	shalt  }
0x79: {  	_ =	shalt  }
0x7a: {  	_ =	shalt  }
0x7b: {  	_ =	shalt  }
0x7c: {  	_ =	shalt  }
0x7d: {  	_ =	shalt  }
0x7e: {  	_ =	shalt  }
0x7f: {  	_ =	shalt  }
0x80: {  	_ =	shalt  }
0x81: {  	_ =	shalt  }
0x82: {  	_ =	shalt  }
0x83: {  	_ =	shalt  }
0x84: {  	_ =	shalt  }
0x85: {  	_ =	shalt  }
0x86: {  	_ =	shalt  }
0x87: {  	_ =	shalt  }
.Lfunc_end0:
.L_simem_size_0:
called_computation_lowered:
.L_overlay_start_0:
0x88: {  	s2 =	sld [smem:$0x3FD9]  }
0x89: {  	s3 =	sld [smem:$0x3FFE];
	_ =	sdelay $0x1  }
0x8a: {  	s1 =	srdreg.scid  }
0x8b: {  	s0 =	sand.u32 $0x1, s1  }
0x8c: {  	s17 =	sshll.u32 s0, $0xA;
	s2 =	sadd.s32 s3, s2  }
0x8d: {  	s2 =	sadd.s32 s2, s17  }
0x8e: {  	[smem:$0x3FC2] =	sst s2  }
0x8f: {  	_ = 	snop  }
0x90: {  	s2 =	sld [smem:$0x3FC8]  }
0x91: {  	s18 =	sld [smem:$0x3FD0];
	(tm) =	ssettm $0x1  }
0x92: {  	s4 =	sld [smem:$0x3FFB];
	_ =	sdelay $0x3  }
0x93: {  	_ =	strace s4  }
0x94: {  	s4 =	sld [smem:$0x3FFC];
	_ =	sdelay $0x3  }
0x95: {  	_ =	strace s4  }
0x96: {  	s4 =	sld [smem:$0x3FFD];
	_ =	sdelay $0x3  }
0x97: {  	_ =	strace s4  }
0x98: {  	_ =	strace $0x8FFFFFFF  }
0x99: {  	s19 =	sld [smem:$0x3FDB];
	_ =	sdelay $0x1  }
0x9a: {  	s5 =	simm.s32 $_scs_section_size  }
0x9b: {  	s6 =	simm.s32 $_size__tile_overlayer_lowered;
	s7 =	simm.s32 $_tile_overlayer_lowered  }
0x9c: {  	s22 =	simm.s32 $0x1BFF;
	s21 =	sshll.u32 s7, $0x1;
	s4 =	sadd.s32 s5, s19  }
0x9d: {  	s8 =	simm.s32 $0x0;
	s20 =	sshll.u32 s6, $0x1;
	s6 =	sadd.s32 s21, s4  }
0x9e: {  	[timem:s8], [sflag:s22] =	dma.local [hbm:s6], s20  }
0x9f: {  	_ =	swait.ge [sflag:s22], s20  }
0xa0: {  	s5 =	ssub.s32 $0x0, s20;
	[sflag:s22] =	ssyncset.done $0x0  }
0xa1: {  	[sflag:s22] =	ssyncadd.s32 s5;
	_ =	sdelay $0x1  }
0xa2: {  	s23 =	simm.s32 $0x1B8B  }
0xa3: {  	_ =	swait.ge [sflag:s23], $0x1  }
0xa4: {  	[sflag:s23] =	ssyncset.done $0x0  }
0xa5: {  	s25 =	simm.s32 $0x1B8E;
	s24 =	sld [smem:$0x3FFE];
	[sflag:s23] =	ssyncadd.s32 $0xFFFFFFFF  }
0xa6: {  	s26 =	simm.s32 $execute0_lowered;
	[smem:$0x3FD2] =	sst s25  }
0xa7: {  	s6 =	sshll.u32 s26, $0x1;
	_ =	strace $0x80000046;
	[dreg:$0x1] =	wrdreg $0xFFFFFFFF  }
0xa8: {  	s28 =	simm.s32 $_size_execute0_lowered;
	s4 =	sadd.s32 s4, s6;
	[dreg:$0x0] =	wrdreg $0x0  }
0xa9: {  	s6 =	sshll.u32 s28, $0x1;
	[dreg:$0x2] =	wrdreg s4  }
0xaa: {  	[dreg:$0x3] =	wrdreg s6  }
0xab: {  	[dreg:$0x4] =	wrdreg $0xC0  }
0xac: {  	_ =	task [dreg:s8], $0x5FFFF  }
0xad: {  	[dreg:$0x1] =	wrdreg $0xFFFFFFFF  }
0xae: {  	[dreg:$0x0] =	wrdreg $0x60  }
0xaf: {  	[dreg:$0x2] =	wrdreg s2  }
0xb0: {  	[dreg:$0x3] =	wrdreg s24  }
0xb1: {  	[dreg:$0x4] =	wrdreg s18  }
0xb2: {  	[dreg:$0x5] =	wrdreg $0xB0000  }
0xb3: {  	[dreg:$0x6] =	wrdreg $0x9  }
0xb4: {  	_ =	task.clear_ibuf [dreg:s8], $0x7FFFF;
	_ =	strace $0x90000046  }
0xb5: {  	s29 =	simm.s32 $0x9;
	_ =	strace $0x80000048  }
0xb6: {  	_ =	swait.ge [sflag:s29], $0x1  }
0xb7: {  	[sflag:s29] =	ssyncadd.s32 $0xFFFFFFFF  }
0xb8: {  	_ =	strace $0x90000048  }
0xb9: {  	_ =	sfence  }
0xba: {  	s30 =	sld [smem:$0x0];
	_ =	sdelay $0x2  }
0xbb: {  	s31 =	sshll.u32 s1, $0xD;
	s1 =	sshrl.u32 s1, $0x2  }
0xbc: {  	s3 =	sand.u32 $0x4000, s31;
	s1 =	sadd.s32 s1, s30  }
0xbd: {  	s0 =	sor.u32 s3, s0;
	s1 =	sshll.u32 s1, $0x11  }
0xbe: {  	s0 =	sor.u32 s1, s0  }
0xbf: {  	s0 =	sadd.s32 $0x8F2B, s0  }
0xc0: {  	[sflag:s0] =	ssyncadd.remote.s32 $0x1  }
0xc1: {  	_ =	sfence.sel $0xFFFF  }
0xc2: {  	[dreg:$0x0] =	wrdreg $0xFFFFFFFF;
	(pc) =	sbr.abs _section_cstart, $3  }
0xc3: {  	[dreg:$0x1] =	wrdreg $0xFFFFFFFF  }
0xc4: {  	_ =	task.clear_ibuf [dreg:s8], $0x2FFFF;
	_ =	strace $0x9FFFFFFF  }
0xc5: {  	(tm) =	ssettm $0x7FFFFFFF  }
tec
execute0_lowered:
.L_overlay_start_1:
0x0: {  	(tag) =	ssettag $0x1  }
0x1: {  	s1 =	rddreg [dreg:$0x0]  }
0x2: {  	s0 =	rddreg [dreg:$0x1]  }
0x3: {  	s3 =	rddreg [dreg:$0x2]  }
0x4: {  	s2 =	rddreg [dreg:$0x3];
	s4 =	simm.s32 $0x0  }
0x5: {  	s5 =	srdreg.scid;
	s13 =	stileid.u32;
	s28 =	simm.s32 $0x6000  }
0x6: {  	s29 =	simm.s32 $0x2;
	s31 =	simm.s32 $0x4;
	s30 =	simm.s32 $0x8800  }
0x7: {  	[smem:$0x7FF] =	sst s4;
	s6 =	sadd.s32 $0x1000, s0;
	s7 =	smul.u32 $0x4E000, s13  }
0x8: {  	s5 =	sand.u32 $0x1, s5;
	s8 =	sadd.s32 $0x11000, s0;
	s10 =	smul.u32 $0x13800, s13  }
0x9: {  	s11 =	sadd.s32 $0x21000, s0;
	s0 =	sadd.s32 $0x21600, s0;
	s26 =	sshll.u32 s13, $0x6  }
0xa: {  	s12 =	sshll.u32 s13, $0xB;
	s15 =	sadd.s32 $0x138000, s2;
	p0 =	sne.s32 s13, $0xF  }
0xb: {  	s13 =	simm.s32 $0x980;
	_ =	strace $0x80000047;
	s9 =	ssub.s32 $0x2, s5  }
0xc: {  	[dreg:$0xa] =	wrdreg s11;
	s4 =	sshll.u32 s5, $0xF;
	s5 =	smul.u32 $0x138800, s5  }
0xd: {  	s17 =	sor.u32 $0x1C07, s26;
	[dreg:$0xe] =	wrdreg s15;
	s26 =	simm.s32 $0x780  }
0xe: {  	s15 =	simm.s32 $0x6;
	s11 =	simm.s32 $0xC80;
	s23 =	sshrl.u32 s9, $0x1  }
0xf: {  	s7 =	sshrl.u32 s7, $0x2;
	s24 =	sshrl.u32 s10, $0x3;
	s16 =	sor.u32 s12, s4  }
0x10: {  	s21 =	sadd.s32 s4, s6;
	s22 =	sadd.s32 s4, s8;
	[dreg:$0x8] =	wrdreg s26  }
0x11: {  	s4 =	simm.s32 $0x100;
	s26 =	simm.s32 $0x900;
	[dreg:$0xd] =	wrdreg s17  }
0x12: {  	s9 =	ssub.s32 s9, s23;
	s7 =	sadd.s32 s7, s2;
	s25 =	sadd.s32 s3, s24  }
0x13: {  	s3 =	sadd.s32 $0x27000, s3;
	s18 =	sor.u32 $0x700, s16;
	s19 =	sadd.s32 s10, s5  }
0x14: {  	s5 =	sshrl.u32 s5, $0x3;
	s24 =	simm.s32 $0x680;
	[dreg:$0xb] =	wrdreg s7  }
0x15: {  	s16 =	simm.s32 $0xA80;
	s10 =	simm.s32 $0xD80;
	[dreg:$0xc] =	wrdreg s25  }
0x16: {  	[dreg:$0xf] =	wrdreg s3;
	s14 =	sadd.s32 s6, s18;
	s7 =	sshrl.u32 s19, $0x3  }
0x17: {  	s3 =	sadd.s32 s8, s18;
	s23 =	smax.u32 s9, $0x1;
	[dreg:$0x6] =	wrdreg s24  }
0x18: {  	s19 =	simm.s32 $0x7;
	s25 =	simm.s32 $0x700;
	[dreg:$0x10] =	wrdreg s14  }
0x19: {  	s24 =	simm.s32 $0x3800;
	s6 =	simm.s32 $0x880;
	[dreg:$0x11] =	wrdreg s3  }
0x1a: {  	s9 =	simm.s32 $0x5;
	s8 =	simm.s32 $0xD00;
	[dreg:$0x16] =	wrdreg s23  }
0x1b: {  	s20 =	sadd.s32 s0, s7;
	s0 =	sadd.s32 s0, s5;
	[dreg:$0x7] =	wrdreg s25  }
0x1c: {  	s18 =	simm.s32 $0xE00;
	s5 =	sadd.s32 $0x27000, s0;
	[dreg:$0x12] =	wrdreg s20  }
0x1d: {  	s25 =	simm.s32 $0x1;
	s3 =	sadd.s32 $0x4E200, s20;
	[dreg:$0x13] =	wrdreg s5  }
0x1e: {  	s23 =	simm.s32 $0xA00;
	s0 =	sadd.s32 $0x75200, s0;
	[dreg:$0x14] =	wrdreg s3  }
0x1f: {  	s7 =	simm.s32 $0xC00;
	s20 =	simm.s32 $0x0;
	[dreg:$0x15] =	wrdreg s0  }
0x20: {  	s3 =	sadd.s32 s12, s21;
	s0 =	sadd.s32 s12, s22;
	s21 =	simm.s32 $0x50  }
0x21: {  	s22 =	simm.s32 $0x1000;
	s12 =	simm.s32 $0xB00;
	[dreg:$0x9] =	wrdreg s0  }
0x22: {  	[dreg:$0x5] =	wrdreg s3;
	s3 =	simm.s32 $0x3;
	s0 =	simm.s32 $0xB80  }
.LBB2_1:
0x23: {  	[dreg:$0x17] =	wrdreg s20  }
0x24: {  	s5 =	rddreg [dreg:$0xb]  }
0x25: {  	s20 =	rddreg [dreg:$0xc];
	s14 =	sshrl.u32 s5, $0x3  }
0x26: {  	[dreg:$0x18] =	wrdreg s14  }
0x27: {  	[spmem:s14], [sflag:s17] =	dma.local [hbm:s20], $0x2700  }
0x28: {  	_ =	swait.ge [sflag:s19], $0x2700  }
0x29: {  	s5 =	rddreg [dreg:$0xe]  }
0x2a: {  	[sflag:s19] =	ssyncset.done $0x0;
	s14 =	sshrl.u32 @!p0 s5, $0x3;
	s5 =	rddreg [dreg:$0xf]  }
0x2b: {  	[sflag:s19] =	ssyncadd.s32 $0xFFFFD900;
	[dreg:$0x19] =	wrdreg s14  }
0x2c: {  	[spmem:s14], [sflag:s17] =	dma.local @!p0 [hbm:s5], $0x100  }
0x2d: {  	s5 =	simm.s32 @!p0 $0x7  }
0x2e: {  	_ =	swait.ge @!p0 [sflag:s5], $0x100  }
0x2f: {  	[sflag:s5] =	ssyncset.done @!p0 $0x0  }
0x30: {  	[sflag:s5] =	ssyncadd.s32 @!p0 $0xFFFFFF00  }
0x31: {  	[bflag:$0x0] =	sbarrier.arrive $0xFFFF  }
0x32: {  	s20 =	rddreg [dreg:$0x5]  }
0x33: {  	s5 =	sadd.s32 $0x0, s20;
	s20 =	simm.s32 $0x0  }
0x34: {  	[tilespmem:s20], [sflag:$0x7] =	stream.linear.gather [hbm4b:s5+s20], $0x800, $0x38;
	[tilespmem:$0x1E880] =	vst v63  }
0x35: {  	_ =	swait.ge [sflag:s19], $0x800  }
0x36: {  	[sflag:s19] =	ssyncset.done $0x0;
	s14 =	rddreg [dreg:$0x9]  }
0x37: {  	s17 =	simm.s32 $0x800;
	[sflag:s19] =	ssyncadd.s32 $0xFFFFF800;
	s5 =	sadd.s32 $0x0, s14  }
0x38: {  	[tilespmem:s17], [sflag:$0x7] =	stream.linear.gather [hbm4b:s5+s20], $0x800, $0x38;
	[tilespmem:$0x1E880] =	vst v63  }
0x39: {  	_ =	swait.ge [sflag:s19], $0x800  }
0x3a: {  	[sflag:s19] =	ssyncset.done $0x0  }
0x3b: {  	[sflag:s19] =	ssyncadd.s32 $0xFFFFF800  }
0x3c: {  	[tilespmem:s22], [sflag:$0x1] =	stream.indirect.gather [hbm4b:s1+s21], $0x80, s20, s21, $0xb8;
	[tilespmem:$0x1E880] =	vst v63  }
0x3d: {  	s20 =	simm.s32 $0x80  }
0x3e: {  	[tilespmem:s24], [sflag:$0x2] =	stream.indirect.gather [hbm4b:s1+s21], $0x80, s20, s21, $0xb8;
	[tilespmem:$0x1E880] =	vst v63  }
0x3f: {  	_ =	swait.ge [sflag:s25], $0x2800  }
0x40: {  	[sflag:s25] =	ssyncset.done $0x0  }
0x41: {  	[sflag:s25] =	ssyncadd.s32 $0xFFFFD800  }
0x42: {  	[spmem:s2] =	stream.indirect.scatter.add.f32 [tilespmem:s22], [sflag:$0x4], $0x80, s17, s21, $0xb8;
	[tilespmem:$0x1E880] =	vst v63  }
0x43: {  	_ = 	snop  }
0x44: {  	[tilespmem:s28], [sflag:$0x3] =	stream.indirect.gather [hbm4b:s1+s21], $0x80, s4, s21, $0xb8;
	[tilespmem:$0x1E880] =	vst v63  }
0x45: {  	_ =	swait.ge [sflag:s29], $0x2800  }
0x46: {  	[sflag:s29] =	ssyncset.done $0x0  }
0x47: {  	[sflag:s29] =	ssyncadd.s32 $0xFFFFD800  }
0x48: {  	[spmem:s2] =	stream.indirect.scatter.add.f32 [tilespmem:s24], [sflag:$0x5], $0x80, s6, s21, $0xb8;
	[tilespmem:$0x1E880] =	vst v63  }
0x49: {  	_ =	swait.ge [sflag:s31], $0x2800  }
0x4a: {  	[sflag:s31] =	ssyncset.done $0x0  }
0x4b: {  	s14 =	simm.s32 $0x180;
	[sflag:s31] =	ssyncadd.s32 $0xFFFFD800  }
0x4c: {  	[tilespmem:s22], [sflag:$0x1] =	stream.indirect.gather [hbm4b:s1+s21], $0x80, s14, s21, $0xb8;
	[tilespmem:$0x1E880] =	vst v63  }
0x4d: {  	_ =	swait.ge [sflag:s3], $0x2800  }
0x4e: {  	[sflag:s3] =	ssyncset.done $0x0  }
0x4f: {  	[sflag:s3] =	ssyncadd.s32 $0xFFFFD800  }
0x50: {  	[spmem:s2] =	stream.indirect.scatter.add.f32 [tilespmem:s28], [sflag:$0x6], $0x80, s26, s21, $0xb8;
	[tilespmem:$0x1E880] =	vst v63  }
0x51: {  	_ =	swait.ge [sflag:s9], $0x2800  }
0x52: {  	[sflag:s9] =	ssyncset.done $0x0  }
0x53: {  	s17 =	simm.s32 $0x200;
	[sflag:s9] =	ssyncadd.s32 $0xFFFFD800  }
0x54: {  	[tilespmem:s24], [sflag:$0x2] =	stream.indirect.gather [hbm4b:s1+s21], $0x80, s17, s21, $0xb8;
	[tilespmem:$0x1E880] =	vst v63  }
0x55: {  	_ =	swait.ge [sflag:s25], $0x2800  }
0x56: {  	[sflag:s25] =	ssyncset.done $0x0  }
0x57: {  	[sflag:s25] =	ssyncadd.s32 $0xFFFFD800  }
0x58: {  	[spmem:s2] =	stream.indirect.scatter.add.f32 [tilespmem:s22], [sflag:$0x4], $0x80, s13, s21, $0xb8;
	[tilespmem:$0x1E880] =	vst v63  }
0x59: {  	_ =	swait.ge [sflag:s15], $0x2800  }
0x5a: {  	[sflag:s15] =	ssyncset.done $0x0  }
0x5b: {  	s20 =	simm.s32 $0x280;
	[sflag:s15] =	ssyncadd.s32 $0xFFFFD800  }
0x5c: {  	[tilespmem:s28], [sflag:$0x3] =	stream.indirect.gather [hbm4b:s1+s21], $0x80, s20, s21, $0xb8;
	[tilespmem:$0x1E880] =	vst v63  }
0x5d: {  	_ =	swait.ge [sflag:s29], $0x2800  }
0x5e: {  	[sflag:s29] =	ssyncset.done $0x0  }
0x5f: {  	[sflag:s29] =	ssyncadd.s32 $0xFFFFD800  }
0x60: {  	[spmem:s2] =	stream.indirect.scatter.add.f32 [tilespmem:s24], [sflag:$0x5], $0x80, s23, s21, $0xb8;
	[tilespmem:$0x1E880] =	vst v63  }
0x61: {  	_ =	swait.ge [sflag:s31], $0x2800  }
0x62: {  	[sflag:s31] =	ssyncset.done $0x0  }
0x63: {  	s5 =	simm.s32 $0x300;
	[sflag:s31] =	ssyncadd.s32 $0xFFFFD800  }
0x64: {  	[tilespmem:s22], [sflag:$0x1] =	stream.indirect.gather [hbm4b:s1+s21], $0x80, s5, s21, $0xb8;
	[tilespmem:$0x1E880] =	vst v63  }
0x65: {  	_ =	swait.ge [sflag:s3], $0x2800  }
0x66: {  	[sflag:s3] =	ssyncset.done $0x0  }
0x67: {  	[sflag:s3] =	ssyncadd.s32 $0xFFFFD800  }
0x68: {  	[spmem:s2] =	stream.indirect.scatter.add.f32 [tilespmem:s28], [sflag:$0x6], $0x80, s16, s21, $0xb8;
	[tilespmem:$0x1E880] =	vst v63  }
0x69: {  	_ =	swait.ge [sflag:s9], $0x2800  }
0x6a: {  	[sflag:s9] =	ssyncset.done $0x0  }
0x6b: {  	s14 =	simm.s32 $0x380;
	[sflag:s9] =	ssyncadd.s32 $0xFFFFD800  }
0x6c: {  	[tilespmem:s24], [sflag:$0x2] =	stream.indirect.gather [hbm4b:s1+s21], $0x80, s14, s21, $0xb8;
	[tilespmem:$0x1E880] =	vst v63  }
0x6d: {  	_ =	swait.ge [sflag:s25], $0x2800  }
0x6e: {  	[sflag:s25] =	ssyncset.done $0x0  }
0x6f: {  	[sflag:s25] =	ssyncadd.s32 $0xFFFFD800  }
0x70: {  	[spmem:s2] =	stream.indirect.scatter.add.f32 [tilespmem:s22], [sflag:$0x4], $0x80, s12, s21, $0xb8;
	[tilespmem:$0x1E880] =	vst v63  }
0x71: {  	_ =	swait.ge [sflag:s15], $0x2800  }
0x72: {  	[sflag:s15] =	ssyncset.done $0x0  }
0x73: {  	s17 =	simm.s32 $0x400;
	[sflag:s15] =	ssyncadd.s32 $0xFFFFD800  }
0x74: {  	[tilespmem:s28], [sflag:$0x3] =	stream.indirect.gather [hbm4b:s1+s21], $0x80, s17, s21, $0xb8;
	[tilespmem:$0x1E880] =	vst v63  }
0x75: {  	_ =	swait.ge [sflag:s29], $0x2800  }
0x76: {  	[sflag:s29] =	ssyncset.done $0x0  }
0x77: {  	[sflag:s29] =	ssyncadd.s32 $0xFFFFD800  }
0x78: {  	[spmem:s2] =	stream.indirect.scatter.add.f32 [tilespmem:s24], [sflag:$0x5], $0x80, s0, s21, $0xb8;
	[tilespmem:$0x1E880] =	vst v63  }
0x79: {  	_ =	swait.ge [sflag:s31], $0x2800  }
0x7a: {  	[sflag:s31] =	ssyncset.done $0x0  }
0x7b: {  	s20 =	simm.s32 $0x480;
	[sflag:s31] =	ssyncadd.s32 $0xFFFFD800  }
0x7c: {  	[tilespmem:s22], [sflag:$0x1] =	stream.indirect.gather [hbm4b:s1+s21], $0x80, s20, s21, $0xb8;
	[tilespmem:$0x1E880] =	vst v63  }
0x7d: {  	_ =	swait.ge [sflag:s3], $0x2800  }
0x7e: {  	[sflag:s3] =	ssyncset.done $0x0  }
0x7f: {  	[sflag:s3] =	ssyncadd.s32 $0xFFFFD800  }
0x80: {  	[spmem:s2] =	stream.indirect.scatter.add.f32 [tilespmem:s28], [sflag:$0x6], $0x80, s7, s21, $0xb8;
	[tilespmem:$0x1E880] =	vst v63  }
0x81: {  	_ =	swait.ge [sflag:s9], $0x2800  }
0x82: {  	[sflag:s9] =	ssyncset.done $0x0  }
0x83: {  	s5 =	simm.s32 $0x500;
	[sflag:s9] =	ssyncadd.s32 $0xFFFFD800  }
0x84: {  	[tilespmem:s24], [sflag:$0x2] =	stream.indirect.gather [hbm4b:s1+s21], $0x80, s5, s21, $0xb8;
	[tilespmem:$0x1E880] =	vst v63  }
0x85: {  	_ =	swait.ge [sflag:s25], $0x2800  }
0x86: {  	[sflag:s25] =	ssyncset.done $0x0  }
0x87: {  	[sflag:s25] =	ssyncadd.s32 $0xFFFFD800  }
0x88: {  	[spmem:s2] =	stream.indirect.scatter.add.f32 [tilespmem:s22], [sflag:$0x4], $0x80, s11, s21, $0xb8;
	[tilespmem:$0x1E880] =	vst v63  }
0x89: {  	_ =	swait.ge [sflag:s15], $0x2800  }
0x8a: {  	[sflag:s15] =	ssyncset.done $0x0  }
0x8b: {  	s14 =	simm.s32 $0x580;
	[sflag:s15] =	ssyncadd.s32 $0xFFFFD800  }
0x8c: {  	[tilespmem:s28], [sflag:$0x3] =	stream.indirect.gather [hbm4b:s1+s21], $0x80, s14, s21, $0xb8;
	[tilespmem:$0x1E880] =	vst v63  }
0x8d: {  	_ =	swait.ge [sflag:s29], $0x2800  }
0x8e: {  	[sflag:s29] =	ssyncset.done $0x0  }
0x8f: {  	[sflag:s29] =	ssyncadd.s32 $0xFFFFD800  }
0x90: {  	[spmem:s2] =	stream.indirect.scatter.add.f32 [tilespmem:s24], [sflag:$0x5], $0x80, s8, s21, $0xb8;
	[tilespmem:$0x1E880] =	vst v63  }
0x91: {  	_ =	swait.ge [sflag:s31], $0x2800  }
0x92: {  	[sflag:s31] =	ssyncset.done $0x0  }
0x93: {  	s17 =	simm.s32 $0x600;
	[sflag:s31] =	ssyncadd.s32 $0xFFFFD800  }
0x94: {  	[tilespmem:s22], [sflag:$0x1] =	stream.indirect.gather [hbm4b:s1+s21], $0x80, s17, s21, $0xb8;
	[tilespmem:$0x1E880] =	vst v63  }
0x95: {  	_ =	swait.ge [sflag:s3], $0x2800  }
0x96: {  	[sflag:s3] =	ssyncset.done $0x0  }
0x97: {  	[sflag:s3] =	ssyncadd.s32 $0xFFFFD800  }
0x98: {  	[spmem:s2] =	stream.indirect.scatter.add.f32 [tilespmem:s28], [sflag:$0x6], $0x80, s10, s21, $0xb8;
	[tilespmem:$0x1E880] =	vst v63  }
0x99: {  	_ =	swait.ge [sflag:s9], $0x2800  }
0x9a: {  	[sflag:s9] =	ssyncset.done $0x0  }
0x9b: {  	s20 =	rddreg [dreg:$0x6];
	[sflag:s9] =	ssyncadd.s32 $0xFFFFD800  }
0x9c: {  	[tilespmem:s24], [sflag:$0x2] =	stream.indirect.gather [hbm4b:s1+s21], $0x80, s20, s21, $0xb8;
	[tilespmem:$0x1E880] =	vst v63  }
0x9d: {  	_ =	swait.ge [sflag:s25], $0x2800  }
0x9e: {  	[sflag:s25] =	ssyncset.done $0x0  }
0x9f: {  	[sflag:s25] =	ssyncadd.s32 $0xFFFFD800  }
0xa0: {  	[spmem:s2] =	stream.indirect.scatter.add.f32 [tilespmem:s22], [sflag:$0x4], $0x80, s18, s21, $0xb8;
	[tilespmem:$0x1E880] =	vst v63  }
0xa1: {  	_ =	swait.ge [sflag:s15], $0x2800  }
0xa2: {  	[sflag:s15] =	ssyncset.done $0x0  }
0xa3: {  	s4 =	rddreg [dreg:$0x7];
	[sflag:s15] =	ssyncadd.s32 $0xFFFFD800  }
0xa4: {  	[tilespmem:s28], [sflag:$0x3] =	stream.indirect.gather [hbm4b:s1+s21], $0x80, s4, s21, $0xb8;
	[tilespmem:$0x1E880] =	vst v63  }
0xa5: {  	_ =	swait.ge [sflag:s29], $0x2800  }
0xa6: {  	[sflag:s29] =	ssyncset.done $0x0  }
0xa7: {  	s5 =	simm.s32 $0xE80;
	[sflag:s29] =	ssyncadd.s32 $0xFFFFD800  }
0xa8: {  	[spmem:s2] =	stream.indirect.scatter.add.f32 [tilespmem:s24], [sflag:$0x5], $0x80, s5, s21, $0xb8;
	[tilespmem:$0x1E880] =	vst v63  }
0xa9: {  	_ =	swait.ge [sflag:s31], $0x2800  }
0xaa: {  	[sflag:s31] =	ssyncset.done $0x0  }
0xab: {  	s14 =	rddreg [dreg:$0x8];
	[sflag:s31] =	ssyncadd.s32 $0xFFFFD800  }
0xac: {  	[tilespmem:s22], [sflag:$0x1] =	stream.indirect.gather [hbm4b:s1+s21], $0x80, s14, s21, $0xb8;
	[tilespmem:$0x1E880] =	vst v63  }
0xad: {  	_ =	swait.ge [sflag:s3], $0x2800  }
0xae: {  	[sflag:s3] =	ssyncset.done $0x0  }
0xaf: {  	s17 =	simm.s32 $0xF00;
	[sflag:s3] =	ssyncadd.s32 $0xFFFFD800  }
0xb0: {  	[spmem:s2] =	stream.indirect.scatter.add.f32 [tilespmem:s28], [sflag:$0x6], $0x80, s17, s21, $0xb8;
	[tilespmem:$0x1E880] =	vst v63  }
0xb1: {  	_ =	swait.ge [sflag:s25], $0x2800  }
0xb2: {  	[sflag:s25] =	ssyncset.done $0x0  }
0xb3: {  	s20 =	simm.s32 $0xF80;
	[sflag:s25] =	ssyncadd.s32 $0xFFFFD800  }
0xb4: {  	[spmem:s2] =	stream.indirect.scatter.add.f32 [tilespmem:s22], [sflag:$0x4], $0x80, s20, s21, $0xb8;
	[tilespmem:$0x1E880] =	vst v63  }
0xb5: {  	_ =	swait.ge [sflag:s31], $0x2800  }
0xb6: {  	[sflag:s31] =	ssyncset.done $0x0  }
0xb7: {  	[sflag:s31] =	ssyncadd.s32 $0xFFFFD800  }
0xb8: {  	_ =	swait.ge [sflag:s9], $0x2800  }
0xb9: {  	[sflag:s9] =	ssyncset.done $0x0  }
0xba: {  	[sflag:s9] =	ssyncadd.s32 $0xFFFFD800  }
0xbb: {  	s5 =	simm.s32 $0x100;
	_ =	swait.ge [sflag:s15], $0x2800  }
.LBB2_2:
0xbc: {  	s14 =	rddreg [dreg:$0x5];
	s17 =	smov.u32 s5;
	[sflag:s15] =	ssyncset.done $0x0  }
0xbd: {  	s4 =	simm.s32 $0x0;
	s14 =	sadd.s32 s17, s14;
	[sflag:s15] =	ssyncadd.s32 $0xFFFFD800  }
0xbe: {  	[tilespmem:s4], [sflag:$0x7] =	stream.linear.gather [hbm4b:s14+s4], $0x800, $0x38;
	[tilespmem:$0x1E880] =	vst v63  }
0xbf: {  	_ =	swait.ge [sflag:s19], $0x800  }
0xc0: {  	[sflag:s19] =	ssyncset.done $0x0;
	s20 =	rddreg [dreg:$0x9]  }
0xc1: {  	[sflag:s19] =	ssyncadd.s32 $0xFFFFF800;
	s14 =	sadd.s32 s17, s20;
	s20 =	simm.s32 $0x800  }
0xc2: {  	[tilespmem:s20], [sflag:$0x7] =	stream.linear.gather [hbm4b:s14+s4], $0x800, $0x38;
	[tilespmem:$0x1E880] =	vst v63  }
0xc3: {  	_ =	swait.ge [sflag:s19], $0x800  }
0xc4: {  	[sflag:s19] =	ssyncset.done $0x0  }
0xc5: {  	[sflag:s19] =	ssyncadd.s32 $0xFFFFF800  }
0xc6: {  	[tilespmem:s22], [sflag:$0x1] =	stream.indirect.gather [hbm4b:s1+s21], $0x80, s4, s21, $0xb8;
	[tilespmem:$0x1E880] =	vst v63  }
0xc7: {  	s17 =	simm.s32 $0x80  }
0xc8: {  	[tilespmem:s24], [sflag:$0x2] =	stream.indirect.gather [hbm4b:s1+s21], $0x80, s17, s21, $0xb8;
	[tilespmem:$0x1E880] =	vst v63  }
0xc9: {  	_ =	swait.ge [sflag:s25], $0x2800  }
0xca: {  	[sflag:s25] =	ssyncset.done $0x0  }
0xcb: {  	[sflag:s25] =	ssyncadd.s32 $0xFFFFD800  }
0xcc: {  	[spmem:s2] =	stream.indirect.scatter.add.f32 [tilespmem:s22], [sflag:$0x4], $0x80, s20, s21, $0xb8;
	[tilespmem:$0x1E880] =	vst v63  }
0xcd: {  	s14 =	simm.s32 $0x100  }
0xce: {  	[tilespmem:s28], [sflag:$0x3] =	stream.indirect.gather [hbm4b:s1+s21], $0x80, s14, s21, $0xb8;
	[tilespmem:$0x1E880] =	vst v63  }
0xcf: {  	_ =	swait.ge [sflag:s29], $0x2800  }
0xd0: {  	[sflag:s29] =	ssyncset.done $0x0  }
0xd1: {  	[sflag:s29] =	ssyncadd.s32 $0xFFFFD800  }
0xd2: {  	[spmem:s2] =	stream.indirect.scatter.add.f32 [tilespmem:s24], [sflag:$0x5], $0x80, s6, s21, $0xb8;
	[tilespmem:$0x1E880] =	vst v63  }
0xd3: {  	_ =	swait.ge [sflag:s31], $0x2800  }
0xd4: {  	[sflag:s31] =	ssyncset.done $0x0  }
0xd5: {  	s20 =	simm.s32 $0x180;
	[sflag:s31] =	ssyncadd.s32 $0xFFFFD800  }
0xd6: {  	[tilespmem:s22], [sflag:$0x1] =	stream.indirect.gather [hbm4b:s1+s21], $0x80, s20, s21, $0xb8;
	[tilespmem:$0x1E880] =	vst v63  }
0xd7: {  	_ =	swait.ge [sflag:s3], $0x2800  }
0xd8: {  	[sflag:s3] =	ssyncset.done $0x0  }
0xd9: {  	[sflag:s3] =	ssyncadd.s32 $0xFFFFD800  }
0xda: {  	[spmem:s2] =	stream.indirect.scatter.add.f32 [tilespmem:s28], [sflag:$0x6], $0x80, s26, s21, $0xb8;
	[tilespmem:$0x1E880] =	vst v63  }
0xdb: {  	_ =	swait.ge [sflag:s9], $0x2800  }
0xdc: {  	[sflag:s9] =	ssyncset.done $0x0  }
0xdd: {  	s14 =	simm.s32 $0x200;
	[sflag:s9] =	ssyncadd.s32 $0xFFFFD800  }
0xde: {  	[tilespmem:s24], [sflag:$0x2] =	stream.indirect.gather [hbm4b:s1+s21], $0x80, s14, s21, $0xb8;
	[tilespmem:$0x1E880] =	vst v63  }
0xdf: {  	_ =	swait.ge [sflag:s25], $0x2800  }
0xe0: {  	[sflag:s25] =	ssyncset.done $0x0  }
0xe1: {  	[sflag:s25] =	ssyncadd.s32 $0xFFFFD800  }
0xe2: {  	[spmem:s2] =	stream.indirect.scatter.add.f32 [tilespmem:s22], [sflag:$0x4], $0x80, s13, s21, $0xb8;
	[tilespmem:$0x1E880] =	vst v63  }
0xe3: {  	_ =	swait.ge [sflag:s15], $0x2800  }
0xe4: {  	[sflag:s15] =	ssyncset.done $0x0  }
0xe5: {  	s20 =	simm.s32 $0x280;
	[sflag:s15] =	ssyncadd.s32 $0xFFFFD800  }
0xe6: {  	[tilespmem:s28], [sflag:$0x3] =	stream.indirect.gather [hbm4b:s1+s21], $0x80, s20, s21, $0xb8;
	[tilespmem:$0x1E880] =	vst v63  }
0xe7: {  	_ =	swait.ge [sflag:s29], $0x2800  }
0xe8: {  	[sflag:s29] =	ssyncset.done $0x0  }
0xe9: {  	[sflag:s29] =	ssyncadd.s32 $0xFFFFD800  }
0xea: {  	[spmem:s2] =	stream.indirect.scatter.add.f32 [tilespmem:s24], [sflag:$0x5], $0x80, s23, s21, $0xb8;
	[tilespmem:$0x1E880] =	vst v63  }
0xeb: {  	_ =	swait.ge [sflag:s31], $0x2800  }
0xec: {  	[sflag:s31] =	ssyncset.done $0x0  }
0xed: {  	s14 =	simm.s32 $0x300;
	[sflag:s31] =	ssyncadd.s32 $0xFFFFD800  }
0xee: {  	[tilespmem:s22], [sflag:$0x1] =	stream.indirect.gather [hbm4b:s1+s21], $0x80, s14, s21, $0xb8;
	[tilespmem:$0x1E880] =	vst v63  }
0xef: {  	_ =	swait.ge [sflag:s3], $0x2800  }
0xf0: {  	[sflag:s3] =	ssyncset.done $0x0  }
0xf1: {  	[sflag:s3] =	ssyncadd.s32 $0xFFFFD800  }
0xf2: {  	[spmem:s2] =	stream.indirect.scatter.add.f32 [tilespmem:s28], [sflag:$0x6], $0x80, s16, s21, $0xb8;
	[tilespmem:$0x1E880] =	vst v63  }
0xf3: {  	_ =	swait.ge [sflag:s9], $0x2800  }
0xf4: {  	[sflag:s9] =	ssyncset.done $0x0  }
0xf5: {  	s20 =	simm.s32 $0x380;
	[sflag:s9] =	ssyncadd.s32 $0xFFFFD800  }
0xf6: {  	[tilespmem:s24], [sflag:$0x2] =	stream.indirect.gather [hbm4b:s1+s21], $0x80, s20, s21, $0xb8;
	[tilespmem:$0x1E880] =	vst v63  }
0xf7: {  	_ =	swait.ge [sflag:s25], $0x2800  }
0xf8: {  	[sflag:s25] =	ssyncset.done $0x0  }
0xf9: {  	[sflag:s25] =	ssyncadd.s32 $0xFFFFD800  }
0xfa: {  	[spmem:s2] =	stream.indirect.scatter.add.f32 [tilespmem:s22], [sflag:$0x4], $0x80, s12, s21, $0xb8;
	[tilespmem:$0x1E880] =	vst v63  }
0xfb: {  	_ =	swait.ge [sflag:s15], $0x2800  }
0xfc: {  	[sflag:s15] =	ssyncset.done $0x0  }
0xfd: {  	s14 =	simm.s32 $0x400;
	[sflag:s15] =	ssyncadd.s32 $0xFFFFD800  }
0xfe: {  	[tilespmem:s28], [sflag:$0x3] =	stream.indirect.gather [hbm4b:s1+s21], $0x80, s14, s21, $0xb8;
	[tilespmem:$0x1E880] =	vst v63  }
0xff: {  	_ =	swait.ge [sflag:s29], $0x2800  }
0x100: {  	[sflag:s29] =	ssyncset.done $0x0  }
0x101: {  	[sflag:s29] =	ssyncadd.s32 $0xFFFFD800  }
0x102: {  	[spmem:s2] =	stream.indirect.scatter.add.f32 [tilespmem:s24], [sflag:$0x5], $0x80, s0, s21, $0xb8;
	[tilespmem:$0x1E880] =	vst v63  }
0x103: {  	_ =	swait.ge [sflag:s31], $0x2800  }
0x104: {  	[sflag:s31] =	ssyncset.done $0x0  }
0x105: {  	s20 =	simm.s32 $0x480;
	[sflag:s31] =	ssyncadd.s32 $0xFFFFD800  }
0x106: {  	[tilespmem:s22], [sflag:$0x1] =	stream.indirect.gather [hbm4b:s1+s21], $0x80, s20, s21, $0xb8;
	[tilespmem:$0x1E880] =	vst v63  }
0x107: {  	_ =	swait.ge [sflag:s3], $0x2800  }
0x108: {  	[sflag:s3] =	ssyncset.done $0x0  }
0x109: {  	[sflag:s3] =	ssyncadd.s32 $0xFFFFD800  }
0x10a: {  	[spmem:s2] =	stream.indirect.scatter.add.f32 [tilespmem:s28], [sflag:$0x6], $0x80, s7, s21, $0xb8;
	[tilespmem:$0x1E880] =	vst v63  }
0x10b: {  	_ =	swait.ge [sflag:s9], $0x2800  }
0x10c: {  	[sflag:s9] =	ssyncset.done $0x0  }
0x10d: {  	s14 =	simm.s32 $0x500;
	[sflag:s9] =	ssyncadd.s32 $0xFFFFD800  }
0x10e: {  	[tilespmem:s24], [sflag:$0x2] =	stream.indirect.gather [hbm4b:s1+s21], $0x80, s14, s21, $0xb8;
	[tilespmem:$0x1E880] =	vst v63  }
0x10f: {  	_ =	swait.ge [sflag:s25], $0x2800  }
0x110: {  	[sflag:s25] =	ssyncset.done $0x0  }
0x111: {  	[sflag:s25] =	ssyncadd.s32 $0xFFFFD800  }
0x112: {  	[spmem:s2] =	stream.indirect.scatter.add.f32 [tilespmem:s22], [sflag:$0x4], $0x80, s11, s21, $0xb8;
	[tilespmem:$0x1E880] =	vst v63  }
0x113: {  	_ =	swait.ge [sflag:s15], $0x2800  }
0x114: {  	[sflag:s15] =	ssyncset.done $0x0  }
0x115: {  	s20 =	simm.s32 $0x580;
	[sflag:s15] =	ssyncadd.s32 $0xFFFFD800  }
0x116: {  	[tilespmem:s28], [sflag:$0x3] =	stream.indirect.gather [hbm4b:s1+s21], $0x80, s20, s21, $0xb8;
	[tilespmem:$0x1E880] =	vst v63  }
0x117: {  	_ =	swait.ge [sflag:s29], $0x2800  }
0x118: {  	[sflag:s29] =	ssyncset.done $0x0  }
0x119: {  	[sflag:s29] =	ssyncadd.s32 $0xFFFFD800  }
0x11a: {  	[spmem:s2] =	stream.indirect.scatter.add.f32 [tilespmem:s24], [sflag:$0x5], $0x80, s8, s21, $0xb8;
	[tilespmem:$0x1E880] =	vst v63  }
0x11b: {  	_ =	swait.ge [sflag:s31], $0x2800  }
0x11c: {  	[sflag:s31] =	ssyncset.done $0x0  }
0x11d: {  	s14 =	simm.s32 $0x600;
	[sflag:s31] =	ssyncadd.s32 $0xFFFFD800  }
0x11e: {  	[tilespmem:s22], [sflag:$0x1] =	stream.indirect.gather [hbm4b:s1+s21], $0x80, s14, s21, $0xb8;
	[tilespmem:$0x1E880] =	vst v63  }
0x11f: {  	_ =	swait.ge [sflag:s3], $0x2800  }
0x120: {  	[sflag:s3] =	ssyncset.done $0x0  }
0x121: {  	[sflag:s3] =	ssyncadd.s32 $0xFFFFD800  }
0x122: {  	[spmem:s2] =	stream.indirect.scatter.add.f32 [tilespmem:s28], [sflag:$0x6], $0x80, s10, s21, $0xb8;
	[tilespmem:$0x1E880] =	vst v63  }
0x123: {  	_ =	swait.ge [sflag:s9], $0x2800  }
0x124: {  	[sflag:s9] =	ssyncset.done $0x0  }
0x125: {  	s20 =	rddreg [dreg:$0x6];
	[sflag:s9] =	ssyncadd.s32 $0xFFFFD800  }
0x126: {  	[tilespmem:s24], [sflag:$0x2] =	stream.indirect.gather [hbm4b:s1+s21], $0x80, s20, s21, $0xb8;
	[tilespmem:$0x1E880] =	vst v63  }
0x127: {  	_ =	swait.ge [sflag:s25], $0x2800  }
0x128: {  	[sflag:s25] =	ssyncset.done $0x0  }
0x129: {  	[sflag:s25] =	ssyncadd.s32 $0xFFFFD800  }
0x12a: {  	[spmem:s2] =	stream.indirect.scatter.add.f32 [tilespmem:s22], [sflag:$0x4], $0x80, s18, s21, $0xb8;
	[tilespmem:$0x1E880] =	vst v63  }
0x12b: {  	_ =	swait.ge [sflag:s15], $0x2800  }
0x12c: {  	[sflag:s15] =	ssyncset.done $0x0  }
0x12d: {  	s4 =	rddreg [dreg:$0x7];
	[sflag:s15] =	ssyncadd.s32 $0xFFFFD800  }
0x12e: {  	[tilespmem:s28], [sflag:$0x3] =	stream.indirect.gather [hbm4b:s1+s21], $0x80, s4, s21, $0xb8;
	[tilespmem:$0x1E880] =	vst v63  }
0x12f: {  	_ =	swait.ge [sflag:s29], $0x2800  }
0x130: {  	[sflag:s29] =	ssyncset.done $0x0  }
0x131: {  	s20 =	simm.s32 $0xE80;
	[sflag:s29] =	ssyncadd.s32 $0xFFFFD800  }
0x132: {  	[spmem:s2] =	stream.indirect.scatter.add.f32 [tilespmem:s24], [sflag:$0x5], $0x80, s20, s21, $0xb8;
	[tilespmem:$0x1E880] =	vst v63  }
0x133: {  	_ =	swait.ge [sflag:s31], $0x2800  }
0x134: {  	[sflag:s31] =	ssyncset.done $0x0  }
0x135: {  	s4 =	rddreg [dreg:$0x8];
	[sflag:s31] =	ssyncadd.s32 $0xFFFFD800  }
0x136: {  	[tilespmem:s22], [sflag:$0x1] =	stream.indirect.gather [hbm4b:s1+s21], $0x80, s4, s21, $0xb8;
	[tilespmem:$0x1E880] =	vst v63  }
0x137: {  	_ =	swait.ge [sflag:s3], $0x2800  }
0x138: {  	[sflag:s3] =	ssyncset.done $0x0  }
0x139: {  	s14 =	simm.s32 $0xF00;
	[sflag:s3] =	ssyncadd.s32 $0xFFFFD800  }
0x13a: {  	[spmem:s2] =	stream.indirect.scatter.add.f32 [tilespmem:s28], [sflag:$0x6], $0x80, s14, s21, $0xb8;
	[tilespmem:$0x1E880] =	vst v63  }
0x13b: {  	_ =	swait.ge [sflag:s25], $0x2800  }
0x13c: {  	[sflag:s25] =	ssyncset.done $0x0  }
0x13d: {  	s20 =	simm.s32 $0xF80;
	[sflag:s25] =	ssyncadd.s32 $0xFFFFD800  }
0x13e: {  	[spmem:s2] =	stream.indirect.scatter.add.f32 [tilespmem:s22], [sflag:$0x4], $0x80, s20, s21, $0xb8;
	[tilespmem:$0x1E880] =	vst v63  }
0x13f: {  	_ =	swait.ge [sflag:s31], $0x2800  }
0x140: {  	p1 =	sne.s32 s5, $0x600;
	[sflag:s31] =	ssyncset.done $0x0  }
.Ltmp0:
0x141: {  	[sflag:s31] =	ssyncadd.s32 $0xFFFFD800;
	(pc) =	sbr.rel @p1 .LBB2_2-.Ltmp0, $4  }
0x142: {  	_ =	swait.ge [sflag:s9], $0x2800  }
0x143: {  	[sflag:s9] =	ssyncset.done $0x0  }
0x144: {  	[sflag:s9] =	ssyncadd.s32 $0xFFFFD800  }
0x145: {  	s5 =	sadd.s32 $0x100, s5;
	_ =	swait.ge [sflag:s15], $0x2800  }
0x146: {  	[sflag:s15] =	ssyncset.done $0x0  }
0x147: {  	s5 =	rddreg [dreg:$0x10];
	s4 =	simm.s32 $0x0;
	[sflag:s15] =	ssyncadd.s32 $0xFFFFD800  }
0x148: {  	[tilespmem:s4], [sflag:$0x7] =	stream.linear.gather [hbm4b:s5+s4], $0x680, $0x38;
	[tilespmem:$0x1E880] =	vst v63  }
0x149: {  	_ =	swait.ge [sflag:s19], $0x680  }
0x14a: {  	[sflag:s19] =	ssyncset.done $0x0  }
0x14b: {  	s6 =	simm.s32 $0x800;
	s0 =	rddreg [dreg:$0x11];
	[sflag:s19] =	ssyncadd.s32 $0xFFFFF980  }
0x14c: {  	[tilespmem:s6], [sflag:$0x7] =	stream.linear.gather [hbm4b:s0+s4], $0x680, $0x38;
	[tilespmem:$0x1E880] =	vst v63  }
0x14d: {  	_ =	swait.ge [sflag:s19], $0x680  }
0x14e: {  	[sflag:s19] =	ssyncset.done $0x0  }
0x14f: {  	[sflag:s19] =	ssyncadd.s32 $0xFFFFF980  }
0x150: {  	[tilespmem:s22], [sflag:$0x1] =	stream.indirect.gather [hbm4b:s1+s21], $0x80, s4, s21, $0xb8;
	[tilespmem:$0x1E880] =	vst v63  }
0x151: {  	_ = 	snop  }
0x152: {  	[tilespmem:s24], [sflag:$0x2] =	stream.indirect.gather [hbm4b:s1+s21], $0x80, s17, s21, $0xb8;
	[tilespmem:$0x1E880] =	vst v63  }
0x153: {  	_ =	swait.ge [sflag:s25], $0x2800  }
0x154: {  	[sflag:s25] =	ssyncset.done $0x0  }
0x155: {  	[sflag:s25] =	ssyncadd.s32 $0xFFFFD800  }
0x156: {  	[spmem:s2] =	stream.indirect.scatter.add.f32 [tilespmem:s22], [sflag:$0x4], $0x80, s6, s21, $0xb8;
	[tilespmem:$0x1E880] =	vst v63  }
0x157: {  	s0 =	simm.s32 $0x100  }
0x158: {  	[tilespmem:s28], [sflag:$0x3] =	stream.indirect.gather [hbm4b:s1+s21], $0x80, s0, s21, $0xb8;
	[tilespmem:$0x1E880] =	vst v63  }
0x159: {  	_ =	swait.ge [sflag:s29], $0x2800  }
0x15a: {  	[sflag:s29] =	ssyncset.done $0x0  }
0x15b: {  	s7 =	simm.s32 $0x880;
	[sflag:s29] =	ssyncadd.s32 $0xFFFFD800  }
0x15c: {  	[spmem:s2] =	stream.indirect.scatter.add.f32 [tilespmem:s24], [sflag:$0x5], $0x80, s7, s21, $0xb8;
	[tilespmem:$0x1E880] =	vst v63  }
0x15d: {  	_ =	swait.ge [sflag:s31], $0x2800  }
0x15e: {  	[sflag:s31] =	ssyncset.done $0x0  }
0x15f: {  	s8 =	simm.s32 $0x180;
	[sflag:s31] =	ssyncadd.s32 $0xFFFFD800  }
0x160: {  	[tilespmem:s22], [sflag:$0x1] =	stream.indirect.gather [hbm4b:s1+s21], $0x80, s8, s21, $0xb8;
	[tilespmem:$0x1E880] =	vst v63  }
0x161: {  	_ =	swait.ge [sflag:s3], $0x2800  }
0x162: {  	[sflag:s3] =	ssyncset.done $0x0  }
0x163: {  	s11 =	simm.s32 $0x900;
	[sflag:s3] =	ssyncadd.s32 $0xFFFFD800  }
0x164: {  	[spmem:s2] =	stream.indirect.scatter.add.f32 [tilespmem:s28], [sflag:$0x6], $0x80, s11, s21, $0xb8;
	[tilespmem:$0x1E880] =	vst v63  }
0x165: {  	_ =	swait.ge [sflag:s9], $0x2800  }
0x166: {  	[sflag:s9] =	ssyncset.done $0x0  }
0x167: {  	s10 =	simm.s32 $0x200;
	[sflag:s9] =	ssyncadd.s32 $0xFFFFD800  }
0x168: {  	[tilespmem:s24], [sflag:$0x2] =	stream.indirect.gather [hbm4b:s1+s21], $0x80, s10, s21, $0xb8;
	[tilespmem:$0x1E880] =	vst v63  }
0x169: {  	_ =	swait.ge [sflag:s25], $0x2800  }
0x16a: {  	[sflag:s25] =	ssyncset.done $0x0  }
0x16b: {  	s7 =	simm.s32 $0x980;
	[sflag:s25] =	ssyncadd.s32 $0xFFFFD800  }
0x16c: {  	[spmem:s2] =	stream.indirect.scatter.add.f32 [tilespmem:s22], [sflag:$0x4], $0x80, s7, s21, $0xb8;
	[tilespmem:$0x1E880] =	vst v63  }
0x16d: {  	_ =	swait.ge [sflag:s15], $0x2800  }
0x16e: {  	[sflag:s15] =	ssyncset.done $0x0  }
0x16f: {  	s12 =	simm.s32 $0x280;
	[sflag:s15] =	ssyncadd.s32 $0xFFFFD800  }
0x170: {  	[tilespmem:s28], [sflag:$0x3] =	stream.indirect.gather [hbm4b:s1+s21], $0x80, s12, s21, $0xb8;
	[tilespmem:$0x1E880] =	vst v63  }
0x171: {  	_ =	swait.ge [sflag:s29], $0x2800  }
0x172: {  	[sflag:s29] =	ssyncset.done $0x0  }
0x173: {  	s0 =	simm.s32 $0xA00;
	[sflag:s29] =	ssyncadd.s32 $0xFFFFD800  }
0x174: {  	[spmem:s2] =	stream.indirect.scatter.add.f32 [tilespmem:s24], [sflag:$0x5], $0x80, s0, s21, $0xb8;
	[tilespmem:$0x1E880] =	vst v63  }
0x175: {  	_ =	swait.ge [sflag:s31], $0x2800  }
0x176: {  	[sflag:s31] =	ssyncset.done $0x0  }
0x177: {  	s13 =	simm.s32 $0x300;
	[sflag:s31] =	ssyncadd.s32 $0xFFFFD800  }
0x178: {  	[tilespmem:s22], [sflag:$0x1] =	stream.indirect.gather [hbm4b:s1+s21], $0x80, s13, s21, $0xb8;
	[tilespmem:$0x1E880] =	vst v63  }
0x179: {  	_ =	swait.ge [sflag:s3], $0x2800  }
0x17a: {  	[sflag:s3] =	ssyncset.done $0x0  }
0x17b: {  	s12 =	simm.s32 $0xA80;
	[sflag:s3] =	ssyncadd.s32 $0xFFFFD800  }
0x17c: {  	[spmem:s2] =	stream.indirect.scatter.add.f32 [tilespmem:s28], [sflag:$0x6], $0x80, s12, s21, $0xb8;
	[tilespmem:$0x1E880] =	vst v63  }
0x17d: {  	_ =	swait.ge [sflag:s9], $0x2800  }
0x17e: {  	[sflag:s9] =	ssyncset.done $0x0  }
0x17f: {  	s14 =	simm.s32 $0x380;
	[sflag:s9] =	ssyncadd.s32 $0xFFFFD800  }
0x180: {  	[tilespmem:s24], [sflag:$0x2] =	stream.indirect.gather [hbm4b:s1+s21], $0x80, s14, s21, $0xb8;
	[tilespmem:$0x1E880] =	vst v63  }
0x181: {  	_ =	swait.ge [sflag:s25], $0x2800  }
0x182: {  	[sflag:s25] =	ssyncset.done $0x0  }
0x183: {  	s13 =	simm.s32 $0xB00;
	[sflag:s25] =	ssyncadd.s32 $0xFFFFD800  }
0x184: {  	[spmem:s2] =	stream.indirect.scatter.add.f32 [tilespmem:s22], [sflag:$0x4], $0x80, s13, s21, $0xb8;
	[tilespmem:$0x1E880] =	vst v63  }
0x185: {  	_ =	swait.ge [sflag:s15], $0x2800  }
0x186: {  	[sflag:s15] =	ssyncset.done $0x0  }
0x187: {  	s16 =	simm.s32 $0x400;
	[sflag:s15] =	ssyncadd.s32 $0xFFFFD800  }
0x188: {  	[tilespmem:s28], [sflag:$0x3] =	stream.indirect.gather [hbm4b:s1+s21], $0x80, s16, s21, $0xb8;
	[tilespmem:$0x1E880] =	vst v63  }
0x189: {  	_ =	swait.ge [sflag:s29], $0x2800  }
0x18a: {  	[sflag:s29] =	ssyncset.done $0x0  }
0x18b: {  	s16 =	simm.s32 $0xB80;
	[sflag:s29] =	ssyncadd.s32 $0xFFFFD800  }
0x18c: {  	[spmem:s2] =	stream.indirect.scatter.add.f32 [tilespmem:s24], [sflag:$0x5], $0x80, s16, s21, $0xb8;
	[tilespmem:$0x1E880] =	vst v63  }
0x18d: {  	_ =	swait.ge [sflag:s31], $0x2800  }
0x18e: {  	[sflag:s31] =	ssyncset.done $0x0  }
0x18f: {  	s17 =	simm.s32 $0x480;
	[sflag:s31] =	ssyncadd.s32 $0xFFFFD800  }
0x190: {  	[tilespmem:s22], [sflag:$0x1] =	stream.indirect.gather [hbm4b:s1+s21], $0x80, s17, s21, $0xb8;
	[tilespmem:$0x1E880] =	vst v63  }
0x191: {  	_ =	swait.ge [sflag:s3], $0x2800  }
0x192: {  	[sflag:s3] =	ssyncset.done $0x0  }
0x193: {  	s23 =	simm.s32 $0xC00;
	[sflag:s3] =	ssyncadd.s32 $0xFFFFD800  }
0x194: {  	[spmem:s2] =	stream.indirect.scatter.add.f32 [tilespmem:s28], [sflag:$0x6], $0x80, s23, s21, $0xb8;
	[tilespmem:$0x1E880] =	vst v63  }
0x195: {  	_ =	swait.ge [sflag:s9], $0x2800  }
0x196: {  	[sflag:s9] =	ssyncset.done $0x0  }
0x197: {  	s18 =	simm.s32 $0x500;
	[sflag:s9] =	ssyncadd.s32 $0xFFFFD800  }
0x198: {  	[tilespmem:s24], [sflag:$0x2] =	stream.indirect.gather [hbm4b:s1+s21], $0x80, s18, s21, $0xb8;
	[tilespmem:$0x1E880] =	vst v63  }
0x199: {  	_ =	swait.ge [sflag:s25], $0x2800  }
0x19a: {  	[sflag:s25] =	ssyncset.done $0x0  }
0x19b: {  	s26 =	simm.s32 $0xC80;
	[sflag:s25] =	ssyncadd.s32 $0xFFFFD800  }
0x19c: {  	[spmem:s2] =	stream.indirect.scatter.add.f32 [tilespmem:s22], [sflag:$0x4], $0x80, s26, s21, $0xb8;
	[tilespmem:$0x1E880] =	vst v63  }
0x19d: {  	_ =	swait.ge [sflag:s15], $0x2800  }
0x19e: {  	[sflag:s15] =	ssyncset.done $0x0  }
0x19f: {  	s20 =	simm.s32 $0x580;
	[sflag:s15] =	ssyncadd.s32 $0xFFFFD800  }
0x1a0: {  	[tilespmem:s28], [sflag:$0x3] =	stream.indirect.gather [hbm4b:s1+s21], $0x80, s20, s21, $0xb8;
	[tilespmem:$0x1E880] =	vst v63  }
0x1a1: {  	_ =	swait.ge [sflag:s29], $0x2800  }
0x1a2: {  	[sflag:s29] =	ssyncset.done $0x0  }
0x1a3: {  	s20 =	simm.s32 $0xD00;
	[sflag:s29] =	ssyncadd.s32 $0xFFFFD800  }
0x1a4: {  	[spmem:s2] =	stream.indirect.scatter.add.f32 [tilespmem:s24], [sflag:$0x5], $0x80, s20, s21, $0xb8;
	[tilespmem:$0x1E880] =	vst v63  }
0x1a5: {  	_ =	swait.ge [sflag:s31], $0x2800  }
0x1a6: {  	[sflag:s31] =	ssyncset.done $0x0  }
0x1a7: {  	s8 =	simm.s32 $0x600;
	[sflag:s31] =	ssyncadd.s32 $0xFFFFD800  }
0x1a8: {  	[tilespmem:s22], [sflag:$0x1] =	stream.indirect.gather [hbm4b:s1+s21], $0x80, s8, s21, $0xb8;
	[tilespmem:$0x1E880] =	vst v63  }
0x1a9: {  	_ =	swait.ge [sflag:s3], $0x2800  }
0x1aa: {  	[sflag:s3] =	ssyncset.done $0x0  }
0x1ab: {  	s10 =	simm.s32 $0xD80;
	[sflag:s3] =	ssyncadd.s32 $0xFFFFD800  }
0x1ac: {  	[spmem:s2] =	stream.indirect.scatter.add.f32 [tilespmem:s28], [sflag:$0x6], $0x80, s10, s21, $0xb8;
	[tilespmem:$0x1E880] =	vst v63  }
0x1ad: {  	_ =	swait.ge [sflag:s25], $0x2800  }
0x1ae: {  	[sflag:s25] =	ssyncset.done $0x0  }
0x1af: {  	s14 =	simm.s32 $0xE00;
	[sflag:s25] =	ssyncadd.s32 $0xFFFFD800  }
0x1b0: {  	[spmem:s2] =	stream.indirect.scatter.add.f32 [tilespmem:s22], [sflag:$0x4], $0x80, s14, s21, $0xb8;
	[tilespmem:$0x1E880] =	vst v63  }
0x1b1: {  	_ =	swait.ge [sflag:s31], $0x2800  }
0x1b2: {  	[sflag:s31] =	ssyncset.done $0x0  }
0x1b3: {  	[sflag:s31] =	ssyncadd.s32 $0xFFFFD800  }
0x1b4: {  	_ =	swait.ge [sflag:s9], $0x2800  }
0x1b5: {  	[sflag:s9] =	ssyncset.done $0x0  }
0x1b6: {  	[sflag:s9] =	ssyncadd.s32 $0xFFFFD800  }
0x1b7: {  	_ =	swait.ge [sflag:s15], $0x2800  }
0x1b8: {  	[sflag:s15] =	ssyncset.done $0x0  }
0x1b9: {  	[sflag:s15] =	ssyncadd.s32 $0xFFFFD800  }
0x1ba: {  	[bflag:$0x0] =	sbarrier.arrive $0xFFFF  }
0x1bb: {  	s17 =	rddreg [dreg:$0x12]  }
0x1bc: {  	s8 =	rddreg [dreg:$0x18]  }
0x1bd: {  	s10 =	rddreg [dreg:$0xd]  }
0x1be: {  	[hbm:s17], [sflag:s10] =	dma.local [spmem:s8], $0x2700  }
0x1bf: {  	_ =	swait.ge [sflag:s19], $0x2700  }
0x1c0: {  	[sflag:s19] =	ssyncset.done $0x0;
	s14 =	rddreg [dreg:$0xb]  }
0x1c1: {  	s17 =	rddreg [dreg:$0xc];
	[sflag:s19] =	ssyncadd.s32 $0xFFFFD900;
	s5 =	sshrl.u32 @p0 s14, $0x3  }
0x1c2: {  	[spmem:s5], [sflag:s10] =	dma.local @p0 [hbm:s17], $0x2700  }
0x1c3: {  	s5 =	simm.s32 @p0 $0x7  }
0x1c4: {  	_ =	swait.ge @p0 [sflag:s5], $0x2700  }
0x1c5: {  	[sflag:s5] =	ssyncset.done @p0 $0x0;
	s8 =	rddreg [dreg:$0x19]  }
0x1c6: {  	[sflag:s5] =	ssyncadd.s32 @p0 $0xFFFFD900;
	s5 =	rddreg [dreg:$0x13]  }
0x1c7: {  	[hbm:s5], [sflag:s10] =	dma.local @!p0 [spmem:s8], $0x100  }
0x1c8: {  	s5 =	simm.s32 @!p0 $0x7  }
0x1c9: {  	_ =	swait.ge @!p0 [sflag:s5], $0x100  }
0x1ca: {  	[sflag:s5] =	ssyncset.done @!p0 $0x0  }
0x1cb: {  	s14 =	sshrl.u32 @!p0 s14, $0x3;
	[sflag:s5] =	ssyncadd.s32 @!p0 $0xFFFFFF00  }
0x1cc: {  	[spmem:s14], [sflag:s10] =	dma.local @!p0 [hbm:s17], $0x2700  }
0x1cd: {  	_ =	swait.ge @!p0 [sflag:s5], $0x2700  }
0x1ce: {  	[sflag:s5] =	ssyncset.done @!p0 $0x0  }
0x1cf: {  	s14 =	rddreg [dreg:$0xf];
	[sflag:s5] =	ssyncadd.s32 @!p0 $0xFFFFD900  }
0x1d0: {  	[spmem:s8], [sflag:s10] =	dma.local @!p0 [hbm:s14], $0x100  }
0x1d1: {  	_ =	swait.ge @!p0 [sflag:s5], $0x100  }
0x1d2: {  	[sflag:s5] =	ssyncset.done @!p0 $0x0  }
0x1d3: {  	s10 =	simm.s32 $0x0;
	s14 =	rddreg [dreg:$0xa];
	[sflag:s5] =	ssyncadd.s32 @!p0 $0xFFFFFF00  }
0x1d4: {  	[tilespmem:s30], [sflag:$0x7] =	stream.linear.gather [hbm4b:s14+s10], $0x2800, $0x38;
	[tilespmem:$0x1E880] =	vst v63  }
0x1d5: {  	_ =	swait.ge [sflag:s19], $0x2800  }
0x1d6: {  	[sflag:s19] =	ssyncset.done $0x0  }
0x1d7: {  	[sflag:s19] =	ssyncadd.s32 $0xFFFFD800  }
0x1d8: {  	[bflag:$0x0] =	sbarrier.arrive $0xFFFF  }
0x1d9: {  	s17 =	rddreg [dreg:$0x9]  }
0x1da: {  	s5 =	sadd.s32 $0x0, s17  }
0x1db: {  	[tilespmem:s6], [sflag:$0x7] =	stream.linear.gather [hbm4b:s5+s4], $0x800, $0x38;
	[tilespmem:$0x1E880] =	vst v63  }
0x1dc: {  	_ =	swait.ge [sflag:s19], $0x800  }
0x1dd: {  	[sflag:s19] =	ssyncset.done $0x0  }
0x1de: {  	[sflag:s19] =	ssyncadd.s32 $0xFFFFF800  }
0x1df: {  	[spmem:s2] =	stream.indirect.scatter.add.f32 [tilespmem:s30], [sflag:$0x4], $0x80, s6, s21, $0xb8;
	[tilespmem:$0x1E880] =	vst v63  }
0x1e0: {  	s8 =	simm.s32 $0x880  }
0x1e1: {  	[spmem:s2] =	stream.indirect.scatter.add.f32 [tilespmem:s30], [sflag:$0x4], $0x80, s8, s21, $0xb8;
	[tilespmem:$0x1E880] =	vst v63  }
0x1e2: {  	_ = 	snop  }
0x1e3: {  	[spmem:s2] =	stream.indirect.scatter.add.f32 [tilespmem:s30], [sflag:$0x4], $0x80, s11, s21, $0xb8;
	[tilespmem:$0x1E880] =	vst v63  }
0x1e4: {  	_ = 	snop  }
0x1e5: {  	[spmem:s2] =	stream.indirect.scatter.add.f32 [tilespmem:s30], [sflag:$0x4], $0x80, s7, s21, $0xb8;
	[tilespmem:$0x1E880] =	vst v63  }
0x1e6: {  	_ = 	snop  }
0x1e7: {  	[spmem:s2] =	stream.indirect.scatter.add.f32 [tilespmem:s30], [sflag:$0x4], $0x80, s0, s21, $0xb8;
	[tilespmem:$0x1E880] =	vst v63  }
0x1e8: {  	_ = 	snop  }
0x1e9: {  	[spmem:s2] =	stream.indirect.scatter.add.f32 [tilespmem:s30], [sflag:$0x4], $0x80, s12, s21, $0xb8;
	[tilespmem:$0x1E880] =	vst v63  }
0x1ea: {  	_ = 	snop  }
0x1eb: {  	[spmem:s2] =	stream.indirect.scatter.add.f32 [tilespmem:s30], [sflag:$0x4], $0x80, s13, s21, $0xb8;
	[tilespmem:$0x1E880] =	vst v63  }
0x1ec: {  	_ = 	snop  }
0x1ed: {  	[spmem:s2] =	stream.indirect.scatter.add.f32 [tilespmem:s30], [sflag:$0x4], $0x80, s16, s21, $0xb8;
	[tilespmem:$0x1E880] =	vst v63  }
0x1ee: {  	_ = 	snop  }
0x1ef: {  	[spmem:s2] =	stream.indirect.scatter.add.f32 [tilespmem:s30], [sflag:$0x4], $0x80, s23, s21, $0xb8;
	[tilespmem:$0x1E880] =	vst v63  }
0x1f0: {  	_ = 	snop  }
0x1f1: {  	[spmem:s2] =	stream.indirect.scatter.add.f32 [tilespmem:s30], [sflag:$0x4], $0x80, s26, s21, $0xb8;
	[tilespmem:$0x1E880] =	vst v63  }
0x1f2: {  	_ = 	snop  }
0x1f3: {  	[spmem:s2] =	stream.indirect.scatter.add.f32 [tilespmem:s30], [sflag:$0x4], $0x80, s20, s21, $0xb8;
	[tilespmem:$0x1E880] =	vst v63  }
0x1f4: {  	s10 =	simm.s32 $0xD80  }
0x1f5: {  	[spmem:s2] =	stream.indirect.scatter.add.f32 [tilespmem:s30], [sflag:$0x4], $0x80, s10, s21, $0xb8;
	[tilespmem:$0x1E880] =	vst v63  }
0x1f6: {  	s18 =	simm.s32 $0xE00  }
0x1f7: {  	[spmem:s2] =	stream.indirect.scatter.add.f32 [tilespmem:s30], [sflag:$0x4], $0x80, s18, s21, $0xb8;
	[tilespmem:$0x1E880] =	vst v63  }
0x1f8: {  	s14 =	simm.s32 $0xE80  }
0x1f9: {  	[spmem:s2] =	stream.indirect.scatter.add.f32 [tilespmem:s30], [sflag:$0x4], $0x80, s14, s21, $0xb8;
	[tilespmem:$0x1E880] =	vst v63  }
0x1fa: {  	s17 =	simm.s32 $0xF00  }
0x1fb: {  	[spmem:s2] =	stream.indirect.scatter.add.f32 [tilespmem:s30], [sflag:$0x4], $0x80, s17, s21, $0xb8;
	[tilespmem:$0x1E880] =	vst v63  }
0x1fc: {  	s18 =	simm.s32 $0xF80  }
0x1fd: {  	[spmem:s2] =	stream.indirect.scatter.add.f32 [tilespmem:s30], [sflag:$0x4], $0x80, s18, s21, $0xb8;
	[tilespmem:$0x1E880] =	vst v63  }
0x1fe: {  	_ =	swait.ge [sflag:s31], $0x2800  }
0x1ff: {  	[sflag:s31] =	ssyncset.done $0x0  }
0x200: {  	[sflag:s31] =	ssyncadd.s32 $0xFFFFD800  }
0x201: {  	_ =	swait.ge [sflag:s31], $0x2800  }
0x202: {  	[sflag:s31] =	ssyncset.done $0x0  }
0x203: {  	[sflag:s31] =	ssyncadd.s32 $0xFFFFD800  }
0x204: {  	_ =	swait.ge [sflag:s31], $0x2800  }
0x205: {  	[sflag:s31] =	ssyncset.done $0x0  }
0x206: {  	[sflag:s31] =	ssyncadd.s32 $0xFFFFD800  }
0x207: {  	_ =	swait.ge [sflag:s31], $0x2800  }
0x208: {  	[sflag:s31] =	ssyncset.done $0x0  }
0x209: {  	[sflag:s31] =	ssyncadd.s32 $0xFFFFD800  }
0x20a: {  	_ =	swait.ge [sflag:s31], $0x2800  }
0x20b: {  	[sflag:s31] =	ssyncset.done $0x0  }
0x20c: {  	[sflag:s31] =	ssyncadd.s32 $0xFFFFD800  }
0x20d: {  	_ =	swait.ge [sflag:s31], $0x2800  }
0x20e: {  	[sflag:s31] =	ssyncset.done $0x0  }
0x20f: {  	[sflag:s31] =	ssyncadd.s32 $0xFFFFD800  }
0x210: {  	_ =	swait.ge [sflag:s31], $0x2800  }
0x211: {  	[sflag:s31] =	ssyncset.done $0x0  }
0x212: {  	[sflag:s31] =	ssyncadd.s32 $0xFFFFD800  }
0x213: {  	_ =	swait.ge [sflag:s31], $0x2800  }
0x214: {  	[sflag:s31] =	ssyncset.done $0x0  }
0x215: {  	[sflag:s31] =	ssyncadd.s32 $0xFFFFD800  }
0x216: {  	_ =	swait.ge [sflag:s31], $0x2800  }
0x217: {  	[sflag:s31] =	ssyncset.done $0x0  }
0x218: {  	[sflag:s31] =	ssyncadd.s32 $0xFFFFD800  }
0x219: {  	_ =	swait.ge [sflag:s31], $0x2800  }
0x21a: {  	[sflag:s31] =	ssyncset.done $0x0  }
0x21b: {  	[sflag:s31] =	ssyncadd.s32 $0xFFFFD800  }
0x21c: {  	_ =	swait.ge [sflag:s31], $0x2800  }
0x21d: {  	[sflag:s31] =	ssyncset.done $0x0  }
0x21e: {  	[sflag:s31] =	ssyncadd.s32 $0xFFFFD800  }
0x21f: {  	_ =	swait.ge [sflag:s31], $0x2800  }
0x220: {  	[sflag:s31] =	ssyncset.done $0x0  }
0x221: {  	[sflag:s31] =	ssyncadd.s32 $0xFFFFD800  }
0x222: {  	_ =	swait.ge [sflag:s31], $0x2800  }
0x223: {  	[sflag:s31] =	ssyncset.done $0x0  }
0x224: {  	[sflag:s31] =	ssyncadd.s32 $0xFFFFD800  }
0x225: {  	_ =	swait.ge [sflag:s31], $0x2800  }
0x226: {  	s4 =	simm.s32 $0xD80;
	[sflag:s31] =	ssyncset.done $0x0  }
0x227: {  	s5 =	simm.s32 $0x100;
	s8 =	simm.s32 $0x900;
	[sflag:s31] =	ssyncadd.s32 $0xFFFFD800  }
0x228: {  	s11 =	simm.s32 $0x980;
	s7 =	simm.s32 $0xA00;
	_ =	swait.ge [sflag:s31], $0x2800  }
0x229: {  	s0 =	simm.s32 $0xA80;
	s12 =	simm.s32 $0xB00;
	[sflag:s31] =	ssyncset.done $0x0  }
0x22a: {  	s13 =	simm.s32 $0xB80;
	s16 =	simm.s32 $0xC00;
	[sflag:s31] =	ssyncadd.s32 $0xFFFFD800  }
0x22b: {  	s23 =	simm.s32 $0xC80;
	s26 =	simm.s32 $0xD00;
	_ =	swait.ge [sflag:s31], $0x2800  }
0x22c: {  	s20 =	simm.s32 $0xE00;
	s14 =	simm.s32 $0x200;
	[sflag:s31] =	ssyncset.done $0x0  }
.LBB2_4:
0x22d: {  	s10 =	rddreg [dreg:$0x9];
	[sflag:s31] =	ssyncadd.s32 $0xFFFFD800  }
0x22e: {  	s18 =	simm.s32 $0x800;
	s6 =	simm.s32 $0x0;
	s10 =	sadd.s32 s5, s10  }
0x22f: {  	[tilespmem:s18], [sflag:$0x7] =	stream.linear.gather [hbm4b:s10+s6], $0x800, $0x38;
	[tilespmem:$0x1E880] =	vst v63  }
0x230: {  	_ =	swait.ge [sflag:s19], $0x800  }
0x231: {  	[sflag:s19] =	ssyncset.done $0x0  }
0x232: {  	[sflag:s19] =	ssyncadd.s32 $0xFFFFF800  }
0x233: {  	[spmem:s2] =	stream.indirect.scatter.add.f32 [tilespmem:s30], [sflag:$0x4], $0x80, s18, s21, $0xb8;
	[tilespmem:$0x1E880] =	vst v63  }
0x234: {  	s18 =	simm.s32 $0x880  }
0x235: {  	[spmem:s2] =	stream.indirect.scatter.add.f32 [tilespmem:s30], [sflag:$0x4], $0x80, s18, s21, $0xb8;
	[tilespmem:$0x1E880] =	vst v63  }
0x236: {  	_ = 	snop  }
0x237: {  	[spmem:s2] =	stream.indirect.scatter.add.f32 [tilespmem:s30], [sflag:$0x4], $0x80, s8, s21, $0xb8;
	[tilespmem:$0x1E880] =	vst v63  }
0x238: {  	_ = 	snop  }
0x239: {  	[spmem:s2] =	stream.indirect.scatter.add.f32 [tilespmem:s30], [sflag:$0x4], $0x80, s11, s21, $0xb8;
	[tilespmem:$0x1E880] =	vst v63  }
0x23a: {  	_ = 	snop  }
0x23b: {  	[spmem:s2] =	stream.indirect.scatter.add.f32 [tilespmem:s30], [sflag:$0x4], $0x80, s7, s21, $0xb8;
	[tilespmem:$0x1E880] =	vst v63  }
0x23c: {  	_ = 	snop  }
0x23d: {  	[spmem:s2] =	stream.indirect.scatter.add.f32 [tilespmem:s30], [sflag:$0x4], $0x80, s0, s21, $0xb8;
	[tilespmem:$0x1E880] =	vst v63  }
0x23e: {  	_ = 	snop  }
0x23f: {  	[spmem:s2] =	stream.indirect.scatter.add.f32 [tilespmem:s30], [sflag:$0x4], $0x80, s12, s21, $0xb8;
	[tilespmem:$0x1E880] =	vst v63  }
0x240: {  	_ = 	snop  }
0x241: {  	[spmem:s2] =	stream.indirect.scatter.add.f32 [tilespmem:s30], [sflag:$0x4], $0x80, s13, s21, $0xb8;
	[tilespmem:$0x1E880] =	vst v63  }
0x242: {  	_ = 	snop  }
0x243: {  	[spmem:s2] =	stream.indirect.scatter.add.f32 [tilespmem:s30], [sflag:$0x4], $0x80, s16, s21, $0xb8;
	[tilespmem:$0x1E880] =	vst v63  }
0x244: {  	_ = 	snop  }
0x245: {  	[spmem:s2] =	stream.indirect.scatter.add.f32 [tilespmem:s30], [sflag:$0x4], $0x80, s23, s21, $0xb8;
	[tilespmem:$0x1E880] =	vst v63  }
0x246: {  	_ = 	snop  }
0x247: {  	[spmem:s2] =	stream.indirect.scatter.add.f32 [tilespmem:s30], [sflag:$0x4], $0x80, s26, s21, $0xb8;
	[tilespmem:$0x1E880] =	vst v63  }
0x248: {  	_ = 	snop  }
0x249: {  	[spmem:s2] =	stream.indirect.scatter.add.f32 [tilespmem:s30], [sflag:$0x4], $0x80, s4, s21, $0xb8;
	[tilespmem:$0x1E880] =	vst v63  }
0x24a: {  	_ = 	snop  }
0x24b: {  	[spmem:s2] =	stream.indirect.scatter.add.f32 [tilespmem:s30], [sflag:$0x4], $0x80, s20, s21, $0xb8;
	[tilespmem:$0x1E880] =	vst v63  }
0x24c: {  	s17 =	sadd.s32 $0x100, s14;
	s10 =	simm.s32 $0xE80  }
0x24d: {  	[spmem:s2] =	stream.indirect.scatter.add.f32 [tilespmem:s30], [sflag:$0x4], $0x80, s10, s21, $0xb8;
	[tilespmem:$0x1E880] =	vst v63  }
0x24e: {  	p1 =	sne.s32 s14, $0x600;
	s5 =	smov.u32 s14;
	s14 =	simm.s32 $0xF00  }
0x24f: {  	[spmem:s2] =	stream.indirect.scatter.add.f32 [tilespmem:s30], [sflag:$0x4], $0x80, s14, s21, $0xb8;
	[tilespmem:$0x1E880] =	vst v63  }
0x250: {  	s18 =	simm.s32 $0xF80  }
0x251: {  	[spmem:s2] =	stream.indirect.scatter.add.f32 [tilespmem:s30], [sflag:$0x4], $0x80, s18, s21, $0xb8;
	[tilespmem:$0x1E880] =	vst v63  }
0x252: {  	_ =	swait.ge [sflag:s31], $0x2800  }
0x253: {  	[sflag:s31] =	ssyncset.done $0x0  }
0x254: {  	[sflag:s31] =	ssyncadd.s32 $0xFFFFD800  }
0x255: {  	_ =	swait.ge [sflag:s31], $0x2800  }
0x256: {  	[sflag:s31] =	ssyncset.done $0x0  }
0x257: {  	[sflag:s31] =	ssyncadd.s32 $0xFFFFD800  }
0x258: {  	_ =	swait.ge [sflag:s31], $0x2800  }
0x259: {  	[sflag:s31] =	ssyncset.done $0x0  }
0x25a: {  	[sflag:s31] =	ssyncadd.s32 $0xFFFFD800  }
0x25b: {  	_ =	swait.ge [sflag:s31], $0x2800  }
0x25c: {  	[sflag:s31] =	ssyncset.done $0x0  }
0x25d: {  	[sflag:s31] =	ssyncadd.s32 $0xFFFFD800  }
0x25e: {  	_ =	swait.ge [sflag:s31], $0x2800  }
0x25f: {  	[sflag:s31] =	ssyncset.done $0x0  }
0x260: {  	[sflag:s31] =	ssyncadd.s32 $0xFFFFD800  }
0x261: {  	_ =	swait.ge [sflag:s31], $0x2800  }
0x262: {  	[sflag:s31] =	ssyncset.done $0x0  }
0x263: {  	[sflag:s31] =	ssyncadd.s32 $0xFFFFD800  }
0x264: {  	_ =	swait.ge [sflag:s31], $0x2800  }
0x265: {  	[sflag:s31] =	ssyncset.done $0x0  }
0x266: {  	[sflag:s31] =	ssyncadd.s32 $0xFFFFD800  }
0x267: {  	_ =	swait.ge [sflag:s31], $0x2800  }
0x268: {  	[sflag:s31] =	ssyncset.done $0x0  }
0x269: {  	[sflag:s31] =	ssyncadd.s32 $0xFFFFD800  }
0x26a: {  	_ =	swait.ge [sflag:s31], $0x2800  }
0x26b: {  	[sflag:s31] =	ssyncset.done $0x0  }
0x26c: {  	[sflag:s31] =	ssyncadd.s32 $0xFFFFD800  }
0x26d: {  	_ =	swait.ge [sflag:s31], $0x2800  }
0x26e: {  	[sflag:s31] =	ssyncset.done $0x0  }
0x26f: {  	[sflag:s31] =	ssyncadd.s32 $0xFFFFD800  }
0x270: {  	_ =	swait.ge [sflag:s31], $0x2800  }
0x271: {  	[sflag:s31] =	ssyncset.done $0x0  }
0x272: {  	[sflag:s31] =	ssyncadd.s32 $0xFFFFD800  }
0x273: {  	_ =	swait.ge [sflag:s31], $0x2800  }
0x274: {  	[sflag:s31] =	ssyncset.done $0x0  }
0x275: {  	[sflag:s31] =	ssyncadd.s32 $0xFFFFD800  }
0x276: {  	_ =	swait.ge [sflag:s31], $0x2800  }
0x277: {  	[sflag:s31] =	ssyncset.done $0x0  }
0x278: {  	[sflag:s31] =	ssyncadd.s32 $0xFFFFD800  }
0x279: {  	_ =	swait.ge [sflag:s31], $0x2800  }
0x27a: {  	[sflag:s31] =	ssyncset.done $0x0  }
0x27b: {  	[sflag:s31] =	ssyncadd.s32 $0xFFFFD800  }
.Ltmp1:
0x27c: {  	_ =	swait.ge [sflag:s31], $0x2800;
	(pc) =	sbr.rel @p1 .LBB2_4-.Ltmp1, $4  }
0x27d: {  	[sflag:s31] =	ssyncset.done $0x0  }
0x27e: {  	[sflag:s31] =	ssyncadd.s32 $0xFFFFD800  }
0x27f: {  	_ =	swait.ge [sflag:s31], $0x2800  }
0x280: {  	s14 =	smov.u32 s17;
	[sflag:s31] =	ssyncset.done $0x0  }
0x281: {  	s0 =	rddreg [dreg:$0x9];
	[sflag:s31] =	ssyncadd.s32 $0xFFFFD800  }
0x282: {  	s6 =	simm.s32 $0x0;
	s12 =	simm.s32 $0x800;
	s5 =	sadd.s32 s5, s0  }
0x283: {  	[tilespmem:s12], [sflag:$0x7] =	stream.linear.gather [hbm4b:s5+s6], $0x800, $0x38;
	[tilespmem:$0x1E880] =	vst v63  }
0x284: {  	_ =	swait.ge [sflag:s19], $0x800  }
0x285: {  	[sflag:s19] =	ssyncset.done $0x0  }
0x286: {  	[sflag:s19] =	ssyncadd.s32 $0xFFFFF800  }
0x287: {  	[spmem:s2] =	stream.indirect.scatter.add.f32 [tilespmem:s30], [sflag:$0x4], $0x80, s12, s21, $0xb8;
	[tilespmem:$0x1E880] =	vst v63  }
0x288: {  	s10 =	simm.s32 $0x880  }
0x289: {  	[spmem:s2] =	stream.indirect.scatter.add.f32 [tilespmem:s30], [sflag:$0x4], $0x80, s10, s21, $0xb8;
	[tilespmem:$0x1E880] =	vst v63  }
0x28a: {  	s8 =	simm.s32 $0x900  }
0x28b: {  	[spmem:s2] =	stream.indirect.scatter.add.f32 [tilespmem:s30], [sflag:$0x4], $0x80, s8, s21, $0xb8;
	[tilespmem:$0x1E880] =	vst v63  }
0x28c: {  	s11 =	simm.s32 $0x980  }
0x28d: {  	[spmem:s2] =	stream.indirect.scatter.add.f32 [tilespmem:s30], [sflag:$0x4], $0x80, s11, s21, $0xb8;
	[tilespmem:$0x1E880] =	vst v63  }
0x28e: {  	s7 =	simm.s32 $0xA00  }
0x28f: {  	[spmem:s2] =	stream.indirect.scatter.add.f32 [tilespmem:s30], [sflag:$0x4], $0x80, s7, s21, $0xb8;
	[tilespmem:$0x1E880] =	vst v63  }
0x290: {  	s0 =	simm.s32 $0xA80  }
0x291: {  	[spmem:s2] =	stream.indirect.scatter.add.f32 [tilespmem:s30], [sflag:$0x4], $0x80, s0, s21, $0xb8;
	[tilespmem:$0x1E880] =	vst v63  }
0x292: {  	s14 =	simm.s32 $0xB00  }
0x293: {  	[spmem:s2] =	stream.indirect.scatter.add.f32 [tilespmem:s30], [sflag:$0x4], $0x80, s14, s21, $0xb8;
	[tilespmem:$0x1E880] =	vst v63  }
0x294: {  	s17 =	simm.s32 $0xB80  }
0x295: {  	[spmem:s2] =	stream.indirect.scatter.add.f32 [tilespmem:s30], [sflag:$0x4], $0x80, s17, s21, $0xb8;
	[tilespmem:$0x1E880] =	vst v63  }
0x296: {  	s18 =	simm.s32 $0xC00  }
0x297: {  	[spmem:s2] =	stream.indirect.scatter.add.f32 [tilespmem:s30], [sflag:$0x4], $0x80, s18, s21, $0xb8;
	[tilespmem:$0x1E880] =	vst v63  }
0x298: {  	s4 =	simm.s32 $0xC80  }
0x299: {  	[spmem:s2] =	stream.indirect.scatter.add.f32 [tilespmem:s30], [sflag:$0x4], $0x80, s4, s21, $0xb8;
	[tilespmem:$0x1E880] =	vst v63  }
0x29a: {  	s5 =	simm.s32 $0xD00  }
0x29b: {  	[spmem:s2] =	stream.indirect.scatter.add.f32 [tilespmem:s30], [sflag:$0x4], $0x80, s5, s21, $0xb8;
	[tilespmem:$0x1E880] =	vst v63  }
0x29c: {  	s4 =	simm.s32 $0xD80  }
0x29d: {  	[spmem:s2] =	stream.indirect.scatter.add.f32 [tilespmem:s30], [sflag:$0x4], $0x80, s4, s21, $0xb8;
	[tilespmem:$0x1E880] =	vst v63  }
0x29e: {  	s20 =	simm.s32 $0xE00  }
0x29f: {  	[spmem:s2] =	stream.indirect.scatter.add.f32 [tilespmem:s30], [sflag:$0x4], $0x80, s20, s21, $0xb8;
	[tilespmem:$0x1E880] =	vst v63  }
0x2a0: {  	s13 =	simm.s32 $0xE80  }
0x2a1: {  	[spmem:s2] =	stream.indirect.scatter.add.f32 [tilespmem:s30], [sflag:$0x4], $0x80, s13, s21, $0xb8;
	[tilespmem:$0x1E880] =	vst v63  }
0x2a2: {  	s16 =	simm.s32 $0xF00  }
0x2a3: {  	[spmem:s2] =	stream.indirect.scatter.add.f32 [tilespmem:s30], [sflag:$0x4], $0x80, s16, s21, $0xb8;
	[tilespmem:$0x1E880] =	vst v63  }
0x2a4: {  	s23 =	simm.s32 $0xF80  }
0x2a5: {  	[spmem:s2] =	stream.indirect.scatter.add.f32 [tilespmem:s30], [sflag:$0x4], $0x80, s23, s21, $0xb8;
	[tilespmem:$0x1E880] =	vst v63  }
0x2a6: {  	_ =	swait.ge [sflag:s31], $0x2800  }
0x2a7: {  	[sflag:s31] =	ssyncset.done $0x0  }
0x2a8: {  	[sflag:s31] =	ssyncadd.s32 $0xFFFFD800  }
0x2a9: {  	_ =	swait.ge [sflag:s31], $0x2800  }
0x2aa: {  	[sflag:s31] =	ssyncset.done $0x0  }
0x2ab: {  	[sflag:s31] =	ssyncadd.s32 $0xFFFFD800  }
0x2ac: {  	_ =	swait.ge [sflag:s31], $0x2800  }
0x2ad: {  	[sflag:s31] =	ssyncset.done $0x0  }
0x2ae: {  	[sflag:s31] =	ssyncadd.s32 $0xFFFFD800  }
0x2af: {  	_ =	swait.ge [sflag:s31], $0x2800  }
0x2b0: {  	[sflag:s31] =	ssyncset.done $0x0  }
0x2b1: {  	[sflag:s31] =	ssyncadd.s32 $0xFFFFD800  }
0x2b2: {  	_ =	swait.ge [sflag:s31], $0x2800  }
0x2b3: {  	[sflag:s31] =	ssyncset.done $0x0  }
0x2b4: {  	[sflag:s31] =	ssyncadd.s32 $0xFFFFD800  }
0x2b5: {  	_ =	swait.ge [sflag:s31], $0x2800  }
0x2b6: {  	[sflag:s31] =	ssyncset.done $0x0  }
0x2b7: {  	[sflag:s31] =	ssyncadd.s32 $0xFFFFD800  }
0x2b8: {  	_ =	swait.ge [sflag:s31], $0x2800  }
0x2b9: {  	[sflag:s31] =	ssyncset.done $0x0  }
0x2ba: {  	[sflag:s31] =	ssyncadd.s32 $0xFFFFD800  }
0x2bb: {  	_ =	swait.ge [sflag:s31], $0x2800  }
0x2bc: {  	[sflag:s31] =	ssyncset.done $0x0  }
0x2bd: {  	[sflag:s31] =	ssyncadd.s32 $0xFFFFD800  }
0x2be: {  	_ =	swait.ge [sflag:s31], $0x2800  }
0x2bf: {  	[sflag:s31] =	ssyncset.done $0x0  }
0x2c0: {  	[sflag:s31] =	ssyncadd.s32 $0xFFFFD800  }
0x2c1: {  	_ =	swait.ge [sflag:s31], $0x2800  }
0x2c2: {  	[sflag:s31] =	ssyncset.done $0x0  }
0x2c3: {  	[sflag:s31] =	ssyncadd.s32 $0xFFFFD800  }
0x2c4: {  	_ =	swait.ge [sflag:s31], $0x2800  }
0x2c5: {  	[sflag:s31] =	ssyncset.done $0x0  }
0x2c6: {  	[sflag:s31] =	ssyncadd.s32 $0xFFFFD800  }
0x2c7: {  	_ =	swait.ge [sflag:s31], $0x2800  }
0x2c8: {  	[sflag:s31] =	ssyncset.done $0x0  }
0x2c9: {  	[sflag:s31] =	ssyncadd.s32 $0xFFFFD800  }
0x2ca: {  	_ =	swait.ge [sflag:s31], $0x2800  }
0x2cb: {  	[sflag:s31] =	ssyncset.done $0x0  }
0x2cc: {  	[sflag:s31] =	ssyncadd.s32 $0xFFFFD800  }
0x2cd: {  	_ =	swait.ge [sflag:s31], $0x2800  }
0x2ce: {  	[sflag:s31] =	ssyncset.done $0x0  }
0x2cf: {  	[sflag:s31] =	ssyncadd.s32 $0xFFFFD800  }
0x2d0: {  	_ =	swait.ge [sflag:s31], $0x2800  }
0x2d1: {  	[sflag:s31] =	ssyncset.done $0x0  }
0x2d2: {  	[sflag:s31] =	ssyncadd.s32 $0xFFFFD800  }
0x2d3: {  	_ =	swait.ge [sflag:s31], $0x2800  }
0x2d4: {  	[sflag:s31] =	ssyncset.done $0x0  }
0x2d5: {  	s26 =	rddreg [dreg:$0x11];
	[sflag:s31] =	ssyncadd.s32 $0xFFFFD800  }
0x2d6: {  	[tilespmem:s12], [sflag:$0x7] =	stream.linear.gather [hbm4b:s26+s6], $0x680, $0x38;
	[tilespmem:$0x1E880] =	vst v63  }
0x2d7: {  	_ =	swait.ge [sflag:s19], $0x680  }
0x2d8: {  	[sflag:s19] =	ssyncset.done $0x0  }
0x2d9: {  	[sflag:s19] =	ssyncadd.s32 $0xFFFFF980  }
0x2da: {  	[spmem:s2] =	stream.indirect.scatter.add.f32 [tilespmem:s30], [sflag:$0x4], $0x80, s12, s21, $0xb8;
	[tilespmem:$0x1E880] =	vst v63  }
0x2db: {  	_ = 	snop  }
0x2dc: {  	[spmem:s2] =	stream.indirect.scatter.add.f32 [tilespmem:s30], [sflag:$0x4], $0x80, s10, s21, $0xb8;
	[tilespmem:$0x1E880] =	vst v63  }
0x2dd: {  	_ = 	snop  }
0x2de: {  	[spmem:s2] =	stream.indirect.scatter.add.f32 [tilespmem:s30], [sflag:$0x4], $0x80, s8, s21, $0xb8;
	[tilespmem:$0x1E880] =	vst v63  }
0x2df: {  	_ = 	snop  }
0x2e0: {  	[spmem:s2] =	stream.indirect.scatter.add.f32 [tilespmem:s30], [sflag:$0x4], $0x80, s11, s21, $0xb8;
	[tilespmem:$0x1E880] =	vst v63  }
0x2e1: {  	_ = 	snop  }
0x2e2: {  	[spmem:s2] =	stream.indirect.scatter.add.f32 [tilespmem:s30], [sflag:$0x4], $0x80, s7, s21, $0xb8;
	[tilespmem:$0x1E880] =	vst v63  }
0x2e3: {  	_ = 	snop  }
0x2e4: {  	[spmem:s2] =	stream.indirect.scatter.add.f32 [tilespmem:s30], [sflag:$0x4], $0x80, s0, s21, $0xb8;
	[tilespmem:$0x1E880] =	vst v63  }
0x2e5: {  	_ = 	snop  }
0x2e6: {  	[spmem:s2] =	stream.indirect.scatter.add.f32 [tilespmem:s30], [sflag:$0x4], $0x80, s14, s21, $0xb8;
	[tilespmem:$0x1E880] =	vst v63  }
0x2e7: {  	_ = 	snop  }
0x2e8: {  	[spmem:s2] =	stream.indirect.scatter.add.f32 [tilespmem:s30], [sflag:$0x4], $0x80, s17, s21, $0xb8;
	[tilespmem:$0x1E880] =	vst v63  }
0x2e9: {  	_ = 	snop  }
0x2ea: {  	[spmem:s2] =	stream.indirect.scatter.add.f32 [tilespmem:s30], [sflag:$0x4], $0x80, s18, s21, $0xb8;
	[tilespmem:$0x1E880] =	vst v63  }
0x2eb: {  	s8 =	simm.s32 $0xC80  }
0x2ec: {  	[spmem:s2] =	stream.indirect.scatter.add.f32 [tilespmem:s30], [sflag:$0x4], $0x80, s8, s21, $0xb8;
	[tilespmem:$0x1E880] =	vst v63  }
0x2ed: {  	s10 =	simm.s32 $0xD00  }
0x2ee: {  	[spmem:s2] =	stream.indirect.scatter.add.f32 [tilespmem:s30], [sflag:$0x4], $0x80, s10, s21, $0xb8;
	[tilespmem:$0x1E880] =	vst v63  }
0x2ef: {  	_ = 	snop  }
0x2f0: {  	[spmem:s2] =	stream.indirect.scatter.add.f32 [tilespmem:s30], [sflag:$0x4], $0x80, s4, s21, $0xb8;
	[tilespmem:$0x1E880] =	vst v63  }
0x2f1: {  	_ = 	snop  }
0x2f2: {  	[spmem:s2] =	stream.indirect.scatter.add.f32 [tilespmem:s30], [sflag:$0x4], $0x80, s20, s21, $0xb8;
	[tilespmem:$0x1E880] =	vst v63  }
0x2f3: {  	_ =	swait.ge [sflag:s31], $0x2800  }
0x2f4: {  	[sflag:s31] =	ssyncset.done $0x0  }
0x2f5: {  	[sflag:s31] =	ssyncadd.s32 $0xFFFFD800  }
0x2f6: {  	_ =	swait.ge [sflag:s31], $0x2800  }
0x2f7: {  	[sflag:s31] =	ssyncset.done $0x0  }
0x2f8: {  	[sflag:s31] =	ssyncadd.s32 $0xFFFFD800  }
0x2f9: {  	_ =	swait.ge [sflag:s31], $0x2800  }
0x2fa: {  	[sflag:s31] =	ssyncset.done $0x0  }
0x2fb: {  	[sflag:s31] =	ssyncadd.s32 $0xFFFFD800  }
0x2fc: {  	_ =	swait.ge [sflag:s31], $0x2800  }
0x2fd: {  	[sflag:s31] =	ssyncset.done $0x0  }
0x2fe: {  	[sflag:s31] =	ssyncadd.s32 $0xFFFFD800  }
0x2ff: {  	_ =	swait.ge [sflag:s31], $0x2800  }
0x300: {  	[sflag:s31] =	ssyncset.done $0x0  }
0x301: {  	[sflag:s31] =	ssyncadd.s32 $0xFFFFD800  }
0x302: {  	_ =	swait.ge [sflag:s31], $0x2800  }
0x303: {  	[sflag:s31] =	ssyncset.done $0x0  }
0x304: {  	[sflag:s31] =	ssyncadd.s32 $0xFFFFD800  }
0x305: {  	_ =	swait.ge [sflag:s31], $0x2800  }
0x306: {  	[sflag:s31] =	ssyncset.done $0x0  }
0x307: {  	[sflag:s31] =	ssyncadd.s32 $0xFFFFD800  }
0x308: {  	_ =	swait.ge [sflag:s31], $0x2800  }
0x309: {  	[sflag:s31] =	ssyncset.done $0x0  }
0x30a: {  	[sflag:s31] =	ssyncadd.s32 $0xFFFFD800  }
0x30b: {  	_ =	swait.ge [sflag:s31], $0x2800  }
0x30c: {  	[sflag:s31] =	ssyncset.done $0x0  }
0x30d: {  	[sflag:s31] =	ssyncadd.s32 $0xFFFFD800  }
0x30e: {  	_ =	swait.ge [sflag:s31], $0x2800  }
0x30f: {  	[sflag:s31] =	ssyncset.done $0x0  }
0x310: {  	[sflag:s31] =	ssyncadd.s32 $0xFFFFD800  }
0x311: {  	_ =	swait.ge [sflag:s31], $0x2800  }
0x312: {  	[sflag:s31] =	ssyncset.done $0x0  }
0x313: {  	[sflag:s31] =	ssyncadd.s32 $0xFFFFD800  }
0x314: {  	_ =	swait.ge [sflag:s31], $0x2800  }
0x315: {  	[sflag:s31] =	ssyncset.done $0x0  }
0x316: {  	[sflag:s31] =	ssyncadd.s32 $0xFFFFD800  }
0x317: {  	_ =	swait.ge [sflag:s31], $0x2800  }
0x318: {  	[sflag:s31] =	ssyncset.done $0x0  }
0x319: {  	[sflag:s31] =	ssyncadd.s32 $0xFFFFD800  }
0x31a: {  	[bflag:$0x0] =	sbarrier.arrive $0xFFFF  }
0x31b: {  	s17 =	rddreg [dreg:$0xd]  }
0x31c: {  	s14 =	rddreg [dreg:$0x14]  }
0x31d: {  	s20 =	rddreg [dreg:$0x18]  }
0x31e: {  	[hbm:s14], [sflag:s17] =	dma.local [spmem:s20], $0x2700  }
0x31f: {  	_ =	swait.ge [sflag:s19], $0x2700  }
0x320: {  	[sflag:s19] =	ssyncset.done $0x0;
	s5 =	rddreg [dreg:$0x15]  }
0x321: {  	s4 =	rddreg [dreg:$0x19];
	[sflag:s19] =	ssyncadd.s32 $0xFFFFD900  }
0x322: {  	[hbm:s5], [sflag:s17] =	dma.local @!p0 [spmem:s4], $0x100  }
0x323: {  	s5 =	simm.s32 @!p0 $0x7  }
0x324: {  	_ =	swait.ge @!p0 [sflag:s5], $0x100  }
0x325: {  	s14 =	rddreg [dreg:$0x17]  }
0x326: {  	s4 =	rddreg [dreg:$0x16];
	s20 =	sadd.s32 $0x1, s14  }
0x327: {  	s13 =	simm.s32 $0x980;
	p1 =	sne.s32 s20, s4  }
.Ltmp2:
0x328: {  	s16 =	simm.s32 $0xA80;
	s23 =	simm.s32 $0xA00;
	(pc) =	sbr.rel @p1 .LBB2_1-.Ltmp2, $4  }
0x329: {  	s6 =	simm.s32 $0x880;
	s26 =	simm.s32 $0x900;
	s12 =	simm.s32 $0xB00  }
0x32a: {  	s11 =	simm.s32 $0xC80;
	s7 =	simm.s32 $0xC00;
	s0 =	simm.s32 $0xB80  }
0x32b: {  	s18 =	simm.s32 $0xE00;
	s8 =	simm.s32 $0xD00;
	[sflag:s5] =	ssyncset.done @!p0 $0x0  }
0x32c: {  	s10 =	simm.s32 $0xD80;
	[sflag:s5] =	ssyncadd.s32 @!p0 $0xFFFFFF00;
	s4 =	simm.s32 $0x100  }
0x32d: {  	_ =	sfence.sel $0x180000  }
0x32e: {  	[bflag:$0x0] =	sbarrier.arrive $0xFFFF  }
0x32f: {  	_ =	strace $0x90000047  }
0x330: {  	s0 =	stileid.u32;
	[bflag:$0x2] =	sbarrier.arrive $0xFFFF  }
0x331: {  	p0 =	sne.s32 s0, $0x0;
	s0 =	rddreg [dreg:$0x4]  }
0x332: {  	s0 =	sadd.s32 @!p0 $0x100000, s0  }
0x333: {  	[sflag:s0] =	ssyncadd.tile.s32 @!p0 $0x1;
	_ =	shalt  }
.Lfunc_end2:
_tile_overlayer_lowered:
.L_overlay_start_2:
0x334: {  	(tag) =	ssettag $0x2  }
0x335: {  	s0 =	rddreg [dreg:$0x0];
	s2 =	stileid.u32  }
0x336: {  	s1 =	rddreg [dreg:$0x1];
	p0 =	sne.s32 s2, $0x0  }
0x337: {  	s3 =	rddreg [dreg:$0x2];
	[bflag:$0x3] =	sbarrier.arrive $0xFFFF;
	s2 =	simm.s32 @!p0 $0x1C07  }
0x338: {  	[timem:s3], [sflag:s2] =	dma.local @!p0 [hbm:s0], s1  }
0x339: {  	s0 =	simm.s32 @!p0 $0x7  }
0x33a: {  	_ =	swait.ge @!p0 [sflag:s0], s1  }
0x33b: {  	s1 =	ssub.s32 @!p0 $0x0, s1;
	[sflag:s0] =	ssyncset.done @!p0 $0x0  }
0x33c: {  	[sflag:s0] =	ssyncadd.s32 @!p0 s1  }
0x33d: {  	[bflag:$0x3] =	sbarrier.arrive $0xFFFF  }
0x33e: {  	_ =	shalt  }

</sc_bundles>
